<compile_context>
chip_gen: v7x
topology: tpu7x:2x2x1
jax: 0.10.2.dev20260603
libtpu: 0.0.44.dev20260713+nightly
codegen_flags: <defaults>
</compile_context>

<pallas_src>
import functools

import jax
import jax.numpy as jnp
from jax import lax
from jax.experimental import pallas as pl
from jax.experimental.pallas import tpu as pltpu
from jax.experimental.pallas import tpu_sc as plsc

_N = 2048
_S = 1024
_R = 512
_H = 1024
_OUT = 256
_K = 8
_RW = (_N - _S) // 32



def _sc_body(px_h, py_h, vx_h, vy_h, out_h, pxv, pyv, vxv, vyv, og):
    wid = lax.axis_index("s") * 2 + lax.axis_index("c")
    pltpu.sync_copy(px_h, pxv)
    pltpu.sync_copy(py_h, pyv)
    pltpu.sync_copy(vx_h, vxv)
    pltpu.sync_copy(vy_h, vyv)
    base = _S + wid * _RW
    lanei = lax.iota(jnp.int32, 16)
    inf = jnp.float32(jnp.inf)

    for g in range(_RW // 32):
        r0 = base + g * 32 + lanei
        r1 = base + g * 32 + 16 + lanei
        pxi0 = plsc.load_gather(pxv, [r0])
        pyi0 = plsc.load_gather(pyv, [r0])
        vxi0 = plsc.load_gather(vxv, [r0])
        vyi0 = plsc.load_gather(vyv, [r0])
        pxi1 = plsc.load_gather(pxv, [r1])
        pyi1 = plsc.load_gather(pyv, [r1])
        vxi1 = plsc.load_gather(vxv, [r1])
        vyi1 = plsc.load_gather(vyv, [r1])

        zero_i = jnp.zeros((16,), jnp.int32)
        init = (tuple(jnp.full((16,), inf) for _ in range(_K)),
                tuple(zero_i for _ in range(_K)),
                tuple(jnp.full((16,), inf) for _ in range(_K)),
                tuple(zero_i for _ in range(_K)))

        def cascade(V, I, d2, js):
            nV, nI, mprev = [], [], None
            for t in range(_K):
                mle = V[t] <= d2
                iv = d2 if t == 0 else jnp.where(mprev, d2, V[t - 1])
                ii = js if t == 0 else jnp.where(mprev, js, I[t - 1])
                nV.append(jnp.where(mle, V[t], iv))
                nI.append(jnp.where(mle, I[t], ii))
                mprev = mle
            return nV, nI

        def chunk(jc, carry):
            Va, Ia, Vb, Ib = carry
            Va, Ia, Vb, Ib = list(Va), list(Ia), list(Vb), list(Ib)
            j0 = jc * 16
            for s in range(16):
                js = jnp.full((16,), j0 + s, jnp.int32)
                pxj = plsc.load_gather(pxv, [js])
                pyj = plsc.load_gather(pyv, [js])
                dxa = pxj - pxi0
                dya = pyj - pyi0
                d2a = jnp.where(r0 == js, inf, dxa * dxa + dya * dya)
                dxb = pxj - pxi1
                dyb = pyj - pyi1
                d2b = jnp.where(r1 == js, inf, dxb * dxb + dyb * dyb)
                Va, Ia = cascade(Va, Ia, d2a, js)
                Vb, Ib = cascade(Vb, Ib, d2b, js)
            return (tuple(Va), tuple(Ia), tuple(Vb), tuple(Ib))

        _, Ia, _, Ib = lax.fori_loop(0, _N // 16, chunk, init)

        for (I, pxi, pyi, vxi, vyi, roff) in (
                (Ia, pxi0, pyi0, vxi0, vyi0, g * 32),
                (Ib, pxi1, pyi1, vxi1, vyi1, g * 32 + 16)):
            rloc = roff + lanei
            for k in range(_K):
                gx = plsc.load_gather(pxv, [I[k]]) - pxi
                gy = plsc.load_gather(pyv, [I[k]]) - pyi
                gvx = plsc.load_gather(vxv, [I[k]]) - vxi
                gvy = plsc.load_gather(vyv, [I[k]]) - vyi
                for c, val in enumerate((gx, gy, gvx, gvy)):
                    col = jnp.full((16,), 4 * k + c, jnp.int32)
                    plsc.store_scatter(og, [rloc, col], val)

    pltpu.sync_copy(og, out_h.at[pl.ds(wid * _RW, _RW)])


def _sc_select(px, py, vx, vy):
    mesh = plsc.VectorSubcoreMesh(core_axis_name="c", subcore_axis_name="s")
    kfn = functools.partial(
        pl.kernel,
        mesh=mesh,
        compiler_params=pltpu.CompilerParams(needs_layout_passes=False),
        out_type=jax.ShapeDtypeStruct((_N - _S, 4 * _K), jnp.float32),
        scratch_types=[
            pltpu.VMEM((_N,), jnp.float32),
            pltpu.VMEM((_N,), jnp.float32),
            pltpu.VMEM((_N,), jnp.float32),
            pltpu.VMEM((_N,), jnp.float32),
            pltpu.VMEM((_RW, 4 * _K), jnp.float32),
        ],
    )(_sc_body)
    return kfn(px, py, vx, vy)



def _nt(a, b):
    return jax.lax.dot_general(a, b, (((1,), (1,)), ((), ())),
                               preferred_element_type=jnp.float32)


def _lstm_tail(x, Wih, bfull, oW, ob, out_ref):
    ig = jax.nn.sigmoid(_nt(x, Wih[0:_H, :]) + bfull[:, 0:_H])
    gg = jnp.tanh(_nt(x, Wih[2 * _H:3 * _H, :]) + bfull[:, 2 * _H:3 * _H])
    og = jax.nn.sigmoid(_nt(x, Wih[3 * _H:4 * _H, :]) + bfull[:, 3 * _H:4 * _H])
    h1 = og * jnp.tanh(ig * gg)
    out_ref[...] = _nt(h1, oW[...]) + ob[...]


def _tc_sel_body(o1T, o2T, o1b, o2b, pieces, embWT, embb, Wih, bfull, oW, ob,
                 out_ref):
    i = pl.program_id(0)
    pxj = o2T[0:1, :]
    pyj = o2T[1:2, :]
    vxj = pxj - o1T[0:1, :]
    vyj = pyj - o1T[1:2, :]
    pxi = o2b[:, 0:1]
    pyi = o2b[:, 1:2]
    vxi = pxi - o1b[:, 0:1]
    vyi = pyi - o1b[:, 1:2]
    dx = pxj - pxi
    dy = pyj - pyi
    d2 = dx * dx + dy * dy
    colio = jax.lax.broadcasted_iota(jnp.int32, (_R, _N), 1)
    rowg = i * _R + jax.lax.broadcasted_iota(jnp.int32, (_R, _N), 0)
    d2 = jnp.where(colio == rowg, jnp.inf, d2)
    xs = []
    for k in range(_K):
        m = jnp.min(d2, axis=1, keepdims=True)
        idx = jnp.min(jnp.where(d2 == m, colio, _N), axis=1, keepdims=True)
        sel = colio == idx
        onehot = jnp.where(sel, 1.0, 0.0).astype(jnp.bfloat16)
        if k + 1 < _K:
            d2 = jnp.where(sel, jnp.inf, d2)
        p = jnp.dot(onehot, pieces[...], preferred_element_type=jnp.float32)
        g = p[:, 0:4] + p[:, 4:8] + p[:, 8:12]
        e = ((g[:, 0:1] - pxi) * embWT[0:1, :] + (g[:, 1:2] - pyi) * embWT[1:2, :]
             + (g[:, 2:3] - vxi) * embWT[2:3, :] + (g[:, 3:4] - vyi) * embWT[3:4, :]
             + embb[...])
        xs.append(jnp.maximum(e, 0.0))
    x = jnp.concatenate(xs, axis=1)
    _lstm_tail(x, Wih, bfull, oW, ob, out_ref)


def _tc_grid_body(gridb, EW, eb, Wih, bfull, oW, ob, out_ref):
    x = jnp.maximum(
        jnp.dot(gridb[...], EW[...], preferred_element_type=jnp.float32)
        + eb[...], 0.0)
    _lstm_tail(x, Wih, bfull, oW, ob, out_ref)


def kernel(_hidden, obs1, obs2, emb_W, emb_b, W_ih, W_hh, b_ih, b_hh, out_W, out_b):
    del _hidden, W_hh
    vel = obs2 - obs1
    px, py = obs2[:, 0], obs2[:, 1]
    vx, vy = vel[:, 0], vel[:, 1]

    grid = _sc_select(px, py, vx, vy)

    embWT = emb_W.T
    embb = emb_b.reshape(1, -1)
    bfull = (b_ih + b_hh).reshape(1, -1)
    ob = out_b.reshape(1, -1)
    o1T = obs1.T
    o2T = obs2.T
    coords = jnp.concatenate([obs2, vel], axis=1)
    hi = coords.astype(jnp.bfloat16)
    r1 = coords - hi.astype(jnp.float32)
    mid = r1.astype(jnp.bfloat16)
    lo = (r1 - mid.astype(jnp.float32)).astype(jnp.bfloat16)
    pieces = jnp.concatenate([hi, mid, lo], axis=1)

    full = lambda shape: pl.BlockSpec(shape, lambda i: (0, 0))
    out1 = pl.pallas_call(
        _tc_sel_body,
        grid=(_S // _R,),
        in_specs=[
            full((2, _N)),
            full((2, _N)),
            pl.BlockSpec((_R, 2), lambda i: (i, 0)),
            pl.BlockSpec((_R, 2), lambda i: (i, 0)),
            full((_N, 12)),
            full((4, _OUT // _K)),
            full((1, _OUT // _K)),
            full((4 * _H, _OUT)),
            full((1, 4 * _H)),
            full((_OUT, _H)),
            full((1, _OUT)),
        ],
        out_specs=pl.BlockSpec((_R, _OUT), lambda i: (i, 0)),
        out_shape=jax.ShapeDtypeStruct((_S, _OUT), jnp.float32),
    )(o1T, o2T, obs1[:_S], obs2[:_S], pieces, embWT, embb, W_ih, bfull,
      out_W, ob)

    EW = jnp.kron(jnp.eye(_K, dtype=jnp.float32), emb_W.T)
    eb = jnp.tile(emb_b, _K).reshape(1, -1)
    out2 = pl.pallas_call(
        _tc_grid_body,
        grid=((_N - _S) // _R,),
        in_specs=[
            pl.BlockSpec((_R, 4 * _K), lambda i: (i, 0)),
            full((4 * _K, _OUT)),
            full((1, _OUT)),
            full((4 * _H, _OUT)),
            full((1, 4 * _H)),
            full((_OUT, _H)),
            full((1, _OUT)),
        ],
        out_specs=pl.BlockSpec((_R, _OUT), lambda i: (i, 0)),
        out_shape=jax.ShapeDtypeStruct((_N - _S, _OUT), jnp.float32),
    )(grid, EW, eb, W_ih, bfull, out_W, ob)

    return jnp.concatenate([out1, out2], axis=0)

# --- scband reference (transcript-rebuilt; emitter-appended) ---
"""Pipeline reference for scband-nn-lstm-90477781057842 (READ-ONLY COPY).

The authoritative reference and input builder live on the scoring server;
editing this copy changes nothing except your own understanding.
"""

import jax, jax.numpy as jnp
import numpy as np

N = 2048
NNEIGH = 8
HIDDEN = 1024
OUT = 256
EMB = OUT // NNEIGH


def setup_inputs(seed: int = 0) -> dict:
    key = jax.random.key(seed)
    ks = jax.random.split(key, 12)
    return {
        "_hidden": jax.random.normal(ks[0], (N, HIDDEN), dtype=jnp.float32),
        "obs1": jax.random.normal(ks[1], (N, 2), dtype=jnp.float32),
        "obs2": jax.random.normal(ks[2], (N, 2), dtype=jnp.float32),
        "emb_W": jax.random.normal(ks[3], (EMB, 4), dtype=jnp.float32) * 0.3,
        "emb_b": jnp.zeros((EMB,), dtype=jnp.float32),
        "W_ih": jax.random.normal(ks[4], (4 * HIDDEN, OUT), dtype=jnp.float32) * 0.03,
        "W_hh": jax.random.normal(ks[5], (4 * HIDDEN, HIDDEN), dtype=jnp.float32) * 0.03,
        "b_ih": jnp.zeros((4 * HIDDEN,), dtype=jnp.float32),
        "b_hh": jnp.zeros((4 * HIDDEN,), dtype=jnp.float32),
        "out_W": jax.random.normal(ks[6], (OUT, HIDDEN), dtype=jnp.float32) * 0.03,
        "out_b": jnp.zeros((OUT,), dtype=jnp.float32),
    }


def reference(_hidden, obs1, obs2, emb_W, emb_b, W_ih, W_hh, b_ih, b_hh, out_W, out_b):
    # track_mask = all True (fresh scene after reset()); LSTM state starts at zeros.
    n_agents = obs2.shape[0]
    vel = obs2 - obs1
    # rel_pos[i, j] = obs2[j] - obs2[i]; rel_vel[i, j] = vel[j] - vel[i]
    rel_pos = obs2[None, :, :] - obs2[:, None, :]
    rel_vel = vel[None, :, :] - vel[:, None, :]
    # distances only drive index selection (non-differentiable path)
    d = jnp.sqrt(jnp.sum(jax.lax.stop_gradient(rel_pos) ** 2, axis=-1))
    eye = jnp.eye(n_agents, dtype=bool)
    d = jnp.where(eye, jnp.inf, d)
    # n nearest neighbours per agent (torch: topk(-dists, n))
    _, idx = jax.lax.top_k(-d, NNEIGH)  # [N, n]
    near_pos = jnp.take_along_axis(rel_pos, idx[:, :, None], axis=1)  # [N, n, 2]
    near_vel = jnp.take_along_axis(rel_vel, idx[:, :, None], axis=1)  # [N, n, 2]
    grid = jnp.concatenate([near_pos, near_vel], axis=-1)  # [N, n, 4]
    emb = jax.nn.relu(grid @ emb_W.T + emb_b)  # [N, n, EMB]
    x = emb.reshape(n_agents, -1)  # [N, OUT]
    h0 = jnp.zeros((n_agents, HIDDEN), dtype=x.dtype)
    c0 = jnp.zeros((n_agents, HIDDEN), dtype=x.dtype)
    gates = x @ W_ih.T + b_ih + h0 @ W_hh.T + b_hh
    i_g, f_g, g_g, o_g = jnp.split(gates, 4, axis=1)
    i_g = jax.nn.sigmoid(i_g)
    f_g = jax.nn.sigmoid(f_g)
    g_g = jnp.tanh(g_g)
    o_g = jax.nn.sigmoid(o_g)
    c1 = f_g * c0 + i_g * g_g
    h1 = o_g * jnp.tanh(c1)
    out = h1 @ out_W.T + out_b  # [N, OUT]
    return out

if __name__ == "__main__":
    import jax
    _d = setup_inputs()
    print(jax.jit(kernel)(*tuple(_d.values())))

</pallas_src>

<mosaic_0001>
#map = affine_map<(d0, d1) -> (0)>
#map1 = affine_map<(d0, d1) -> (0, 0)>
module attributes {stable_mosaic.version = 14 : i64} {
  func.func @_sc_body(%arg0: i32, %arg1: i32, %arg2: memref<2048xf32, #tpu.memory_space<hbm>>, %arg3: memref<2048xf32, #tpu.memory_space<hbm>>, %arg4: memref<2048xf32, #tpu.memory_space<hbm>>, %arg5: memref<2048xf32, #tpu.memory_space<hbm>>, %arg6: memref<1024x32xf32, #tpu.memory_space<hbm>>, %arg7: memref<2048xf32, #tpu.memory_space<vmem>>, %arg8: memref<2048xf32, #tpu.memory_space<vmem>>, %arg9: memref<2048xf32, #tpu.memory_space<vmem>>, %arg10: memref<2048xf32, #tpu.memory_space<vmem>>, %arg11: memref<32x32xf32, #tpu.memory_space<vmem>>) attributes {dimension_semantics = [#tpu.dimension_semantics<core_parallel>, #tpu.dimension_semantics<subcore_parallel>], iteration_bounds = array<i64: 2, 16>, scalar_prefetch = 0 : i64, scratch_operands = 5 : i64, tpu.core_type = #tpu.core_type<sc_vector_subcore>, window_params = [{transform_indices = #map}, {transform_indices = #map}, {transform_indices = #map}, {transform_indices = #map}, {transform_indices = #map1}]} {
    %mul3A = arith.constant 2 : i32
    %mul3A_0 = arith.muli %arg1, %mul3A : i32
    %add3A = arith.addi %mul3A_0, %arg0 : i32
    "tpu.region"() ({
      %run_scoped3A = tpu.sem_alloc : memref<!tpu.dma_semaphore, #tpu.memory_space<semaphore_mem>>
      tpu.enqueue_dma source(%arg2 : memref<2048xf32, #tpu.memory_space<hbm>>) target(%arg7 : memref<2048xf32, #tpu.memory_space<vmem>>) target_semaphore(%run_scoped3A : memref<!tpu.dma_semaphore, #tpu.memory_space<semaphore_mem>>)
      tpu.wait_dma2 semaphore(%run_scoped3A : memref<!tpu.dma_semaphore, #tpu.memory_space<semaphore_mem>>) src(%arg2 : memref<2048xf32, #tpu.memory_space<hbm>>) dst(%arg7 : memref<2048xf32, #tpu.memory_space<vmem>>)
      tpu.yield
    }) : () -> ()
    "tpu.region"() ({
      %run_scoped3A = tpu.sem_alloc : memref<!tpu.dma_semaphore, #tpu.memory_space<semaphore_mem>>
      tpu.enqueue_dma source(%arg3 : memref<2048xf32, #tpu.memory_space<hbm>>) target(%arg8 : memref<2048xf32, #tpu.memory_space<vmem>>) target_semaphore(%run_scoped3A : memref<!tpu.dma_semaphore, #tpu.memory_space<semaphore_mem>>)
      tpu.wait_dma2 semaphore(%run_scoped3A : memref<!tpu.dma_semaphore, #tpu.memory_space<semaphore_mem>>) src(%arg3 : memref<2048xf32, #tpu.memory_space<hbm>>) dst(%arg8 : memref<2048xf32, #tpu.memory_space<vmem>>)
      tpu.yield
    }) : () -> ()
    "tpu.region"() ({
      %run_scoped3A = tpu.sem_alloc : memref<!tpu.dma_semaphore, #tpu.memory_space<semaphore_mem>>
      tpu.enqueue_dma source(%arg4 : memref<2048xf32, #tpu.memory_space<hbm>>) target(%arg9 : memref<2048xf32, #tpu.memory_space<vmem>>) target_semaphore(%run_scoped3A : memref<!tpu.dma_semaphore, #tpu.memory_space<semaphore_mem>>)
      tpu.wait_dma2 semaphore(%run_scoped3A : memref<!tpu.dma_semaphore, #tpu.memory_space<semaphore_mem>>) src(%arg4 : memref<2048xf32, #tpu.memory_space<hbm>>) dst(%arg9 : memref<2048xf32, #tpu.memory_space<vmem>>)
      tpu.yield
    }) : () -> ()
    "tpu.region"() ({
      %run_scoped3A = tpu.sem_alloc : memref<!tpu.dma_semaphore, #tpu.memory_space<semaphore_mem>>
      tpu.enqueue_dma source(%arg5 : memref<2048xf32, #tpu.memory_space<hbm>>) target(%arg10 : memref<2048xf32, #tpu.memory_space<vmem>>) target_semaphore(%run_scoped3A : memref<!tpu.dma_semaphore, #tpu.memory_space<semaphore_mem>>)
      tpu.wait_dma2 semaphore(%run_scoped3A : memref<!tpu.dma_semaphore, #tpu.memory_space<semaphore_mem>>) src(%arg5 : memref<2048xf32, #tpu.memory_space<hbm>>) dst(%arg10 : memref<2048xf32, #tpu.memory_space<vmem>>)
      tpu.yield
    }) : () -> ()
    %mul3A_1 = arith.constant 32 : i32
    %mul3A_2 = arith.muli %add3A, %mul3A_1 : i32
    %add3A_3 = arith.constant 1024 : i32
    %add3A_4 = arith.addi %add3A_3, %mul3A_2 : i32
    %iota3A = tpu.iota {dimensions = array<i32: 0>} : vector<16xi32>
    %add3A_5 = arith.constant 0 : i32
    %add3A_6 = arith.addi %add3A_4, %add3A_5 : i32
    %add3A_7 = vector.broadcast %add3A_6 : i32 to vector<16xi32>
    %add3A_8 = arith.addi %add3A_7, %iota3A : vector<16xi32>
    %add3A_9 = arith.constant 0 : i32
    %add3A_10 = arith.addi %add3A_4, %add3A_9 : i32
    %add3A_11 = arith.constant 16 : i32
    %add3A_12 = arith.addi %add3A_10, %add3A_11 : i32
    %add3A_13 = vector.broadcast %add3A_12 : i32 to vector<16xi32>
    %add3A_14 = arith.addi %add3A_13, %iota3A : vector<16xi32>
    %gather3A = tpu.vector_load_idx %arg7[%add3A_8] : memref<2048xf32, #tpu.memory_space<vmem>>[vector<16xi32>], vector<16xf32>,
    %gather3A_15 = tpu.vector_load_idx %arg8[%add3A_8] : memref<2048xf32, #tpu.memory_space<vmem>>[vector<16xi32>], vector<16xf32>,
    %gather3A_16 = tpu.vector_load_idx %arg9[%add3A_8] : memref<2048xf32, #tpu.memory_space<vmem>>[vector<16xi32>], vector<16xf32>,
    %gather3A_17 = tpu.vector_load_idx %arg10[%add3A_8] : memref<2048xf32, #tpu.memory_space<vmem>>[vector<16xi32>], vector<16xf32>,
    %gather3A_18 = tpu.vector_load_idx %arg7[%add3A_14] : memref<2048xf32, #tpu.memory_space<vmem>>[vector<16xi32>], vector<16xf32>,
    %gather3A_19 = tpu.vector_load_idx %arg8[%add3A_14] : memref<2048xf32, #tpu.memory_space<vmem>>[vector<16xi32>], vector<16xf32>,
    %gather3A_20 = tpu.vector_load_idx %arg9[%add3A_14] : memref<2048xf32, #tpu.memory_space<vmem>>[vector<16xi32>], vector<16xf32>,
    %gather3A_21 = tpu.vector_load_idx %arg10[%add3A_14] : memref<2048xf32, #tpu.memory_space<vmem>>[vector<16xi32>], vector<16xf32>,
    %broadcast_in_dim3A = arith.constant 0 : i32
    %broadcast_in_dim3A_22 = vector.broadcast %broadcast_in_dim3A : i32 to vector<16xi32>
    %broadcast_in_dim3A_23 = arith.constant 0x7F800000 : f32
    %broadcast_in_dim3A_24 = vector.broadcast %broadcast_in_dim3A_23 : f32 to vector<16xf32>
    %broadcast_in_dim3A_25 = arith.constant 0x7F800000 : f32
    %broadcast_in_dim3A_26 = vector.broadcast %broadcast_in_dim3A_25 : f32 to vector<16xf32>
    %broadcast_in_dim3A_27 = arith.constant 0x7F800000 : f32
    %broadcast_in_dim3A_28 = vector.broadcast %broadcast_in_dim3A_27 : f32 to vector<16xf32>
    %broadcast_in_dim3A_29 = arith.constant 0x7F800000 : f32
    %broadcast_in_dim3A_30 = vector.broadcast %broadcast_in_dim3A_29 : f32 to vector<16xf32>
    %broadcast_in_dim3A_31 = arith.constant 0x7F800000 : f32
    %broadcast_in_dim3A_32 = vector.broadcast %broadcast_in_dim3A_31 : f32 to vector<16xf32>
    %broadcast_in_dim3A_33 = arith.constant 0x7F800000 : f32
    %broadcast_in_dim3A_34 = vector.broadcast %broadcast_in_dim3A_33 : f32 to vector<16xf32>
    %broadcast_in_dim3A_35 = arith.constant 0x7F800000 : f32
    %broadcast_in_dim3A_36 = vector.broadcast %broadcast_in_dim3A_35 : f32 to vector<16xf32>
    %broadcast_in_dim3A_37 = arith.constant 0x7F800000 : f32
    %broadcast_in_dim3A_38 = vector.broadcast %broadcast_in_dim3A_37 : f32 to vector<16xf32>
    %broadcast_in_dim3A_39 = arith.constant 0x7F800000 : f32
    %broadcast_in_dim3A_40 = vector.broadcast %broadcast_in_dim3A_39 : f32 to vector<16xf32>
    %broadcast_in_dim3A_41 = arith.constant 0x7F800000 : f32
    %broadcast_in_dim3A_42 = vector.broadcast %broadcast_in_dim3A_41 : f32 to vector<16xf32>
    %broadcast_in_dim3A_43 = arith.constant 0x7F800000 : f32
    %broadcast_in_dim3A_44 = vector.broadcast %broadcast_in_dim3A_43 : f32 to vector<16xf32>
    %broadcast_in_dim3A_45 = arith.constant 0x7F800000 : f32
    %broadcast_in_dim3A_46 = vector.broadcast %broadcast_in_dim3A_45 : f32 to vector<16xf32>
    %broadcast_in_dim3A_47 = arith.constant 0x7F800000 : f32
    %broadcast_in_dim3A_48 = vector.broadcast %broadcast_in_dim3A_47 : f32 to vector<16xf32>
    %broadcast_in_dim3A_49 = arith.constant 0x7F800000 : f32
    %broadcast_in_dim3A_50 = vector.broadcast %broadcast_in_dim3A_49 : f32 to vector<16xf32>
    %broadcast_in_dim3A_51 = arith.constant 0x7F800000 : f32
    %broadcast_in_dim3A_52 = vector.broadcast %broadcast_in_dim3A_51 : f32 to vector<16xf32>
    %broadcast_in_dim3A_53 = arith.constant 0x7F800000 : f32
    %broadcast_in_dim3A_54 = vector.broadcast %broadcast_in_dim3A_53 : f32 to vector<16xf32>
    %scan3A = arith.constant 0x7F800000 : f32
    %scan3A_55 = arith.constant 0 : i32
    %scan3A_56 = arith.constant 128 : i32
    %scan3A_57 = arith.addi %scan3A_55, %scan3A_56 : i32
    %scan3A_58 = arith.constant 1 : i32
    %scan3A_59:32 = scf.for %scan3A_324 = %scan3A_55 to %scan3A_57 step %scan3A_58 iter_args(%scan3A_325 = %broadcast_in_dim3A_24, %scan3A_326 = %broadcast_in_dim3A_26, %scan3A_327 = %broadcast_in_dim3A_28, %scan3A_328 = %broadcast_in_dim3A_30, %scan3A_329 = %broadcast_in_dim3A_32, %scan3A_330 = %broadcast_in_dim3A_34, %scan3A_331 = %broadcast_in_dim3A_36, %scan3A_332 = %broadcast_in_dim3A_38, %scan3A_333 = %broadcast_in_dim3A_22, %scan3A_334 = %broadcast_in_dim3A_22, %scan3A_335 = %broadcast_in_dim3A_22, %scan3A_336 = %broadcast_in_dim3A_22, %scan3A_337 = %broadcast_in_dim3A_22, %scan3A_338 = %broadcast_in_dim3A_22, %scan3A_339 = %broadcast_in_dim3A_22, %scan3A_340 = %broadcast_in_dim3A_22, %scan3A_341 = %broadcast_in_dim3A_40, %scan3A_342 = %broadcast_in_dim3A_42, %scan3A_343 = %broadcast_in_dim3A_44, %scan3A_344 = %broadcast_in_dim3A_46, %scan3A_345 = %broadcast_in_dim3A_48, %scan3A_346 = %broadcast_in_dim3A_50, %scan3A_347 = %broadcast_in_dim3A_52, %scan3A_348 = %broadcast_in_dim3A_54, %scan3A_349 = %broadcast_in_dim3A_22, %scan3A_350 = %broadcast_in_dim3A_22, %scan3A_351 = %broadcast_in_dim3A_22, %scan3A_352 = %broadcast_in_dim3A_22, %scan3A_353 = %broadcast_in_dim3A_22, %scan3A_354 = %broadcast_in_dim3A_22, %scan3A_355 = %broadcast_in_dim3A_22, %scan3A_356 = %broadcast_in_dim3A_22) -> (vector<16xf32>, vector<16xf32>, vector<16xf32>, vector<16xf32>, vector<16xf32>, vector<16xf32>, vector<16xf32>, vector<16xf32>, vector<16xi32>, vector<16xi32>, vector<16xi32>, vector<16xi32>, vector<16xi32>, vector<16xi32>, vector<16xi32>, vector<16xi32>, vector<16xf32>, vector<16xf32>, vector<16xf32>, vector<16xf32>, vector<16xf32>, vector<16xf32>, vector<16xf32>, vector<16xf32>, vector<16xi32>, vector<16xi32>, vector<16xi32>, vector<16xi32>, vector<16xi32>, vector<16xi32>, vector<16xi32>, vector<16xi32>)  : i32 {
      %mul3A_357 = arith.constant 16 : i32
      %mul3A_358 = arith.muli %scan3A_324, %mul3A_357 : i32
      %add3A_359 = arith.constant 0 : i32
      %add3A_360 = arith.addi %mul3A_358, %add3A_359 : i32
      %broadcast_in_dim3A_361 = vector.broadcast %add3A_360 : i32 to vector<16xi32>
      %gather3A_362 = tpu.vector_load_idx %arg7[%broadcast_in_dim3A_361] : memref<2048xf32, #tpu.memory_space<vmem>>[vector<16xi32>], vector<16xf32>,
      %gather3A_363 = tpu.vector_load_idx %arg8[%broadcast_in_dim3A_361] : memref<2048xf32, #tpu.memory_space<vmem>>[vector<16xi32>], vector<16xf32>,
      %sub3A_364 = arith.subf %gather3A_362, %gather3A : vector<16xf32>
      %sub3A_365 = arith.subf %gather3A_363, %gather3A_15 : vector<16xf32>
      %eq3A = arith.cmpi eq, %add3A_8, %broadcast_in_dim3A_361 : vector<16xi32>
      %mul3A_366 = arith.mulf %sub3A_364, %sub3A_364 : vector<16xf32>
      %mul3A_367 = arith.mulf %sub3A_365, %sub3A_365 : vector<16xf32>
      %add3A_368 = arith.addf %mul3A_366, %mul3A_367 : vector<16xf32>
      %broadcast_in_dim3A_369 = vector.broadcast %scan3A : f32 to vector<16xf32>
      %select_n3A = arith.select %eq3A, %broadcast_in_dim3A_369, %add3A_368 : vector<16xi1>, vector<16xf32>
      %sub3A_370 = arith.subf %gather3A_362, %gather3A_18 : vector<16xf32>
      %sub3A_371 = arith.subf %gather3A_363, %gather3A_19 : vector<16xf32>
      %eq3A_372 = arith.cmpi eq, %add3A_14, %broadcast_in_dim3A_361 : vector<16xi32>
      %mul3A_373 = arith.mulf %sub3A_370, %sub3A_370 : vector<16xf32>
      %mul3A_374 = arith.mulf %sub3A_371, %sub3A_371 : vector<16xf32>
      %add3A_375 = arith.addf %mul3A_373, %mul3A_374 : vector<16xf32>
      %broadcast_in_dim3A_376 = vector.broadcast %scan3A : f32 to vector<16xf32>
      %select_n3A_377 = arith.select %eq3A_372, %broadcast_in_dim3A_376, %add3A_375 : vector<16xi1>, vector<16xf32>
      %le3A = arith.cmpf ole, %scan3A_325, %select_n3A : vector<16xf32>
      %select_n3A_378 = arith.select %le3A, %scan3A_325, %select_n3A : vector<16xi1>, vector<16xf32>
      %select_n3A_379 = arith.select %le3A, %scan3A_333, %broadcast_in_dim3A_361 : vector<16xi1>, vector<16xi32>
      %le3A_380 = arith.cmpf ole, %scan3A_326, %select_n3A : vector<16xf32>
      %select_n3A_381 = arith.select %le3A, %select_n3A, %scan3A_325 : vector<16xi1>, vector<16xf32>
      %select_n3A_382 = arith.select %le3A, %broadcast_in_dim3A_361, %scan3A_333 : vector<16xi1>, vector<16xi32>
      %select_n3A_383 = arith.select %le3A_380, %scan3A_326, %select_n3A_381 : vector<16xi1>, vector<16xf32>
      %select_n3A_384 = arith.select %le3A_380, %scan3A_334, %select_n3A_382 : vector<16xi1>, vector<16xi32>
      %le3A_385 = arith.cmpf ole, %scan3A_327, %select_n3A : vector<16xf32>
      %select_n3A_386 = arith.select %le3A_380, %select_n3A, %scan3A_326 : vector<16xi1>, vector<16xf32>
      %select_n3A_387 = arith.select %le3A_380, %broadcast_in_dim3A_361, %scan3A_334 : vector<16xi1>, vector<16xi32>
      %select_n3A_388 = arith.select %le3A_385, %scan3A_327, %select_n3A_386 : vector<16xi1>, vector<16xf32>
      %select_n3A_389 = arith.select %le3A_385, %scan3A_335, %select_n3A_387 : vector<16xi1>, vector<16xi32>
      %le3A_390 = arith.cmpf ole, %scan3A_328, %select_n3A : vector<16xf32>
      %select_n3A_391 = arith.select %le3A_385, %select_n3A, %scan3A_327 : vector<16xi1>, vector<16xf32>
      %select_n3A_392 = arith.select %le3A_385, %broadcast_in_dim3A_361, %scan3A_335 : vector<16xi1>, vector<16xi32>
      %select_n3A_393 = arith.select %le3A_390, %scan3A_328, %select_n3A_391 : vector<16xi1>, vector<16xf32>
      %select_n3A_394 = arith.select %le3A_390, %scan3A_336, %select_n3A_392 : vector<16xi1>, vector<16xi32>
      %le3A_395 = arith.cmpf ole, %scan3A_329, %select_n3A : vector<16xf32>
      %select_n3A_396 = arith.select %le3A_390, %select_n3A, %scan3A_328 : vector<16xi1>, vector<16xf32>
      %select_n3A_397 = arith.select %le3A_390, %broadcast_in_dim3A_361, %scan3A_336 : vector<16xi1>, vector<16xi32>
      %select_n3A_398 = arith.select %le3A_395, %scan3A_329, %select_n3A_396 : vector<16xi1>, vector<16xf32>
      %select_n3A_399 = arith.select %le3A_395, %scan3A_337, %select_n3A_397 : vector<16xi1>, vector<16xi32>
      %le3A_400 = arith.cmpf ole, %scan3A_330, %select_n3A : vector<16xf32>
      %select_n3A_401 = arith.select %le3A_395, %select_n3A, %scan3A_329 : vector<16xi1>, vector<16xf32>
      %select_n3A_402 = arith.select %le3A_395, %broadcast_in_dim3A_361, %scan3A_337 : vector<16xi1>, vector<16xi32>
      %select_n3A_403 = arith.select %le3A_400, %scan3A_330, %select_n3A_401 : vector<16xi1>, vector<16xf32>
      %select_n3A_404 = arith.select %le3A_400, %scan3A_338, %select_n3A_402 : vector<16xi1>, vector<16xi32>
      %le3A_405 = arith.cmpf ole, %scan3A_331, %select_n3A : vector<16xf32>
      %select_n3A_406 = arith.select %le3A_400, %select_n3A, %scan3A_330 : vector<16xi1>, vector<16xf32>
      %select_n3A_407 = arith.select %le3A_400, %broadcast_in_dim3A_361, %scan3A_338 : vector<16xi1>, vector<16xi32>
      %select_n3A_408 = arith.select %le3A_405, %scan3A_331, %select_n3A_406 : vector<16xi1>, vector<16xf32>
      %select_n3A_409 = arith.select %le3A_405, %scan3A_339, %select_n3A_407 : vector<16xi1>, vector<16xi32>
      %le3A_410 = arith.cmpf ole, %scan3A_332, %select_n3A : vector<16xf32>
      %select_n3A_411 = arith.select %le3A_405, %select_n3A, %scan3A_331 : vector<16xi1>, vector<16xf32>
      %select_n3A_412 = arith.select %le3A_405, %broadcast_in_dim3A_361, %scan3A_339 : vector<16xi1>, vector<16xi32>
      %select_n3A_413 = arith.select %le3A_410, %scan3A_332, %select_n3A_411 : vector<16xi1>, vector<16xf32>
      %select_n3A_414 = arith.select %le3A_410, %scan3A_340, %select_n3A_412 : vector<16xi1>, vector<16xi32>
      %le3A_415 = arith.cmpf ole, %scan3A_341, %select_n3A_377 : vector<16xf32>
      %select_n3A_416 = arith.select %le3A_415, %scan3A_341, %select_n3A_377 : vector<16xi1>, vector<16xf32>
      %select_n3A_417 = arith.select %le3A_415, %scan3A_349, %broadcast_in_dim3A_361 : vector<16xi1>, vector<16xi32>
      %le3A_418 = arith.cmpf ole, %scan3A_342, %select_n3A_377 : vector<16xf32>
      %select_n3A_419 = arith.select %le3A_415, %select_n3A_377, %scan3A_341 : vector<16xi1>, vector<16xf32>
      %select_n3A_420 = arith.select %le3A_415, %broadcast_in_dim3A_361, %scan3A_349 : vector<16xi1>, vector<16xi32>
      %select_n3A_421 = arith.select %le3A_418, %scan3A_342, %select_n3A_419 : vector<16xi1>, vector<16xf32>
      %select_n3A_422 = arith.select %le3A_418, %scan3A_350, %select_n3A_420 : vector<16xi1>, vector<16xi32>
      %le3A_423 = arith.cmpf ole, %scan3A_343, %select_n3A_377 : vector<16xf32>
      %select_n3A_424 = arith.select %le3A_418, %select_n3A_377, %scan3A_342 : vector<16xi1>, vector<16xf32>
      %select_n3A_425 = arith.select %le3A_418, %broadcast_in_dim3A_361, %scan3A_350 : vector<16xi1>, vector<16xi32>
      %select_n3A_426 = arith.select %le3A_423, %scan3A_343, %select_n3A_424 : vector<16xi1>, vector<16xf32>
      %select_n3A_427 = arith.select %le3A_423, %scan3A_351, %select_n3A_425 : vector<16xi1>, vector<16xi32>
      %le3A_428 = arith.cmpf ole, %scan3A_344, %select_n3A_377 : vector<16xf32>
      %select_n3A_429 = arith.select %le3A_423, %select_n3A_377, %scan3A_343 : vector<16xi1>, vector<16xf32>
      %select_n3A_430 = arith.select %le3A_423, %broadcast_in_dim3A_361, %scan3A_351 : vector<16xi1>, vector<16xi32>
      %select_n3A_431 = arith.select %le3A_428, %scan3A_344, %select_n3A_429 : vector<16xi1>, vector<16xf32>
      %select_n3A_432 = arith.select %le3A_428, %scan3A_352, %select_n3A_430 : vector<16xi1>, vector<16xi32>
      %le3A_433 = arith.cmpf ole, %scan3A_345, %select_n3A_377 : vector<16xf32>
      %select_n3A_434 = arith.select %le3A_428, %select_n3A_377, %scan3A_344 : vector<16xi1>, vector<16xf32>
      %select_n3A_435 = arith.select %le3A_428, %broadcast_in_dim3A_361, %scan3A_352 : vector<16xi1>, vector<16xi32>
      %select_n3A_436 = arith.select %le3A_433, %scan3A_345, %select_n3A_434 : vector<16xi1>, vector<16xf32>
      %select_n3A_437 = arith.select %le3A_433, %scan3A_353, %select_n3A_435 : vector<16xi1>, vector<16xi32>
      %le3A_438 = arith.cmpf ole, %scan3A_346, %select_n3A_377 : vector<16xf32>
      %select_n3A_439 = arith.select %le3A_433, %select_n3A_377, %scan3A_345 : vector<16xi1>, vector<16xf32>
      %select_n3A_440 = arith.select %le3A_433, %broadcast_in_dim3A_361, %scan3A_353 : vector<16xi1>, vector<16xi32>
      %select_n3A_441 = arith.select %le3A_438, %scan3A_346, %select_n3A_439 : vector<16xi1>, vector<16xf32>
      %select_n3A_442 = arith.select %le3A_438, %scan3A_354, %select_n3A_440 : vector<16xi1>, vector<16xi32>
      %le3A_443 = arith.cmpf ole, %scan3A_347, %select_n3A_377 : vector<16xf32>
      %select_n3A_444 = arith.select %le3A_438, %select_n3A_377, %scan3A_346 : vector<16xi1>, vector<16xf32>
      %select_n3A_445 = arith.select %le3A_438, %broadcast_in_dim3A_361, %scan3A_354 : vector<16xi1>, vector<16xi32>
      %select_n3A_446 = arith.select %le3A_443, %scan3A_347, %select_n3A_444 : vector<16xi1>, vector<16xf32>
      %select_n3A_447 = arith.select %le3A_443, %scan3A_355, %select_n3A_445 : vector<16xi1>, vector<16xi32>
      %le3A_448 = arith.cmpf ole, %scan3A_348, %select_n3A_377 : vector<16xf32>
      %select_n3A_449 = arith.select %le3A_443, %select_n3A_377, %scan3A_347 : vector<16xi1>, vector<16xf32>
      %select_n3A_450 = arith.select %le3A_443, %broadcast_in_dim3A_361, %scan3A_355 : vector<16xi1>, vector<16xi32>
      %select_n3A_451 = arith.select %le3A_448, %scan3A_348, %select_n3A_449 : vector<16xi1>, vector<16xf32>
      %select_n3A_452 = arith.select %le3A_448, %scan3A_356, %select_n3A_450 : vector<16xi1>, vector<16xi32>
      %add3A_453 = arith.constant 1 : i32
      %add3A_454 = arith.addi %mul3A_358, %add3A_453 : i32
      %broadcast_in_dim3A_455 = vector.broadcast %add3A_454 : i32 to vector<16xi32>
      %gather3A_456 = tpu.vector_load_idx %arg7[%broadcast_in_dim3A_455] : memref<2048xf32, #tpu.memory_space<vmem>>[vector<16xi32>], vector<16xf32>,
      %gather3A_457 = tpu.vector_load_idx %arg8[%broadcast_in_dim3A_455] : memref<2048xf32, #tpu.memory_space<vmem>>[vector<16xi32>], vector<16xf32>,
      %sub3A_458 = arith.subf %gather3A_456, %gather3A : vector<16xf32>
      %sub3A_459 = arith.subf %gather3A_457, %gather3A_15 : vector<16xf32>
      %eq3A_460 = arith.cmpi eq, %add3A_8, %broadcast_in_dim3A_455 : vector<16xi32>
      %mul3A_461 = arith.mulf %sub3A_458, %sub3A_458 : vector<16xf32>
      %mul3A_462 = arith.mulf %sub3A_459, %sub3A_459 : vector<16xf32>
      %add3A_463 = arith.addf %mul3A_461, %mul3A_462 : vector<16xf32>
      %broadcast_in_dim3A_464 = vector.broadcast %scan3A : f32 to vector<16xf32>
      %select_n3A_465 = arith.select %eq3A_460, %broadcast_in_dim3A_464, %add3A_463 : vector<16xi1>, vector<16xf32>
      %sub3A_466 = arith.subf %gather3A_456, %gather3A_18 : vector<16xf32>
      %sub3A_467 = arith.subf %gather3A_457, %gather3A_19 : vector<16xf32>
      %eq3A_468 = arith.cmpi eq, %add3A_14, %broadcast_in_dim3A_455 : vector<16xi32>
      %mul3A_469 = arith.mulf %sub3A_466, %sub3A_466 : vector<16xf32>
      %mul3A_470 = arith.mulf %sub3A_467, %sub3A_467 : vector<16xf32>
      %add3A_471 = arith.addf %mul3A_469, %mul3A_470 : vector<16xf32>
      %broadcast_in_dim3A_472 = vector.broadcast %scan3A : f32 to vector<16xf32>
      %select_n3A_473 = arith.select %eq3A_468, %broadcast_in_dim3A_472, %add3A_471 : vector<16xi1>, vector<16xf32>
      %le3A_474 = arith.cmpf ole, %select_n3A_378, %select_n3A_465 : vector<16xf32>
      %select_n3A_475 = arith.select %le3A_474, %select_n3A_378, %select_n3A_465 : vector<16xi1>, vector<16xf32>
      %select_n3A_476 = arith.select %le3A_474, %select_n3A_379, %broadcast_in_dim3A_455 : vector<16xi1>, vector<16xi32>
      %le3A_477 = arith.cmpf ole, %select_n3A_383, %select_n3A_465 : vector<16xf32>
      %select_n3A_478 = arith.select %le3A_474, %select_n3A_465, %select_n3A_378 : vector<16xi1>, vector<16xf32>
      %select_n3A_479 = arith.select %le3A_474, %broadcast_in_dim3A_455, %select_n3A_379 : vector<16xi1>, vector<16xi32>
      %select_n3A_480 = arith.select %le3A_477, %select_n3A_383, %select_n3A_478 : vector<16xi1>, vector<16xf32>
      %select_n3A_481 = arith.select %le3A_477, %select_n3A_384, %select_n3A_479 : vector<16xi1>, vector<16xi32>
      %le3A_482 = arith.cmpf ole, %select_n3A_388, %select_n3A_465 : vector<16xf32>
      %select_n3A_483 = arith.select %le3A_477, %select_n3A_465, %select_n3A_383 : vector<16xi1>, vector<16xf32>
      %select_n3A_484 = arith.select %le3A_477, %broadcast_in_dim3A_455, %select_n3A_384 : vector<16xi1>, vector<16xi32>
      %select_n3A_485 = arith.select %le3A_482, %select_n3A_388, %select_n3A_483 : vector<16xi1>, vector<16xf32>
      %select_n3A_486 = arith.select %le3A_482, %select_n3A_389, %select_n3A_484 : vector<16xi1>, vector<16xi32>
      %le3A_487 = arith.cmpf ole, %select_n3A_393, %select_n3A_465 : vector<16xf32>
      %select_n3A_488 = arith.select %le3A_482, %select_n3A_465, %select_n3A_388 : vector<16xi1>, vector<16xf32>
      %select_n3A_489 = arith.select %le3A_482, %broadcast_in_dim3A_455, %select_n3A_389 : vector<16xi1>, vector<16xi32>
      %select_n3A_490 = arith.select %le3A_487, %select_n3A_393, %select_n3A_488 : vector<16xi1>, vector<16xf32>
      %select_n3A_491 = arith.select %le3A_487, %select_n3A_394, %select_n3A_489 : vector<16xi1>, vector<16xi32>
      %le3A_492 = arith.cmpf ole, %select_n3A_398, %select_n3A_465 : vector<16xf32>
      %select_n3A_493 = arith.select %le3A_487, %select_n3A_465, %select_n3A_393 : vector<16xi1>, vector<16xf32>
      %select_n3A_494 = arith.select %le3A_487, %broadcast_in_dim3A_455, %select_n3A_394 : vector<16xi1>, vector<16xi32>
      %select_n3A_495 = arith.select %le3A_492, %select_n3A_398, %select_n3A_493 : vector<16xi1>, vector<16xf32>
      %select_n3A_496 = arith.select %le3A_492, %select_n3A_399, %select_n3A_494 : vector<16xi1>, vector<16xi32>
      %le3A_497 = arith.cmpf ole, %select_n3A_403, %select_n3A_465 : vector<16xf32>
      %select_n3A_498 = arith.select %le3A_492, %select_n3A_465, %select_n3A_398 : vector<16xi1>, vector<16xf32>
      %select_n3A_499 = arith.select %le3A_492, %broadcast_in_dim3A_455, %select_n3A_399 : vector<16xi1>, vector<16xi32>
      %select_n3A_500 = arith.select %le3A_497, %select_n3A_403, %select_n3A_498 : vector<16xi1>, vector<16xf32>
      %select_n3A_501 = arith.select %le3A_497, %select_n3A_404, %select_n3A_499 : vector<16xi1>, vector<16xi32>
      %le3A_502 = arith.cmpf ole, %select_n3A_408, %select_n3A_465 : vector<16xf32>
      %select_n3A_503 = arith.select %le3A_497, %select_n3A_465, %select_n3A_403 : vector<16xi1>, vector<16xf32>
      %select_n3A_504 = arith.select %le3A_497, %broadcast_in_dim3A_455, %select_n3A_404 : vector<16xi1>, vector<16xi32>
      %select_n3A_505 = arith.select %le3A_502, %select_n3A_408, %select_n3A_503 : vector<16xi1>, vector<16xf32>
      %select_n3A_506 = arith.select %le3A_502, %select_n3A_409, %select_n3A_504 : vector<16xi1>, vector<16xi32>
      %le3A_507 = arith.cmpf ole, %select_n3A_413, %select_n3A_465 : vector<16xf32>
      %select_n3A_508 = arith.select %le3A_502, %select_n3A_465, %select_n3A_408 : vector<16xi1>, vector<16xf32>
      %select_n3A_509 = arith.select %le3A_502, %broadcast_in_dim3A_455, %select_n3A_409 : vector<16xi1>, vector<16xi32>
      %select_n3A_510 = arith.select %le3A_507, %select_n3A_413, %select_n3A_508 : vector<16xi1>, vector<16xf32>
      %select_n3A_511 = arith.select %le3A_507, %select_n3A_414, %select_n3A_509 : vector<16xi1>, vector<16xi32>
      %le3A_512 = arith.cmpf ole, %select_n3A_416, %select_n3A_473 : vector<16xf32>
      %select_n3A_513 = arith.select %le3A_512, %select_n3A_416, %select_n3A_473 : vector<16xi1>, vector<16xf32>
      %select_n3A_514 = arith.select %le3A_512, %select_n3A_417, %broadcast_in_dim3A_455 : vector<16xi1>, vector<16xi32>
      %le3A_515 = arith.cmpf ole, %select_n3A_421, %select_n3A_473 : vector<16xf32>
      %select_n3A_516 = arith.select %le3A_512, %select_n3A_473, %select_n3A_416 : vector<16xi1>, vector<16xf32>
      %select_n3A_517 = arith.select %le3A_512, %broadcast_in_dim3A_455, %select_n3A_417 : vector<16xi1>, vector<16xi32>
      %select_n3A_518 = arith.select %le3A_515, %select_n3A_421, %select_n3A_516 : vector<16xi1>, vector<16xf32>
      %select_n3A_519 = arith.select %le3A_515, %select_n3A_422, %select_n3A_517 : vector<16xi1>, vector<16xi32>
      %le3A_520 = arith.cmpf ole, %select_n3A_426, %select_n3A_473 : vector<16xf32>
      %select_n3A_521 = arith.select %le3A_515, %select_n3A_473, %select_n3A_421 : vector<16xi1>, vector<16xf32>
      %select_n3A_522 = arith.select %le3A_515, %broadcast_in_dim3A_455, %select_n3A_422 : vector<16xi1>, vector<16xi32>
      %select_n3A_523 = arith.select %le3A_520, %select_n3A_426, %select_n3A_521 : vector<16xi1>, vector<16xf32>
      %select_n3A_524 = arith.select %le3A_520, %select_n3A_427, %select_n3A_522 : vector<16xi1>, vector<16xi32>
      %le3A_525 = arith.cmpf ole, %select_n3A_431, %select_n3A_473 : vector<16xf32>
      %select_n3A_526 = arith.select %le3A_520, %select_n3A_473, %select_n3A_426 : vector<16xi1>, vector<16xf32>
      %select_n3A_527 = arith.select %le3A_520, %broadcast_in_dim3A_455, %select_n3A_427 : vector<16xi1>, vector<16xi32>
      %select_n3A_528 = arith.select %le3A_525, %select_n3A_431, %select_n3A_526 : vector<16xi1>, vector<16xf32>
      %select_n3A_529 = arith.select %le3A_525, %select_n3A_432, %select_n3A_527 : vector<16xi1>, vector<16xi32>
      %le3A_530 = arith.cmpf ole, %select_n3A_436, %select_n3A_473 : vector<16xf32>
      %select_n3A_531 = arith.select %le3A_525, %select_n3A_473, %select_n3A_431 : vector<16xi1>, vector<16xf32>
      %select_n3A_532 = arith.select %le3A_525, %broadcast_in_dim3A_455, %select_n3A_432 : vector<16xi1>, vector<16xi32>
      %select_n3A_533 = arith.select %le3A_530, %select_n3A_436, %select_n3A_531 : vector<16xi1>, vector<16xf32>
      %select_n3A_534 = arith.select %le3A_530, %select_n3A_437, %select_n3A_532 : vector<16xi1>, vector<16xi32>
      %le3A_535 = arith.cmpf ole, %select_n3A_441, %select_n3A_473 : vector<16xf32>
      %select_n3A_536 = arith.select %le3A_530, %select_n3A_473, %select_n3A_436 : vector<16xi1>, vector<16xf32>
      %select_n3A_537 = arith.select %le3A_530, %broadcast_in_dim3A_455, %select_n3A_437 : vector<16xi1>, vector<16xi32>
      %select_n3A_538 = arith.select %le3A_535, %select_n3A_441, %select_n3A_536 : vector<16xi1>, vector<16xf32>
      %select_n3A_539 = arith.select %le3A_535, %select_n3A_442, %select_n3A_537 : vector<16xi1>, vector<16xi32>
      %le3A_540 = arith.cmpf ole, %select_n3A_446, %select_n3A_473 : vector<16xf32>
      %select_n3A_541 = arith.select %le3A_535, %select_n3A_473, %select_n3A_441 : vector<16xi1>, vector<16xf32>
      %select_n3A_542 = arith.select %le3A_535, %broadcast_in_dim3A_455, %select_n3A_442 : vector<16xi1>, vector<16xi32>
      %select_n3A_543 = arith.select %le3A_540, %select_n3A_446, %select_n3A_541 : vector<16xi1>, vector<16xf32>
      %select_n3A_544 = arith.select %le3A_540, %select_n3A_447, %select_n3A_542 : vector<16xi1>, vector<16xi32>
      %le3A_545 = arith.cmpf ole, %select_n3A_451, %select_n3A_473 : vector<16xf32>
      %select_n3A_546 = arith.select %le3A_540, %select_n3A_473, %select_n3A_446 : vector<16xi1>, vector<16xf32>
      %select_n3A_547 = arith.select %le3A_540, %broadcast_in_dim3A_455, %select_n3A_447 : vector<16xi1>, vector<16xi32>
      %select_n3A_548 = arith.select %le3A_545, %select_n3A_451, %select_n3A_546 : vector<16xi1>, vector<16xf32>
      %select_n3A_549 = arith.select %le3A_545, %select_n3A_452, %select_n3A_547 : vector<16xi1>, vector<16xi32>
      %add3A_550 = arith.constant 2 : i32
      %add3A_551 = arith.addi %mul3A_358, %add3A_550 : i32
      %broadcast_in_dim3A_552 = vector.broadcast %add3A_551 : i32 to vector<16xi32>
      %gather3A_553 = tpu.vector_load_idx %arg7[%broadcast_in_dim3A_552] : memref<2048xf32, #tpu.memory_space<vmem>>[vector<16xi32>], vector<16xf32>,
      %gather3A_554 = tpu.vector_load_idx %arg8[%broadcast_in_dim3A_552] : memref<2048xf32, #tpu.memory_space<vmem>>[vector<16xi32>], vector<16xf32>,
      %sub3A_555 = arith.subf %gather3A_553, %gather3A : vector<16xf32>
      %sub3A_556 = arith.subf %gather3A_554, %gather3A_15 : vector<16xf32>
      %eq3A_557 = arith.cmpi eq, %add3A_8, %broadcast_in_dim3A_552 : vector<16xi32>
      %mul3A_558 = arith.mulf %sub3A_555, %sub3A_555 : vector<16xf32>
      %mul3A_559 = arith.mulf %sub3A_556, %sub3A_556 : vector<16xf32>
      %add3A_560 = arith.addf %mul3A_558, %mul3A_559 : vector<16xf32>
      %broadcast_in_dim3A_561 = vector.broadcast %scan3A : f32 to vector<16xf32>
      %select_n3A_562 = arith.select %eq3A_557, %broadcast_in_dim3A_561, %add3A_560 : vector<16xi1>, vector<16xf32>
      %sub3A_563 = arith.subf %gather3A_553, %gather3A_18 : vector<16xf32>
      %sub3A_564 = arith.subf %gather3A_554, %gather3A_19 : vector<16xf32>
      %eq3A_565 = arith.cmpi eq, %add3A_14, %broadcast_in_dim3A_552 : vector<16xi32>
      %mul3A_566 = arith.mulf %sub3A_563, %sub3A_563 : vector<16xf32>
      %mul3A_567 = arith.mulf %sub3A_564, %sub3A_564 : vector<16xf32>
      %add3A_568 = arith.addf %mul3A_566, %mul3A_567 : vector<16xf32>
      %broadcast_in_dim3A_569 = vector.broadcast %scan3A : f32 to vector<16xf32>
      %select_n3A_570 = arith.select %eq3A_565, %broadcast_in_dim3A_569, %add3A_568 : vector<16xi1>, vector<16xf32>
      %le3A_571 = arith.cmpf ole, %select_n3A_475, %select_n3A_562 : vector<16xf32>
      %select_n3A_572 = arith.select %le3A_571, %select_n3A_475, %select_n3A_562 : vector<16xi1>, vector<16xf32>
      %select_n3A_573 = arith.select %le3A_571, %select_n3A_476, %broadcast_in_dim3A_552 : vector<16xi1>, vector<16xi32>
      %le3A_574 = arith.cmpf ole, %select_n3A_480, %select_n3A_562 : vector<16xf32>
      %select_n3A_575 = arith.select %le3A_571, %select_n3A_562, %select_n3A_475 : vector<16xi1>, vector<16xf32>
      %select_n3A_576 = arith.select %le3A_571, %broadcast_in_dim3A_552, %select_n3A_476 : vector<16xi1>, vector<16xi32>
      %select_n3A_577 = arith.select %le3A_574, %select_n3A_480, %select_n3A_575 : vector<16xi1>, vector<16xf32>
      %select_n3A_578 = arith.select %le3A_574, %select_n3A_481, %select_n3A_576 : vector<16xi1>, vector<16xi32>
      %le3A_579 = arith.cmpf ole, %select_n3A_485, %select_n3A_562 : vector<16xf32>
      %select_n3A_580 = arith.select %le3A_574, %select_n3A_562, %select_n3A_480 : vector<16xi1>, vector<16xf32>
      %select_n3A_581 = arith.select %le3A_574, %broadcast_in_dim3A_552, %select_n3A_481 : vector<16xi1>, vector<16xi32>
      %select_n3A_582 = arith.select %le3A_579, %select_n3A_485, %select_n3A_580 : vector<16xi1>, vector<16xf32>
      %select_n3A_583 = arith.select %le3A_579, %select_n3A_486, %select_n3A_581 : vector<16xi1>, vector<16xi32>
      %le3A_584 = arith.cmpf ole, %select_n3A_490, %select_n3A_562 : vector<16xf32>
      %select_n3A_585 = arith.select %le3A_579, %select_n3A_562, %select_n3A_485 : vector<16xi1>, vector<16xf32>
      %select_n3A_586 = arith.select %le3A_579, %broadcast_in_dim3A_552, %select_n3A_486 : vector<16xi1>, vector<16xi32>
      %select_n3A_587 = arith.select %le3A_584, %select_n3A_490, %select_n3A_585 : vector<16xi1>, vector<16xf32>
      %select_n3A_588 = arith.select %le3A_584, %select_n3A_491, %select_n3A_586 : vector<16xi1>, vector<16xi32>
      %le3A_589 = arith.cmpf ole, %select_n3A_495, %select_n3A_562 : vector<16xf32>
      %select_n3A_590 = arith.select %le3A_584, %select_n3A_562, %select_n3A_490 : vector<16xi1>, vector<16xf32>
      %select_n3A_591 = arith.select %le3A_584, %broadcast_in_dim3A_552, %select_n3A_491 : vector<16xi1>, vector<16xi32>
      %select_n3A_592 = arith.select %le3A_589, %select_n3A_495, %select_n3A_590 : vector<16xi1>, vector<16xf32>
      %select_n3A_593 = arith.select %le3A_589, %select_n3A_496, %select_n3A_591 : vector<16xi1>, vector<16xi32>
      %le3A_594 = arith.cmpf ole, %select_n3A_500, %select_n3A_562 : vector<16xf32>
      %select_n3A_595 = arith.select %le3A_589, %select_n3A_562, %select_n3A_495 : vector<16xi1>, vector<16xf32>
      %select_n3A_596 = arith.select %le3A_589, %broadcast_in_dim3A_552, %select_n3A_496 : vector<16xi1>, vector<16xi32>
      %select_n3A_597 = arith.select %le3A_594, %select_n3A_500, %select_n3A_595 : vector<16xi1>, vector<16xf32>
      %select_n3A_598 = arith.select %le3A_594, %select_n3A_501, %select_n3A_596 : vector<16xi1>, vector<16xi32>
      %le3A_599 = arith.cmpf ole, %select_n3A_505, %select_n3A_562 : vector<16xf32>
      %select_n3A_600 = arith.select %le3A_594, %select_n3A_562, %select_n3A_500 : vector<16xi1>, vector<16xf32>
      %select_n3A_601 = arith.select %le3A_594, %broadcast_in_dim3A_552, %select_n3A_501 : vector<16xi1>, vector<16xi32>
      %select_n3A_602 = arith.select %le3A_599, %select_n3A_505, %select_n3A_600 : vector<16xi1>, vector<16xf32>
      %select_n3A_603 = arith.select %le3A_599, %select_n3A_506, %select_n3A_601 : vector<16xi1>, vector<16xi32>
      %le3A_604 = arith.cmpf ole, %select_n3A_510, %select_n3A_562 : vector<16xf32>
      %select_n3A_605 = arith.select %le3A_599, %select_n3A_562, %select_n3A_505 : vector<16xi1>, vector<16xf32>
      %select_n3A_606 = arith.select %le3A_599, %broadcast_in_dim3A_552, %select_n3A_506 : vector<16xi1>, vector<16xi32>
      %select_n3A_607 = arith.select %le3A_604, %select_n3A_510, %select_n3A_605 : vector<16xi1>, vector<16xf32>
      %select_n3A_608 = arith.select %le3A_604, %select_n3A_511, %select_n3A_606 : vector<16xi1>, vector<16xi32>
      %le3A_609 = arith.cmpf ole, %select_n3A_513, %select_n3A_570 : vector<16xf32>
      %select_n3A_610 = arith.select %le3A_609, %select_n3A_513, %select_n3A_570 : vector<16xi1>, vector<16xf32>
      %select_n3A_611 = arith.select %le3A_609, %select_n3A_514, %broadcast_in_dim3A_552 : vector<16xi1>, vector<16xi32>
      %le3A_612 = arith.cmpf ole, %select_n3A_518, %select_n3A_570 : vector<16xf32>
      %select_n3A_613 = arith.select %le3A_609, %select_n3A_570, %select_n3A_513 : vector<16xi1>, vector<16xf32>
      %select_n3A_614 = arith.select %le3A_609, %broadcast_in_dim3A_552, %select_n3A_514 : vector<16xi1>, vector<16xi32>
      %select_n3A_615 = arith.select %le3A_612, %select_n3A_518, %select_n3A_613 : vector<16xi1>, vector<16xf32>
      %select_n3A_616 = arith.select %le3A_612, %select_n3A_519, %select_n3A_614 : vector<16xi1>, vector<16xi32>
      %le3A_617 = arith.cmpf ole, %select_n3A_523, %select_n3A_570 : vector<16xf32>
      %select_n3A_618 = arith.select %le3A_612, %select_n3A_570, %select_n3A_518 : vector<16xi1>, vector<16xf32>
      %select_n3A_619 = arith.select %le3A_612, %broadcast_in_dim3A_552, %select_n3A_519 : vector<16xi1>, vector<16xi32>
      %select_n3A_620 = arith.select %le3A_617, %select_n3A_523, %select_n3A_618 : vector<16xi1>, vector<16xf32>
      %select_n3A_621 = arith.select %le3A_617, %select_n3A_524, %select_n3A_619 : vector<16xi1>, vector<16xi32>
      %le3A_622 = arith.cmpf ole, %select_n3A_528, %select_n3A_570 : vector<16xf32>
      %select_n3A_623 = arith.select %le3A_617, %select_n3A_570, %select_n3A_523 : vector<16xi1>, vector<16xf32>
      %select_n3A_624 = arith.select %le3A_617, %broadcast_in_dim3A_552, %select_n3A_524 : vector<16xi1>, vector<16xi32>
      %select_n3A_625 = arith.select %le3A_622, %select_n3A_528, %select_n3A_623 : vector<16xi1>, vector<16xf32>
      %select_n3A_626 = arith.select %le3A_622, %select_n3A_529, %select_n3A_624 : vector<16xi1>, vector<16xi32>
      %le3A_627 = arith.cmpf ole, %select_n3A_533, %select_n3A_570 : vector<16xf32>
      %select_n3A_628 = arith.select %le3A_622, %select_n3A_570, %select_n3A_528 : vector<16xi1>, vector<16xf32>
      %select_n3A_629 = arith.select %le3A_622, %broadcast_in_dim3A_552, %select_n3A_529 : vector<16xi1>, vector<16xi32>
      %select_n3A_630 = arith.select %le3A_627, %select_n3A_533, %select_n3A_628 : vector<16xi1>, vector<16xf32>
      %select_n3A_631 = arith.select %le3A_627, %select_n3A_534, %select_n3A_629 : vector<16xi1>, vector<16xi32>
      %le3A_632 = arith.cmpf ole, %select_n3A_538, %select_n3A_570 : vector<16xf32>
      %select_n3A_633 = arith.select %le3A_627, %select_n3A_570, %select_n3A_533 : vector<16xi1>, vector<16xf32>
      %select_n3A_634 = arith.select %le3A_627, %broadcast_in_dim3A_552, %select_n3A_534 : vector<16xi1>, vector<16xi32>
      %select_n3A_635 = arith.select %le3A_632, %select_n3A_538, %select_n3A_633 : vector<16xi1>, vector<16xf32>
      %select_n3A_636 = arith.select %le3A_632, %select_n3A_539, %select_n3A_634 : vector<16xi1>, vector<16xi32>
      %le3A_637 = arith.cmpf ole, %select_n3A_543, %select_n3A_570 : vector<16xf32>
      %select_n3A_638 = arith.select %le3A_632, %select_n3A_570, %select_n3A_538 : vector<16xi1>, vector<16xf32>
      %select_n3A_639 = arith.select %le3A_632, %broadcast_in_dim3A_552, %select_n3A_539 : vector<16xi1>, vector<16xi32>
      %select_n3A_640 = arith.select %le3A_637, %select_n3A_543, %select_n3A_638 : vector<16xi1>, vector<16xf32>
      %select_n3A_641 = arith.select %le3A_637, %select_n3A_544, %select_n3A_639 : vector<16xi1>, vector<16xi32>
      %le3A_642 = arith.cmpf ole, %select_n3A_548, %select_n3A_570 : vector<16xf32>
      %select_n3A_643 = arith.select %le3A_637, %select_n3A_570, %select_n3A_543 : vector<16xi1>, vector<16xf32>
      %select_n3A_644 = arith.select %le3A_637, %broadcast_in_dim3A_552, %select_n3A_544 : vector<16xi1>, vector<16xi32>
      %select_n3A_645 = arith.select %le3A_642, %select_n3A_548, %select_n3A_643 : vector<16xi1>, vector<16xf32>
      %select_n3A_646 = arith.select %le3A_642, %select_n3A_549, %select_n3A_644 : vector<16xi1>, vector<16xi32>
      %add3A_647 = arith.constant 3 : i32
      %add3A_648 = arith.addi %mul3A_358, %add3A_647 : i32
      %broadcast_in_dim3A_649 = vector.broadcast %add3A_648 : i32 to vector<16xi32>
      %gather3A_650 = tpu.vector_load_idx %arg7[%broadcast_in_dim3A_649] : memref<2048xf32, #tpu.memory_space<vmem>>[vector<16xi32>], vector<16xf32>,
      %gather3A_651 = tpu.vector_load_idx %arg8[%broadcast_in_dim3A_649] : memref<2048xf32, #tpu.memory_space<vmem>>[vector<16xi32>], vector<16xf32>,
      %sub3A_652 = arith.subf %gather3A_650, %gather3A : vector<16xf32>
      %sub3A_653 = arith.subf %gather3A_651, %gather3A_15 : vector<16xf32>
      %eq3A_654 = arith.cmpi eq, %add3A_8, %broadcast_in_dim3A_649 : vector<16xi32>
      %mul3A_655 = arith.mulf %sub3A_652, %sub3A_652 : vector<16xf32>
      %mul3A_656 = arith.mulf %sub3A_653, %sub3A_653 : vector<16xf32>
      %add3A_657 = arith.addf %mul3A_655, %mul3A_656 : vector<16xf32>
      %broadcast_in_dim3A_658 = vector.broadcast %scan3A : f32 to vector<16xf32>
      %select_n3A_659 = arith.select %eq3A_654, %broadcast_in_dim3A_658, %add3A_657 : vector<16xi1>, vector<16xf32>
      %sub3A_660 = arith.subf %gather3A_650, %gather3A_18 : vector<16xf32>
      %sub3A_661 = arith.subf %gather3A_651, %gather3A_19 : vector<16xf32>
      %eq3A_662 = arith.cmpi eq, %add3A_14, %broadcast_in_dim3A_649 : vector<16xi32>
      %mul3A_663 = arith.mulf %sub3A_660, %sub3A_660 : vector<16xf32>
      %mul3A_664 = arith.mulf %sub3A_661, %sub3A_661 : vector<16xf32>
      %add3A_665 = arith.addf %mul3A_663, %mul3A_664 : vector<16xf32>
      %broadcast_in_dim3A_666 = vector.broadcast %scan3A : f32 to vector<16xf32>
      %select_n3A_667 = arith.select %eq3A_662, %broadcast_in_dim3A_666, %add3A_665 : vector<16xi1>, vector<16xf32>
      %le3A_668 = arith.cmpf ole, %select_n3A_572, %select_n3A_659 : vector<16xf32>
      %select_n3A_669 = arith.select %le3A_668, %select_n3A_572, %select_n3A_659 : vector<16xi1>, vector<16xf32>
      %select_n3A_670 = arith.select %le3A_668, %select_n3A_573, %broadcast_in_dim3A_649 : vector<16xi1>, vector<16xi32>
      %le3A_671 = arith.cmpf ole, %select_n3A_577, %select_n3A_659 : vector<16xf32>
      %select_n3A_672 = arith.select %le3A_668, %select_n3A_659, %select_n3A_572 : vector<16xi1>, vector<16xf32>
      %select_n3A_673 = arith.select %le3A_668, %broadcast_in_dim3A_649, %select_n3A_573 : vector<16xi1>, vector<16xi32>
      %select_n3A_674 = arith.select %le3A_671, %select_n3A_577, %select_n3A_672 : vector<16xi1>, vector<16xf32>
      %select_n3A_675 = arith.select %le3A_671, %select_n3A_578, %select_n3A_673 : vector<16xi1>, vector<16xi32>
      %le3A_676 = arith.cmpf ole, %select_n3A_582, %select_n3A_659 : vector<16xf32>
      %select_n3A_677 = arith.select %le3A_671, %select_n3A_659, %select_n3A_577 : vector<16xi1>, vector<16xf32>
      %select_n3A_678 = arith.select %le3A_671, %broadcast_in_dim3A_649, %select_n3A_578 : vector<16xi1>, vector<16xi32>
      %select_n3A_679 = arith.select %le3A_676, %select_n3A_582, %select_n3A_677 : vector<16xi1>, vector<16xf32>
      %select_n3A_680 = arith.select %le3A_676, %select_n3A_583, %select_n3A_678 : vector<16xi1>, vector<16xi32>
      %le3A_681 = arith.cmpf ole, %select_n3A_587, %select_n3A_659 : vector<16xf32>
      %select_n3A_682 = arith.select %le3A_676, %select_n3A_659, %select_n3A_582 : vector<16xi1>, vector<16xf32>
      %select_n3A_683 = arith.select %le3A_676, %broadcast_in_dim3A_649, %select_n3A_583 : vector<16xi1>, vector<16xi32>
      %select_n3A_684 = arith.select %le3A_681, %select_n3A_587, %select_n3A_682 : vector<16xi1>, vector<16xf32>
      %select_n3A_685 = arith.select %le3A_681, %select_n3A_588, %select_n3A_683 : vector<16xi1>, vector<16xi32>
      %le3A_686 = arith.cmpf ole, %select_n3A_592, %select_n3A_659 : vector<16xf32>
      %select_n3A_687 = arith.select %le3A_681, %select_n3A_659, %select_n3A_587 : vector<16xi1>, vector<16xf32>
      %select_n3A_688 = arith.select %le3A_681, %broadcast_in_dim3A_649, %select_n3A_588 : vector<16xi1>, vector<16xi32>
      %select_n3A_689 = arith.select %le3A_686, %select_n3A_592, %select_n3A_687 : vector<16xi1>, vector<16xf32>
      %select_n3A_690 = arith.select %le3A_686, %select_n3A_593, %select_n3A_688 : vector<16xi1>, vector<16xi32>
      %le3A_691 = arith.cmpf ole, %select_n3A_597, %select_n3A_659 : vector<16xf32>
      %select_n3A_692 = arith.select %le3A_686, %select_n3A_659, %select_n3A_592 : vector<16xi1>, vector<16xf32>
      %select_n3A_693 = arith.select %le3A_686, %broadcast_in_dim3A_649, %select_n3A_593 : vector<16xi1>, vector<16xi32>
      %select_n3A_694 = arith.select %le3A_691, %select_n3A_597, %select_n3A_692 : vector<16xi1>, vector<16xf32>
      %select_n3A_695 = arith.select %le3A_691, %select_n3A_598, %select_n3A_693 : vector<16xi1>, vector<16xi32>
      %le3A_696 = arith.cmpf ole, %select_n3A_602, %select_n3A_659 : vector<16xf32>
      %select_n3A_697 = arith.select %le3A_691, %select_n3A_659, %select_n3A_597 : vector<16xi1>, vector<16xf32>
      %select_n3A_698 = arith.select %le3A_691, %broadcast_in_dim3A_649, %select_n3A_598 : vector<16xi1>, vector<16xi32>
      %select_n3A_699 = arith.select %le3A_696, %select_n3A_602, %select_n3A_697 : vector<16xi1>, vector<16xf32>
      %select_n3A_700 = arith.select %le3A_696, %select_n3A_603, %select_n3A_698 : vector<16xi1>, vector<16xi32>
      %le3A_701 = arith.cmpf ole, %select_n3A_607, %select_n3A_659 : vector<16xf32>
      %select_n3A_702 = arith.select %le3A_696, %select_n3A_659, %select_n3A_602 : vector<16xi1>, vector<16xf32>
      %select_n3A_703 = arith.select %le3A_696, %broadcast_in_dim3A_649, %select_n3A_603 : vector<16xi1>, vector<16xi32>
      %select_n3A_704 = arith.select %le3A_701, %select_n3A_607, %select_n3A_702 : vector<16xi1>, vector<16xf32>
      %select_n3A_705 = arith.select %le3A_701, %select_n3A_608, %select_n3A_703 : vector<16xi1>, vector<16xi32>
      %le3A_706 = arith.cmpf ole, %select_n3A_610, %select_n3A_667 : vector<16xf32>
      %select_n3A_707 = arith.select %le3A_706, %select_n3A_610, %select_n3A_667 : vector<16xi1>, vector<16xf32>
      %select_n3A_708 = arith.select %le3A_706, %select_n3A_611, %broadcast_in_dim3A_649 : vector<16xi1>, vector<16xi32>
      %le3A_709 = arith.cmpf ole, %select_n3A_615, %select_n3A_667 : vector<16xf32>
      %select_n3A_710 = arith.select %le3A_706, %select_n3A_667, %select_n3A_610 : vector<16xi1>, vector<16xf32>
      %select_n3A_711 = arith.select %le3A_706, %broadcast_in_dim3A_649, %select_n3A_611 : vector<16xi1>, vector<16xi32>
      %select_n3A_712 = arith.select %le3A_709, %select_n3A_615, %select_n3A_710 : vector<16xi1>, vector<16xf32>
      %select_n3A_713 = arith.select %le3A_709, %select_n3A_616, %select_n3A_711 : vector<16xi1>, vector<16xi32>
      %le3A_714 = arith.cmpf ole, %select_n3A_620, %select_n3A_667 : vector<16xf32>
      %select_n3A_715 = arith.select %le3A_709, %select_n3A_667, %select_n3A_615 : vector<16xi1>, vector<16xf32>
      %select_n3A_716 = arith.select %le3A_709, %broadcast_in_dim3A_649, %select_n3A_616 : vector<16xi1>, vector<16xi32>
      %select_n3A_717 = arith.select %le3A_714, %select_n3A_620, %select_n3A_715 : vector<16xi1>, vector<16xf32>
      %select_n3A_718 = arith.select %le3A_714, %select_n3A_621, %select_n3A_716 : vector<16xi1>, vector<16xi32>
      %le3A_719 = arith.cmpf ole, %select_n3A_625, %select_n3A_667 : vector<16xf32>
      %select_n3A_720 = arith.select %le3A_714, %select_n3A_667, %select_n3A_620 : vector<16xi1>, vector<16xf32>
      %select_n3A_721 = arith.select %le3A_714, %broadcast_in_dim3A_649, %select_n3A_621 : vector<16xi1>, vector<16xi32>
      %select_n3A_722 = arith.select %le3A_719, %select_n3A_625, %select_n3A_720 : vector<16xi1>, vector<16xf32>
      %select_n3A_723 = arith.select %le3A_719, %select_n3A_626, %select_n3A_721 : vector<16xi1>, vector<16xi32>
      %le3A_724 = arith.cmpf ole, %select_n3A_630, %select_n3A_667 : vector<16xf32>
      %select_n3A_725 = arith.select %le3A_719, %select_n3A_667, %select_n3A_625 : vector<16xi1>, vector<16xf32>
      %select_n3A_726 = arith.select %le3A_719, %broadcast_in_dim3A_649, %select_n3A_626 : vector<16xi1>, vector<16xi32>
      %select_n3A_727 = arith.select %le3A_724, %select_n3A_630, %select_n3A_725 : vector<16xi1>, vector<16xf32>
      %select_n3A_728 = arith.select %le3A_724, %select_n3A_631, %select_n3A_726 : vector<16xi1>, vector<16xi32>
      %le3A_729 = arith.cmpf ole, %select_n3A_635, %select_n3A_667 : vector<16xf32>
      %select_n3A_730 = arith.select %le3A_724, %select_n3A_667, %select_n3A_630 : vector<16xi1>, vector<16xf32>
      %select_n3A_731 = arith.select %le3A_724, %broadcast_in_dim3A_649, %select_n3A_631 : vector<16xi1>, vector<16xi32>
      %select_n3A_732 = arith.select %le3A_729, %select_n3A_635, %select_n3A_730 : vector<16xi1>, vector<16xf32>
      %select_n3A_733 = arith.select %le3A_729, %select_n3A_636, %select_n3A_731 : vector<16xi1>, vector<16xi32>
      %le3A_734 = arith.cmpf ole, %select_n3A_640, %select_n3A_667 : vector<16xf32>
      %select_n3A_735 = arith.select %le3A_729, %select_n3A_667, %select_n3A_635 : vector<16xi1>, vector<16xf32>
      %select_n3A_736 = arith.select %le3A_729, %broadcast_in_dim3A_649, %select_n3A_636 : vector<16xi1>, vector<16xi32>
      %select_n3A_737 = arith.select %le3A_734, %select_n3A_640, %select_n3A_735 : vector<16xi1>, vector<16xf32>
      %select_n3A_738 = arith.select %le3A_734, %select_n3A_641, %select_n3A_736 : vector<16xi1>, vector<16xi32>
      %le3A_739 = arith.cmpf ole, %select_n3A_645, %select_n3A_667 : vector<16xf32>
      %select_n3A_740 = arith.select %le3A_734, %select_n3A_667, %select_n3A_640 : vector<16xi1>, vector<16xf32>
      %select_n3A_741 = arith.select %le3A_734, %broadcast_in_dim3A_649, %select_n3A_641 : vector<16xi1>, vector<16xi32>
      %select_n3A_742 = arith.select %le3A_739, %select_n3A_645, %select_n3A_740 : vector<16xi1>, vector<16xf32>
      %select_n3A_743 = arith.select %le3A_739, %select_n3A_646, %select_n3A_741 : vector<16xi1>, vector<16xi32>
      %add3A_744 = arith.constant 4 : i32
      %add3A_745 = arith.addi %mul3A_358, %add3A_744 : i32
      %broadcast_in_dim3A_746 = vector.broadcast %add3A_745 : i32 to vector<16xi32>
      %gather3A_747 = tpu.vector_load_idx %arg7[%broadcast_in_dim3A_746] : memref<2048xf32, #tpu.memory_space<vmem>>[vector<16xi32>], vector<16xf32>,
      %gather3A_748 = tpu.vector_load_idx %arg8[%broadcast_in_dim3A_746] : memref<2048xf32, #tpu.memory_space<vmem>>[vector<16xi32>], vector<16xf32>,
      %sub3A_749 = arith.subf %gather3A_747, %gather3A : vector<16xf32>
      %sub3A_750 = arith.subf %gather3A_748, %gather3A_15 : vector<16xf32>
      %eq3A_751 = arith.cmpi eq, %add3A_8, %broadcast_in_dim3A_746 : vector<16xi32>
      %mul3A_752 = arith.mulf %sub3A_749, %sub3A_749 : vector<16xf32>
      %mul3A_753 = arith.mulf %sub3A_750, %sub3A_750 : vector<16xf32>
      %add3A_754 = arith.addf %mul3A_752, %mul3A_753 : vector<16xf32>
      %broadcast_in_dim3A_755 = vector.broadcast %scan3A : f32 to vector<16xf32>
      %select_n3A_756 = arith.select %eq3A_751, %broadcast_in_dim3A_755, %add3A_754 : vector<16xi1>, vector<16xf32>
      %sub3A_757 = arith.subf %gather3A_747, %gather3A_18 : vector<16xf32>
      %sub3A_758 = arith.subf %gather3A_748, %gather3A_19 : vector<16xf32>
      %eq3A_759 = arith.cmpi eq, %add3A_14, %broadcast_in_dim3A_746 : vector<16xi32>
      %mul3A_760 = arith.mulf %sub3A_757, %sub3A_757 : vector<16xf32>
      %mul3A_761 = arith.mulf %sub3A_758, %sub3A_758 : vector<16xf32>
      %add3A_762 = arith.addf %mul3A_760, %mul3A_761 : vector<16xf32>
      %broadcast_in_dim3A_763 = vector.broadcast %scan3A : f32 to vector<16xf32>
      %select_n3A_764 = arith.select %eq3A_759, %broadcast_in_dim3A_763, %add3A_762 : vector<16xi1>, vector<16xf32>
      %le3A_765 = arith.cmpf ole, %select_n3A_669, %select_n3A_756 : vector<16xf32>
      %select_n3A_766 = arith.select %le3A_765, %select_n3A_669, %select_n3A_756 : vector<16xi1>, vector<16xf32>
      %select_n3A_767 = arith.select %le3A_765, %select_n3A_670, %broadcast_in_dim3A_746 : vector<16xi1>, vector<16xi32>
      %le3A_768 = arith.cmpf ole, %select_n3A_674, %select_n3A_756 : vector<16xf32>
      %select_n3A_769 = arith.select %le3A_765, %select_n3A_756, %select_n3A_669 : vector<16xi1>, vector<16xf32>
      %select_n3A_770 = arith.select %le3A_765, %broadcast_in_dim3A_746, %select_n3A_670 : vector<16xi1>, vector<16xi32>
      %select_n3A_771 = arith.select %le3A_768, %select_n3A_674, %select_n3A_769 : vector<16xi1>, vector<16xf32>
      %select_n3A_772 = arith.select %le3A_768, %select_n3A_675, %select_n3A_770 : vector<16xi1>, vector<16xi32>
      %le3A_773 = arith.cmpf ole, %select_n3A_679, %select_n3A_756 : vector<16xf32>
      %select_n3A_774 = arith.select %le3A_768, %select_n3A_756, %select_n3A_674 : vector<16xi1>, vector<16xf32>
      %select_n3A_775 = arith.select %le3A_768, %broadcast_in_dim3A_746, %select_n3A_675 : vector<16xi1>, vector<16xi32>
      %select_n3A_776 = arith.select %le3A_773, %select_n3A_679, %select_n3A_774 : vector<16xi1>, vector<16xf32>
      %select_n3A_777 = arith.select %le3A_773, %select_n3A_680, %select_n3A_775 : vector<16xi1>, vector<16xi32>
      %le3A_778 = arith.cmpf ole, %select_n3A_684, %select_n3A_756 : vector<16xf32>
      %select_n3A_779 = arith.select %le3A_773, %select_n3A_756, %select_n3A_679 : vector<16xi1>, vector<16xf32>
      %select_n3A_780 = arith.select %le3A_773, %broadcast_in_dim3A_746, %select_n3A_680 : vector<16xi1>, vector<16xi32>
      %select_n3A_781 = arith.select %le3A_778, %select_n3A_684, %select_n3A_779 : vector<16xi1>, vector<16xf32>
      %select_n3A_782 = arith.select %le3A_778, %select_n3A_685, %select_n3A_780 : vector<16xi1>, vector<16xi32>
      %le3A_783 = arith.cmpf ole, %select_n3A_689, %select_n3A_756 : vector<16xf32>
      %select_n3A_784 = arith.select %le3A_778, %select_n3A_756, %select_n3A_684 : vector<16xi1>, vector<16xf32>
      %select_n3A_785 = arith.select %le3A_778, %broadcast_in_dim3A_746, %select_n3A_685 : vector<16xi1>, vector<16xi32>
      %select_n3A_786 = arith.select %le3A_783, %select_n3A_689, %select_n3A_784 : vector<16xi1>, vector<16xf32>
      %select_n3A_787 = arith.select %le3A_783, %select_n3A_690, %select_n3A_785 : vector<16xi1>, vector<16xi32>
      %le3A_788 = arith.cmpf ole, %select_n3A_694, %select_n3A_756 : vector<16xf32>
      %select_n3A_789 = arith.select %le3A_783, %select_n3A_756, %select_n3A_689 : vector<16xi1>, vector<16xf32>
      %select_n3A_790 = arith.select %le3A_783, %broadcast_in_dim3A_746, %select_n3A_690 : vector<16xi1>, vector<16xi32>
      %select_n3A_791 = arith.select %le3A_788, %select_n3A_694, %select_n3A_789 : vector<16xi1>, vector<16xf32>
      %select_n3A_792 = arith.select %le3A_788, %select_n3A_695, %select_n3A_790 : vector<16xi1>, vector<16xi32>
      %le3A_793 = arith.cmpf ole, %select_n3A_699, %select_n3A_756 : vector<16xf32>
      %select_n3A_794 = arith.select %le3A_788, %select_n3A_756, %select_n3A_694 : vector<16xi1>, vector<16xf32>
      %select_n3A_795 = arith.select %le3A_788, %broadcast_in_dim3A_746, %select_n3A_695 : vector<16xi1>, vector<16xi32>
      %select_n3A_796 = arith.select %le3A_793, %select_n3A_699, %select_n3A_794 : vector<16xi1>, vector<16xf32>
      %select_n3A_797 = arith.select %le3A_793, %select_n3A_700, %select_n3A_795 : vector<16xi1>, vector<16xi32>
      %le3A_798 = arith.cmpf ole, %select_n3A_704, %select_n3A_756 : vector<16xf32>
      %select_n3A_799 = arith.select %le3A_793, %select_n3A_756, %select_n3A_699 : vector<16xi1>, vector<16xf32>
      %select_n3A_800 = arith.select %le3A_793, %broadcast_in_dim3A_746, %select_n3A_700 : vector<16xi1>, vector<16xi32>
      %select_n3A_801 = arith.select %le3A_798, %select_n3A_704, %select_n3A_799 : vector<16xi1>, vector<16xf32>
      %select_n3A_802 = arith.select %le3A_798, %select_n3A_705, %select_n3A_800 : vector<16xi1>, vector<16xi32>
      %le3A_803 = arith.cmpf ole, %select_n3A_707, %select_n3A_764 : vector<16xf32>
      %select_n3A_804 = arith.select %le3A_803, %select_n3A_707, %select_n3A_764 : vector<16xi1>, vector<16xf32>
      %select_n3A_805 = arith.select %le3A_803, %select_n3A_708, %broadcast_in_dim3A_746 : vector<16xi1>, vector<16xi32>
      %le3A_806 = arith.cmpf ole, %select_n3A_712, %select_n3A_764 : vector<16xf32>
      %select_n3A_807 = arith.select %le3A_803, %select_n3A_764, %select_n3A_707 : vector<16xi1>, vector<16xf32>
      %select_n3A_808 = arith.select %le3A_803, %broadcast_in_dim3A_746, %select_n3A_708 : vector<16xi1>, vector<16xi32>
      %select_n3A_809 = arith.select %le3A_806, %select_n3A_712, %select_n3A_807 : vector<16xi1>, vector<16xf32>
      %select_n3A_810 = arith.select %le3A_806, %select_n3A_713, %select_n3A_808 : vector<16xi1>, vector<16xi32>
      %le3A_811 = arith.cmpf ole, %select_n3A_717, %select_n3A_764 : vector<16xf32>
      %select_n3A_812 = arith.select %le3A_806, %select_n3A_764, %select_n3A_712 : vector<16xi1>, vector<16xf32>
      %select_n3A_813 = arith.select %le3A_806, %broadcast_in_dim3A_746, %select_n3A_713 : vector<16xi1>, vector<16xi32>
      %select_n3A_814 = arith.select %le3A_811, %select_n3A_717, %select_n3A_812 : vector<16xi1>, vector<16xf32>
      %select_n3A_815 = arith.select %le3A_811, %select_n3A_718, %select_n3A_813 : vector<16xi1>, vector<16xi32>
      %le3A_816 = arith.cmpf ole, %select_n3A_722, %select_n3A_764 : vector<16xf32>
      %select_n3A_817 = arith.select %le3A_811, %select_n3A_764, %select_n3A_717 : vector<16xi1>, vector<16xf32>
      %select_n3A_818 = arith.select %le3A_811, %broadcast_in_dim3A_746, %select_n3A_718 : vector<16xi1>, vector<16xi32>
      %select_n3A_819 = arith.select %le3A_816, %select_n3A_722, %select_n3A_817 : vector<16xi1>, vector<16xf32>
      %select_n3A_820 = arith.select %le3A_816, %select_n3A_723, %select_n3A_818 : vector<16xi1>, vector<16xi32>
      %le3A_821 = arith.cmpf ole, %select_n3A_727, %select_n3A_764 : vector<16xf32>
      %select_n3A_822 = arith.select %le3A_816, %select_n3A_764, %select_n3A_722 : vector<16xi1>, vector<16xf32>
      %select_n3A_823 = arith.select %le3A_816, %broadcast_in_dim3A_746, %select_n3A_723 : vector<16xi1>, vector<16xi32>
      %select_n3A_824 = arith.select %le3A_821, %select_n3A_727, %select_n3A_822 : vector<16xi1>, vector<16xf32>
      %select_n3A_825 = arith.select %le3A_821, %select_n3A_728, %select_n3A_823 : vector<16xi1>, vector<16xi32>
      %le3A_826 = arith.cmpf ole, %select_n3A_732, %select_n3A_764 : vector<16xf32>
      %select_n3A_827 = arith.select %le3A_821, %select_n3A_764, %select_n3A_727 : vector<16xi1>, vector<16xf32>
      %select_n3A_828 = arith.select %le3A_821, %broadcast_in_dim3A_746, %select_n3A_728 : vector<16xi1>, vector<16xi32>
      %select_n3A_829 = arith.select %le3A_826, %select_n3A_732, %select_n3A_827 : vector<16xi1>, vector<16xf32>
      %select_n3A_830 = arith.select %le3A_826, %select_n3A_733, %select_n3A_828 : vector<16xi1>, vector<16xi32>
      %le3A_831 = arith.cmpf ole, %select_n3A_737, %select_n3A_764 : vector<16xf32>
      %select_n3A_832 = arith.select %le3A_826, %select_n3A_764, %select_n3A_732 : vector<16xi1>, vector<16xf32>
      %select_n3A_833 = arith.select %le3A_826, %broadcast_in_dim3A_746, %select_n3A_733 : vector<16xi1>, vector<16xi32>
      %select_n3A_834 = arith.select %le3A_831, %select_n3A_737, %select_n3A_832 : vector<16xi1>, vector<16xf32>
      %select_n3A_835 = arith.select %le3A_831, %select_n3A_738, %select_n3A_833 : vector<16xi1>, vector<16xi32>
      %le3A_836 = arith.cmpf ole, %select_n3A_742, %select_n3A_764 : vector<16xf32>
      %select_n3A_837 = arith.select %le3A_831, %select_n3A_764, %select_n3A_737 : vector<16xi1>, vector<16xf32>
      %select_n3A_838 = arith.select %le3A_831, %broadcast_in_dim3A_746, %select_n3A_738 : vector<16xi1>, vector<16xi32>
      %select_n3A_839 = arith.select %le3A_836, %select_n3A_742, %select_n3A_837 : vector<16xi1>, vector<16xf32>
      %select_n3A_840 = arith.select %le3A_836, %select_n3A_743, %select_n3A_838 : vector<16xi1>, vector<16xi32>
      %add3A_841 = arith.constant 5 : i32
      %add3A_842 = arith.addi %mul3A_358, %add3A_841 : i32
      %broadcast_in_dim3A_843 = vector.broadcast %add3A_842 : i32 to vector<16xi32>
      %gather3A_844 = tpu.vector_load_idx %arg7[%broadcast_in_dim3A_843] : memref<2048xf32, #tpu.memory_space<vmem>>[vector<16xi32>], vector<16xf32>,
      %gather3A_845 = tpu.vector_load_idx %arg8[%broadcast_in_dim3A_843] : memref<2048xf32, #tpu.memory_space<vmem>>[vector<16xi32>], vector<16xf32>,
      %sub3A_846 = arith.subf %gather3A_844, %gather3A : vector<16xf32>
      %sub3A_847 = arith.subf %gather3A_845, %gather3A_15 : vector<16xf32>
      %eq3A_848 = arith.cmpi eq, %add3A_8, %broadcast_in_dim3A_843 : vector<16xi32>
      %mul3A_849 = arith.mulf %sub3A_846, %sub3A_846 : vector<16xf32>
      %mul3A_850 = arith.mulf %sub3A_847, %sub3A_847 : vector<16xf32>
      %add3A_851 = arith.addf %mul3A_849, %mul3A_850 : vector<16xf32>
      %broadcast_in_dim3A_852 = vector.broadcast %scan3A : f32 to vector<16xf32>
      %select_n3A_853 = arith.select %eq3A_848, %broadcast_in_dim3A_852, %add3A_851 : vector<16xi1>, vector<16xf32>
      %sub3A_854 = arith.subf %gather3A_844, %gather3A_18 : vector<16xf32>
      %sub3A_855 = arith.subf %gather3A_845, %gather3A_19 : vector<16xf32>
      %eq3A_856 = arith.cmpi eq, %add3A_14, %broadcast_in_dim3A_843 : vector<16xi32>
      %mul3A_857 = arith.mulf %sub3A_854, %sub3A_854 : vector<16xf32>
      %mul3A_858 = arith.mulf %sub3A_855, %sub3A_855 : vector<16xf32>
      %add3A_859 = arith.addf %mul3A_857, %mul3A_858 : vector<16xf32>
      %broadcast_in_dim3A_860 = vector.broadcast %scan3A : f32 to vector<16xf32>
      %select_n3A_861 = arith.select %eq3A_856, %broadcast_in_dim3A_860, %add3A_859 : vector<16xi1>, vector<16xf32>
      %le3A_862 = arith.cmpf ole, %select_n3A_766, %select_n3A_853 : vector<16xf32>
      %select_n3A_863 = arith.select %le3A_862, %select_n3A_766, %select_n3A_853 : vector<16xi1>, vector<16xf32>
      %select_n3A_864 = arith.select %le3A_862, %select_n3A_767, %broadcast_in_dim3A_843 : vector<16xi1>, vector<16xi32>
      %le3A_865 = arith.cmpf ole, %select_n3A_771, %select_n3A_853 : vector<16xf32>
      %select_n3A_866 = arith.select %le3A_862, %select_n3A_853, %select_n3A_766 : vector<16xi1>, vector<16xf32>
      %select_n3A_867 = arith.select %le3A_862, %broadcast_in_dim3A_843, %select_n3A_767 : vector<16xi1>, vector<16xi32>
      %select_n3A_868 = arith.select %le3A_865, %select_n3A_771, %select_n3A_866 : vector<16xi1>, vector<16xf32>
      %select_n3A_869 = arith.select %le3A_865, %select_n3A_772, %select_n3A_867 : vector<16xi1>, vector<16xi32>
      %le3A_870 = arith.cmpf ole, %select_n3A_776, %select_n3A_853 : vector<16xf32>
      %select_n3A_871 = arith.select %le3A_865, %select_n3A_853, %select_n3A_771 : vector<16xi1>, vector<16xf32>
      %select_n3A_872 = arith.select %le3A_865, %broadcast_in_dim3A_843, %select_n3A_772 : vector<16xi1>, vector<16xi32>
      %select_n3A_873 = arith.select %le3A_870, %select_n3A_776, %select_n3A_871 : vector<16xi1>, vector<16xf32>
      %select_n3A_874 = arith.select %le3A_870, %select_n3A_777, %select_n3A_872 : vector<16xi1>, vector<16xi32>
      %le3A_875 = arith.cmpf ole, %select_n3A_781, %select_n3A_853 : vector<16xf32>
      %select_n3A_876 = arith.select %le3A_870, %select_n3A_853, %select_n3A_776 : vector<16xi1>, vector<16xf32>
      %select_n3A_877 = arith.select %le3A_870, %broadcast_in_dim3A_843, %select_n3A_777 : vector<16xi1>, vector<16xi32>
      %select_n3A_878 = arith.select %le3A_875, %select_n3A_781, %select_n3A_876 : vector<16xi1>, vector<16xf32>
      %select_n3A_879 = arith.select %le3A_875, %select_n3A_782, %select_n3A_877 : vector<16xi1>, vector<16xi32>
      %le3A_880 = arith.cmpf ole, %select_n3A_786, %select_n3A_853 : vector<16xf32>
      %select_n3A_881 = arith.select %le3A_875, %select_n3A_853, %select_n3A_781 : vector<16xi1>, vector<16xf32>
      %select_n3A_882 = arith.select %le3A_875, %broadcast_in_dim3A_843, %select_n3A_782 : vector<16xi1>, vector<16xi32>
      %select_n3A_883 = arith.select %le3A_880, %select_n3A_786, %select_n3A_881 : vector<16xi1>, vector<16xf32>
      %select_n3A_884 = arith.select %le3A_880, %select_n3A_787, %select_n3A_882 : vector<16xi1>, vector<16xi32>
      %le3A_885 = arith.cmpf ole, %select_n3A_791, %select_n3A_853 : vector<16xf32>
      %select_n3A_886 = arith.select %le3A_880, %select_n3A_853, %select_n3A_786 : vector<16xi1>, vector<16xf32>
      %select_n3A_887 = arith.select %le3A_880, %broadcast_in_dim3A_843, %select_n3A_787 : vector<16xi1>, vector<16xi32>
      %select_n3A_888 = arith.select %le3A_885, %select_n3A_791, %select_n3A_886 : vector<16xi1>, vector<16xf32>
      %select_n3A_889 = arith.select %le3A_885, %select_n3A_792, %select_n3A_887 : vector<16xi1>, vector<16xi32>
      %le3A_890 = arith.cmpf ole, %select_n3A_796, %select_n3A_853 : vector<16xf32>
      %select_n3A_891 = arith.select %le3A_885, %select_n3A_853, %select_n3A_791 : vector<16xi1>, vector<16xf32>
      %select_n3A_892 = arith.select %le3A_885, %broadcast_in_dim3A_843, %select_n3A_792 : vector<16xi1>, vector<16xi32>
      %select_n3A_893 = arith.select %le3A_890, %select_n3A_796, %select_n3A_891 : vector<16xi1>, vector<16xf32>
      %select_n3A_894 = arith.select %le3A_890, %select_n3A_797, %select_n3A_892 : vector<16xi1>, vector<16xi32>
      %le3A_895 = arith.cmpf ole, %select_n3A_801, %select_n3A_853 : vector<16xf32>
      %select_n3A_896 = arith.select %le3A_890, %select_n3A_853, %select_n3A_796 : vector<16xi1>, vector<16xf32>
      %select_n3A_897 = arith.select %le3A_890, %broadcast_in_dim3A_843, %select_n3A_797 : vector<16xi1>, vector<16xi32>
      %select_n3A_898 = arith.select %le3A_895, %select_n3A_801, %select_n3A_896 : vector<16xi1>, vector<16xf32>
      %select_n3A_899 = arith.select %le3A_895, %select_n3A_802, %select_n3A_897 : vector<16xi1>, vector<16xi32>
      %le3A_900 = arith.cmpf ole, %select_n3A_804, %select_n3A_861 : vector<16xf32>
      %select_n3A_901 = arith.select %le3A_900, %select_n3A_804, %select_n3A_861 : vector<16xi1>, vector<16xf32>
      %select_n3A_902 = arith.select %le3A_900, %select_n3A_805, %broadcast_in_dim3A_843 : vector<16xi1>, vector<16xi32>
      %le3A_903 = arith.cmpf ole, %select_n3A_809, %select_n3A_861 : vector<16xf32>
      %select_n3A_904 = arith.select %le3A_900, %select_n3A_861, %select_n3A_804 : vector<16xi1>, vector<16xf32>
      %select_n3A_905 = arith.select %le3A_900, %broadcast_in_dim3A_843, %select_n3A_805 : vector<16xi1>, vector<16xi32>
      %select_n3A_906 = arith.select %le3A_903, %select_n3A_809, %select_n3A_904 : vector<16xi1>, vector<16xf32>
      %select_n3A_907 = arith.select %le3A_903, %select_n3A_810, %select_n3A_905 : vector<16xi1>, vector<16xi32>
      %le3A_908 = arith.cmpf ole, %select_n3A_814, %select_n3A_861 : vector<16xf32>
      %select_n3A_909 = arith.select %le3A_903, %select_n3A_861, %select_n3A_809 : vector<16xi1>, vector<16xf32>
      %select_n3A_910 = arith.select %le3A_903, %broadcast_in_dim3A_843, %select_n3A_810 : vector<16xi1>, vector<16xi32>
      %select_n3A_911 = arith.select %le3A_908, %select_n3A_814, %select_n3A_909 : vector<16xi1>, vector<16xf32>
      %select_n3A_912 = arith.select %le3A_908, %select_n3A_815, %select_n3A_910 : vector<16xi1>, vector<16xi32>
      %le3A_913 = arith.cmpf ole, %select_n3A_819, %select_n3A_861 : vector<16xf32>
      %select_n3A_914 = arith.select %le3A_908, %select_n3A_861, %select_n3A_814 : vector<16xi1>, vector<16xf32>
      %select_n3A_915 = arith.select %le3A_908, %broadcast_in_dim3A_843, %select_n3A_815 : vector<16xi1>, vector<16xi32>
      %select_n3A_916 = arith.select %le3A_913, %select_n3A_819, %select_n3A_914 : vector<16xi1>, vector<16xf32>
      %select_n3A_917 = arith.select %le3A_913, %select_n3A_820, %select_n3A_915 : vector<16xi1>, vector<16xi32>
      %le3A_918 = arith.cmpf ole, %select_n3A_824, %select_n3A_861 : vector<16xf32>
      %select_n3A_919 = arith.select %le3A_913, %select_n3A_861, %select_n3A_819 : vector<16xi1>, vector<16xf32>
      %select_n3A_920 = arith.select %le3A_913, %broadcast_in_dim3A_843, %select_n3A_820 : vector<16xi1>, vector<16xi32>
      %select_n3A_921 = arith.select %le3A_918, %select_n3A_824, %select_n3A_919 : vector<16xi1>, vector<16xf32>
      %select_n3A_922 = arith.select %le3A_918, %select_n3A_825, %select_n3A_920 : vector<16xi1>, vector<16xi32>
      %le3A_923 = arith.cmpf ole, %select_n3A_829, %select_n3A_861 : vector<16xf32>
      %select_n3A_924 = arith.select %le3A_918, %select_n3A_861, %select_n3A_824 : vector<16xi1>, vector<16xf32>
      %select_n3A_925 = arith.select %le3A_918, %broadcast_in_dim3A_843, %select_n3A_825 : vector<16xi1>, vector<16xi32>
      %select_n3A_926 = arith.select %le3A_923, %select_n3A_829, %select_n3A_924 : vector<16xi1>, vector<16xf32>
      %select_n3A_927 = arith.select %le3A_923, %select_n3A_830, %select_n3A_925 : vector<16xi1>, vector<16xi32>
      %le3A_928 = arith.cmpf ole, %select_n3A_834, %select_n3A_861 : vector<16xf32>
      %select_n3A_929 = arith.select %le3A_923, %select_n3A_861, %select_n3A_829 : vector<16xi1>, vector<16xf32>
      %select_n3A_930 = arith.select %le3A_923, %broadcast_in_dim3A_843, %select_n3A_830 : vector<16xi1>, vector<16xi32>
      %select_n3A_931 = arith.select %le3A_928, %select_n3A_834, %select_n3A_929 : vector<16xi1>, vector<16xf32>
      %select_n3A_932 = arith.select %le3A_928, %select_n3A_835, %select_n3A_930 : vector<16xi1>, vector<16xi32>
      %le3A_933 = arith.cmpf ole, %select_n3A_839, %select_n3A_861 : vector<16xf32>
      %select_n3A_934 = arith.select %le3A_928, %select_n3A_861, %select_n3A_834 : vector<16xi1>, vector<16xf32>
      %select_n3A_935 = arith.select %le3A_928, %broadcast_in_dim3A_843, %select_n3A_835 : vector<16xi1>, vector<16xi32>
      %select_n3A_936 = arith.select %le3A_933, %select_n3A_839, %select_n3A_934 : vector<16xi1>, vector<16xf32>
      %select_n3A_937 = arith.select %le3A_933, %select_n3A_840, %select_n3A_935 : vector<16xi1>, vector<16xi32>
      %add3A_938 = arith.constant 6 : i32
      %add3A_939 = arith.addi %mul3A_358, %add3A_938 : i32
      %broadcast_in_dim3A_940 = vector.broadcast %add3A_939 : i32 to vector<16xi32>
      %gather3A_941 = tpu.vector_load_idx %arg7[%broadcast_in_dim3A_940] : memref<2048xf32, #tpu.memory_space<vmem>>[vector<16xi32>], vector<16xf32>,
      %gather3A_942 = tpu.vector_load_idx %arg8[%broadcast_in_dim3A_940] : memref<2048xf32, #tpu.memory_space<vmem>>[vector<16xi32>], vector<16xf32>,
      %sub3A_943 = arith.subf %gather3A_941, %gather3A : vector<16xf32>
      %sub3A_944 = arith.subf %gather3A_942, %gather3A_15 : vector<16xf32>
      %eq3A_945 = arith.cmpi eq, %add3A_8, %broadcast_in_dim3A_940 : vector<16xi32>
      %mul3A_946 = arith.mulf %sub3A_943, %sub3A_943 : vector<16xf32>
      %mul3A_947 = arith.mulf %sub3A_944, %sub3A_944 : vector<16xf32>
      %add3A_948 = arith.addf %mul3A_946, %mul3A_947 : vector<16xf32>
      %broadcast_in_dim3A_949 = vector.broadcast %scan3A : f32 to vector<16xf32>
      %select_n3A_950 = arith.select %eq3A_945, %broadcast_in_dim3A_949, %add3A_948 : vector<16xi1>, vector<16xf32>
      %sub3A_951 = arith.subf %gather3A_941, %gather3A_18 : vector<16xf32>
      %sub3A_952 = arith.subf %gather3A_942, %gather3A_19 : vector<16xf32>
      %eq3A_953 = arith.cmpi eq, %add3A_14, %broadcast_in_dim3A_940 : vector<16xi32>
      %mul3A_954 = arith.mulf %sub3A_951, %sub3A_951 : vector<16xf32>
      %mul3A_955 = arith.mulf %sub3A_952, %sub3A_952 : vector<16xf32>
      %add3A_956 = arith.addf %mul3A_954, %mul3A_955 : vector<16xf32>
      %broadcast_in_dim3A_957 = vector.broadcast %scan3A : f32 to vector<16xf32>
      %select_n3A_958 = arith.select %eq3A_953, %broadcast_in_dim3A_957, %add3A_956 : vector<16xi1>, vector<16xf32>
      %le3A_959 = arith.cmpf ole, %select_n3A_863, %select_n3A_950 : vector<16xf32>
      %select_n3A_960 = arith.select %le3A_959, %select_n3A_863, %select_n3A_950 : vector<16xi1>, vector<16xf32>
      %select_n3A_961 = arith.select %le3A_959, %select_n3A_864, %broadcast_in_dim3A_940 : vector<16xi1>, vector<16xi32>
      %le3A_962 = arith.cmpf ole, %select_n3A_868, %select_n3A_950 : vector<16xf32>
      %select_n3A_963 = arith.select %le3A_959, %select_n3A_950, %select_n3A_863 : vector<16xi1>, vector<16xf32>
      %select_n3A_964 = arith.select %le3A_959, %broadcast_in_dim3A_940, %select_n3A_864 : vector<16xi1>, vector<16xi32>
      %select_n3A_965 = arith.select %le3A_962, %select_n3A_868, %select_n3A_963 : vector<16xi1>, vector<16xf32>
      %select_n3A_966 = arith.select %le3A_962, %select_n3A_869, %select_n3A_964 : vector<16xi1>, vector<16xi32>
      %le3A_967 = arith.cmpf ole, %select_n3A_873, %select_n3A_950 : vector<16xf32>
      %select_n3A_968 = arith.select %le3A_962, %select_n3A_950, %select_n3A_868 : vector<16xi1>, vector<16xf32>
      %select_n3A_969 = arith.select %le3A_962, %broadcast_in_dim3A_940, %select_n3A_869 : vector<16xi1>, vector<16xi32>
      %select_n3A_970 = arith.select %le3A_967, %select_n3A_873, %select_n3A_968 : vector<16xi1>, vector<16xf32>
      %select_n3A_971 = arith.select %le3A_967, %select_n3A_874, %select_n3A_969 : vector<16xi1>, vector<16xi32>
      %le3A_972 = arith.cmpf ole, %select_n3A_878, %select_n3A_950 : vector<16xf32>
      %select_n3A_973 = arith.select %le3A_967, %select_n3A_950, %select_n3A_873 : vector<16xi1>, vector<16xf32>
      %select_n3A_974 = arith.select %le3A_967, %broadcast_in_dim3A_940, %select_n3A_874 : vector<16xi1>, vector<16xi32>
      %select_n3A_975 = arith.select %le3A_972, %select_n3A_878, %select_n3A_973 : vector<16xi1>, vector<16xf32>
      %select_n3A_976 = arith.select %le3A_972, %select_n3A_879, %select_n3A_974 : vector<16xi1>, vector<16xi32>
      %le3A_977 = arith.cmpf ole, %select_n3A_883, %select_n3A_950 : vector<16xf32>
      %select_n3A_978 = arith.select %le3A_972, %select_n3A_950, %select_n3A_878 : vector<16xi1>, vector<16xf32>
      %select_n3A_979 = arith.select %le3A_972, %broadcast_in_dim3A_940, %select_n3A_879 : vector<16xi1>, vector<16xi32>
      %select_n3A_980 = arith.select %le3A_977, %select_n3A_883, %select_n3A_978 : vector<16xi1>, vector<16xf32>
      %select_n3A_981 = arith.select %le3A_977, %select_n3A_884, %select_n3A_979 : vector<16xi1>, vector<16xi32>
      %le3A_982 = arith.cmpf ole, %select_n3A_888, %select_n3A_950 : vector<16xf32>
      %select_n3A_983 = arith.select %le3A_977, %select_n3A_950, %select_n3A_883 : vector<16xi1>, vector<16xf32>
      %select_n3A_984 = arith.select %le3A_977, %broadcast_in_dim3A_940, %select_n3A_884 : vector<16xi1>, vector<16xi32>
      %select_n3A_985 = arith.select %le3A_982, %select_n3A_888, %select_n3A_983 : vector<16xi1>, vector<16xf32>
      %select_n3A_986 = arith.select %le3A_982, %select_n3A_889, %select_n3A_984 : vector<16xi1>, vector<16xi32>
      %le3A_987 = arith.cmpf ole, %select_n3A_893, %select_n3A_950 : vector<16xf32>
      %select_n3A_988 = arith.select %le3A_982, %select_n3A_950, %select_n3A_888 : vector<16xi1>, vector<16xf32>
      %select_n3A_989 = arith.select %le3A_982, %broadcast_in_dim3A_940, %select_n3A_889 : vector<16xi1>, vector<16xi32>
      %select_n3A_990 = arith.select %le3A_987, %select_n3A_893, %select_n3A_988 : vector<16xi1>, vector<16xf32>
      %select_n3A_991 = arith.select %le3A_987, %select_n3A_894, %select_n3A_989 : vector<16xi1>, vector<16xi32>
      %le3A_992 = arith.cmpf ole, %select_n3A_898, %select_n3A_950 : vector<16xf32>
      %select_n3A_993 = arith.select %le3A_987, %select_n3A_950, %select_n3A_893 : vector<16xi1>, vector<16xf32>
      %select_n3A_994 = arith.select %le3A_987, %broadcast_in_dim3A_940, %select_n3A_894 : vector<16xi1>, vector<16xi32>
      %select_n3A_995 = arith.select %le3A_992, %select_n3A_898, %select_n3A_993 : vector<16xi1>, vector<16xf32>
      %select_n3A_996 = arith.select %le3A_992, %select_n3A_899, %select_n3A_994 : vector<16xi1>, vector<16xi32>
      %le3A_997 = arith.cmpf ole, %select_n3A_901, %select_n3A_958 : vector<16xf32>
      %select_n3A_998 = arith.select %le3A_997, %select_n3A_901, %select_n3A_958 : vector<16xi1>, vector<16xf32>
      %select_n3A_999 = arith.select %le3A_997, %select_n3A_902, %broadcast_in_dim3A_940 : vector<16xi1>, vector<16xi32>
      %le3A_1000 = arith.cmpf ole, %select_n3A_906, %select_n3A_958 : vector<16xf32>
      %select_n3A_1001 = arith.select %le3A_997, %select_n3A_958, %select_n3A_901 : vector<16xi1>, vector<16xf32>
      %select_n3A_1002 = arith.select %le3A_997, %broadcast_in_dim3A_940, %select_n3A_902 : vector<16xi1>, vector<16xi32>
      %select_n3A_1003 = arith.select %le3A_1000, %select_n3A_906, %select_n3A_1001 : vector<16xi1>, vector<16xf32>
      %select_n3A_1004 = arith.select %le3A_1000, %select_n3A_907, %select_n3A_1002 : vector<16xi1>, vector<16xi32>
      %le3A_1005 = arith.cmpf ole, %select_n3A_911, %select_n3A_958 : vector<16xf32>
      %select_n3A_1006 = arith.select %le3A_1000, %select_n3A_958, %select_n3A_906 : vector<16xi1>, vector<16xf32>
      %select_n3A_1007 = arith.select %le3A_1000, %broadcast_in_dim3A_940, %select_n3A_907 : vector<16xi1>, vector<16xi32>
      %select_n3A_1008 = arith.select %le3A_1005, %select_n3A_911, %select_n3A_1006 : vector<16xi1>, vector<16xf32>
      %select_n3A_1009 = arith.select %le3A_1005, %select_n3A_912, %select_n3A_1007 : vector<16xi1>, vector<16xi32>
      %le3A_1010 = arith.cmpf ole, %select_n3A_916, %select_n3A_958 : vector<16xf32>
      %select_n3A_1011 = arith.select %le3A_1005, %select_n3A_958, %select_n3A_911 : vector<16xi1>, vector<16xf32>
      %select_n3A_1012 = arith.select %le3A_1005, %broadcast_in_dim3A_940, %select_n3A_912 : vector<16xi1>, vector<16xi32>
      %select_n3A_1013 = arith.select %le3A_1010, %select_n3A_916, %select_n3A_1011 : vector<16xi1>, vector<16xf32>
      %select_n3A_1014 = arith.select %le3A_1010, %select_n3A_917, %select_n3A_1012 : vector<16xi1>, vector<16xi32>
      %le3A_1015 = arith.cmpf ole, %select_n3A_921, %select_n3A_958 : vector<16xf32>
      %select_n3A_1016 = arith.select %le3A_1010, %select_n3A_958, %select_n3A_916 : vector<16xi1>, vector<16xf32>
      %select_n3A_1017 = arith.select %le3A_1010, %broadcast_in_dim3A_940, %select_n3A_917 : vector<16xi1>, vector<16xi32>
      %select_n3A_1018 = arith.select %le3A_1015, %select_n3A_921, %select_n3A_1016 : vector<16xi1>, vector<16xf32>
      %select_n3A_1019 = arith.select %le3A_1015, %select_n3A_922, %select_n3A_1017 : vector<16xi1>, vector<16xi32>
      %le3A_1020 = arith.cmpf ole, %select_n3A_926, %select_n3A_958 : vector<16xf32>
      %select_n3A_1021 = arith.select %le3A_1015, %select_n3A_958, %select_n3A_921 : vector<16xi1>, vector<16xf32>
      %select_n3A_1022 = arith.select %le3A_1015, %broadcast_in_dim3A_940, %select_n3A_922 : vector<16xi1>, vector<16xi32>
      %select_n3A_1023 = arith.select %le3A_1020, %select_n3A_926, %select_n3A_1021 : vector<16xi1>, vector<16xf32>
      %select_n3A_1024 = arith.select %le3A_1020, %select_n3A_927, %select_n3A_1022 : vector<16xi1>, vector<16xi32>
      %le3A_1025 = arith.cmpf ole, %select_n3A_931, %select_n3A_958 : vector<16xf32>
      %select_n3A_1026 = arith.select %le3A_1020, %select_n3A_958, %select_n3A_926 : vector<16xi1>, vector<16xf32>
      %select_n3A_1027 = arith.select %le3A_1020, %broadcast_in_dim3A_940, %select_n3A_927 : vector<16xi1>, vector<16xi32>
      %select_n3A_1028 = arith.select %le3A_1025, %select_n3A_931, %select_n3A_1026 : vector<16xi1>, vector<16xf32>
      %select_n3A_1029 = arith.select %le3A_1025, %select_n3A_932, %select_n3A_1027 : vector<16xi1>, vector<16xi32>
      %le3A_1030 = arith.cmpf ole, %select_n3A_936, %select_n3A_958 : vector<16xf32>
      %select_n3A_1031 = arith.select %le3A_1025, %select_n3A_958, %select_n3A_931 : vector<16xi1>, vector<16xf32>
      %select_n3A_1032 = arith.select %le3A_1025, %broadcast_in_dim3A_940, %select_n3A_932 : vector<16xi1>, vector<16xi32>
      %select_n3A_1033 = arith.select %le3A_1030, %select_n3A_936, %select_n3A_1031 : vector<16xi1>, vector<16xf32>
      %select_n3A_1034 = arith.select %le3A_1030, %select_n3A_937, %select_n3A_1032 : vector<16xi1>, vector<16xi32>
      %add3A_1035 = arith.constant 7 : i32
      %add3A_1036 = arith.addi %mul3A_358, %add3A_1035 : i32
      %broadcast_in_dim3A_1037 = vector.broadcast %add3A_1036 : i32 to vector<16xi32>
      %gather3A_1038 = tpu.vector_load_idx %arg7[%broadcast_in_dim3A_1037] : memref<2048xf32, #tpu.memory_space<vmem>>[vector<16xi32>], vector<16xf32>,
      %gather3A_1039 = tpu.vector_load_idx %arg8[%broadcast_in_dim3A_1037] : memref<2048xf32, #tpu.memory_space<vmem>>[vector<16xi32>], vector<16xf32>,
      %sub3A_1040 = arith.subf %gather3A_1038, %gather3A : vector<16xf32>
      %sub3A_1041 = arith.subf %gather3A_1039, %gather3A_15 : vector<16xf32>
      %eq3A_1042 = arith.cmpi eq, %add3A_8, %broadcast_in_dim3A_1037 : vector<16xi32>
      %mul3A_1043 = arith.mulf %sub3A_1040, %sub3A_1040 : vector<16xf32>
      %mul3A_1044 = arith.mulf %sub3A_1041, %sub3A_1041 : vector<16xf32>
      %add3A_1045 = arith.addf %mul3A_1043, %mul3A_1044 : vector<16xf32>
      %broadcast_in_dim3A_1046 = vector.broadcast %scan3A : f32 to vector<16xf32>
      %select_n3A_1047 = arith.select %eq3A_1042, %broadcast_in_dim3A_1046, %add3A_1045 : vector<16xi1>, vector<16xf32>
      %sub3A_1048 = arith.subf %gather3A_1038, %gather3A_18 : vector<16xf32>
      %sub3A_1049 = arith.subf %gather3A_1039, %gather3A_19 : vector<16xf32>
      %eq3A_1050 = arith.cmpi eq, %add3A_14, %broadcast_in_dim3A_1037 : vector<16xi32>
      %mul3A_1051 = arith.mulf %sub3A_1048, %sub3A_1048 : vector<16xf32>
      %mul3A_1052 = arith.mulf %sub3A_1049, %sub3A_1049 : vector<16xf32>
      %add3A_1053 = arith.addf %mul3A_1051, %mul3A_1052 : vector<16xf32>
      %broadcast_in_dim3A_1054 = vector.broadcast %scan3A : f32 to vector<16xf32>
      %select_n3A_1055 = arith.select %eq3A_1050, %broadcast_in_dim3A_1054, %add3A_1053 : vector<16xi1>, vector<16xf32>
      %le3A_1056 = arith.cmpf ole, %select_n3A_960, %select_n3A_1047 : vector<16xf32>
      %select_n3A_1057 = arith.select %le3A_1056, %select_n3A_960, %select_n3A_1047 : vector<16xi1>, vector<16xf32>
      %select_n3A_1058 = arith.select %le3A_1056, %select_n3A_961, %broadcast_in_dim3A_1037 : vector<16xi1>, vector<16xi32>
      %le3A_1059 = arith.cmpf ole, %select_n3A_965, %select_n3A_1047 : vector<16xf32>
      %select_n3A_1060 = arith.select %le3A_1056, %select_n3A_1047, %select_n3A_960 : vector<16xi1>, vector<16xf32>
      %select_n3A_1061 = arith.select %le3A_1056, %broadcast_in_dim3A_1037, %select_n3A_961 : vector<16xi1>, vector<16xi32>
      %select_n3A_1062 = arith.select %le3A_1059, %select_n3A_965, %select_n3A_1060 : vector<16xi1>, vector<16xf32>
      %select_n3A_1063 = arith.select %le3A_1059, %select_n3A_966, %select_n3A_1061 : vector<16xi1>, vector<16xi32>
      %le3A_1064 = arith.cmpf ole, %select_n3A_970, %select_n3A_1047 : vector<16xf32>
      %select_n3A_1065 = arith.select %le3A_1059, %select_n3A_1047, %select_n3A_965 : vector<16xi1>, vector<16xf32>
      %select_n3A_1066 = arith.select %le3A_1059, %broadcast_in_dim3A_1037, %select_n3A_966 : vector<16xi1>, vector<16xi32>
      %select_n3A_1067 = arith.select %le3A_1064, %select_n3A_970, %select_n3A_1065 : vector<16xi1>, vector<16xf32>
      %select_n3A_1068 = arith.select %le3A_1064, %select_n3A_971, %select_n3A_1066 : vector<16xi1>, vector<16xi32>
      %le3A_1069 = arith.cmpf ole, %select_n3A_975, %select_n3A_1047 : vector<16xf32>
      %select_n3A_1070 = arith.select %le3A_1064, %select_n3A_1047, %select_n3A_970 : vector<16xi1>, vector<16xf32>
      %select_n3A_1071 = arith.select %le3A_1064, %broadcast_in_dim3A_1037, %select_n3A_971 : vector<16xi1>, vector<16xi32>
      %select_n3A_1072 = arith.select %le3A_1069, %select_n3A_975, %select_n3A_1070 : vector<16xi1>, vector<16xf32>
      %select_n3A_1073 = arith.select %le3A_1069, %select_n3A_976, %select_n3A_1071 : vector<16xi1>, vector<16xi32>
      %le3A_1074 = arith.cmpf ole, %select_n3A_980, %select_n3A_1047 : vector<16xf32>
      %select_n3A_1075 = arith.select %le3A_1069, %select_n3A_1047, %select_n3A_975 : vector<16xi1>, vector<16xf32>
      %select_n3A_1076 = arith.select %le3A_1069, %broadcast_in_dim3A_1037, %select_n3A_976 : vector<16xi1>, vector<16xi32>
      %select_n3A_1077 = arith.select %le3A_1074, %select_n3A_980, %select_n3A_1075 : vector<16xi1>, vector<16xf32>
      %select_n3A_1078 = arith.select %le3A_1074, %select_n3A_981, %select_n3A_1076 : vector<16xi1>, vector<16xi32>
      %le3A_1079 = arith.cmpf ole, %select_n3A_985, %select_n3A_1047 : vector<16xf32>
      %select_n3A_1080 = arith.select %le3A_1074, %select_n3A_1047, %select_n3A_980 : vector<16xi1>, vector<16xf32>
      %select_n3A_1081 = arith.select %le3A_1074, %broadcast_in_dim3A_1037, %select_n3A_981 : vector<16xi1>, vector<16xi32>
      %select_n3A_1082 = arith.select %le3A_1079, %select_n3A_985, %select_n3A_1080 : vector<16xi1>, vector<16xf32>
      %select_n3A_1083 = arith.select %le3A_1079, %select_n3A_986, %select_n3A_1081 : vector<16xi1>, vector<16xi32>
      %le3A_1084 = arith.cmpf ole, %select_n3A_990, %select_n3A_1047 : vector<16xf32>
      %select_n3A_1085 = arith.select %le3A_1079, %select_n3A_1047, %select_n3A_985 : vector<16xi1>, vector<16xf32>
      %select_n3A_1086 = arith.select %le3A_1079, %broadcast_in_dim3A_1037, %select_n3A_986 : vector<16xi1>, vector<16xi32>
      %select_n3A_1087 = arith.select %le3A_1084, %select_n3A_990, %select_n3A_1085 : vector<16xi1>, vector<16xf32>
      %select_n3A_1088 = arith.select %le3A_1084, %select_n3A_991, %select_n3A_1086 : vector<16xi1>, vector<16xi32>
      %le3A_1089 = arith.cmpf ole, %select_n3A_995, %select_n3A_1047 : vector<16xf32>
      %select_n3A_1090 = arith.select %le3A_1084, %select_n3A_1047, %select_n3A_990 : vector<16xi1>, vector<16xf32>
      %select_n3A_1091 = arith.select %le3A_1084, %broadcast_in_dim3A_1037, %select_n3A_991 : vector<16xi1>, vector<16xi32>
      %select_n3A_1092 = arith.select %le3A_1089, %select_n3A_995, %select_n3A_1090 : vector<16xi1>, vector<16xf32>
      %select_n3A_1093 = arith.select %le3A_1089, %select_n3A_996, %select_n3A_1091 : vector<16xi1>, vector<16xi32>
      %le3A_1094 = arith.cmpf ole, %select_n3A_998, %select_n3A_1055 : vector<16xf32>
      %select_n3A_1095 = arith.select %le3A_1094, %select_n3A_998, %select_n3A_1055 : vector<16xi1>, vector<16xf32>
      %select_n3A_1096 = arith.select %le3A_1094, %select_n3A_999, %broadcast_in_dim3A_1037 : vector<16xi1>, vector<16xi32>
      %le3A_1097 = arith.cmpf ole, %select_n3A_1003, %select_n3A_1055 : vector<16xf32>
      %select_n3A_1098 = arith.select %le3A_1094, %select_n3A_1055, %select_n3A_998 : vector<16xi1>, vector<16xf32>
      %select_n3A_1099 = arith.select %le3A_1094, %broadcast_in_dim3A_1037, %select_n3A_999 : vector<16xi1>, vector<16xi32>
      %select_n3A_1100 = arith.select %le3A_1097, %select_n3A_1003, %select_n3A_1098 : vector<16xi1>, vector<16xf32>
      %select_n3A_1101 = arith.select %le3A_1097, %select_n3A_1004, %select_n3A_1099 : vector<16xi1>, vector<16xi32>
      %le3A_1102 = arith.cmpf ole, %select_n3A_1008, %select_n3A_1055 : vector<16xf32>
      %select_n3A_1103 = arith.select %le3A_1097, %select_n3A_1055, %select_n3A_1003 : vector<16xi1>, vector<16xf32>
      %select_n3A_1104 = arith.select %le3A_1097, %broadcast_in_dim3A_1037, %select_n3A_1004 : vector<16xi1>, vector<16xi32>
      %select_n3A_1105 = arith.select %le3A_1102, %select_n3A_1008, %select_n3A_1103 : vector<16xi1>, vector<16xf32>
      %select_n3A_1106 = arith.select %le3A_1102, %select_n3A_1009, %select_n3A_1104 : vector<16xi1>, vector<16xi32>
      %le3A_1107 = arith.cmpf ole, %select_n3A_1013, %select_n3A_1055 : vector<16xf32>
      %select_n3A_1108 = arith.select %le3A_1102, %select_n3A_1055, %select_n3A_1008 : vector<16xi1>, vector<16xf32>
      %select_n3A_1109 = arith.select %le3A_1102, %broadcast_in_dim3A_1037, %select_n3A_1009 : vector<16xi1>, vector<16xi32>
      %select_n3A_1110 = arith.select %le3A_1107, %select_n3A_1013, %select_n3A_1108 : vector<16xi1>, vector<16xf32>
      %select_n3A_1111 = arith.select %le3A_1107, %select_n3A_1014, %select_n3A_1109 : vector<16xi1>, vector<16xi32>
      %le3A_1112 = arith.cmpf ole, %select_n3A_1018, %select_n3A_1055 : vector<16xf32>
      %select_n3A_1113 = arith.select %le3A_1107, %select_n3A_1055, %select_n3A_1013 : vector<16xi1>, vector<16xf32>
      %select_n3A_1114 = arith.select %le3A_1107, %broadcast_in_dim3A_1037, %select_n3A_1014 : vector<16xi1>, vector<16xi32>
      %select_n3A_1115 = arith.select %le3A_1112, %select_n3A_1018, %select_n3A_1113 : vector<16xi1>, vector<16xf32>
      %select_n3A_1116 = arith.select %le3A_1112, %select_n3A_1019, %select_n3A_1114 : vector<16xi1>, vector<16xi32>
      %le3A_1117 = arith.cmpf ole, %select_n3A_1023, %select_n3A_1055 : vector<16xf32>
      %select_n3A_1118 = arith.select %le3A_1112, %select_n3A_1055, %select_n3A_1018 : vector<16xi1>, vector<16xf32>
      %select_n3A_1119 = arith.select %le3A_1112, %broadcast_in_dim3A_1037, %select_n3A_1019 : vector<16xi1>, vector<16xi32>
      %select_n3A_1120 = arith.select %le3A_1117, %select_n3A_1023, %select_n3A_1118 : vector<16xi1>, vector<16xf32>
      %select_n3A_1121 = arith.select %le3A_1117, %select_n3A_1024, %select_n3A_1119 : vector<16xi1>, vector<16xi32>
      %le3A_1122 = arith.cmpf ole, %select_n3A_1028, %select_n3A_1055 : vector<16xf32>
      %select_n3A_1123 = arith.select %le3A_1117, %select_n3A_1055, %select_n3A_1023 : vector<16xi1>, vector<16xf32>
      %select_n3A_1124 = arith.select %le3A_1117, %broadcast_in_dim3A_1037, %select_n3A_1024 : vector<16xi1>, vector<16xi32>
      %select_n3A_1125 = arith.select %le3A_1122, %select_n3A_1028, %select_n3A_1123 : vector<16xi1>, vector<16xf32>
      %select_n3A_1126 = arith.select %le3A_1122, %select_n3A_1029, %select_n3A_1124 : vector<16xi1>, vector<16xi32>
      %le3A_1127 = arith.cmpf ole, %select_n3A_1033, %select_n3A_1055 : vector<16xf32>
      %select_n3A_1128 = arith.select %le3A_1122, %select_n3A_1055, %select_n3A_1028 : vector<16xi1>, vector<16xf32>
      %select_n3A_1129 = arith.select %le3A_1122, %broadcast_in_dim3A_1037, %select_n3A_1029 : vector<16xi1>, vector<16xi32>
      %select_n3A_1130 = arith.select %le3A_1127, %select_n3A_1033, %select_n3A_1128 : vector<16xi1>, vector<16xf32>
      %select_n3A_1131 = arith.select %le3A_1127, %select_n3A_1034, %select_n3A_1129 : vector<16xi1>, vector<16xi32>
      %add3A_1132 = arith.constant 8 : i32
      %add3A_1133 = arith.addi %mul3A_358, %add3A_1132 : i32
      %broadcast_in_dim3A_1134 = vector.broadcast %add3A_1133 : i32 to vector<16xi32>
      %gather3A_1135 = tpu.vector_load_idx %arg7[%broadcast_in_dim3A_1134] : memref<2048xf32, #tpu.memory_space<vmem>>[vector<16xi32>], vector<16xf32>,
      %gather3A_1136 = tpu.vector_load_idx %arg8[%broadcast_in_dim3A_1134] : memref<2048xf32, #tpu.memory_space<vmem>>[vector<16xi32>], vector<16xf32>,
      %sub3A_1137 = arith.subf %gather3A_1135, %gather3A : vector<16xf32>
      %sub3A_1138 = arith.subf %gather3A_1136, %gather3A_15 : vector<16xf32>
      %eq3A_1139 = arith.cmpi eq, %add3A_8, %broadcast_in_dim3A_1134 : vector<16xi32>
      %mul3A_1140 = arith.mulf %sub3A_1137, %sub3A_1137 : vector<16xf32>
      %mul3A_1141 = arith.mulf %sub3A_1138, %sub3A_1138 : vector<16xf32>
      %add3A_1142 = arith.addf %mul3A_1140, %mul3A_1141 : vector<16xf32>
      %broadcast_in_dim3A_1143 = vector.broadcast %scan3A : f32 to vector<16xf32>
      %select_n3A_1144 = arith.select %eq3A_1139, %broadcast_in_dim3A_1143, %add3A_1142 : vector<16xi1>, vector<16xf32>
      %sub3A_1145 = arith.subf %gather3A_1135, %gather3A_18 : vector<16xf32>
      %sub3A_1146 = arith.subf %gather3A_1136, %gather3A_19 : vector<16xf32>
      %eq3A_1147 = arith.cmpi eq, %add3A_14, %broadcast_in_dim3A_1134 : vector<16xi32>
      %mul3A_1148 = arith.mulf %sub3A_1145, %sub3A_1145 : vector<16xf32>
      %mul3A_1149 = arith.mulf %sub3A_1146, %sub3A_1146 : vector<16xf32>
      %add3A_1150 = arith.addf %mul3A_1148, %mul3A_1149 : vector<16xf32>
      %broadcast_in_dim3A_1151 = vector.broadcast %scan3A : f32 to vector<16xf32>
      %select_n3A_1152 = arith.select %eq3A_1147, %broadcast_in_dim3A_1151, %add3A_1150 : vector<16xi1>, vector<16xf32>
      %le3A_1153 = arith.cmpf ole, %select_n3A_1057, %select_n3A_1144 : vector<16xf32>
      %select_n3A_1154 = arith.select %le3A_1153, %select_n3A_1057, %select_n3A_1144 : vector<16xi1>, vector<16xf32>
      %select_n3A_1155 = arith.select %le3A_1153, %select_n3A_1058, %broadcast_in_dim3A_1134 : vector<16xi1>, vector<16xi32>
      %le3A_1156 = arith.cmpf ole, %select_n3A_1062, %select_n3A_1144 : vector<16xf32>
      %select_n3A_1157 = arith.select %le3A_1153, %select_n3A_1144, %select_n3A_1057 : vector<16xi1>, vector<16xf32>
      %select_n3A_1158 = arith.select %le3A_1153, %broadcast_in_dim3A_1134, %select_n3A_1058 : vector<16xi1>, vector<16xi32>
      %select_n3A_1159 = arith.select %le3A_1156, %select_n3A_1062, %select_n3A_1157 : vector<16xi1>, vector<16xf32>
      %select_n3A_1160 = arith.select %le3A_1156, %select_n3A_1063, %select_n3A_1158 : vector<16xi1>, vector<16xi32>
      %le3A_1161 = arith.cmpf ole, %select_n3A_1067, %select_n3A_1144 : vector<16xf32>
      %select_n3A_1162 = arith.select %le3A_1156, %select_n3A_1144, %select_n3A_1062 : vector<16xi1>, vector<16xf32>
      %select_n3A_1163 = arith.select %le3A_1156, %broadcast_in_dim3A_1134, %select_n3A_1063 : vector<16xi1>, vector<16xi32>
      %select_n3A_1164 = arith.select %le3A_1161, %select_n3A_1067, %select_n3A_1162 : vector<16xi1>, vector<16xf32>
      %select_n3A_1165 = arith.select %le3A_1161, %select_n3A_1068, %select_n3A_1163 : vector<16xi1>, vector<16xi32>
      %le3A_1166 = arith.cmpf ole, %select_n3A_1072, %select_n3A_1144 : vector<16xf32>
      %select_n3A_1167 = arith.select %le3A_1161, %select_n3A_1144, %select_n3A_1067 : vector<16xi1>, vector<16xf32>
      %select_n3A_1168 = arith.select %le3A_1161, %broadcast_in_dim3A_1134, %select_n3A_1068 : vector<16xi1>, vector<16xi32>
      %select_n3A_1169 = arith.select %le3A_1166, %select_n3A_1072, %select_n3A_1167 : vector<16xi1>, vector<16xf32>
      %select_n3A_1170 = arith.select %le3A_1166, %select_n3A_1073, %select_n3A_1168 : vector<16xi1>, vector<16xi32>
      %le3A_1171 = arith.cmpf ole, %select_n3A_1077, %select_n3A_1144 : vector<16xf32>
      %select_n3A_1172 = arith.select %le3A_1166, %select_n3A_1144, %select_n3A_1072 : vector<16xi1>, vector<16xf32>
      %select_n3A_1173 = arith.select %le3A_1166, %broadcast_in_dim3A_1134, %select_n3A_1073 : vector<16xi1>, vector<16xi32>
      %select_n3A_1174 = arith.select %le3A_1171, %select_n3A_1077, %select_n3A_1172 : vector<16xi1>, vector<16xf32>
      %select_n3A_1175 = arith.select %le3A_1171, %select_n3A_1078, %select_n3A_1173 : vector<16xi1>, vector<16xi32>
      %le3A_1176 = arith.cmpf ole, %select_n3A_1082, %select_n3A_1144 : vector<16xf32>
      %select_n3A_1177 = arith.select %le3A_1171, %select_n3A_1144, %select_n3A_1077 : vector<16xi1>, vector<16xf32>
      %select_n3A_1178 = arith.select %le3A_1171, %broadcast_in_dim3A_1134, %select_n3A_1078 : vector<16xi1>, vector<16xi32>
      %select_n3A_1179 = arith.select %le3A_1176, %select_n3A_1082, %select_n3A_1177 : vector<16xi1>, vector<16xf32>
      %select_n3A_1180 = arith.select %le3A_1176, %select_n3A_1083, %select_n3A_1178 : vector<16xi1>, vector<16xi32>
      %le3A_1181 = arith.cmpf ole, %select_n3A_1087, %select_n3A_1144 : vector<16xf32>
      %select_n3A_1182 = arith.select %le3A_1176, %select_n3A_1144, %select_n3A_1082 : vector<16xi1>, vector<16xf32>
      %select_n3A_1183 = arith.select %le3A_1176, %broadcast_in_dim3A_1134, %select_n3A_1083 : vector<16xi1>, vector<16xi32>
      %select_n3A_1184 = arith.select %le3A_1181, %select_n3A_1087, %select_n3A_1182 : vector<16xi1>, vector<16xf32>
      %select_n3A_1185 = arith.select %le3A_1181, %select_n3A_1088, %select_n3A_1183 : vector<16xi1>, vector<16xi32>
      %le3A_1186 = arith.cmpf ole, %select_n3A_1092, %select_n3A_1144 : vector<16xf32>
      %select_n3A_1187 = arith.select %le3A_1181, %select_n3A_1144, %select_n3A_1087 : vector<16xi1>, vector<16xf32>
      %select_n3A_1188 = arith.select %le3A_1181, %broadcast_in_dim3A_1134, %select_n3A_1088 : vector<16xi1>, vector<16xi32>
      %select_n3A_1189 = arith.select %le3A_1186, %select_n3A_1092, %select_n3A_1187 : vector<16xi1>, vector<16xf32>
      %select_n3A_1190 = arith.select %le3A_1186, %select_n3A_1093, %select_n3A_1188 : vector<16xi1>, vector<16xi32>
      %le3A_1191 = arith.cmpf ole, %select_n3A_1095, %select_n3A_1152 : vector<16xf32>
      %select_n3A_1192 = arith.select %le3A_1191, %select_n3A_1095, %select_n3A_1152 : vector<16xi1>, vector<16xf32>
      %select_n3A_1193 = arith.select %le3A_1191, %select_n3A_1096, %broadcast_in_dim3A_1134 : vector<16xi1>, vector<16xi32>
      %le3A_1194 = arith.cmpf ole, %select_n3A_1100, %select_n3A_1152 : vector<16xf32>
      %select_n3A_1195 = arith.select %le3A_1191, %select_n3A_1152, %select_n3A_1095 : vector<16xi1>, vector<16xf32>
      %select_n3A_1196 = arith.select %le3A_1191, %broadcast_in_dim3A_1134, %select_n3A_1096 : vector<16xi1>, vector<16xi32>
      %select_n3A_1197 = arith.select %le3A_1194, %select_n3A_1100, %select_n3A_1195 : vector<16xi1>, vector<16xf32>
      %select_n3A_1198 = arith.select %le3A_1194, %select_n3A_1101, %select_n3A_1196 : vector<16xi1>, vector<16xi32>
      %le3A_1199 = arith.cmpf ole, %select_n3A_1105, %select_n3A_1152 : vector<16xf32>
      %select_n3A_1200 = arith.select %le3A_1194, %select_n3A_1152, %select_n3A_1100 : vector<16xi1>, vector<16xf32>
      %select_n3A_1201 = arith.select %le3A_1194, %broadcast_in_dim3A_1134, %select_n3A_1101 : vector<16xi1>, vector<16xi32>
      %select_n3A_1202 = arith.select %le3A_1199, %select_n3A_1105, %select_n3A_1200 : vector<16xi1>, vector<16xf32>
      %select_n3A_1203 = arith.select %le3A_1199, %select_n3A_1106, %select_n3A_1201 : vector<16xi1>, vector<16xi32>
      %le3A_1204 = arith.cmpf ole, %select_n3A_1110, %select_n3A_1152 : vector<16xf32>
      %select_n3A_1205 = arith.select %le3A_1199, %select_n3A_1152, %select_n3A_1105 : vector<16xi1>, vector<16xf32>
      %select_n3A_1206 = arith.select %le3A_1199, %broadcast_in_dim3A_1134, %select_n3A_1106 : vector<16xi1>, vector<16xi32>
      %select_n3A_1207 = arith.select %le3A_1204, %select_n3A_1110, %select_n3A_1205 : vector<16xi1>, vector<16xf32>
      %select_n3A_1208 = arith.select %le3A_1204, %select_n3A_1111, %select_n3A_1206 : vector<16xi1>, vector<16xi32>
      %le3A_1209 = arith.cmpf ole, %select_n3A_1115, %select_n3A_1152 : vector<16xf32>
      %select_n3A_1210 = arith.select %le3A_1204, %select_n3A_1152, %select_n3A_1110 : vector<16xi1>, vector<16xf32>
      %select_n3A_1211 = arith.select %le3A_1204, %broadcast_in_dim3A_1134, %select_n3A_1111 : vector<16xi1>, vector<16xi32>
      %select_n3A_1212 = arith.select %le3A_1209, %select_n3A_1115, %select_n3A_1210 : vector<16xi1>, vector<16xf32>
      %select_n3A_1213 = arith.select %le3A_1209, %select_n3A_1116, %select_n3A_1211 : vector<16xi1>, vector<16xi32>
      %le3A_1214 = arith.cmpf ole, %select_n3A_1120, %select_n3A_1152 : vector<16xf32>
      %select_n3A_1215 = arith.select %le3A_1209, %select_n3A_1152, %select_n3A_1115 : vector<16xi1>, vector<16xf32>
      %select_n3A_1216 = arith.select %le3A_1209, %broadcast_in_dim3A_1134, %select_n3A_1116 : vector<16xi1>, vector<16xi32>
      %select_n3A_1217 = arith.select %le3A_1214, %select_n3A_1120, %select_n3A_1215 : vector<16xi1>, vector<16xf32>
      %select_n3A_1218 = arith.select %le3A_1214, %select_n3A_1121, %select_n3A_1216 : vector<16xi1>, vector<16xi32>
      %le3A_1219 = arith.cmpf ole, %select_n3A_1125, %select_n3A_1152 : vector<16xf32>
      %select_n3A_1220 = arith.select %le3A_1214, %select_n3A_1152, %select_n3A_1120 : vector<16xi1>, vector<16xf32>
      %select_n3A_1221 = arith.select %le3A_1214, %broadcast_in_dim3A_1134, %select_n3A_1121 : vector<16xi1>, vector<16xi32>
      %select_n3A_1222 = arith.select %le3A_1219, %select_n3A_1125, %select_n3A_1220 : vector<16xi1>, vector<16xf32>
      %select_n3A_1223 = arith.select %le3A_1219, %select_n3A_1126, %select_n3A_1221 : vector<16xi1>, vector<16xi32>
      %le3A_1224 = arith.cmpf ole, %select_n3A_1130, %select_n3A_1152 : vector<16xf32>
      %select_n3A_1225 = arith.select %le3A_1219, %select_n3A_1152, %select_n3A_1125 : vector<16xi1>, vector<16xf32>
      %select_n3A_1226 = arith.select %le3A_1219, %broadcast_in_dim3A_1134, %select_n3A_1126 : vector<16xi1>, vector<16xi32>
      %select_n3A_1227 = arith.select %le3A_1224, %select_n3A_1130, %select_n3A_1225 : vector<16xi1>, vector<16xf32>
      %select_n3A_1228 = arith.select %le3A_1224, %select_n3A_1131, %select_n3A_1226 : vector<16xi1>, vector<16xi32>
      %add3A_1229 = arith.constant 9 : i32
      %add3A_1230 = arith.addi %mul3A_358, %add3A_1229 : i32
      %broadcast_in_dim3A_1231 = vector.broadcast %add3A_1230 : i32 to vector<16xi32>
      %gather3A_1232 = tpu.vector_load_idx %arg7[%broadcast_in_dim3A_1231] : memref<2048xf32, #tpu.memory_space<vmem>>[vector<16xi32>], vector<16xf32>,
      %gather3A_1233 = tpu.vector_load_idx %arg8[%broadcast_in_dim3A_1231] : memref<2048xf32, #tpu.memory_space<vmem>>[vector<16xi32>], vector<16xf32>,
      %sub3A_1234 = arith.subf %gather3A_1232, %gather3A : vector<16xf32>
      %sub3A_1235 = arith.subf %gather3A_1233, %gather3A_15 : vector<16xf32>
      %eq3A_1236 = arith.cmpi eq, %add3A_8, %broadcast_in_dim3A_1231 : vector<16xi32>
      %mul3A_1237 = arith.mulf %sub3A_1234, %sub3A_1234 : vector<16xf32>
      %mul3A_1238 = arith.mulf %sub3A_1235, %sub3A_1235 : vector<16xf32>
      %add3A_1239 = arith.addf %mul3A_1237, %mul3A_1238 : vector<16xf32>
      %broadcast_in_dim3A_1240 = vector.broadcast %scan3A : f32 to vector<16xf32>
      %select_n3A_1241 = arith.select %eq3A_1236, %broadcast_in_dim3A_1240, %add3A_1239 : vector<16xi1>, vector<16xf32>
      %sub3A_1242 = arith.subf %gather3A_1232, %gather3A_18 : vector<16xf32>
      %sub3A_1243 = arith.subf %gather3A_1233, %gather3A_19 : vector<16xf32>
      %eq3A_1244 = arith.cmpi eq, %add3A_14, %broadcast_in_dim3A_1231 : vector<16xi32>
      %mul3A_1245 = arith.mulf %sub3A_1242, %sub3A_1242 : vector<16xf32>
      %mul3A_1246 = arith.mulf %sub3A_1243, %sub3A_1243 : vector<16xf32>
      %add3A_1247 = arith.addf %mul3A_1245, %mul3A_1246 : vector<16xf32>
      %broadcast_in_dim3A_1248 = vector.broadcast %scan3A : f32 to vector<16xf32>
      %select_n3A_1249 = arith.select %eq3A_1244, %broadcast_in_dim3A_1248, %add3A_1247 : vector<16xi1>, vector<16xf32>
      %le3A_1250 = arith.cmpf ole, %select_n3A_1154, %select_n3A_1241 : vector<16xf32>
      %select_n3A_1251 = arith.select %le3A_1250, %select_n3A_1154, %select_n3A_1241 : vector<16xi1>, vector<16xf32>
      %select_n3A_1252 = arith.select %le3A_1250, %select_n3A_1155, %broadcast_in_dim3A_1231 : vector<16xi1>, vector<16xi32>
      %le3A_1253 = arith.cmpf ole, %select_n3A_1159, %select_n3A_1241 : vector<16xf32>
      %select_n3A_1254 = arith.select %le3A_1250, %select_n3A_1241, %select_n3A_1154 : vector<16xi1>, vector<16xf32>
      %select_n3A_1255 = arith.select %le3A_1250, %broadcast_in_dim3A_1231, %select_n3A_1155 : vector<16xi1>, vector<16xi32>
      %select_n3A_1256 = arith.select %le3A_1253, %select_n3A_1159, %select_n3A_1254 : vector<16xi1>, vector<16xf32>
      %select_n3A_1257 = arith.select %le3A_1253, %select_n3A_1160, %select_n3A_1255 : vector<16xi1>, vector<16xi32>
      %le3A_1258 = arith.cmpf ole, %select_n3A_1164, %select_n3A_1241 : vector<16xf32>
      %select_n3A_1259 = arith.select %le3A_1253, %select_n3A_1241, %select_n3A_1159 : vector<16xi1>, vector<16xf32>
      %select_n3A_1260 = arith.select %le3A_1253, %broadcast_in_dim3A_1231, %select_n3A_1160 : vector<16xi1>, vector<16xi32>
      %select_n3A_1261 = arith.select %le3A_1258, %select_n3A_1164, %select_n3A_1259 : vector<16xi1>, vector<16xf32>
      %select_n3A_1262 = arith.select %le3A_1258, %select_n3A_1165, %select_n3A_1260 : vector<16xi1>, vector<16xi32>
      %le3A_1263 = arith.cmpf ole, %select_n3A_1169, %select_n3A_1241 : vector<16xf32>
      %select_n3A_1264 = arith.select %le3A_1258, %select_n3A_1241, %select_n3A_1164 : vector<16xi1>, vector<16xf32>
      %select_n3A_1265 = arith.select %le3A_1258, %broadcast_in_dim3A_1231, %select_n3A_1165 : vector<16xi1>, vector<16xi32>
      %select_n3A_1266 = arith.select %le3A_1263, %select_n3A_1169, %select_n3A_1264 : vector<16xi1>, vector<16xf32>
      %select_n3A_1267 = arith.select %le3A_1263, %select_n3A_1170, %select_n3A_1265 : vector<16xi1>, vector<16xi32>
      %le3A_1268 = arith.cmpf ole, %select_n3A_1174, %select_n3A_1241 : vector<16xf32>
      %select_n3A_1269 = arith.select %le3A_1263, %select_n3A_1241, %select_n3A_1169 : vector<16xi1>, vector<16xf32>
      %select_n3A_1270 = arith.select %le3A_1263, %broadcast_in_dim3A_1231, %select_n3A_1170 : vector<16xi1>, vector<16xi32>
      %select_n3A_1271 = arith.select %le3A_1268, %select_n3A_1174, %select_n3A_1269 : vector<16xi1>, vector<16xf32>
      %select_n3A_1272 = arith.select %le3A_1268, %select_n3A_1175, %select_n3A_1270 : vector<16xi1>, vector<16xi32>
      %le3A_1273 = arith.cmpf ole, %select_n3A_1179, %select_n3A_1241 : vector<16xf32>
      %select_n3A_1274 = arith.select %le3A_1268, %select_n3A_1241, %select_n3A_1174 : vector<16xi1>, vector<16xf32>
      %select_n3A_1275 = arith.select %le3A_1268, %broadcast_in_dim3A_1231, %select_n3A_1175 : vector<16xi1>, vector<16xi32>
      %select_n3A_1276 = arith.select %le3A_1273, %select_n3A_1179, %select_n3A_1274 : vector<16xi1>, vector<16xf32>
      %select_n3A_1277 = arith.select %le3A_1273, %select_n3A_1180, %select_n3A_1275 : vector<16xi1>, vector<16xi32>
      %le3A_1278 = arith.cmpf ole, %select_n3A_1184, %select_n3A_1241 : vector<16xf32>
      %select_n3A_1279 = arith.select %le3A_1273, %select_n3A_1241, %select_n3A_1179 : vector<16xi1>, vector<16xf32>
      %select_n3A_1280 = arith.select %le3A_1273, %broadcast_in_dim3A_1231, %select_n3A_1180 : vector<16xi1>, vector<16xi32>
      %select_n3A_1281 = arith.select %le3A_1278, %select_n3A_1184, %select_n3A_1279 : vector<16xi1>, vector<16xf32>
      %select_n3A_1282 = arith.select %le3A_1278, %select_n3A_1185, %select_n3A_1280 : vector<16xi1>, vector<16xi32>
      %le3A_1283 = arith.cmpf ole, %select_n3A_1189, %select_n3A_1241 : vector<16xf32>
      %select_n3A_1284 = arith.select %le3A_1278, %select_n3A_1241, %select_n3A_1184 : vector<16xi1>, vector<16xf32>
      %select_n3A_1285 = arith.select %le3A_1278, %broadcast_in_dim3A_1231, %select_n3A_1185 : vector<16xi1>, vector<16xi32>
      %select_n3A_1286 = arith.select %le3A_1283, %select_n3A_1189, %select_n3A_1284 : vector<16xi1>, vector<16xf32>
      %select_n3A_1287 = arith.select %le3A_1283, %select_n3A_1190, %select_n3A_1285 : vector<16xi1>, vector<16xi32>
      %le3A_1288 = arith.cmpf ole, %select_n3A_1192, %select_n3A_1249 : vector<16xf32>
      %select_n3A_1289 = arith.select %le3A_1288, %select_n3A_1192, %select_n3A_1249 : vector<16xi1>, vector<16xf32>
      %select_n3A_1290 = arith.select %le3A_1288, %select_n3A_1193, %broadcast_in_dim3A_1231 : vector<16xi1>, vector<16xi32>
      %le3A_1291 = arith.cmpf ole, %select_n3A_1197, %select_n3A_1249 : vector<16xf32>
      %select_n3A_1292 = arith.select %le3A_1288, %select_n3A_1249, %select_n3A_1192 : vector<16xi1>, vector<16xf32>
      %select_n3A_1293 = arith.select %le3A_1288, %broadcast_in_dim3A_1231, %select_n3A_1193 : vector<16xi1>, vector<16xi32>
      %select_n3A_1294 = arith.select %le3A_1291, %select_n3A_1197, %select_n3A_1292 : vector<16xi1>, vector<16xf32>
      %select_n3A_1295 = arith.select %le3A_1291, %select_n3A_1198, %select_n3A_1293 : vector<16xi1>, vector<16xi32>
      %le3A_1296 = arith.cmpf ole, %select_n3A_1202, %select_n3A_1249 : vector<16xf32>
      %select_n3A_1297 = arith.select %le3A_1291, %select_n3A_1249, %select_n3A_1197 : vector<16xi1>, vector<16xf32>
      %select_n3A_1298 = arith.select %le3A_1291, %broadcast_in_dim3A_1231, %select_n3A_1198 : vector<16xi1>, vector<16xi32>
      %select_n3A_1299 = arith.select %le3A_1296, %select_n3A_1202, %select_n3A_1297 : vector<16xi1>, vector<16xf32>
      %select_n3A_1300 = arith.select %le3A_1296, %select_n3A_1203, %select_n3A_1298 : vector<16xi1>, vector<16xi32>
      %le3A_1301 = arith.cmpf ole, %select_n3A_1207, %select_n3A_1249 : vector<16xf32>
      %select_n3A_1302 = arith.select %le3A_1296, %select_n3A_1249, %select_n3A_1202 : vector<16xi1>, vector<16xf32>
      %select_n3A_1303 = arith.select %le3A_1296, %broadcast_in_dim3A_1231, %select_n3A_1203 : vector<16xi1>, vector<16xi32>
      %select_n3A_1304 = arith.select %le3A_1301, %select_n3A_1207, %select_n3A_1302 : vector<16xi1>, vector<16xf32>
      %select_n3A_1305 = arith.select %le3A_1301, %select_n3A_1208, %select_n3A_1303 : vector<16xi1>, vector<16xi32>
      %le3A_1306 = arith.cmpf ole, %select_n3A_1212, %select_n3A_1249 : vector<16xf32>
      %select_n3A_1307 = arith.select %le3A_1301, %select_n3A_1249, %select_n3A_1207 : vector<16xi1>, vector<16xf32>
      %select_n3A_1308 = arith.select %le3A_1301, %broadcast_in_dim3A_1231, %select_n3A_1208 : vector<16xi1>, vector<16xi32>
      %select_n3A_1309 = arith.select %le3A_1306, %select_n3A_1212, %select_n3A_1307 : vector<16xi1>, vector<16xf32>
      %select_n3A_1310 = arith.select %le3A_1306, %select_n3A_1213, %select_n3A_1308 : vector<16xi1>, vector<16xi32>
      %le3A_1311 = arith.cmpf ole, %select_n3A_1217, %select_n3A_1249 : vector<16xf32>
      %select_n3A_1312 = arith.select %le3A_1306, %select_n3A_1249, %select_n3A_1212 : vector<16xi1>, vector<16xf32>
      %select_n3A_1313 = arith.select %le3A_1306, %broadcast_in_dim3A_1231, %select_n3A_1213 : vector<16xi1>, vector<16xi32>
      %select_n3A_1314 = arith.select %le3A_1311, %select_n3A_1217, %select_n3A_1312 : vector<16xi1>, vector<16xf32>
      %select_n3A_1315 = arith.select %le3A_1311, %select_n3A_1218, %select_n3A_1313 : vector<16xi1>, vector<16xi32>
      %le3A_1316 = arith.cmpf ole, %select_n3A_1222, %select_n3A_1249 : vector<16xf32>
      %select_n3A_1317 = arith.select %le3A_1311, %select_n3A_1249, %select_n3A_1217 : vector<16xi1>, vector<16xf32>
      %select_n3A_1318 = arith.select %le3A_1311, %broadcast_in_dim3A_1231, %select_n3A_1218 : vector<16xi1>, vector<16xi32>
      %select_n3A_1319 = arith.select %le3A_1316, %select_n3A_1222, %select_n3A_1317 : vector<16xi1>, vector<16xf32>
      %select_n3A_1320 = arith.select %le3A_1316, %select_n3A_1223, %select_n3A_1318 : vector<16xi1>, vector<16xi32>
      %le3A_1321 = arith.cmpf ole, %select_n3A_1227, %select_n3A_1249 : vector<16xf32>
      %select_n3A_1322 = arith.select %le3A_1316, %select_n3A_1249, %select_n3A_1222 : vector<16xi1>, vector<16xf32>
      %select_n3A_1323 = arith.select %le3A_1316, %broadcast_in_dim3A_1231, %select_n3A_1223 : vector<16xi1>, vector<16xi32>
      %select_n3A_1324 = arith.select %le3A_1321, %select_n3A_1227, %select_n3A_1322 : vector<16xi1>, vector<16xf32>
      %select_n3A_1325 = arith.select %le3A_1321, %select_n3A_1228, %select_n3A_1323 : vector<16xi1>, vector<16xi32>
      %add3A_1326 = arith.constant 10 : i32
      %add3A_1327 = arith.addi %mul3A_358, %add3A_1326 : i32
      %broadcast_in_dim3A_1328 = vector.broadcast %add3A_1327 : i32 to vector<16xi32>
      %gather3A_1329 = tpu.vector_load_idx %arg7[%broadcast_in_dim3A_1328] : memref<2048xf32, #tpu.memory_space<vmem>>[vector<16xi32>], vector<16xf32>,
      %gather3A_1330 = tpu.vector_load_idx %arg8[%broadcast_in_dim3A_1328] : memref<2048xf32, #tpu.memory_space<vmem>>[vector<16xi32>], vector<16xf32>,
      %sub3A_1331 = arith.subf %gather3A_1329, %gather3A : vector<16xf32>
      %sub3A_1332 = arith.subf %gather3A_1330, %gather3A_15 : vector<16xf32>
      %eq3A_1333 = arith.cmpi eq, %add3A_8, %broadcast_in_dim3A_1328 : vector<16xi32>
      %mul3A_1334 = arith.mulf %sub3A_1331, %sub3A_1331 : vector<16xf32>
      %mul3A_1335 = arith.mulf %sub3A_1332, %sub3A_1332 : vector<16xf32>
      %add3A_1336 = arith.addf %mul3A_1334, %mul3A_1335 : vector<16xf32>
      %broadcast_in_dim3A_1337 = vector.broadcast %scan3A : f32 to vector<16xf32>
      %select_n3A_1338 = arith.select %eq3A_1333, %broadcast_in_dim3A_1337, %add3A_1336 : vector<16xi1>, vector<16xf32>
      %sub3A_1339 = arith.subf %gather3A_1329, %gather3A_18 : vector<16xf32>
      %sub3A_1340 = arith.subf %gather3A_1330, %gather3A_19 : vector<16xf32>
      %eq3A_1341 = arith.cmpi eq, %add3A_14, %broadcast_in_dim3A_1328 : vector<16xi32>
      %mul3A_1342 = arith.mulf %sub3A_1339, %sub3A_1339 : vector<16xf32>
      %mul3A_1343 = arith.mulf %sub3A_1340, %sub3A_1340 : vector<16xf32>
      %add3A_1344 = arith.addf %mul3A_1342, %mul3A_1343 : vector<16xf32>
      %broadcast_in_dim3A_1345 = vector.broadcast %scan3A : f32 to vector<16xf32>
      %select_n3A_1346 = arith.select %eq3A_1341, %broadcast_in_dim3A_1345, %add3A_1344 : vector<16xi1>, vector<16xf32>
      %le3A_1347 = arith.cmpf ole, %select_n3A_1251, %select_n3A_1338 : vector<16xf32>
      %select_n3A_1348 = arith.select %le3A_1347, %select_n3A_1251, %select_n3A_1338 : vector<16xi1>, vector<16xf32>
      %select_n3A_1349 = arith.select %le3A_1347, %select_n3A_1252, %broadcast_in_dim3A_1328 : vector<16xi1>, vector<16xi32>
      %le3A_1350 = arith.cmpf ole, %select_n3A_1256, %select_n3A_1338 : vector<16xf32>
      %select_n3A_1351 = arith.select %le3A_1347, %select_n3A_1338, %select_n3A_1251 : vector<16xi1>, vector<16xf32>
      %select_n3A_1352 = arith.select %le3A_1347, %broadcast_in_dim3A_1328, %select_n3A_1252 : vector<16xi1>, vector<16xi32>
      %select_n3A_1353 = arith.select %le3A_1350, %select_n3A_1256, %select_n3A_1351 : vector<16xi1>, vector<16xf32>
      %select_n3A_1354 = arith.select %le3A_1350, %select_n3A_1257, %select_n3A_1352 : vector<16xi1>, vector<16xi32>
      %le3A_1355 = arith.cmpf ole, %select_n3A_1261, %select_n3A_1338 : vector<16xf32>
      %select_n3A_1356 = arith.select %le3A_1350, %select_n3A_1338, %select_n3A_1256 : vector<16xi1>, vector<16xf32>
      %select_n3A_1357 = arith.select %le3A_1350, %broadcast_in_dim3A_1328, %select_n3A_1257 : vector<16xi1>, vector<16xi32>
      %select_n3A_1358 = arith.select %le3A_1355, %select_n3A_1261, %select_n3A_1356 : vector<16xi1>, vector<16xf32>
      %select_n3A_1359 = arith.select %le3A_1355, %select_n3A_1262, %select_n3A_1357 : vector<16xi1>, vector<16xi32>
      %le3A_1360 = arith.cmpf ole, %select_n3A_1266, %select_n3A_1338 : vector<16xf32>
      %select_n3A_1361 = arith.select %le3A_1355, %select_n3A_1338, %select_n3A_1261 : vector<16xi1>, vector<16xf32>
      %select_n3A_1362 = arith.select %le3A_1355, %broadcast_in_dim3A_1328, %select_n3A_1262 : vector<16xi1>, vector<16xi32>
      %select_n3A_1363 = arith.select %le3A_1360, %select_n3A_1266, %select_n3A_1361 : vector<16xi1>, vector<16xf32>
      %select_n3A_1364 = arith.select %le3A_1360, %select_n3A_1267, %select_n3A_1362 : vector<16xi1>, vector<16xi32>
      %le3A_1365 = arith.cmpf ole, %select_n3A_1271, %select_n3A_1338 : vector<16xf32>
      %select_n3A_1366 = arith.select %le3A_1360, %select_n3A_1338, %select_n3A_1266 : vector<16xi1>, vector<16xf32>
      %select_n3A_1367 = arith.select %le3A_1360, %broadcast_in_dim3A_1328, %select_n3A_1267 : vector<16xi1>, vector<16xi32>
      %select_n3A_1368 = arith.select %le3A_1365, %select_n3A_1271, %select_n3A_1366 : vector<16xi1>, vector<16xf32>
      %select_n3A_1369 = arith.select %le3A_1365, %select_n3A_1272, %select_n3A_1367 : vector<16xi1>, vector<16xi32>
      %le3A_1370 = arith.cmpf ole, %select_n3A_1276, %select_n3A_1338 : vector<16xf32>
      %select_n3A_1371 = arith.select %le3A_1365, %select_n3A_1338, %select_n3A_1271 : vector<16xi1>, vector<16xf32>
      %select_n3A_1372 = arith.select %le3A_1365, %broadcast_in_dim3A_1328, %select_n3A_1272 : vector<16xi1>, vector<16xi32>
      %select_n3A_1373 = arith.select %le3A_1370, %select_n3A_1276, %select_n3A_1371 : vector<16xi1>, vector<16xf32>
      %select_n3A_1374 = arith.select %le3A_1370, %select_n3A_1277, %select_n3A_1372 : vector<16xi1>, vector<16xi32>
      %le3A_1375 = arith.cmpf ole, %select_n3A_1281, %select_n3A_1338 : vector<16xf32>
      %select_n3A_1376 = arith.select %le3A_1370, %select_n3A_1338, %select_n3A_1276 : vector<16xi1>, vector<16xf32>
      %select_n3A_1377 = arith.select %le3A_1370, %broadcast_in_dim3A_1328, %select_n3A_1277 : vector<16xi1>, vector<16xi32>
      %select_n3A_1378 = arith.select %le3A_1375, %select_n3A_1281, %select_n3A_1376 : vector<16xi1>, vector<16xf32>
      %select_n3A_1379 = arith.select %le3A_1375, %select_n3A_1282, %select_n3A_1377 : vector<16xi1>, vector<16xi32>
      %le3A_1380 = arith.cmpf ole, %select_n3A_1286, %select_n3A_1338 : vector<16xf32>
      %select_n3A_1381 = arith.select %le3A_1375, %select_n3A_1338, %select_n3A_1281 : vector<16xi1>, vector<16xf32>
      %select_n3A_1382 = arith.select %le3A_1375, %broadcast_in_dim3A_1328, %select_n3A_1282 : vector<16xi1>, vector<16xi32>
      %select_n3A_1383 = arith.select %le3A_1380, %select_n3A_1286, %select_n3A_1381 : vector<16xi1>, vector<16xf32>
      %select_n3A_1384 = arith.select %le3A_1380, %select_n3A_1287, %select_n3A_1382 : vector<16xi1>, vector<16xi32>
      %le3A_1385 = arith.cmpf ole, %select_n3A_1289, %select_n3A_1346 : vector<16xf32>
      %select_n3A_1386 = arith.select %le3A_1385, %select_n3A_1289, %select_n3A_1346 : vector<16xi1>, vector<16xf32>
      %select_n3A_1387 = arith.select %le3A_1385, %select_n3A_1290, %broadcast_in_dim3A_1328 : vector<16xi1>, vector<16xi32>
      %le3A_1388 = arith.cmpf ole, %select_n3A_1294, %select_n3A_1346 : vector<16xf32>
      %select_n3A_1389 = arith.select %le3A_1385, %select_n3A_1346, %select_n3A_1289 : vector<16xi1>, vector<16xf32>
      %select_n3A_1390 = arith.select %le3A_1385, %broadcast_in_dim3A_1328, %select_n3A_1290 : vector<16xi1>, vector<16xi32>
      %select_n3A_1391 = arith.select %le3A_1388, %select_n3A_1294, %select_n3A_1389 : vector<16xi1>, vector<16xf32>
      %select_n3A_1392 = arith.select %le3A_1388, %select_n3A_1295, %select_n3A_1390 : vector<16xi1>, vector<16xi32>
      %le3A_1393 = arith.cmpf ole, %select_n3A_1299, %select_n3A_1346 : vector<16xf32>
      %select_n3A_1394 = arith.select %le3A_1388, %select_n3A_1346, %select_n3A_1294 : vector<16xi1>, vector<16xf32>
      %select_n3A_1395 = arith.select %le3A_1388, %broadcast_in_dim3A_1328, %select_n3A_1295 : vector<16xi1>, vector<16xi32>
      %select_n3A_1396 = arith.select %le3A_1393, %select_n3A_1299, %select_n3A_1394 : vector<16xi1>, vector<16xf32>
      %select_n3A_1397 = arith.select %le3A_1393, %select_n3A_1300, %select_n3A_1395 : vector<16xi1>, vector<16xi32>
      %le3A_1398 = arith.cmpf ole, %select_n3A_1304, %select_n3A_1346 : vector<16xf32>
      %select_n3A_1399 = arith.select %le3A_1393, %select_n3A_1346, %select_n3A_1299 : vector<16xi1>, vector<16xf32>
      %select_n3A_1400 = arith.select %le3A_1393, %broadcast_in_dim3A_1328, %select_n3A_1300 : vector<16xi1>, vector<16xi32>
      %select_n3A_1401 = arith.select %le3A_1398, %select_n3A_1304, %select_n3A_1399 : vector<16xi1>, vector<16xf32>
      %select_n3A_1402 = arith.select %le3A_1398, %select_n3A_1305, %select_n3A_1400 : vector<16xi1>, vector<16xi32>
      %le3A_1403 = arith.cmpf ole, %select_n3A_1309, %select_n3A_1346 : vector<16xf32>
      %select_n3A_1404 = arith.select %le3A_1398, %select_n3A_1346, %select_n3A_1304 : vector<16xi1>, vector<16xf32>
      %select_n3A_1405 = arith.select %le3A_1398, %broadcast_in_dim3A_1328, %select_n3A_1305 : vector<16xi1>, vector<16xi32>
      %select_n3A_1406 = arith.select %le3A_1403, %select_n3A_1309, %select_n3A_1404 : vector<16xi1>, vector<16xf32>
      %select_n3A_1407 = arith.select %le3A_1403, %select_n3A_1310, %select_n3A_1405 : vector<16xi1>, vector<16xi32>
      %le3A_1408 = arith.cmpf ole, %select_n3A_1314, %select_n3A_1346 : vector<16xf32>
      %select_n3A_1409 = arith.select %le3A_1403, %select_n3A_1346, %select_n3A_1309 : vector<16xi1>, vector<16xf32>
      %select_n3A_1410 = arith.select %le3A_1403, %broadcast_in_dim3A_1328, %select_n3A_1310 : vector<16xi1>, vector<16xi32>
      %select_n3A_1411 = arith.select %le3A_1408, %select_n3A_1314, %select_n3A_1409 : vector<16xi1>, vector<16xf32>
      %select_n3A_1412 = arith.select %le3A_1408, %select_n3A_1315, %select_n3A_1410 : vector<16xi1>, vector<16xi32>
      %le3A_1413 = arith.cmpf ole, %select_n3A_1319, %select_n3A_1346 : vector<16xf32>
      %select_n3A_1414 = arith.select %le3A_1408, %select_n3A_1346, %select_n3A_1314 : vector<16xi1>, vector<16xf32>
      %select_n3A_1415 = arith.select %le3A_1408, %broadcast_in_dim3A_1328, %select_n3A_1315 : vector<16xi1>, vector<16xi32>
      %select_n3A_1416 = arith.select %le3A_1413, %select_n3A_1319, %select_n3A_1414 : vector<16xi1>, vector<16xf32>
      %select_n3A_1417 = arith.select %le3A_1413, %select_n3A_1320, %select_n3A_1415 : vector<16xi1>, vector<16xi32>
      %le3A_1418 = arith.cmpf ole, %select_n3A_1324, %select_n3A_1346 : vector<16xf32>
      %select_n3A_1419 = arith.select %le3A_1413, %select_n3A_1346, %select_n3A_1319 : vector<16xi1>, vector<16xf32>
      %select_n3A_1420 = arith.select %le3A_1413, %broadcast_in_dim3A_1328, %select_n3A_1320 : vector<16xi1>, vector<16xi32>
      %select_n3A_1421 = arith.select %le3A_1418, %select_n3A_1324, %select_n3A_1419 : vector<16xi1>, vector<16xf32>
      %select_n3A_1422 = arith.select %le3A_1418, %select_n3A_1325, %select_n3A_1420 : vector<16xi1>, vector<16xi32>
      %add3A_1423 = arith.constant 11 : i32
      %add3A_1424 = arith.addi %mul3A_358, %add3A_1423 : i32
      %broadcast_in_dim3A_1425 = vector.broadcast %add3A_1424 : i32 to vector<16xi32>
      %gather3A_1426 = tpu.vector_load_idx %arg7[%broadcast_in_dim3A_1425] : memref<2048xf32, #tpu.memory_space<vmem>>[vector<16xi32>], vector<16xf32>,
      %gather3A_1427 = tpu.vector_load_idx %arg8[%broadcast_in_dim3A_1425] : memref<2048xf32, #tpu.memory_space<vmem>>[vector<16xi32>], vector<16xf32>,
      %sub3A_1428 = arith.subf %gather3A_1426, %gather3A : vector<16xf32>
      %sub3A_1429 = arith.subf %gather3A_1427, %gather3A_15 : vector<16xf32>
      %eq3A_1430 = arith.cmpi eq, %add3A_8, %broadcast_in_dim3A_1425 : vector<16xi32>
      %mul3A_1431 = arith.mulf %sub3A_1428, %sub3A_1428 : vector<16xf32>
      %mul3A_1432 = arith.mulf %sub3A_1429, %sub3A_1429 : vector<16xf32>
      %add3A_1433 = arith.addf %mul3A_1431, %mul3A_1432 : vector<16xf32>
      %broadcast_in_dim3A_1434 = vector.broadcast %scan3A : f32 to vector<16xf32>
      %select_n3A_1435 = arith.select %eq3A_1430, %broadcast_in_dim3A_1434, %add3A_1433 : vector<16xi1>, vector<16xf32>
      %sub3A_1436 = arith.subf %gather3A_1426, %gather3A_18 : vector<16xf32>
      %sub3A_1437 = arith.subf %gather3A_1427, %gather3A_19 : vector<16xf32>
      %eq3A_1438 = arith.cmpi eq, %add3A_14, %broadcast_in_dim3A_1425 : vector<16xi32>
      %mul3A_1439 = arith.mulf %sub3A_1436, %sub3A_1436 : vector<16xf32>
      %mul3A_1440 = arith.mulf %sub3A_1437, %sub3A_1437 : vector<16xf32>
      %add3A_1441 = arith.addf %mul3A_1439, %mul3A_1440 : vector<16xf32>
      %broadcast_in_dim3A_1442 = vector.broadcast %scan3A : f32 to vector<16xf32>
      %select_n3A_1443 = arith.select %eq3A_1438, %broadcast_in_dim3A_1442, %add3A_1441 : vector<16xi1>, vector<16xf32>
      %le3A_1444 = arith.cmpf ole, %select_n3A_1348, %select_n3A_1435 : vector<16xf32>
      %select_n3A_1445 = arith.select %le3A_1444, %select_n3A_1348, %select_n3A_1435 : vector<16xi1>, vector<16xf32>
      %select_n3A_1446 = arith.select %le3A_1444, %select_n3A_1349, %broadcast_in_dim3A_1425 : vector<16xi1>, vector<16xi32>
      %le3A_1447 = arith.cmpf ole, %select_n3A_1353, %select_n3A_1435 : vector<16xf32>
      %select_n3A_1448 = arith.select %le3A_1444, %select_n3A_1435, %select_n3A_1348 : vector<16xi1>, vector<16xf32>
      %select_n3A_1449 = arith.select %le3A_1444, %broadcast_in_dim3A_1425, %select_n3A_1349 : vector<16xi1>, vector<16xi32>
      %select_n3A_1450 = arith.select %le3A_1447, %select_n3A_1353, %select_n3A_1448 : vector<16xi1>, vector<16xf32>
      %select_n3A_1451 = arith.select %le3A_1447, %select_n3A_1354, %select_n3A_1449 : vector<16xi1>, vector<16xi32>
      %le3A_1452 = arith.cmpf ole, %select_n3A_1358, %select_n3A_1435 : vector<16xf32>
      %select_n3A_1453 = arith.select %le3A_1447, %select_n3A_1435, %select_n3A_1353 : vector<16xi1>, vector<16xf32>
      %select_n3A_1454 = arith.select %le3A_1447, %broadcast_in_dim3A_1425, %select_n3A_1354 : vector<16xi1>, vector<16xi32>
      %select_n3A_1455 = arith.select %le3A_1452, %select_n3A_1358, %select_n3A_1453 : vector<16xi1>, vector<16xf32>
      %select_n3A_1456 = arith.select %le3A_1452, %select_n3A_1359, %select_n3A_1454 : vector<16xi1>, vector<16xi32>
      %le3A_1457 = arith.cmpf ole, %select_n3A_1363, %select_n3A_1435 : vector<16xf32>
      %select_n3A_1458 = arith.select %le3A_1452, %select_n3A_1435, %select_n3A_1358 : vector<16xi1>, vector<16xf32>
      %select_n3A_1459 = arith.select %le3A_1452, %broadcast_in_dim3A_1425, %select_n3A_1359 : vector<16xi1>, vector<16xi32>
      %select_n3A_1460 = arith.select %le3A_1457, %select_n3A_1363, %select_n3A_1458 : vector<16xi1>, vector<16xf32>
      %select_n3A_1461 = arith.select %le3A_1457, %select_n3A_1364, %select_n3A_1459 : vector<16xi1>, vector<16xi32>
      %le3A_1462 = arith.cmpf ole, %select_n3A_1368, %select_n3A_1435 : vector<16xf32>
      %select_n3A_1463 = arith.select %le3A_1457, %select_n3A_1435, %select_n3A_1363 : vector<16xi1>, vector<16xf32>
      %select_n3A_1464 = arith.select %le3A_1457, %broadcast_in_dim3A_1425, %select_n3A_1364 : vector<16xi1>, vector<16xi32>
      %select_n3A_1465 = arith.select %le3A_1462, %select_n3A_1368, %select_n3A_1463 : vector<16xi1>, vector<16xf32>
      %select_n3A_1466 = arith.select %le3A_1462, %select_n3A_1369, %select_n3A_1464 : vector<16xi1>, vector<16xi32>
      %le3A_1467 = arith.cmpf ole, %select_n3A_1373, %select_n3A_1435 : vector<16xf32>
      %select_n3A_1468 = arith.select %le3A_1462, %select_n3A_1435, %select_n3A_1368 : vector<16xi1>, vector<16xf32>
      %select_n3A_1469 = arith.select %le3A_1462, %broadcast_in_dim3A_1425, %select_n3A_1369 : vector<16xi1>, vector<16xi32>
      %select_n3A_1470 = arith.select %le3A_1467, %select_n3A_1373, %select_n3A_1468 : vector<16xi1>, vector<16xf32>
      %select_n3A_1471 = arith.select %le3A_1467, %select_n3A_1374, %select_n3A_1469 : vector<16xi1>, vector<16xi32>
      %le3A_1472 = arith.cmpf ole, %select_n3A_1378, %select_n3A_1435 : vector<16xf32>
      %select_n3A_1473 = arith.select %le3A_1467, %select_n3A_1435, %select_n3A_1373 : vector<16xi1>, vector<16xf32>
      %select_n3A_1474 = arith.select %le3A_1467, %broadcast_in_dim3A_1425, %select_n3A_1374 : vector<16xi1>, vector<16xi32>
      %select_n3A_1475 = arith.select %le3A_1472, %select_n3A_1378, %select_n3A_1473 : vector<16xi1>, vector<16xf32>
      %select_n3A_1476 = arith.select %le3A_1472, %select_n3A_1379, %select_n3A_1474 : vector<16xi1>, vector<16xi32>
      %le3A_1477 = arith.cmpf ole, %select_n3A_1383, %select_n3A_1435 : vector<16xf32>
      %select_n3A_1478 = arith.select %le3A_1472, %select_n3A_1435, %select_n3A_1378 : vector<16xi1>, vector<16xf32>
      %select_n3A_1479 = arith.select %le3A_1472, %broadcast_in_dim3A_1425, %select_n3A_1379 : vector<16xi1>, vector<16xi32>
      %select_n3A_1480 = arith.select %le3A_1477, %select_n3A_1383, %select_n3A_1478 : vector<16xi1>, vector<16xf32>
      %select_n3A_1481 = arith.select %le3A_1477, %select_n3A_1384, %select_n3A_1479 : vector<16xi1>, vector<16xi32>
      %le3A_1482 = arith.cmpf ole, %select_n3A_1386, %select_n3A_1443 : vector<16xf32>
      %select_n3A_1483 = arith.select %le3A_1482, %select_n3A_1386, %select_n3A_1443 : vector<16xi1>, vector<16xf32>
      %select_n3A_1484 = arith.select %le3A_1482, %select_n3A_1387, %broadcast_in_dim3A_1425 : vector<16xi1>, vector<16xi32>
      %le3A_1485 = arith.cmpf ole, %select_n3A_1391, %select_n3A_1443 : vector<16xf32>
      %select_n3A_1486 = arith.select %le3A_1482, %select_n3A_1443, %select_n3A_1386 : vector<16xi1>, vector<16xf32>
      %select_n3A_1487 = arith.select %le3A_1482, %broadcast_in_dim3A_1425, %select_n3A_1387 : vector<16xi1>, vector<16xi32>
      %select_n3A_1488 = arith.select %le3A_1485, %select_n3A_1391, %select_n3A_1486 : vector<16xi1>, vector<16xf32>
      %select_n3A_1489 = arith.select %le3A_1485, %select_n3A_1392, %select_n3A_1487 : vector<16xi1>, vector<16xi32>
      %le3A_1490 = arith.cmpf ole, %select_n3A_1396, %select_n3A_1443 : vector<16xf32>
      %select_n3A_1491 = arith.select %le3A_1485, %select_n3A_1443, %select_n3A_1391 : vector<16xi1>, vector<16xf32>
      %select_n3A_1492 = arith.select %le3A_1485, %broadcast_in_dim3A_1425, %select_n3A_1392 : vector<16xi1>, vector<16xi32>
      %select_n3A_1493 = arith.select %le3A_1490, %select_n3A_1396, %select_n3A_1491 : vector<16xi1>, vector<16xf32>
      %select_n3A_1494 = arith.select %le3A_1490, %select_n3A_1397, %select_n3A_1492 : vector<16xi1>, vector<16xi32>
      %le3A_1495 = arith.cmpf ole, %select_n3A_1401, %select_n3A_1443 : vector<16xf32>
      %select_n3A_1496 = arith.select %le3A_1490, %select_n3A_1443, %select_n3A_1396 : vector<16xi1>, vector<16xf32>
      %select_n3A_1497 = arith.select %le3A_1490, %broadcast_in_dim3A_1425, %select_n3A_1397 : vector<16xi1>, vector<16xi32>
      %select_n3A_1498 = arith.select %le3A_1495, %select_n3A_1401, %select_n3A_1496 : vector<16xi1>, vector<16xf32>
      %select_n3A_1499 = arith.select %le3A_1495, %select_n3A_1402, %select_n3A_1497 : vector<16xi1>, vector<16xi32>
      %le3A_1500 = arith.cmpf ole, %select_n3A_1406, %select_n3A_1443 : vector<16xf32>
      %select_n3A_1501 = arith.select %le3A_1495, %select_n3A_1443, %select_n3A_1401 : vector<16xi1>, vector<16xf32>
      %select_n3A_1502 = arith.select %le3A_1495, %broadcast_in_dim3A_1425, %select_n3A_1402 : vector<16xi1>, vector<16xi32>
      %select_n3A_1503 = arith.select %le3A_1500, %select_n3A_1406, %select_n3A_1501 : vector<16xi1>, vector<16xf32>
      %select_n3A_1504 = arith.select %le3A_1500, %select_n3A_1407, %select_n3A_1502 : vector<16xi1>, vector<16xi32>
      %le3A_1505 = arith.cmpf ole, %select_n3A_1411, %select_n3A_1443 : vector<16xf32>
      %select_n3A_1506 = arith.select %le3A_1500, %select_n3A_1443, %select_n3A_1406 : vector<16xi1>, vector<16xf32>
      %select_n3A_1507 = arith.select %le3A_1500, %broadcast_in_dim3A_1425, %select_n3A_1407 : vector<16xi1>, vector<16xi32>
      %select_n3A_1508 = arith.select %le3A_1505, %select_n3A_1411, %select_n3A_1506 : vector<16xi1>, vector<16xf32>
      %select_n3A_1509 = arith.select %le3A_1505, %select_n3A_1412, %select_n3A_1507 : vector<16xi1>, vector<16xi32>
      %le3A_1510 = arith.cmpf ole, %select_n3A_1416, %select_n3A_1443 : vector<16xf32>
      %select_n3A_1511 = arith.select %le3A_1505, %select_n3A_1443, %select_n3A_1411 : vector<16xi1>, vector<16xf32>
      %select_n3A_1512 = arith.select %le3A_1505, %broadcast_in_dim3A_1425, %select_n3A_1412 : vector<16xi1>, vector<16xi32>
      %select_n3A_1513 = arith.select %le3A_1510, %select_n3A_1416, %select_n3A_1511 : vector<16xi1>, vector<16xf32>
      %select_n3A_1514 = arith.select %le3A_1510, %select_n3A_1417, %select_n3A_1512 : vector<16xi1>, vector<16xi32>
      %le3A_1515 = arith.cmpf ole, %select_n3A_1421, %select_n3A_1443 : vector<16xf32>
      %select_n3A_1516 = arith.select %le3A_1510, %select_n3A_1443, %select_n3A_1416 : vector<16xi1>, vector<16xf32>
      %select_n3A_1517 = arith.select %le3A_1510, %broadcast_in_dim3A_1425, %select_n3A_1417 : vector<16xi1>, vector<16xi32>
      %select_n3A_1518 = arith.select %le3A_1515, %select_n3A_1421, %select_n3A_1516 : vector<16xi1>, vector<16xf32>
      %select_n3A_1519 = arith.select %le3A_1515, %select_n3A_1422, %select_n3A_1517 : vector<16xi1>, vector<16xi32>
      %add3A_1520 = arith.constant 12 : i32
      %add3A_1521 = arith.addi %mul3A_358, %add3A_1520 : i32
      %broadcast_in_dim3A_1522 = vector.broadcast %add3A_1521 : i32 to vector<16xi32>
      %gather3A_1523 = tpu.vector_load_idx %arg7[%broadcast_in_dim3A_1522] : memref<2048xf32, #tpu.memory_space<vmem>>[vector<16xi32>], vector<16xf32>,
      %gather3A_1524 = tpu.vector_load_idx %arg8[%broadcast_in_dim3A_1522] : memref<2048xf32, #tpu.memory_space<vmem>>[vector<16xi32>], vector<16xf32>,
      %sub3A_1525 = arith.subf %gather3A_1523, %gather3A : vector<16xf32>
      %sub3A_1526 = arith.subf %gather3A_1524, %gather3A_15 : vector<16xf32>
      %eq3A_1527 = arith.cmpi eq, %add3A_8, %broadcast_in_dim3A_1522 : vector<16xi32>
      %mul3A_1528 = arith.mulf %sub3A_1525, %sub3A_1525 : vector<16xf32>
      %mul3A_1529 = arith.mulf %sub3A_1526, %sub3A_1526 : vector<16xf32>
      %add3A_1530 = arith.addf %mul3A_1528, %mul3A_1529 : vector<16xf32>
      %broadcast_in_dim3A_1531 = vector.broadcast %scan3A : f32 to vector<16xf32>
      %select_n3A_1532 = arith.select %eq3A_1527, %broadcast_in_dim3A_1531, %add3A_1530 : vector<16xi1>, vector<16xf32>
      %sub3A_1533 = arith.subf %gather3A_1523, %gather3A_18 : vector<16xf32>
      %sub3A_1534 = arith.subf %gather3A_1524, %gather3A_19 : vector<16xf32>
      %eq3A_1535 = arith.cmpi eq, %add3A_14, %broadcast_in_dim3A_1522 : vector<16xi32>
      %mul3A_1536 = arith.mulf %sub3A_1533, %sub3A_1533 : vector<16xf32>
      %mul3A_1537 = arith.mulf %sub3A_1534, %sub3A_1534 : vector<16xf32>
      %add3A_1538 = arith.addf %mul3A_1536, %mul3A_1537 : vector<16xf32>
      %broadcast_in_dim3A_1539 = vector.broadcast %scan3A : f32 to vector<16xf32>
      %select_n3A_1540 = arith.select %eq3A_1535, %broadcast_in_dim3A_1539, %add3A_1538 : vector<16xi1>, vector<16xf32>
      %le3A_1541 = arith.cmpf ole, %select_n3A_1445, %select_n3A_1532 : vector<16xf32>
      %select_n3A_1542 = arith.select %le3A_1541, %select_n3A_1445, %select_n3A_1532 : vector<16xi1>, vector<16xf32>
      %select_n3A_1543 = arith.select %le3A_1541, %select_n3A_1446, %broadcast_in_dim3A_1522 : vector<16xi1>, vector<16xi32>
      %le3A_1544 = arith.cmpf ole, %select_n3A_1450, %select_n3A_1532 : vector<16xf32>
      %select_n3A_1545 = arith.select %le3A_1541, %select_n3A_1532, %select_n3A_1445 : vector<16xi1>, vector<16xf32>
      %select_n3A_1546 = arith.select %le3A_1541, %broadcast_in_dim3A_1522, %select_n3A_1446 : vector<16xi1>, vector<16xi32>
      %select_n3A_1547 = arith.select %le3A_1544, %select_n3A_1450, %select_n3A_1545 : vector<16xi1>, vector<16xf32>
      %select_n3A_1548 = arith.select %le3A_1544, %select_n3A_1451, %select_n3A_1546 : vector<16xi1>, vector<16xi32>
      %le3A_1549 = arith.cmpf ole, %select_n3A_1455, %select_n3A_1532 : vector<16xf32>
      %select_n3A_1550 = arith.select %le3A_1544, %select_n3A_1532, %select_n3A_1450 : vector<16xi1>, vector<16xf32>
      %select_n3A_1551 = arith.select %le3A_1544, %broadcast_in_dim3A_1522, %select_n3A_1451 : vector<16xi1>, vector<16xi32>
      %select_n3A_1552 = arith.select %le3A_1549, %select_n3A_1455, %select_n3A_1550 : vector<16xi1>, vector<16xf32>
      %select_n3A_1553 = arith.select %le3A_1549, %select_n3A_1456, %select_n3A_1551 : vector<16xi1>, vector<16xi32>
      %le3A_1554 = arith.cmpf ole, %select_n3A_1460, %select_n3A_1532 : vector<16xf32>
      %select_n3A_1555 = arith.select %le3A_1549, %select_n3A_1532, %select_n3A_1455 : vector<16xi1>, vector<16xf32>
      %select_n3A_1556 = arith.select %le3A_1549, %broadcast_in_dim3A_1522, %select_n3A_1456 : vector<16xi1>, vector<16xi32>
      %select_n3A_1557 = arith.select %le3A_1554, %select_n3A_1460, %select_n3A_1555 : vector<16xi1>, vector<16xf32>
      %select_n3A_1558 = arith.select %le3A_1554, %select_n3A_1461, %select_n3A_1556 : vector<16xi1>, vector<16xi32>
      %le3A_1559 = arith.cmpf ole, %select_n3A_1465, %select_n3A_1532 : vector<16xf32>
      %select_n3A_1560 = arith.select %le3A_1554, %select_n3A_1532, %select_n3A_1460 : vector<16xi1>, vector<16xf32>
      %select_n3A_1561 = arith.select %le3A_1554, %broadcast_in_dim3A_1522, %select_n3A_1461 : vector<16xi1>, vector<16xi32>
      %select_n3A_1562 = arith.select %le3A_1559, %select_n3A_1465, %select_n3A_1560 : vector<16xi1>, vector<16xf32>
      %select_n3A_1563 = arith.select %le3A_1559, %select_n3A_1466, %select_n3A_1561 : vector<16xi1>, vector<16xi32>
      %le3A_1564 = arith.cmpf ole, %select_n3A_1470, %select_n3A_1532 : vector<16xf32>
      %select_n3A_1565 = arith.select %le3A_1559, %select_n3A_1532, %select_n3A_1465 : vector<16xi1>, vector<16xf32>
      %select_n3A_1566 = arith.select %le3A_1559, %broadcast_in_dim3A_1522, %select_n3A_1466 : vector<16xi1>, vector<16xi32>
      %select_n3A_1567 = arith.select %le3A_1564, %select_n3A_1470, %select_n3A_1565 : vector<16xi1>, vector<16xf32>
      %select_n3A_1568 = arith.select %le3A_1564, %select_n3A_1471, %select_n3A_1566 : vector<16xi1>, vector<16xi32>
      %le3A_1569 = arith.cmpf ole, %select_n3A_1475, %select_n3A_1532 : vector<16xf32>
      %select_n3A_1570 = arith.select %le3A_1564, %select_n3A_1532, %select_n3A_1470 : vector<16xi1>, vector<16xf32>
      %select_n3A_1571 = arith.select %le3A_1564, %broadcast_in_dim3A_1522, %select_n3A_1471 : vector<16xi1>, vector<16xi32>
      %select_n3A_1572 = arith.select %le3A_1569, %select_n3A_1475, %select_n3A_1570 : vector<16xi1>, vector<16xf32>
      %select_n3A_1573 = arith.select %le3A_1569, %select_n3A_1476, %select_n3A_1571 : vector<16xi1>, vector<16xi32>
      %le3A_1574 = arith.cmpf ole, %select_n3A_1480, %select_n3A_1532 : vector<16xf32>
      %select_n3A_1575 = arith.select %le3A_1569, %select_n3A_1532, %select_n3A_1475 : vector<16xi1>, vector<16xf32>
      %select_n3A_1576 = arith.select %le3A_1569, %broadcast_in_dim3A_1522, %select_n3A_1476 : vector<16xi1>, vector<16xi32>
      %select_n3A_1577 = arith.select %le3A_1574, %select_n3A_1480, %select_n3A_1575 : vector<16xi1>, vector<16xf32>
      %select_n3A_1578 = arith.select %le3A_1574, %select_n3A_1481, %select_n3A_1576 : vector<16xi1>, vector<16xi32>
      %le3A_1579 = arith.cmpf ole, %select_n3A_1483, %select_n3A_1540 : vector<16xf32>
      %select_n3A_1580 = arith.select %le3A_1579, %select_n3A_1483, %select_n3A_1540 : vector<16xi1>, vector<16xf32>
      %select_n3A_1581 = arith.select %le3A_1579, %select_n3A_1484, %broadcast_in_dim3A_1522 : vector<16xi1>, vector<16xi32>
      %le3A_1582 = arith.cmpf ole, %select_n3A_1488, %select_n3A_1540 : vector<16xf32>
      %select_n3A_1583 = arith.select %le3A_1579, %select_n3A_1540, %select_n3A_1483 : vector<16xi1>, vector<16xf32>
      %select_n3A_1584 = arith.select %le3A_1579, %broadcast_in_dim3A_1522, %select_n3A_1484 : vector<16xi1>, vector<16xi32>
      %select_n3A_1585 = arith.select %le3A_1582, %select_n3A_1488, %select_n3A_1583 : vector<16xi1>, vector<16xf32>
      %select_n3A_1586 = arith.select %le3A_1582, %select_n3A_1489, %select_n3A_1584 : vector<16xi1>, vector<16xi32>
      %le3A_1587 = arith.cmpf ole, %select_n3A_1493, %select_n3A_1540 : vector<16xf32>
      %select_n3A_1588 = arith.select %le3A_1582, %select_n3A_1540, %select_n3A_1488 : vector<16xi1>, vector<16xf32>
      %select_n3A_1589 = arith.select %le3A_1582, %broadcast_in_dim3A_1522, %select_n3A_1489 : vector<16xi1>, vector<16xi32>
      %select_n3A_1590 = arith.select %le3A_1587, %select_n3A_1493, %select_n3A_1588 : vector<16xi1>, vector<16xf32>
      %select_n3A_1591 = arith.select %le3A_1587, %select_n3A_1494, %select_n3A_1589 : vector<16xi1>, vector<16xi32>
      %le3A_1592 = arith.cmpf ole, %select_n3A_1498, %select_n3A_1540 : vector<16xf32>
      %select_n3A_1593 = arith.select %le3A_1587, %select_n3A_1540, %select_n3A_1493 : vector<16xi1>, vector<16xf32>
      %select_n3A_1594 = arith.select %le3A_1587, %broadcast_in_dim3A_1522, %select_n3A_1494 : vector<16xi1>, vector<16xi32>
      %select_n3A_1595 = arith.select %le3A_1592, %select_n3A_1498, %select_n3A_1593 : vector<16xi1>, vector<16xf32>
      %select_n3A_1596 = arith.select %le3A_1592, %select_n3A_1499, %select_n3A_1594 : vector<16xi1>, vector<16xi32>
      %le3A_1597 = arith.cmpf ole, %select_n3A_1503, %select_n3A_1540 : vector<16xf32>
      %select_n3A_1598 = arith.select %le3A_1592, %select_n3A_1540, %select_n3A_1498 : vector<16xi1>, vector<16xf32>
      %select_n3A_1599 = arith.select %le3A_1592, %broadcast_in_dim3A_1522, %select_n3A_1499 : vector<16xi1>, vector<16xi32>
      %select_n3A_1600 = arith.select %le3A_1597, %select_n3A_1503, %select_n3A_1598 : vector<16xi1>, vector<16xf32>
      %select_n3A_1601 = arith.select %le3A_1597, %select_n3A_1504, %select_n3A_1599 : vector<16xi1>, vector<16xi32>
      %le3A_1602 = arith.cmpf ole, %select_n3A_1508, %select_n3A_1540 : vector<16xf32>
      %select_n3A_1603 = arith.select %le3A_1597, %select_n3A_1540, %select_n3A_1503 : vector<16xi1>, vector<16xf32>
      %select_n3A_1604 = arith.select %le3A_1597, %broadcast_in_dim3A_1522, %select_n3A_1504 : vector<16xi1>, vector<16xi32>
      %select_n3A_1605 = arith.select %le3A_1602, %select_n3A_1508, %select_n3A_1603 : vector<16xi1>, vector<16xf32>
      %select_n3A_1606 = arith.select %le3A_1602, %select_n3A_1509, %select_n3A_1604 : vector<16xi1>, vector<16xi32>
      %le3A_1607 = arith.cmpf ole, %select_n3A_1513, %select_n3A_1540 : vector<16xf32>
      %select_n3A_1608 = arith.select %le3A_1602, %select_n3A_1540, %select_n3A_1508 : vector<16xi1>, vector<16xf32>
      %select_n3A_1609 = arith.select %le3A_1602, %broadcast_in_dim3A_1522, %select_n3A_1509 : vector<16xi1>, vector<16xi32>
      %select_n3A_1610 = arith.select %le3A_1607, %select_n3A_1513, %select_n3A_1608 : vector<16xi1>, vector<16xf32>
      %select_n3A_1611 = arith.select %le3A_1607, %select_n3A_1514, %select_n3A_1609 : vector<16xi1>, vector<16xi32>
      %le3A_1612 = arith.cmpf ole, %select_n3A_1518, %select_n3A_1540 : vector<16xf32>
      %select_n3A_1613 = arith.select %le3A_1607, %select_n3A_1540, %select_n3A_1513 : vector<16xi1>, vector<16xf32>
      %select_n3A_1614 = arith.select %le3A_1607, %broadcast_in_dim3A_1522, %select_n3A_1514 : vector<16xi1>, vector<16xi32>
      %select_n3A_1615 = arith.select %le3A_1612, %select_n3A_1518, %select_n3A_1613 : vector<16xi1>, vector<16xf32>
      %select_n3A_1616 = arith.select %le3A_1612, %select_n3A_1519, %select_n3A_1614 : vector<16xi1>, vector<16xi32>
      %add3A_1617 = arith.constant 13 : i32
      %add3A_1618 = arith.addi %mul3A_358, %add3A_1617 : i32
      %broadcast_in_dim3A_1619 = vector.broadcast %add3A_1618 : i32 to vector<16xi32>
      %gather3A_1620 = tpu.vector_load_idx %arg7[%broadcast_in_dim3A_1619] : memref<2048xf32, #tpu.memory_space<vmem>>[vector<16xi32>], vector<16xf32>,
      %gather3A_1621 = tpu.vector_load_idx %arg8[%broadcast_in_dim3A_1619] : memref<2048xf32, #tpu.memory_space<vmem>>[vector<16xi32>], vector<16xf32>,
      %sub3A_1622 = arith.subf %gather3A_1620, %gather3A : vector<16xf32>
      %sub3A_1623 = arith.subf %gather3A_1621, %gather3A_15 : vector<16xf32>
      %eq3A_1624 = arith.cmpi eq, %add3A_8, %broadcast_in_dim3A_1619 : vector<16xi32>
      %mul3A_1625 = arith.mulf %sub3A_1622, %sub3A_1622 : vector<16xf32>
      %mul3A_1626 = arith.mulf %sub3A_1623, %sub3A_1623 : vector<16xf32>
      %add3A_1627 = arith.addf %mul3A_1625, %mul3A_1626 : vector<16xf32>
      %broadcast_in_dim3A_1628 = vector.broadcast %scan3A : f32 to vector<16xf32>
      %select_n3A_1629 = arith.select %eq3A_1624, %broadcast_in_dim3A_1628, %add3A_1627 : vector<16xi1>, vector<16xf32>
      %sub3A_1630 = arith.subf %gather3A_1620, %gather3A_18 : vector<16xf32>
      %sub3A_1631 = arith.subf %gather3A_1621, %gather3A_19 : vector<16xf32>
      %eq3A_1632 = arith.cmpi eq, %add3A_14, %broadcast_in_dim3A_1619 : vector<16xi32>
      %mul3A_1633 = arith.mulf %sub3A_1630, %sub3A_1630 : vector<16xf32>
      %mul3A_1634 = arith.mulf %sub3A_1631, %sub3A_1631 : vector<16xf32>
      %add3A_1635 = arith.addf %mul3A_1633, %mul3A_1634 : vector<16xf32>
      %broadcast_in_dim3A_1636 = vector.broadcast %scan3A : f32 to vector<16xf32>
      %select_n3A_1637 = arith.select %eq3A_1632, %broadcast_in_dim3A_1636, %add3A_1635 : vector<16xi1>, vector<16xf32>
      %le3A_1638 = arith.cmpf ole, %select_n3A_1542, %select_n3A_1629 : vector<16xf32>
      %select_n3A_1639 = arith.select %le3A_1638, %select_n3A_1542, %select_n3A_1629 : vector<16xi1>, vector<16xf32>
      %select_n3A_1640 = arith.select %le3A_1638, %select_n3A_1543, %broadcast_in_dim3A_1619 : vector<16xi1>, vector<16xi32>
      %le3A_1641 = arith.cmpf ole, %select_n3A_1547, %select_n3A_1629 : vector<16xf32>
      %select_n3A_1642 = arith.select %le3A_1638, %select_n3A_1629, %select_n3A_1542 : vector<16xi1>, vector<16xf32>
      %select_n3A_1643 = arith.select %le3A_1638, %broadcast_in_dim3A_1619, %select_n3A_1543 : vector<16xi1>, vector<16xi32>
      %select_n3A_1644 = arith.select %le3A_1641, %select_n3A_1547, %select_n3A_1642 : vector<16xi1>, vector<16xf32>
      %select_n3A_1645 = arith.select %le3A_1641, %select_n3A_1548, %select_n3A_1643 : vector<16xi1>, vector<16xi32>
      %le3A_1646 = arith.cmpf ole, %select_n3A_1552, %select_n3A_1629 : vector<16xf32>
      %select_n3A_1647 = arith.select %le3A_1641, %select_n3A_1629, %select_n3A_1547 : vector<16xi1>, vector<16xf32>
      %select_n3A_1648 = arith.select %le3A_1641, %broadcast_in_dim3A_1619, %select_n3A_1548 : vector<16xi1>, vector<16xi32>
      %select_n3A_1649 = arith.select %le3A_1646, %select_n3A_1552, %select_n3A_1647 : vector<16xi1>, vector<16xf32>
      %select_n3A_1650 = arith.select %le3A_1646, %select_n3A_1553, %select_n3A_1648 : vector<16xi1>, vector<16xi32>
      %le3A_1651 = arith.cmpf ole, %select_n3A_1557, %select_n3A_1629 : vector<16xf32>
      %select_n3A_1652 = arith.select %le3A_1646, %select_n3A_1629, %select_n3A_1552 : vector<16xi1>, vector<16xf32>
      %select_n3A_1653 = arith.select %le3A_1646, %broadcast_in_dim3A_1619, %select_n3A_1553 : vector<16xi1>, vector<16xi32>
      %select_n3A_1654 = arith.select %le3A_1651, %select_n3A_1557, %select_n3A_1652 : vector<16xi1>, vector<16xf32>
      %select_n3A_1655 = arith.select %le3A_1651, %select_n3A_1558, %select_n3A_1653 : vector<16xi1>, vector<16xi32>
      %le3A_1656 = arith.cmpf ole, %select_n3A_1562, %select_n3A_1629 : vector<16xf32>
      %select_n3A_1657 = arith.select %le3A_1651, %select_n3A_1629, %select_n3A_1557 : vector<16xi1>, vector<16xf32>
      %select_n3A_1658 = arith.select %le3A_1651, %broadcast_in_dim3A_1619, %select_n3A_1558 : vector<16xi1>, vector<16xi32>
      %select_n3A_1659 = arith.select %le3A_1656, %select_n3A_1562, %select_n3A_1657 : vector<16xi1>, vector<16xf32>
      %select_n3A_1660 = arith.select %le3A_1656, %select_n3A_1563, %select_n3A_1658 : vector<16xi1>, vector<16xi32>
      %le3A_1661 = arith.cmpf ole, %select_n3A_1567, %select_n3A_1629 : vector<16xf32>
      %select_n3A_1662 = arith.select %le3A_1656, %select_n3A_1629, %select_n3A_1562 : vector<16xi1>, vector<16xf32>
      %select_n3A_1663 = arith.select %le3A_1656, %broadcast_in_dim3A_1619, %select_n3A_1563 : vector<16xi1>, vector<16xi32>
      %select_n3A_1664 = arith.select %le3A_1661, %select_n3A_1567, %select_n3A_1662 : vector<16xi1>, vector<16xf32>
      %select_n3A_1665 = arith.select %le3A_1661, %select_n3A_1568, %select_n3A_1663 : vector<16xi1>, vector<16xi32>
      %le3A_1666 = arith.cmpf ole, %select_n3A_1572, %select_n3A_1629 : vector<16xf32>
      %select_n3A_1667 = arith.select %le3A_1661, %select_n3A_1629, %select_n3A_1567 : vector<16xi1>, vector<16xf32>
      %select_n3A_1668 = arith.select %le3A_1661, %broadcast_in_dim3A_1619, %select_n3A_1568 : vector<16xi1>, vector<16xi32>
      %select_n3A_1669 = arith.select %le3A_1666, %select_n3A_1572, %select_n3A_1667 : vector<16xi1>, vector<16xf32>
      %select_n3A_1670 = arith.select %le3A_1666, %select_n3A_1573, %select_n3A_1668 : vector<16xi1>, vector<16xi32>
      %le3A_1671 = arith.cmpf ole, %select_n3A_1577, %select_n3A_1629 : vector<16xf32>
      %select_n3A_1672 = arith.select %le3A_1666, %select_n3A_1629, %select_n3A_1572 : vector<16xi1>, vector<16xf32>
      %select_n3A_1673 = arith.select %le3A_1666, %broadcast_in_dim3A_1619, %select_n3A_1573 : vector<16xi1>, vector<16xi32>
      %select_n3A_1674 = arith.select %le3A_1671, %select_n3A_1577, %select_n3A_1672 : vector<16xi1>, vector<16xf32>
      %select_n3A_1675 = arith.select %le3A_1671, %select_n3A_1578, %select_n3A_1673 : vector<16xi1>, vector<16xi32>
      %le3A_1676 = arith.cmpf ole, %select_n3A_1580, %select_n3A_1637 : vector<16xf32>
      %select_n3A_1677 = arith.select %le3A_1676, %select_n3A_1580, %select_n3A_1637 : vector<16xi1>, vector<16xf32>
      %select_n3A_1678 = arith.select %le3A_1676, %select_n3A_1581, %broadcast_in_dim3A_1619 : vector<16xi1>, vector<16xi32>
      %le3A_1679 = arith.cmpf ole, %select_n3A_1585, %select_n3A_1637 : vector<16xf32>
      %select_n3A_1680 = arith.select %le3A_1676, %select_n3A_1637, %select_n3A_1580 : vector<16xi1>, vector<16xf32>
      %select_n3A_1681 = arith.select %le3A_1676, %broadcast_in_dim3A_1619, %select_n3A_1581 : vector<16xi1>, vector<16xi32>
      %select_n3A_1682 = arith.select %le3A_1679, %select_n3A_1585, %select_n3A_1680 : vector<16xi1>, vector<16xf32>
      %select_n3A_1683 = arith.select %le3A_1679, %select_n3A_1586, %select_n3A_1681 : vector<16xi1>, vector<16xi32>
      %le3A_1684 = arith.cmpf ole, %select_n3A_1590, %select_n3A_1637 : vector<16xf32>
      %select_n3A_1685 = arith.select %le3A_1679, %select_n3A_1637, %select_n3A_1585 : vector<16xi1>, vector<16xf32>
      %select_n3A_1686 = arith.select %le3A_1679, %broadcast_in_dim3A_1619, %select_n3A_1586 : vector<16xi1>, vector<16xi32>
      %select_n3A_1687 = arith.select %le3A_1684, %select_n3A_1590, %select_n3A_1685 : vector<16xi1>, vector<16xf32>
      %select_n3A_1688 = arith.select %le3A_1684, %select_n3A_1591, %select_n3A_1686 : vector<16xi1>, vector<16xi32>
      %le3A_1689 = arith.cmpf ole, %select_n3A_1595, %select_n3A_1637 : vector<16xf32>
      %select_n3A_1690 = arith.select %le3A_1684, %select_n3A_1637, %select_n3A_1590 : vector<16xi1>, vector<16xf32>
      %select_n3A_1691 = arith.select %le3A_1684, %broadcast_in_dim3A_1619, %select_n3A_1591 : vector<16xi1>, vector<16xi32>
      %select_n3A_1692 = arith.select %le3A_1689, %select_n3A_1595, %select_n3A_1690 : vector<16xi1>, vector<16xf32>
      %select_n3A_1693 = arith.select %le3A_1689, %select_n3A_1596, %select_n3A_1691 : vector<16xi1>, vector<16xi32>
      %le3A_1694 = arith.cmpf ole, %select_n3A_1600, %select_n3A_1637 : vector<16xf32>
      %select_n3A_1695 = arith.select %le3A_1689, %select_n3A_1637, %select_n3A_1595 : vector<16xi1>, vector<16xf32>
      %select_n3A_1696 = arith.select %le3A_1689, %broadcast_in_dim3A_1619, %select_n3A_1596 : vector<16xi1>, vector<16xi32>
      %select_n3A_1697 = arith.select %le3A_1694, %select_n3A_1600, %select_n3A_1695 : vector<16xi1>, vector<16xf32>
      %select_n3A_1698 = arith.select %le3A_1694, %select_n3A_1601, %select_n3A_1696 : vector<16xi1>, vector<16xi32>
      %le3A_1699 = arith.cmpf ole, %select_n3A_1605, %select_n3A_1637 : vector<16xf32>
      %select_n3A_1700 = arith.select %le3A_1694, %select_n3A_1637, %select_n3A_1600 : vector<16xi1>, vector<16xf32>
      %select_n3A_1701 = arith.select %le3A_1694, %broadcast_in_dim3A_1619, %select_n3A_1601 : vector<16xi1>, vector<16xi32>
      %select_n3A_1702 = arith.select %le3A_1699, %select_n3A_1605, %select_n3A_1700 : vector<16xi1>, vector<16xf32>
      %select_n3A_1703 = arith.select %le3A_1699, %select_n3A_1606, %select_n3A_1701 : vector<16xi1>, vector<16xi32>
      %le3A_1704 = arith.cmpf ole, %select_n3A_1610, %select_n3A_1637 : vector<16xf32>
      %select_n3A_1705 = arith.select %le3A_1699, %select_n3A_1637, %select_n3A_1605 : vector<16xi1>, vector<16xf32>
      %select_n3A_1706 = arith.select %le3A_1699, %broadcast_in_dim3A_1619, %select_n3A_1606 : vector<16xi1>, vector<16xi32>
      %select_n3A_1707 = arith.select %le3A_1704, %select_n3A_1610, %select_n3A_1705 : vector<16xi1>, vector<16xf32>
      %select_n3A_1708 = arith.select %le3A_1704, %select_n3A_1611, %select_n3A_1706 : vector<16xi1>, vector<16xi32>
      %le3A_1709 = arith.cmpf ole, %select_n3A_1615, %select_n3A_1637 : vector<16xf32>
      %select_n3A_1710 = arith.select %le3A_1704, %select_n3A_1637, %select_n3A_1610 : vector<16xi1>, vector<16xf32>
      %select_n3A_1711 = arith.select %le3A_1704, %broadcast_in_dim3A_1619, %select_n3A_1611 : vector<16xi1>, vector<16xi32>
      %select_n3A_1712 = arith.select %le3A_1709, %select_n3A_1615, %select_n3A_1710 : vector<16xi1>, vector<16xf32>
      %select_n3A_1713 = arith.select %le3A_1709, %select_n3A_1616, %select_n3A_1711 : vector<16xi1>, vector<16xi32>
      %add3A_1714 = arith.constant 14 : i32
      %add3A_1715 = arith.addi %mul3A_358, %add3A_1714 : i32
      %broadcast_in_dim3A_1716 = vector.broadcast %add3A_1715 : i32 to vector<16xi32>
      %gather3A_1717 = tpu.vector_load_idx %arg7[%broadcast_in_dim3A_1716] : memref<2048xf32, #tpu.memory_space<vmem>>[vector<16xi32>], vector<16xf32>,
      %gather3A_1718 = tpu.vector_load_idx %arg8[%broadcast_in_dim3A_1716] : memref<2048xf32, #tpu.memory_space<vmem>>[vector<16xi32>], vector<16xf32>,
      %sub3A_1719 = arith.subf %gather3A_1717, %gather3A : vector<16xf32>
      %sub3A_1720 = arith.subf %gather3A_1718, %gather3A_15 : vector<16xf32>
      %eq3A_1721 = arith.cmpi eq, %add3A_8, %broadcast_in_dim3A_1716 : vector<16xi32>
      %mul3A_1722 = arith.mulf %sub3A_1719, %sub3A_1719 : vector<16xf32>
      %mul3A_1723 = arith.mulf %sub3A_1720, %sub3A_1720 : vector<16xf32>
      %add3A_1724 = arith.addf %mul3A_1722, %mul3A_1723 : vector<16xf32>
      %broadcast_in_dim3A_1725 = vector.broadcast %scan3A : f32 to vector<16xf32>
      %select_n3A_1726 = arith.select %eq3A_1721, %broadcast_in_dim3A_1725, %add3A_1724 : vector<16xi1>, vector<16xf32>
      %sub3A_1727 = arith.subf %gather3A_1717, %gather3A_18 : vector<16xf32>
      %sub3A_1728 = arith.subf %gather3A_1718, %gather3A_19 : vector<16xf32>
      %eq3A_1729 = arith.cmpi eq, %add3A_14, %broadcast_in_dim3A_1716 : vector<16xi32>
      %mul3A_1730 = arith.mulf %sub3A_1727, %sub3A_1727 : vector<16xf32>
      %mul3A_1731 = arith.mulf %sub3A_1728, %sub3A_1728 : vector<16xf32>
      %add3A_1732 = arith.addf %mul3A_1730, %mul3A_1731 : vector<16xf32>
      %broadcast_in_dim3A_1733 = vector.broadcast %scan3A : f32 to vector<16xf32>
      %select_n3A_1734 = arith.select %eq3A_1729, %broadcast_in_dim3A_1733, %add3A_1732 : vector<16xi1>, vector<16xf32>
      %le3A_1735 = arith.cmpf ole, %select_n3A_1639, %select_n3A_1726 : vector<16xf32>
      %select_n3A_1736 = arith.select %le3A_1735, %select_n3A_1639, %select_n3A_1726 : vector<16xi1>, vector<16xf32>
      %select_n3A_1737 = arith.select %le3A_1735, %select_n3A_1640, %broadcast_in_dim3A_1716 : vector<16xi1>, vector<16xi32>
      %le3A_1738 = arith.cmpf ole, %select_n3A_1644, %select_n3A_1726 : vector<16xf32>
      %select_n3A_1739 = arith.select %le3A_1735, %select_n3A_1726, %select_n3A_1639 : vector<16xi1>, vector<16xf32>
      %select_n3A_1740 = arith.select %le3A_1735, %broadcast_in_dim3A_1716, %select_n3A_1640 : vector<16xi1>, vector<16xi32>
      %select_n3A_1741 = arith.select %le3A_1738, %select_n3A_1644, %select_n3A_1739 : vector<16xi1>, vector<16xf32>
      %select_n3A_1742 = arith.select %le3A_1738, %select_n3A_1645, %select_n3A_1740 : vector<16xi1>, vector<16xi32>
      %le3A_1743 = arith.cmpf ole, %select_n3A_1649, %select_n3A_1726 : vector<16xf32>
      %select_n3A_1744 = arith.select %le3A_1738, %select_n3A_1726, %select_n3A_1644 : vector<16xi1>, vector<16xf32>
      %select_n3A_1745 = arith.select %le3A_1738, %broadcast_in_dim3A_1716, %select_n3A_1645 : vector<16xi1>, vector<16xi32>
      %select_n3A_1746 = arith.select %le3A_1743, %select_n3A_1649, %select_n3A_1744 : vector<16xi1>, vector<16xf32>
      %select_n3A_1747 = arith.select %le3A_1743, %select_n3A_1650, %select_n3A_1745 : vector<16xi1>, vector<16xi32>
      %le3A_1748 = arith.cmpf ole, %select_n3A_1654, %select_n3A_1726 : vector<16xf32>
      %select_n3A_1749 = arith.select %le3A_1743, %select_n3A_1726, %select_n3A_1649 : vector<16xi1>, vector<16xf32>
      %select_n3A_1750 = arith.select %le3A_1743, %broadcast_in_dim3A_1716, %select_n3A_1650 : vector<16xi1>, vector<16xi32>
      %select_n3A_1751 = arith.select %le3A_1748, %select_n3A_1654, %select_n3A_1749 : vector<16xi1>, vector<16xf32>
      %select_n3A_1752 = arith.select %le3A_1748, %select_n3A_1655, %select_n3A_1750 : vector<16xi1>, vector<16xi32>
      %le3A_1753 = arith.cmpf ole, %select_n3A_1659, %select_n3A_1726 : vector<16xf32>
      %select_n3A_1754 = arith.select %le3A_1748, %select_n3A_1726, %select_n3A_1654 : vector<16xi1>, vector<16xf32>
      %select_n3A_1755 = arith.select %le3A_1748, %broadcast_in_dim3A_1716, %select_n3A_1655 : vector<16xi1>, vector<16xi32>
      %select_n3A_1756 = arith.select %le3A_1753, %select_n3A_1659, %select_n3A_1754 : vector<16xi1>, vector<16xf32>
      %select_n3A_1757 = arith.select %le3A_1753, %select_n3A_1660, %select_n3A_1755 : vector<16xi1>, vector<16xi32>
      %le3A_1758 = arith.cmpf ole, %select_n3A_1664, %select_n3A_1726 : vector<16xf32>
      %select_n3A_1759 = arith.select %le3A_1753, %select_n3A_1726, %select_n3A_1659 : vector<16xi1>, vector<16xf32>
      %select_n3A_1760 = arith.select %le3A_1753, %broadcast_in_dim3A_1716, %select_n3A_1660 : vector<16xi1>, vector<16xi32>
      %select_n3A_1761 = arith.select %le3A_1758, %select_n3A_1664, %select_n3A_1759 : vector<16xi1>, vector<16xf32>
      %select_n3A_1762 = arith.select %le3A_1758, %select_n3A_1665, %select_n3A_1760 : vector<16xi1>, vector<16xi32>
      %le3A_1763 = arith.cmpf ole, %select_n3A_1669, %select_n3A_1726 : vector<16xf32>
      %select_n3A_1764 = arith.select %le3A_1758, %select_n3A_1726, %select_n3A_1664 : vector<16xi1>, vector<16xf32>
      %select_n3A_1765 = arith.select %le3A_1758, %broadcast_in_dim3A_1716, %select_n3A_1665 : vector<16xi1>, vector<16xi32>
      %select_n3A_1766 = arith.select %le3A_1763, %select_n3A_1669, %select_n3A_1764 : vector<16xi1>, vector<16xf32>
      %select_n3A_1767 = arith.select %le3A_1763, %select_n3A_1670, %select_n3A_1765 : vector<16xi1>, vector<16xi32>
      %le3A_1768 = arith.cmpf ole, %select_n3A_1674, %select_n3A_1726 : vector<16xf32>
      %select_n3A_1769 = arith.select %le3A_1763, %select_n3A_1726, %select_n3A_1669 : vector<16xi1>, vector<16xf32>
      %select_n3A_1770 = arith.select %le3A_1763, %broadcast_in_dim3A_1716, %select_n3A_1670 : vector<16xi1>, vector<16xi32>
      %select_n3A_1771 = arith.select %le3A_1768, %select_n3A_1674, %select_n3A_1769 : vector<16xi1>, vector<16xf32>
      %select_n3A_1772 = arith.select %le3A_1768, %select_n3A_1675, %select_n3A_1770 : vector<16xi1>, vector<16xi32>
      %le3A_1773 = arith.cmpf ole, %select_n3A_1677, %select_n3A_1734 : vector<16xf32>
      %select_n3A_1774 = arith.select %le3A_1773, %select_n3A_1677, %select_n3A_1734 : vector<16xi1>, vector<16xf32>
      %select_n3A_1775 = arith.select %le3A_1773, %select_n3A_1678, %broadcast_in_dim3A_1716 : vector<16xi1>, vector<16xi32>
      %le3A_1776 = arith.cmpf ole, %select_n3A_1682, %select_n3A_1734 : vector<16xf32>
      %select_n3A_1777 = arith.select %le3A_1773, %select_n3A_1734, %select_n3A_1677 : vector<16xi1>, vector<16xf32>
      %select_n3A_1778 = arith.select %le3A_1773, %broadcast_in_dim3A_1716, %select_n3A_1678 : vector<16xi1>, vector<16xi32>
      %select_n3A_1779 = arith.select %le3A_1776, %select_n3A_1682, %select_n3A_1777 : vector<16xi1>, vector<16xf32>
      %select_n3A_1780 = arith.select %le3A_1776, %select_n3A_1683, %select_n3A_1778 : vector<16xi1>, vector<16xi32>
      %le3A_1781 = arith.cmpf ole, %select_n3A_1687, %select_n3A_1734 : vector<16xf32>
      %select_n3A_1782 = arith.select %le3A_1776, %select_n3A_1734, %select_n3A_1682 : vector<16xi1>, vector<16xf32>
      %select_n3A_1783 = arith.select %le3A_1776, %broadcast_in_dim3A_1716, %select_n3A_1683 : vector<16xi1>, vector<16xi32>
      %select_n3A_1784 = arith.select %le3A_1781, %select_n3A_1687, %select_n3A_1782 : vector<16xi1>, vector<16xf32>
      %select_n3A_1785 = arith.select %le3A_1781, %select_n3A_1688, %select_n3A_1783 : vector<16xi1>, vector<16xi32>
      %le3A_1786 = arith.cmpf ole, %select_n3A_1692, %select_n3A_1734 : vector<16xf32>
      %select_n3A_1787 = arith.select %le3A_1781, %select_n3A_1734, %select_n3A_1687 : vector<16xi1>, vector<16xf32>
      %select_n3A_1788 = arith.select %le3A_1781, %broadcast_in_dim3A_1716, %select_n3A_1688 : vector<16xi1>, vector<16xi32>
      %select_n3A_1789 = arith.select %le3A_1786, %select_n3A_1692, %select_n3A_1787 : vector<16xi1>, vector<16xf32>
      %select_n3A_1790 = arith.select %le3A_1786, %select_n3A_1693, %select_n3A_1788 : vector<16xi1>, vector<16xi32>
      %le3A_1791 = arith.cmpf ole, %select_n3A_1697, %select_n3A_1734 : vector<16xf32>
      %select_n3A_1792 = arith.select %le3A_1786, %select_n3A_1734, %select_n3A_1692 : vector<16xi1>, vector<16xf32>
      %select_n3A_1793 = arith.select %le3A_1786, %broadcast_in_dim3A_1716, %select_n3A_1693 : vector<16xi1>, vector<16xi32>
      %select_n3A_1794 = arith.select %le3A_1791, %select_n3A_1697, %select_n3A_1792 : vector<16xi1>, vector<16xf32>
      %select_n3A_1795 = arith.select %le3A_1791, %select_n3A_1698, %select_n3A_1793 : vector<16xi1>, vector<16xi32>
      %le3A_1796 = arith.cmpf ole, %select_n3A_1702, %select_n3A_1734 : vector<16xf32>
      %select_n3A_1797 = arith.select %le3A_1791, %select_n3A_1734, %select_n3A_1697 : vector<16xi1>, vector<16xf32>
      %select_n3A_1798 = arith.select %le3A_1791, %broadcast_in_dim3A_1716, %select_n3A_1698 : vector<16xi1>, vector<16xi32>
      %select_n3A_1799 = arith.select %le3A_1796, %select_n3A_1702, %select_n3A_1797 : vector<16xi1>, vector<16xf32>
      %select_n3A_1800 = arith.select %le3A_1796, %select_n3A_1703, %select_n3A_1798 : vector<16xi1>, vector<16xi32>
      %le3A_1801 = arith.cmpf ole, %select_n3A_1707, %select_n3A_1734 : vector<16xf32>
      %select_n3A_1802 = arith.select %le3A_1796, %select_n3A_1734, %select_n3A_1702 : vector<16xi1>, vector<16xf32>
      %select_n3A_1803 = arith.select %le3A_1796, %broadcast_in_dim3A_1716, %select_n3A_1703 : vector<16xi1>, vector<16xi32>
      %select_n3A_1804 = arith.select %le3A_1801, %select_n3A_1707, %select_n3A_1802 : vector<16xi1>, vector<16xf32>
      %select_n3A_1805 = arith.select %le3A_1801, %select_n3A_1708, %select_n3A_1803 : vector<16xi1>, vector<16xi32>
      %le3A_1806 = arith.cmpf ole, %select_n3A_1712, %select_n3A_1734 : vector<16xf32>
      %select_n3A_1807 = arith.select %le3A_1801, %select_n3A_1734, %select_n3A_1707 : vector<16xi1>, vector<16xf32>
      %select_n3A_1808 = arith.select %le3A_1801, %broadcast_in_dim3A_1716, %select_n3A_1708 : vector<16xi1>, vector<16xi32>
      %select_n3A_1809 = arith.select %le3A_1806, %select_n3A_1712, %select_n3A_1807 : vector<16xi1>, vector<16xf32>
      %select_n3A_1810 = arith.select %le3A_1806, %select_n3A_1713, %select_n3A_1808 : vector<16xi1>, vector<16xi32>
      %add3A_1811 = arith.constant 15 : i32
      %add3A_1812 = arith.addi %mul3A_358, %add3A_1811 : i32
      %broadcast_in_dim3A_1813 = vector.broadcast %add3A_1812 : i32 to vector<16xi32>
      %gather3A_1814 = tpu.vector_load_idx %arg7[%broadcast_in_dim3A_1813] : memref<2048xf32, #tpu.memory_space<vmem>>[vector<16xi32>], vector<16xf32>,
      %gather3A_1815 = tpu.vector_load_idx %arg8[%broadcast_in_dim3A_1813] : memref<2048xf32, #tpu.memory_space<vmem>>[vector<16xi32>], vector<16xf32>,
      %sub3A_1816 = arith.subf %gather3A_1814, %gather3A : vector<16xf32>
      %sub3A_1817 = arith.subf %gather3A_1815, %gather3A_15 : vector<16xf32>
      %eq3A_1818 = arith.cmpi eq, %add3A_8, %broadcast_in_dim3A_1813 : vector<16xi32>
      %mul3A_1819 = arith.mulf %sub3A_1816, %sub3A_1816 : vector<16xf32>
      %mul3A_1820 = arith.mulf %sub3A_1817, %sub3A_1817 : vector<16xf32>
      %add3A_1821 = arith.addf %mul3A_1819, %mul3A_1820 : vector<16xf32>
      %broadcast_in_dim3A_1822 = vector.broadcast %scan3A : f32 to vector<16xf32>
      %select_n3A_1823 = arith.select %eq3A_1818, %broadcast_in_dim3A_1822, %add3A_1821 : vector<16xi1>, vector<16xf32>
      %sub3A_1824 = arith.subf %gather3A_1814, %gather3A_18 : vector<16xf32>
      %sub3A_1825 = arith.subf %gather3A_1815, %gather3A_19 : vector<16xf32>
      %eq3A_1826 = arith.cmpi eq, %add3A_14, %broadcast_in_dim3A_1813 : vector<16xi32>
      %mul3A_1827 = arith.mulf %sub3A_1824, %sub3A_1824 : vector<16xf32>
      %mul3A_1828 = arith.mulf %sub3A_1825, %sub3A_1825 : vector<16xf32>
      %add3A_1829 = arith.addf %mul3A_1827, %mul3A_1828 : vector<16xf32>
      %broadcast_in_dim3A_1830 = vector.broadcast %scan3A : f32 to vector<16xf32>
      %select_n3A_1831 = arith.select %eq3A_1826, %broadcast_in_dim3A_1830, %add3A_1829 : vector<16xi1>, vector<16xf32>
      %le3A_1832 = arith.cmpf ole, %select_n3A_1736, %select_n3A_1823 : vector<16xf32>
      %select_n3A_1833 = arith.select %le3A_1832, %select_n3A_1736, %select_n3A_1823 : vector<16xi1>, vector<16xf32>
      %select_n3A_1834 = arith.select %le3A_1832, %select_n3A_1737, %broadcast_in_dim3A_1813 : vector<16xi1>, vector<16xi32>
      %le3A_1835 = arith.cmpf ole, %select_n3A_1741, %select_n3A_1823 : vector<16xf32>
      %select_n3A_1836 = arith.select %le3A_1832, %select_n3A_1823, %select_n3A_1736 : vector<16xi1>, vector<16xf32>
      %select_n3A_1837 = arith.select %le3A_1832, %broadcast_in_dim3A_1813, %select_n3A_1737 : vector<16xi1>, vector<16xi32>
      %select_n3A_1838 = arith.select %le3A_1835, %select_n3A_1741, %select_n3A_1836 : vector<16xi1>, vector<16xf32>
      %select_n3A_1839 = arith.select %le3A_1835, %select_n3A_1742, %select_n3A_1837 : vector<16xi1>, vector<16xi32>
      %le3A_1840 = arith.cmpf ole, %select_n3A_1746, %select_n3A_1823 : vector<16xf32>
      %select_n3A_1841 = arith.select %le3A_1835, %select_n3A_1823, %select_n3A_1741 : vector<16xi1>, vector<16xf32>
      %select_n3A_1842 = arith.select %le3A_1835, %broadcast_in_dim3A_1813, %select_n3A_1742 : vector<16xi1>, vector<16xi32>
      %select_n3A_1843 = arith.select %le3A_1840, %select_n3A_1746, %select_n3A_1841 : vector<16xi1>, vector<16xf32>
      %select_n3A_1844 = arith.select %le3A_1840, %select_n3A_1747, %select_n3A_1842 : vector<16xi1>, vector<16xi32>
      %le3A_1845 = arith.cmpf ole, %select_n3A_1751, %select_n3A_1823 : vector<16xf32>
      %select_n3A_1846 = arith.select %le3A_1840, %select_n3A_1823, %select_n3A_1746 : vector<16xi1>, vector<16xf32>
      %select_n3A_1847 = arith.select %le3A_1840, %broadcast_in_dim3A_1813, %select_n3A_1747 : vector<16xi1>, vector<16xi32>
      %select_n3A_1848 = arith.select %le3A_1845, %select_n3A_1751, %select_n3A_1846 : vector<16xi1>, vector<16xf32>
      %select_n3A_1849 = arith.select %le3A_1845, %select_n3A_1752, %select_n3A_1847 : vector<16xi1>, vector<16xi32>
      %le3A_1850 = arith.cmpf ole, %select_n3A_1756, %select_n3A_1823 : vector<16xf32>
      %select_n3A_1851 = arith.select %le3A_1845, %select_n3A_1823, %select_n3A_1751 : vector<16xi1>, vector<16xf32>
      %select_n3A_1852 = arith.select %le3A_1845, %broadcast_in_dim3A_1813, %select_n3A_1752 : vector<16xi1>, vector<16xi32>
      %select_n3A_1853 = arith.select %le3A_1850, %select_n3A_1756, %select_n3A_1851 : vector<16xi1>, vector<16xf32>
      %select_n3A_1854 = arith.select %le3A_1850, %select_n3A_1757, %select_n3A_1852 : vector<16xi1>, vector<16xi32>
      %le3A_1855 = arith.cmpf ole, %select_n3A_1761, %select_n3A_1823 : vector<16xf32>
      %select_n3A_1856 = arith.select %le3A_1850, %select_n3A_1823, %select_n3A_1756 : vector<16xi1>, vector<16xf32>
      %select_n3A_1857 = arith.select %le3A_1850, %broadcast_in_dim3A_1813, %select_n3A_1757 : vector<16xi1>, vector<16xi32>
      %select_n3A_1858 = arith.select %le3A_1855, %select_n3A_1761, %select_n3A_1856 : vector<16xi1>, vector<16xf32>
      %select_n3A_1859 = arith.select %le3A_1855, %select_n3A_1762, %select_n3A_1857 : vector<16xi1>, vector<16xi32>
      %le3A_1860 = arith.cmpf ole, %select_n3A_1766, %select_n3A_1823 : vector<16xf32>
      %select_n3A_1861 = arith.select %le3A_1855, %select_n3A_1823, %select_n3A_1761 : vector<16xi1>, vector<16xf32>
      %select_n3A_1862 = arith.select %le3A_1855, %broadcast_in_dim3A_1813, %select_n3A_1762 : vector<16xi1>, vector<16xi32>
      %select_n3A_1863 = arith.select %le3A_1860, %select_n3A_1766, %select_n3A_1861 : vector<16xi1>, vector<16xf32>
      %select_n3A_1864 = arith.select %le3A_1860, %select_n3A_1767, %select_n3A_1862 : vector<16xi1>, vector<16xi32>
      %le3A_1865 = arith.cmpf ole, %select_n3A_1771, %select_n3A_1823 : vector<16xf32>
      %select_n3A_1866 = arith.select %le3A_1860, %select_n3A_1823, %select_n3A_1766 : vector<16xi1>, vector<16xf32>
      %select_n3A_1867 = arith.select %le3A_1860, %broadcast_in_dim3A_1813, %select_n3A_1767 : vector<16xi1>, vector<16xi32>
      %select_n3A_1868 = arith.select %le3A_1865, %select_n3A_1771, %select_n3A_1866 : vector<16xi1>, vector<16xf32>
      %select_n3A_1869 = arith.select %le3A_1865, %select_n3A_1772, %select_n3A_1867 : vector<16xi1>, vector<16xi32>
      %le3A_1870 = arith.cmpf ole, %select_n3A_1774, %select_n3A_1831 : vector<16xf32>
      %select_n3A_1871 = arith.select %le3A_1870, %select_n3A_1774, %select_n3A_1831 : vector<16xi1>, vector<16xf32>
      %select_n3A_1872 = arith.select %le3A_1870, %select_n3A_1775, %broadcast_in_dim3A_1813 : vector<16xi1>, vector<16xi32>
      %le3A_1873 = arith.cmpf ole, %select_n3A_1779, %select_n3A_1831 : vector<16xf32>
      %select_n3A_1874 = arith.select %le3A_1870, %select_n3A_1831, %select_n3A_1774 : vector<16xi1>, vector<16xf32>
      %select_n3A_1875 = arith.select %le3A_1870, %broadcast_in_dim3A_1813, %select_n3A_1775 : vector<16xi1>, vector<16xi32>
      %select_n3A_1876 = arith.select %le3A_1873, %select_n3A_1779, %select_n3A_1874 : vector<16xi1>, vector<16xf32>
      %select_n3A_1877 = arith.select %le3A_1873, %select_n3A_1780, %select_n3A_1875 : vector<16xi1>, vector<16xi32>
      %le3A_1878 = arith.cmpf ole, %select_n3A_1784, %select_n3A_1831 : vector<16xf32>
      %select_n3A_1879 = arith.select %le3A_1873, %select_n3A_1831, %select_n3A_1779 : vector<16xi1>, vector<16xf32>
      %select_n3A_1880 = arith.select %le3A_1873, %broadcast_in_dim3A_1813, %select_n3A_1780 : vector<16xi1>, vector<16xi32>
      %select_n3A_1881 = arith.select %le3A_1878, %select_n3A_1784, %select_n3A_1879 : vector<16xi1>, vector<16xf32>
      %select_n3A_1882 = arith.select %le3A_1878, %select_n3A_1785, %select_n3A_1880 : vector<16xi1>, vector<16xi32>
      %le3A_1883 = arith.cmpf ole, %select_n3A_1789, %select_n3A_1831 : vector<16xf32>
      %select_n3A_1884 = arith.select %le3A_1878, %select_n3A_1831, %select_n3A_1784 : vector<16xi1>, vector<16xf32>
      %select_n3A_1885 = arith.select %le3A_1878, %broadcast_in_dim3A_1813, %select_n3A_1785 : vector<16xi1>, vector<16xi32>
      %select_n3A_1886 = arith.select %le3A_1883, %select_n3A_1789, %select_n3A_1884 : vector<16xi1>, vector<16xf32>
      %select_n3A_1887 = arith.select %le3A_1883, %select_n3A_1790, %select_n3A_1885 : vector<16xi1>, vector<16xi32>
      %le3A_1888 = arith.cmpf ole, %select_n3A_1794, %select_n3A_1831 : vector<16xf32>
      %select_n3A_1889 = arith.select %le3A_1883, %select_n3A_1831, %select_n3A_1789 : vector<16xi1>, vector<16xf32>
      %select_n3A_1890 = arith.select %le3A_1883, %broadcast_in_dim3A_1813, %select_n3A_1790 : vector<16xi1>, vector<16xi32>
      %select_n3A_1891 = arith.select %le3A_1888, %select_n3A_1794, %select_n3A_1889 : vector<16xi1>, vector<16xf32>
      %select_n3A_1892 = arith.select %le3A_1888, %select_n3A_1795, %select_n3A_1890 : vector<16xi1>, vector<16xi32>
      %le3A_1893 = arith.cmpf ole, %select_n3A_1799, %select_n3A_1831 : vector<16xf32>
      %select_n3A_1894 = arith.select %le3A_1888, %select_n3A_1831, %select_n3A_1794 : vector<16xi1>, vector<16xf32>
      %select_n3A_1895 = arith.select %le3A_1888, %broadcast_in_dim3A_1813, %select_n3A_1795 : vector<16xi1>, vector<16xi32>
      %select_n3A_1896 = arith.select %le3A_1893, %select_n3A_1799, %select_n3A_1894 : vector<16xi1>, vector<16xf32>
      %select_n3A_1897 = arith.select %le3A_1893, %select_n3A_1800, %select_n3A_1895 : vector<16xi1>, vector<16xi32>
      %le3A_1898 = arith.cmpf ole, %select_n3A_1804, %select_n3A_1831 : vector<16xf32>
      %select_n3A_1899 = arith.select %le3A_1893, %select_n3A_1831, %select_n3A_1799 : vector<16xi1>, vector<16xf32>
      %select_n3A_1900 = arith.select %le3A_1893, %broadcast_in_dim3A_1813, %select_n3A_1800 : vector<16xi1>, vector<16xi32>
      %select_n3A_1901 = arith.select %le3A_1898, %select_n3A_1804, %select_n3A_1899 : vector<16xi1>, vector<16xf32>
      %select_n3A_1902 = arith.select %le3A_1898, %select_n3A_1805, %select_n3A_1900 : vector<16xi1>, vector<16xi32>
      %le3A_1903 = arith.cmpf ole, %select_n3A_1809, %select_n3A_1831 : vector<16xf32>
      %select_n3A_1904 = arith.select %le3A_1898, %select_n3A_1831, %select_n3A_1804 : vector<16xi1>, vector<16xf32>
      %select_n3A_1905 = arith.select %le3A_1898, %broadcast_in_dim3A_1813, %select_n3A_1805 : vector<16xi1>, vector<16xi32>
      %select_n3A_1906 = arith.select %le3A_1903, %select_n3A_1809, %select_n3A_1904 : vector<16xi1>, vector<16xf32>
      %select_n3A_1907 = arith.select %le3A_1903, %select_n3A_1810, %select_n3A_1905 : vector<16xi1>, vector<16xi32>
      scf.yield %select_n3A_1833, %select_n3A_1838, %select_n3A_1843, %select_n3A_1848, %select_n3A_1853, %select_n3A_1858, %select_n3A_1863, %select_n3A_1868, %select_n3A_1834, %select_n3A_1839, %select_n3A_1844, %select_n3A_1849, %select_n3A_1854, %select_n3A_1859, %select_n3A_1864, %select_n3A_1869, %select_n3A_1871, %select_n3A_1876, %select_n3A_1881, %select_n3A_1886, %select_n3A_1891, %select_n3A_1896, %select_n3A_1901, %select_n3A_1906, %select_n3A_1872, %select_n3A_1877, %select_n3A_1882, %select_n3A_1887, %select_n3A_1892, %select_n3A_1897, %select_n3A_1902, %select_n3A_1907 : vector<16xf32>, vector<16xf32>, vector<16xf32>, vector<16xf32>, vector<16xf32>, vector<16xf32>, vector<16xf32>, vector<16xf32>, vector<16xi32>, vector<16xi32>, vector<16xi32>, vector<16xi32>, vector<16xi32>, vector<16xi32>, vector<16xi32>, vector<16xi32>, vector<16xf32>, vector<16xf32>, vector<16xf32>, vector<16xf32>, vector<16xf32>, vector<16xf32>, vector<16xf32>, vector<16xf32>, vector<16xi32>, vector<16xi32>, vector<16xi32>, vector<16xi32>, vector<16xi32>, vector<16xi32>, vector<16xi32>, vector<16xi32>
    }
    %scan3A_60 = arith.constant 128 : i32
    %add3A_61 = arith.constant 0 : i32
    %add3A_62 = vector.broadcast %add3A_61 : i32 to vector<16xi32>
    %add3A_63 = arith.addi %add3A_62, %iota3A : vector<16xi32>
    %gather3A_64 = tpu.vector_load_idx %arg7[%scan3A_59#8] : memref<2048xf32, #tpu.memory_space<vmem>>[vector<16xi32>], vector<16xf32>,
    %sub3A = arith.subf %gather3A_64, %gather3A : vector<16xf32>
    %gather3A_65 = tpu.vector_load_idx %arg8[%scan3A_59#8] : memref<2048xf32, #tpu.memory_space<vmem>>[vector<16xi32>], vector<16xf32>,
    %sub3A_66 = arith.subf %gather3A_65, %gather3A_15 : vector<16xf32>
    %gather3A_67 = tpu.vector_load_idx %arg9[%scan3A_59#8] : memref<2048xf32, #tpu.memory_space<vmem>>[vector<16xi32>], vector<16xf32>,
    %sub3A_68 = arith.subf %gather3A_67, %gather3A_16 : vector<16xf32>
    %gather3A_69 = tpu.vector_load_idx %arg10[%scan3A_59#8] : memref<2048xf32, #tpu.memory_space<vmem>>[vector<16xi32>], vector<16xf32>,
    %sub3A_70 = arith.subf %gather3A_69, %gather3A_17 : vector<16xf32>
    %broadcast_in_dim3A_71 = arith.constant 0 : i32
    %broadcast_in_dim3A_72 = vector.broadcast %broadcast_in_dim3A_71 : i32 to vector<16xi32>
    tpu.vector_store_idx %arg11[%add3A_63, %broadcast_in_dim3A_72], %sub3A : memref<32x32xf32, #tpu.memory_space<vmem>>[vector<16xi32>, vector<16xi32>], vector<16xf32>,
    %broadcast_in_dim3A_73 = arith.constant 1 : i32
    %broadcast_in_dim3A_74 = vector.broadcast %broadcast_in_dim3A_73 : i32 to vector<16xi32>
    tpu.vector_store_idx %arg11[%add3A_63, %broadcast_in_dim3A_74], %sub3A_66 : memref<32x32xf32, #tpu.memory_space<vmem>>[vector<16xi32>, vector<16xi32>], vector<16xf32>,
    %broadcast_in_dim3A_75 = arith.constant 2 : i32
    %broadcast_in_dim3A_76 = vector.broadcast %broadcast_in_dim3A_75 : i32 to vector<16xi32>
    tpu.vector_store_idx %arg11[%add3A_63, %broadcast_in_dim3A_76], %sub3A_68 : memref<32x32xf32, #tpu.memory_space<vmem>>[vector<16xi32>, vector<16xi32>], vector<16xf32>,
    %broadcast_in_dim3A_77 = arith.constant 3 : i32
    %broadcast_in_dim3A_78 = vector.broadcast %broadcast_in_dim3A_77 : i32 to vector<16xi32>
    tpu.vector_store_idx %arg11[%add3A_63, %broadcast_in_dim3A_78], %sub3A_70 : memref<32x32xf32, #tpu.memory_space<vmem>>[vector<16xi32>, vector<16xi32>], vector<16xf32>,
    %gather3A_79 = tpu.vector_load_idx %arg7[%scan3A_59#9] : memref<2048xf32, #tpu.memory_space<vmem>>[vector<16xi32>], vector<16xf32>,
    %sub3A_80 = arith.subf %gather3A_79, %gather3A : vector<16xf32>
    %gather3A_81 = tpu.vector_load_idx %arg8[%scan3A_59#9] : memref<2048xf32, #tpu.memory_space<vmem>>[vector<16xi32>], vector<16xf32>,
    %sub3A_82 = arith.subf %gather3A_81, %gather3A_15 : vector<16xf32>
    %gather3A_83 = tpu.vector_load_idx %arg9[%scan3A_59#9] : memref<2048xf32, #tpu.memory_space<vmem>>[vector<16xi32>], vector<16xf32>,
    %sub3A_84 = arith.subf %gather3A_83, %gather3A_16 : vector<16xf32>
    %gather3A_85 = tpu.vector_load_idx %arg10[%scan3A_59#9] : memref<2048xf32, #tpu.memory_space<vmem>>[vector<16xi32>], vector<16xf32>,
    %sub3A_86 = arith.subf %gather3A_85, %gather3A_17 : vector<16xf32>
    %broadcast_in_dim3A_87 = arith.constant 4 : i32
    %broadcast_in_dim3A_88 = vector.broadcast %broadcast_in_dim3A_87 : i32 to vector<16xi32>
    tpu.vector_store_idx %arg11[%add3A_63, %broadcast_in_dim3A_88], %sub3A_80 : memref<32x32xf32, #tpu.memory_space<vmem>>[vector<16xi32>, vector<16xi32>], vector<16xf32>,
    %broadcast_in_dim3A_89 = arith.constant 5 : i32
    %broadcast_in_dim3A_90 = vector.broadcast %broadcast_in_dim3A_89 : i32 to vector<16xi32>
    tpu.vector_store_idx %arg11[%add3A_63, %broadcast_in_dim3A_90], %sub3A_82 : memref<32x32xf32, #tpu.memory_space<vmem>>[vector<16xi32>, vector<16xi32>], vector<16xf32>,
    %broadcast_in_dim3A_91 = arith.constant 6 : i32
    %broadcast_in_dim3A_92 = vector.broadcast %broadcast_in_dim3A_91 : i32 to vector<16xi32>
    tpu.vector_store_idx %arg11[%add3A_63, %broadcast_in_dim3A_92], %sub3A_84 : memref<32x32xf32, #tpu.memory_space<vmem>>[vector<16xi32>, vector<16xi32>], vector<16xf32>,
    %broadcast_in_dim3A_93 = arith.constant 7 : i32
    %broadcast_in_dim3A_94 = vector.broadcast %broadcast_in_dim3A_93 : i32 to vector<16xi32>
    tpu.vector_store_idx %arg11[%add3A_63, %broadcast_in_dim3A_94], %sub3A_86 : memref<32x32xf32, #tpu.memory_space<vmem>>[vector<16xi32>, vector<16xi32>], vector<16xf32>,
    %gather3A_95 = tpu.vector_load_idx %arg7[%scan3A_59#10] : memref<2048xf32, #tpu.memory_space<vmem>>[vector<16xi32>], vector<16xf32>,
    %sub3A_96 = arith.subf %gather3A_95, %gather3A : vector<16xf32>
    %gather3A_97 = tpu.vector_load_idx %arg8[%scan3A_59#10] : memref<2048xf32, #tpu.memory_space<vmem>>[vector<16xi32>], vector<16xf32>,
    %sub3A_98 = arith.subf %gather3A_97, %gather3A_15 : vector<16xf32>
    %gather3A_99 = tpu.vector_load_idx %arg9[%scan3A_59#10] : memref<2048xf32, #tpu.memory_space<vmem>>[vector<16xi32>], vector<16xf32>,
    %sub3A_100 = arith.subf %gather3A_99, %gather3A_16 : vector<16xf32>
    %gather3A_101 = tpu.vector_load_idx %arg10[%scan3A_59#10] : memref<2048xf32, #tpu.memory_space<vmem>>[vector<16xi32>], vector<16xf32>,
    %sub3A_102 = arith.subf %gather3A_101, %gather3A_17 : vector<16xf32>
    %broadcast_in_dim3A_103 = arith.constant 8 : i32
    %broadcast_in_dim3A_104 = vector.broadcast %broadcast_in_dim3A_103 : i32 to vector<16xi32>
    tpu.vector_store_idx %arg11[%add3A_63, %broadcast_in_dim3A_104], %sub3A_96 : memref<32x32xf32, #tpu.memory_space<vmem>>[vector<16xi32>, vector<16xi32>], vector<16xf32>,
    %broadcast_in_dim3A_105 = arith.constant 9 : i32
    %broadcast_in_dim3A_106 = vector.broadcast %broadcast_in_dim3A_105 : i32 to vector<16xi32>
    tpu.vector_store_idx %arg11[%add3A_63, %broadcast_in_dim3A_106], %sub3A_98 : memref<32x32xf32, #tpu.memory_space<vmem>>[vector<16xi32>, vector<16xi32>], vector<16xf32>,
    %broadcast_in_dim3A_107 = arith.constant 10 : i32
    %broadcast_in_dim3A_108 = vector.broadcast %broadcast_in_dim3A_107 : i32 to vector<16xi32>
    tpu.vector_store_idx %arg11[%add3A_63, %broadcast_in_dim3A_108], %sub3A_100 : memref<32x32xf32, #tpu.memory_space<vmem>>[vector<16xi32>, vector<16xi32>], vector<16xf32>,
    %broadcast_in_dim3A_109 = arith.constant 11 : i32
    %broadcast_in_dim3A_110 = vector.broadcast %broadcast_in_dim3A_109 : i32 to vector<16xi32>
    tpu.vector_store_idx %arg11[%add3A_63, %broadcast_in_dim3A_110], %sub3A_102 : memref<32x32xf32, #tpu.memory_space<vmem>>[vector<16xi32>, vector<16xi32>], vector<16xf32>,
    %gather3A_111 = tpu.vector_load_idx %arg7[%scan3A_59#11] : memref<2048xf32, #tpu.memory_space<vmem>>[vector<16xi32>], vector<16xf32>,
    %sub3A_112 = arith.subf %gather3A_111, %gather3A : vector<16xf32>
    %gather3A_113 = tpu.vector_load_idx %arg8[%scan3A_59#11] : memref<2048xf32, #tpu.memory_space<vmem>>[vector<16xi32>], vector<16xf32>,
    %sub3A_114 = arith.subf %gather3A_113, %gather3A_15 : vector<16xf32>
    %gather3A_115 = tpu.vector_load_idx %arg9[%scan3A_59#11] : memref<2048xf32, #tpu.memory_space<vmem>>[vector<16xi32>], vector<16xf32>,
    %sub3A_116 = arith.subf %gather3A_115, %gather3A_16 : vector<16xf32>
    %gather3A_117 = tpu.vector_load_idx %arg10[%scan3A_59#11] : memref<2048xf32, #tpu.memory_space<vmem>>[vector<16xi32>], vector<16xf32>,
    %sub3A_118 = arith.subf %gather3A_117, %gather3A_17 : vector<16xf32>
    %broadcast_in_dim3A_119 = arith.constant 12 : i32
    %broadcast_in_dim3A_120 = vector.broadcast %broadcast_in_dim3A_119 : i32 to vector<16xi32>
    tpu.vector_store_idx %arg11[%add3A_63, %broadcast_in_dim3A_120], %sub3A_112 : memref<32x32xf32, #tpu.memory_space<vmem>>[vector<16xi32>, vector<16xi32>], vector<16xf32>,
    %broadcast_in_dim3A_121 = arith.constant 13 : i32
    %broadcast_in_dim3A_122 = vector.broadcast %broadcast_in_dim3A_121 : i32 to vector<16xi32>
    tpu.vector_store_idx %arg11[%add3A_63, %broadcast_in_dim3A_122], %sub3A_114 : memref<32x32xf32, #tpu.memory_space<vmem>>[vector<16xi32>, vector<16xi32>], vector<16xf32>,
    %broadcast_in_dim3A_123 = arith.constant 14 : i32
    %broadcast_in_dim3A_124 = vector.broadcast %broadcast_in_dim3A_123 : i32 to vector<16xi32>
    tpu.vector_store_idx %arg11[%add3A_63, %broadcast_in_dim3A_124], %sub3A_116 : memref<32x32xf32, #tpu.memory_space<vmem>>[vector<16xi32>, vector<16xi32>], vector<16xf32>,
    %broadcast_in_dim3A_125 = arith.constant 15 : i32
    %broadcast_in_dim3A_126 = vector.broadcast %broadcast_in_dim3A_125 : i32 to vector<16xi32>
    tpu.vector_store_idx %arg11[%add3A_63, %broadcast_in_dim3A_126], %sub3A_118 : memref<32x32xf32, #tpu.memory_space<vmem>>[vector<16xi32>, vector<16xi32>], vector<16xf32>,
    %gather3A_127 = tpu.vector_load_idx %arg7[%scan3A_59#12] : memref<2048xf32, #tpu.memory_space<vmem>>[vector<16xi32>], vector<16xf32>,
    %sub3A_128 = arith.subf %gather3A_127, %gather3A : vector<16xf32>
    %gather3A_129 = tpu.vector_load_idx %arg8[%scan3A_59#12] : memref<2048xf32, #tpu.memory_space<vmem>>[vector<16xi32>], vector<16xf32>,
    %sub3A_130 = arith.subf %gather3A_129, %gather3A_15 : vector<16xf32>
    %gather3A_131 = tpu.vector_load_idx %arg9[%scan3A_59#12] : memref<2048xf32, #tpu.memory_space<vmem>>[vector<16xi32>], vector<16xf32>,
    %sub3A_132 = arith.subf %gather3A_131, %gather3A_16 : vector<16xf32>
    %gather3A_133 = tpu.vector_load_idx %arg10[%scan3A_59#12] : memref<2048xf32, #tpu.memory_space<vmem>>[vector<16xi32>], vector<16xf32>,
    %sub3A_134 = arith.subf %gather3A_133, %gather3A_17 : vector<16xf32>
    %broadcast_in_dim3A_135 = arith.constant 16 : i32
    %broadcast_in_dim3A_136 = vector.broadcast %broadcast_in_dim3A_135 : i32 to vector<16xi32>
    tpu.vector_store_idx %arg11[%add3A_63, %broadcast_in_dim3A_136], %sub3A_128 : memref<32x32xf32, #tpu.memory_space<vmem>>[vector<16xi32>, vector<16xi32>], vector<16xf32>,
    %broadcast_in_dim3A_137 = arith.constant 17 : i32
    %broadcast_in_dim3A_138 = vector.broadcast %broadcast_in_dim3A_137 : i32 to vector<16xi32>
    tpu.vector_store_idx %arg11[%add3A_63, %broadcast_in_dim3A_138], %sub3A_130 : memref<32x32xf32, #tpu.memory_space<vmem>>[vector<16xi32>, vector<16xi32>], vector<16xf32>,
    %broadcast_in_dim3A_139 = arith.constant 18 : i32
    %broadcast_in_dim3A_140 = vector.broadcast %broadcast_in_dim3A_139 : i32 to vector<16xi32>
    tpu.vector_store_idx %arg11[%add3A_63, %broadcast_in_dim3A_140], %sub3A_132 : memref<32x32xf32, #tpu.memory_space<vmem>>[vector<16xi32>, vector<16xi32>], vector<16xf32>,
    %broadcast_in_dim3A_141 = arith.constant 19 : i32
    %broadcast_in_dim3A_142 = vector.broadcast %broadcast_in_dim3A_141 : i32 to vector<16xi32>
    tpu.vector_store_idx %arg11[%add3A_63, %broadcast_in_dim3A_142], %sub3A_134 : memref<32x32xf32, #tpu.memory_space<vmem>>[vector<16xi32>, vector<16xi32>], vector<16xf32>,
    %gather3A_143 = tpu.vector_load_idx %arg7[%scan3A_59#13] : memref<2048xf32, #tpu.memory_space<vmem>>[vector<16xi32>], vector<16xf32>,
    %sub3A_144 = arith.subf %gather3A_143, %gather3A : vector<16xf32>
    %gather3A_145 = tpu.vector_load_idx %arg8[%scan3A_59#13] : memref<2048xf32, #tpu.memory_space<vmem>>[vector<16xi32>], vector<16xf32>,
    %sub3A_146 = arith.subf %gather3A_145, %gather3A_15 : vector<16xf32>
    %gather3A_147 = tpu.vector_load_idx %arg9[%scan3A_59#13] : memref<2048xf32, #tpu.memory_space<vmem>>[vector<16xi32>], vector<16xf32>,
    %sub3A_148 = arith.subf %gather3A_147, %gather3A_16 : vector<16xf32>
    %gather3A_149 = tpu.vector_load_idx %arg10[%scan3A_59#13] : memref<2048xf32, #tpu.memory_space<vmem>>[vector<16xi32>], vector<16xf32>,
    %sub3A_150 = arith.subf %gather3A_149, %gather3A_17 : vector<16xf32>
    %broadcast_in_dim3A_151 = arith.constant 20 : i32
    %broadcast_in_dim3A_152 = vector.broadcast %broadcast_in_dim3A_151 : i32 to vector<16xi32>
    tpu.vector_store_idx %arg11[%add3A_63, %broadcast_in_dim3A_152], %sub3A_144 : memref<32x32xf32, #tpu.memory_space<vmem>>[vector<16xi32>, vector<16xi32>], vector<16xf32>,
    %broadcast_in_dim3A_153 = arith.constant 21 : i32
    %broadcast_in_dim3A_154 = vector.broadcast %broadcast_in_dim3A_153 : i32 to vector<16xi32>
    tpu.vector_store_idx %arg11[%add3A_63, %broadcast_in_dim3A_154], %sub3A_146 : memref<32x32xf32, #tpu.memory_space<vmem>>[vector<16xi32>, vector<16xi32>], vector<16xf32>,
    %broadcast_in_dim3A_155 = arith.constant 22 : i32
    %broadcast_in_dim3A_156 = vector.broadcast %broadcast_in_dim3A_155 : i32 to vector<16xi32>
    tpu.vector_store_idx %arg11[%add3A_63, %broadcast_in_dim3A_156], %sub3A_148 : memref<32x32xf32, #tpu.memory_space<vmem>>[vector<16xi32>, vector<16xi32>], vector<16xf32>,
    %broadcast_in_dim3A_157 = arith.constant 23 : i32
    %broadcast_in_dim3A_158 = vector.broadcast %broadcast_in_dim3A_157 : i32 to vector<16xi32>
    tpu.vector_store_idx %arg11[%add3A_63, %broadcast_in_dim3A_158], %sub3A_150 : memref<32x32xf32, #tpu.memory_space<vmem>>[vector<16xi32>, vector<16xi32>], vector<16xf32>,
    %gather3A_159 = tpu.vector_load_idx %arg7[%scan3A_59#14] : memref<2048xf32, #tpu.memory_space<vmem>>[vector<16xi32>], vector<16xf32>,
    %sub3A_160 = arith.subf %gather3A_159, %gather3A : vector<16xf32>
    %gather3A_161 = tpu.vector_load_idx %arg8[%scan3A_59#14] : memref<2048xf32, #tpu.memory_space<vmem>>[vector<16xi32>], vector<16xf32>,
    %sub3A_162 = arith.subf %gather3A_161, %gather3A_15 : vector<16xf32>
    %gather3A_163 = tpu.vector_load_idx %arg9[%scan3A_59#14] : memref<2048xf32, #tpu.memory_space<vmem>>[vector<16xi32>], vector<16xf32>,
    %sub3A_164 = arith.subf %gather3A_163, %gather3A_16 : vector<16xf32>
    %gather3A_165 = tpu.vector_load_idx %arg10[%scan3A_59#14] : memref<2048xf32, #tpu.memory_space<vmem>>[vector<16xi32>], vector<16xf32>,
    %sub3A_166 = arith.subf %gather3A_165, %gather3A_17 : vector<16xf32>
    %broadcast_in_dim3A_167 = arith.constant 24 : i32
    %broadcast_in_dim3A_168 = vector.broadcast %broadcast_in_dim3A_167 : i32 to vector<16xi32>
    tpu.vector_store_idx %arg11[%add3A_63, %broadcast_in_dim3A_168], %sub3A_160 : memref<32x32xf32, #tpu.memory_space<vmem>>[vector<16xi32>, vector<16xi32>], vector<16xf32>,
    %broadcast_in_dim3A_169 = arith.constant 25 : i32
    %broadcast_in_dim3A_170 = vector.broadcast %broadcast_in_dim3A_169 : i32 to vector<16xi32>
    tpu.vector_store_idx %arg11[%add3A_63, %broadcast_in_dim3A_170], %sub3A_162 : memref<32x32xf32, #tpu.memory_space<vmem>>[vector<16xi32>, vector<16xi32>], vector<16xf32>,
    %broadcast_in_dim3A_171 = arith.constant 26 : i32
    %broadcast_in_dim3A_172 = vector.broadcast %broadcast_in_dim3A_171 : i32 to vector<16xi32>
    tpu.vector_store_idx %arg11[%add3A_63, %broadcast_in_dim3A_172], %sub3A_164 : memref<32x32xf32, #tpu.memory_space<vmem>>[vector<16xi32>, vector<16xi32>], vector<16xf32>,
    %broadcast_in_dim3A_173 = arith.constant 27 : i32
    %broadcast_in_dim3A_174 = vector.broadcast %broadcast_in_dim3A_173 : i32 to vector<16xi32>
    tpu.vector_store_idx %arg11[%add3A_63, %broadcast_in_dim3A_174], %sub3A_166 : memref<32x32xf32, #tpu.memory_space<vmem>>[vector<16xi32>, vector<16xi32>], vector<16xf32>,
    %gather3A_175 = tpu.vector_load_idx %arg7[%scan3A_59#15] : memref<2048xf32, #tpu.memory_space<vmem>>[vector<16xi32>], vector<16xf32>,
    %sub3A_176 = arith.subf %gather3A_175, %gather3A : vector<16xf32>
    %gather3A_177 = tpu.vector_load_idx %arg8[%scan3A_59#15] : memref<2048xf32, #tpu.memory_space<vmem>>[vector<16xi32>], vector<16xf32>,
    %sub3A_178 = arith.subf %gather3A_177, %gather3A_15 : vector<16xf32>
    %gather3A_179 = tpu.vector_load_idx %arg9[%scan3A_59#15] : memref<2048xf32, #tpu.memory_space<vmem>>[vector<16xi32>], vector<16xf32>,
    %sub3A_180 = arith.subf %gather3A_179, %gather3A_16 : vector<16xf32>
    %gather3A_181 = tpu.vector_load_idx %arg10[%scan3A_59#15] : memref<2048xf32, #tpu.memory_space<vmem>>[vector<16xi32>], vector<16xf32>,
    %sub3A_182 = arith.subf %gather3A_181, %gather3A_17 : vector<16xf32>
    %broadcast_in_dim3A_183 = arith.constant 28 : i32
    %broadcast_in_dim3A_184 = vector.broadcast %broadcast_in_dim3A_183 : i32 to vector<16xi32>
    tpu.vector_store_idx %arg11[%add3A_63, %broadcast_in_dim3A_184], %sub3A_176 : memref<32x32xf32, #tpu.memory_space<vmem>>[vector<16xi32>, vector<16xi32>], vector<16xf32>,
    %broadcast_in_dim3A_185 = arith.constant 29 : i32
    %broadcast_in_dim3A_186 = vector.broadcast %broadcast_in_dim3A_185 : i32 to vector<16xi32>
    tpu.vector_store_idx %arg11[%add3A_63, %broadcast_in_dim3A_186], %sub3A_178 : memref<32x32xf32, #tpu.memory_space<vmem>>[vector<16xi32>, vector<16xi32>], vector<16xf32>,
    %broadcast_in_dim3A_187 = arith.constant 30 : i32
    %broadcast_in_dim3A_188 = vector.broadcast %broadcast_in_dim3A_187 : i32 to vector<16xi32>
    tpu.vector_store_idx %arg11[%add3A_63, %broadcast_in_dim3A_188], %sub3A_180 : memref<32x32xf32, #tpu.memory_space<vmem>>[vector<16xi32>, vector<16xi32>], vector<16xf32>,
    %broadcast_in_dim3A_189 = arith.constant 31 : i32
    %broadcast_in_dim3A_190 = vector.broadcast %broadcast_in_dim3A_189 : i32 to vector<16xi32>
    tpu.vector_store_idx %arg11[%add3A_63, %broadcast_in_dim3A_190], %sub3A_182 : memref<32x32xf32, #tpu.memory_space<vmem>>[vector<16xi32>, vector<16xi32>], vector<16xf32>,
    %add3A_191 = arith.constant 16 : i32
    %add3A_192 = vector.broadcast %add3A_191 : i32 to vector<16xi32>
    %add3A_193 = arith.addi %add3A_192, %iota3A : vector<16xi32>
    %gather3A_194 = tpu.vector_load_idx %arg7[%scan3A_59#24] : memref<2048xf32, #tpu.memory_space<vmem>>[vector<16xi32>], vector<16xf32>,
    %sub3A_195 = arith.subf %gather3A_194, %gather3A_18 : vector<16xf32>
    %gather3A_196 = tpu.vector_load_idx %arg8[%scan3A_59#24] : memref<2048xf32, #tpu.memory_space<vmem>>[vector<16xi32>], vector<16xf32>,
    %sub3A_197 = arith.subf %gather3A_196, %gather3A_19 : vector<16xf32>
    %gather3A_198 = tpu.vector_load_idx %arg9[%scan3A_59#24] : memref<2048xf32, #tpu.memory_space<vmem>>[vector<16xi32>], vector<16xf32>,
    %sub3A_199 = arith.subf %gather3A_198, %gather3A_20 : vector<16xf32>
    %gather3A_200 = tpu.vector_load_idx %arg10[%scan3A_59#24] : memref<2048xf32, #tpu.memory_space<vmem>>[vector<16xi32>], vector<16xf32>,
    %sub3A_201 = arith.subf %gather3A_200, %gather3A_21 : vector<16xf32>
    %broadcast_in_dim3A_202 = arith.constant 0 : i32
    %broadcast_in_dim3A_203 = vector.broadcast %broadcast_in_dim3A_202 : i32 to vector<16xi32>
    tpu.vector_store_idx %arg11[%add3A_193, %broadcast_in_dim3A_203], %sub3A_195 : memref<32x32xf32, #tpu.memory_space<vmem>>[vector<16xi32>, vector<16xi32>], vector<16xf32>,
    %broadcast_in_dim3A_204 = arith.constant 1 : i32
    %broadcast_in_dim3A_205 = vector.broadcast %broadcast_in_dim3A_204 : i32 to vector<16xi32>
    tpu.vector_store_idx %arg11[%add3A_193, %broadcast_in_dim3A_205], %sub3A_197 : memref<32x32xf32, #tpu.memory_space<vmem>>[vector<16xi32>, vector<16xi32>], vector<16xf32>,
    %broadcast_in_dim3A_206 = arith.constant 2 : i32
    %broadcast_in_dim3A_207 = vector.broadcast %broadcast_in_dim3A_206 : i32 to vector<16xi32>
    tpu.vector_store_idx %arg11[%add3A_193, %broadcast_in_dim3A_207], %sub3A_199 : memref<32x32xf32, #tpu.memory_space<vmem>>[vector<16xi32>, vector<16xi32>], vector<16xf32>,
    %broadcast_in_dim3A_208 = arith.constant 3 : i32
    %broadcast_in_dim3A_209 = vector.broadcast %broadcast_in_dim3A_208 : i32 to vector<16xi32>
    tpu.vector_store_idx %arg11[%add3A_193, %broadcast_in_dim3A_209], %sub3A_201 : memref<32x32xf32, #tpu.memory_space<vmem>>[vector<16xi32>, vector<16xi32>], vector<16xf32>,
    %gather3A_210 = tpu.vector_load_idx %arg7[%scan3A_59#25] : memref<2048xf32, #tpu.memory_space<vmem>>[vector<16xi32>], vector<16xf32>,
    %sub3A_211 = arith.subf %gather3A_210, %gather3A_18 : vector<16xf32>
    %gather3A_212 = tpu.vector_load_idx %arg8[%scan3A_59#25] : memref<2048xf32, #tpu.memory_space<vmem>>[vector<16xi32>], vector<16xf32>,
    %sub3A_213 = arith.subf %gather3A_212, %gather3A_19 : vector<16xf32>
    %gather3A_214 = tpu.vector_load_idx %arg9[%scan3A_59#25] : memref<2048xf32, #tpu.memory_space<vmem>>[vector<16xi32>], vector<16xf32>,
    %sub3A_215 = arith.subf %gather3A_214, %gather3A_20 : vector<16xf32>
    %gather3A_216 = tpu.vector_load_idx %arg10[%scan3A_59#25] : memref<2048xf32, #tpu.memory_space<vmem>>[vector<16xi32>], vector<16xf32>,
    %sub3A_217 = arith.subf %gather3A_216, %gather3A_21 : vector<16xf32>
    %broadcast_in_dim3A_218 = arith.constant 4 : i32
    %broadcast_in_dim3A_219 = vector.broadcast %broadcast_in_dim3A_218 : i32 to vector<16xi32>
    tpu.vector_store_idx %arg11[%add3A_193, %broadcast_in_dim3A_219], %sub3A_211 : memref<32x32xf32, #tpu.memory_space<vmem>>[vector<16xi32>, vector<16xi32>], vector<16xf32>,
    %broadcast_in_dim3A_220 = arith.constant 5 : i32
    %broadcast_in_dim3A_221 = vector.broadcast %broadcast_in_dim3A_220 : i32 to vector<16xi32>
    tpu.vector_store_idx %arg11[%add3A_193, %broadcast_in_dim3A_221], %sub3A_213 : memref<32x32xf32, #tpu.memory_space<vmem>>[vector<16xi32>, vector<16xi32>], vector<16xf32>,
    %broadcast_in_dim3A_222 = arith.constant 6 : i32
    %broadcast_in_dim3A_223 = vector.broadcast %broadcast_in_dim3A_222 : i32 to vector<16xi32>
    tpu.vector_store_idx %arg11[%add3A_193, %broadcast_in_dim3A_223], %sub3A_215 : memref<32x32xf32, #tpu.memory_space<vmem>>[vector<16xi32>, vector<16xi32>], vector<16xf32>,
    %broadcast_in_dim3A_224 = arith.constant 7 : i32
    %broadcast_in_dim3A_225 = vector.broadcast %broadcast_in_dim3A_224 : i32 to vector<16xi32>
    tpu.vector_store_idx %arg11[%add3A_193, %broadcast_in_dim3A_225], %sub3A_217 : memref<32x32xf32, #tpu.memory_space<vmem>>[vector<16xi32>, vector<16xi32>], vector<16xf32>,
    %gather3A_226 = tpu.vector_load_idx %arg7[%scan3A_59#26] : memref<2048xf32, #tpu.memory_space<vmem>>[vector<16xi32>], vector<16xf32>,
    %sub3A_227 = arith.subf %gather3A_226, %gather3A_18 : vector<16xf32>
    %gather3A_228 = tpu.vector_load_idx %arg8[%scan3A_59#26] : memref<2048xf32, #tpu.memory_space<vmem>>[vector<16xi32>], vector<16xf32>,
    %sub3A_229 = arith.subf %gather3A_228, %gather3A_19 : vector<16xf32>
    %gather3A_230 = tpu.vector_load_idx %arg9[%scan3A_59#26] : memref<2048xf32, #tpu.memory_space<vmem>>[vector<16xi32>], vector<16xf32>,
    %sub3A_231 = arith.subf %gather3A_230, %gather3A_20 : vector<16xf32>
    %gather3A_232 = tpu.vector_load_idx %arg10[%scan3A_59#26] : memref<2048xf32, #tpu.memory_space<vmem>>[vector<16xi32>], vector<16xf32>,
    %sub3A_233 = arith.subf %gather3A_232, %gather3A_21 : vector<16xf32>
    %broadcast_in_dim3A_234 = arith.constant 8 : i32
    %broadcast_in_dim3A_235 = vector.broadcast %broadcast_in_dim3A_234 : i32 to vector<16xi32>
    tpu.vector_store_idx %arg11[%add3A_193, %broadcast_in_dim3A_235], %sub3A_227 : memref<32x32xf32, #tpu.memory_space<vmem>>[vector<16xi32>, vector<16xi32>], vector<16xf32>,
    %broadcast_in_dim3A_236 = arith.constant 9 : i32
    %broadcast_in_dim3A_237 = vector.broadcast %broadcast_in_dim3A_236 : i32 to vector<16xi32>
    tpu.vector_store_idx %arg11[%add3A_193, %broadcast_in_dim3A_237], %sub3A_229 : memref<32x32xf32, #tpu.memory_space<vmem>>[vector<16xi32>, vector<16xi32>], vector<16xf32>,
    %broadcast_in_dim3A_238 = arith.constant 10 : i32
    %broadcast_in_dim3A_239 = vector.broadcast %broadcast_in_dim3A_238 : i32 to vector<16xi32>
    tpu.vector_store_idx %arg11[%add3A_193, %broadcast_in_dim3A_239], %sub3A_231 : memref<32x32xf32, #tpu.memory_space<vmem>>[vector<16xi32>, vector<16xi32>], vector<16xf32>,
    %broadcast_in_dim3A_240 = arith.constant 11 : i32
    %broadcast_in_dim3A_241 = vector.broadcast %broadcast_in_dim3A_240 : i32 to vector<16xi32>
    tpu.vector_store_idx %arg11[%add3A_193, %broadcast_in_dim3A_241], %sub3A_233 : memref<32x32xf32, #tpu.memory_space<vmem>>[vector<16xi32>, vector<16xi32>], vector<16xf32>,
    %gather3A_242 = tpu.vector_load_idx %arg7[%scan3A_59#27] : memref<2048xf32, #tpu.memory_space<vmem>>[vector<16xi32>], vector<16xf32>,
    %sub3A_243 = arith.subf %gather3A_242, %gather3A_18 : vector<16xf32>
    %gather3A_244 = tpu.vector_load_idx %arg8[%scan3A_59#27] : memref<2048xf32, #tpu.memory_space<vmem>>[vector<16xi32>], vector<16xf32>,
    %sub3A_245 = arith.subf %gather3A_244, %gather3A_19 : vector<16xf32>
    %gather3A_246 = tpu.vector_load_idx %arg9[%scan3A_59#27] : memref<2048xf32, #tpu.memory_space<vmem>>[vector<16xi32>], vector<16xf32>,
    %sub3A_247 = arith.subf %gather3A_246, %gather3A_20 : vector<16xf32>
    %gather3A_248 = tpu.vector_load_idx %arg10[%scan3A_59#27] : memref<2048xf32, #tpu.memory_space<vmem>>[vector<16xi32>], vector<16xf32>,
    %sub3A_249 = arith.subf %gather3A_248, %gather3A_21 : vector<16xf32>
    %broadcast_in_dim3A_250 = arith.constant 12 : i32
    %broadcast_in_dim3A_251 = vector.broadcast %broadcast_in_dim3A_250 : i32 to vector<16xi32>
    tpu.vector_store_idx %arg11[%add3A_193, %broadcast_in_dim3A_251], %sub3A_243 : memref<32x32xf32, #tpu.memory_space<vmem>>[vector<16xi32>, vector<16xi32>], vector<16xf32>,
    %broadcast_in_dim3A_252 = arith.constant 13 : i32
    %broadcast_in_dim3A_253 = vector.broadcast %broadcast_in_dim3A_252 : i32 to vector<16xi32>
    tpu.vector_store_idx %arg11[%add3A_193, %broadcast_in_dim3A_253], %sub3A_245 : memref<32x32xf32, #tpu.memory_space<vmem>>[vector<16xi32>, vector<16xi32>], vector<16xf32>,
    %broadcast_in_dim3A_254 = arith.constant 14 : i32
    %broadcast_in_dim3A_255 = vector.broadcast %broadcast_in_dim3A_254 : i32 to vector<16xi32>
    tpu.vector_store_idx %arg11[%add3A_193, %broadcast_in_dim3A_255], %sub3A_247 : memref<32x32xf32, #tpu.memory_space<vmem>>[vector<16xi32>, vector<16xi32>], vector<16xf32>,
    %broadcast_in_dim3A_256 = arith.constant 15 : i32
    %broadcast_in_dim3A_257 = vector.broadcast %broadcast_in_dim3A_256 : i32 to vector<16xi32>
    tpu.vector_store_idx %arg11[%add3A_193, %broadcast_in_dim3A_257], %sub3A_249 : memref<32x32xf32, #tpu.memory_space<vmem>>[vector<16xi32>, vector<16xi32>], vector<16xf32>,
    %gather3A_258 = tpu.vector_load_idx %arg7[%scan3A_59#28] : memref<2048xf32, #tpu.memory_space<vmem>>[vector<16xi32>], vector<16xf32>,
    %sub3A_259 = arith.subf %gather3A_258, %gather3A_18 : vector<16xf32>
    %gather3A_260 = tpu.vector_load_idx %arg8[%scan3A_59#28] : memref<2048xf32, #tpu.memory_space<vmem>>[vector<16xi32>], vector<16xf32>,
    %sub3A_261 = arith.subf %gather3A_260, %gather3A_19 : vector<16xf32>
    %gather3A_262 = tpu.vector_load_idx %arg9[%scan3A_59#28] : memref<2048xf32, #tpu.memory_space<vmem>>[vector<16xi32>], vector<16xf32>,
    %sub3A_263 = arith.subf %gather3A_262, %gather3A_20 : vector<16xf32>
    %gather3A_264 = tpu.vector_load_idx %arg10[%scan3A_59#28] : memref<2048xf32, #tpu.memory_space<vmem>>[vector<16xi32>], vector<16xf32>,
    %sub3A_265 = arith.subf %gather3A_264, %gather3A_21 : vector<16xf32>
    %broadcast_in_dim3A_266 = arith.constant 16 : i32
    %broadcast_in_dim3A_267 = vector.broadcast %broadcast_in_dim3A_266 : i32 to vector<16xi32>
    tpu.vector_store_idx %arg11[%add3A_193, %broadcast_in_dim3A_267], %sub3A_259 : memref<32x32xf32, #tpu.memory_space<vmem>>[vector<16xi32>, vector<16xi32>], vector<16xf32>,
    %broadcast_in_dim3A_268 = arith.constant 17 : i32
    %broadcast_in_dim3A_269 = vector.broadcast %broadcast_in_dim3A_268 : i32 to vector<16xi32>
    tpu.vector_store_idx %arg11[%add3A_193, %broadcast_in_dim3A_269], %sub3A_261 : memref<32x32xf32, #tpu.memory_space<vmem>>[vector<16xi32>, vector<16xi32>], vector<16xf32>,
    %broadcast_in_dim3A_270 = arith.constant 18 : i32
    %broadcast_in_dim3A_271 = vector.broadcast %broadcast_in_dim3A_270 : i32 to vector<16xi32>
    tpu.vector_store_idx %arg11[%add3A_193, %broadcast_in_dim3A_271], %sub3A_263 : memref<32x32xf32, #tpu.memory_space<vmem>>[vector<16xi32>, vector<16xi32>], vector<16xf32>,
    %broadcast_in_dim3A_272 = arith.constant 19 : i32
    %broadcast_in_dim3A_273 = vector.broadcast %broadcast_in_dim3A_272 : i32 to vector<16xi32>
    tpu.vector_store_idx %arg11[%add3A_193, %broadcast_in_dim3A_273], %sub3A_265 : memref<32x32xf32, #tpu.memory_space<vmem>>[vector<16xi32>, vector<16xi32>], vector<16xf32>,
    %gather3A_274 = tpu.vector_load_idx %arg7[%scan3A_59#29] : memref<2048xf32, #tpu.memory_space<vmem>>[vector<16xi32>], vector<16xf32>,
    %sub3A_275 = arith.subf %gather3A_274, %gather3A_18 : vector<16xf32>
    %gather3A_276 = tpu.vector_load_idx %arg8[%scan3A_59#29] : memref<2048xf32, #tpu.memory_space<vmem>>[vector<16xi32>], vector<16xf32>,
    %sub3A_277 = arith.subf %gather3A_276, %gather3A_19 : vector<16xf32>
    %gather3A_278 = tpu.vector_load_idx %arg9[%scan3A_59#29] : memref<2048xf32, #tpu.memory_space<vmem>>[vector<16xi32>], vector<16xf32>,
    %sub3A_279 = arith.subf %gather3A_278, %gather3A_20 : vector<16xf32>
    %gather3A_280 = tpu.vector_load_idx %arg10[%scan3A_59#29] : memref<2048xf32, #tpu.memory_space<vmem>>[vector<16xi32>], vector<16xf32>,
    %sub3A_281 = arith.subf %gather3A_280, %gather3A_21 : vector<16xf32>
    %broadcast_in_dim3A_282 = arith.constant 20 : i32
    %broadcast_in_dim3A_283 = vector.broadcast %broadcast_in_dim3A_282 : i32 to vector<16xi32>
    tpu.vector_store_idx %arg11[%add3A_193, %broadcast_in_dim3A_283], %sub3A_275 : memref<32x32xf32, #tpu.memory_space<vmem>>[vector<16xi32>, vector<16xi32>], vector<16xf32>,
    %broadcast_in_dim3A_284 = arith.constant 21 : i32
    %broadcast_in_dim3A_285 = vector.broadcast %broadcast_in_dim3A_284 : i32 to vector<16xi32>
    tpu.vector_store_idx %arg11[%add3A_193, %broadcast_in_dim3A_285], %sub3A_277 : memref<32x32xf32, #tpu.memory_space<vmem>>[vector<16xi32>, vector<16xi32>], vector<16xf32>,
    %broadcast_in_dim3A_286 = arith.constant 22 : i32
    %broadcast_in_dim3A_287 = vector.broadcast %broadcast_in_dim3A_286 : i32 to vector<16xi32>
    tpu.vector_store_idx %arg11[%add3A_193, %broadcast_in_dim3A_287], %sub3A_279 : memref<32x32xf32, #tpu.memory_space<vmem>>[vector<16xi32>, vector<16xi32>], vector<16xf32>,
    %broadcast_in_dim3A_288 = arith.constant 23 : i32
    %broadcast_in_dim3A_289 = vector.broadcast %broadcast_in_dim3A_288 : i32 to vector<16xi32>
    tpu.vector_store_idx %arg11[%add3A_193, %broadcast_in_dim3A_289], %sub3A_281 : memref<32x32xf32, #tpu.memory_space<vmem>>[vector<16xi32>, vector<16xi32>], vector<16xf32>,
    %gather3A_290 = tpu.vector_load_idx %arg7[%scan3A_59#30] : memref<2048xf32, #tpu.memory_space<vmem>>[vector<16xi32>], vector<16xf32>,
    %sub3A_291 = arith.subf %gather3A_290, %gather3A_18 : vector<16xf32>
    %gather3A_292 = tpu.vector_load_idx %arg8[%scan3A_59#30] : memref<2048xf32, #tpu.memory_space<vmem>>[vector<16xi32>], vector<16xf32>,
    %sub3A_293 = arith.subf %gather3A_292, %gather3A_19 : vector<16xf32>
    %gather3A_294 = tpu.vector_load_idx %arg9[%scan3A_59#30] : memref<2048xf32, #tpu.memory_space<vmem>>[vector<16xi32>], vector<16xf32>,
    %sub3A_295 = arith.subf %gather3A_294, %gather3A_20 : vector<16xf32>
    %gather3A_296 = tpu.vector_load_idx %arg10[%scan3A_59#30] : memref<2048xf32, #tpu.memory_space<vmem>>[vector<16xi32>], vector<16xf32>,
    %sub3A_297 = arith.subf %gather3A_296, %gather3A_21 : vector<16xf32>
    %broadcast_in_dim3A_298 = arith.constant 24 : i32
    %broadcast_in_dim3A_299 = vector.broadcast %broadcast_in_dim3A_298 : i32 to vector<16xi32>
    tpu.vector_store_idx %arg11[%add3A_193, %broadcast_in_dim3A_299], %sub3A_291 : memref<32x32xf32, #tpu.memory_space<vmem>>[vector<16xi32>, vector<16xi32>], vector<16xf32>,
    %broadcast_in_dim3A_300 = arith.constant 25 : i32
    %broadcast_in_dim3A_301 = vector.broadcast %broadcast_in_dim3A_300 : i32 to vector<16xi32>
    tpu.vector_store_idx %arg11[%add3A_193, %broadcast_in_dim3A_301], %sub3A_293 : memref<32x32xf32, #tpu.memory_space<vmem>>[vector<16xi32>, vector<16xi32>], vector<16xf32>,
    %broadcast_in_dim3A_302 = arith.constant 26 : i32
    %broadcast_in_dim3A_303 = vector.broadcast %broadcast_in_dim3A_302 : i32 to vector<16xi32>
    tpu.vector_store_idx %arg11[%add3A_193, %broadcast_in_dim3A_303], %sub3A_295 : memref<32x32xf32, #tpu.memory_space<vmem>>[vector<16xi32>, vector<16xi32>], vector<16xf32>,
    %broadcast_in_dim3A_304 = arith.constant 27 : i32
    %broadcast_in_dim3A_305 = vector.broadcast %broadcast_in_dim3A_304 : i32 to vector<16xi32>
    tpu.vector_store_idx %arg11[%add3A_193, %broadcast_in_dim3A_305], %sub3A_297 : memref<32x32xf32, #tpu.memory_space<vmem>>[vector<16xi32>, vector<16xi32>], vector<16xf32>,
    %gather3A_306 = tpu.vector_load_idx %arg7[%scan3A_59#31] : memref<2048xf32, #tpu.memory_space<vmem>>[vector<16xi32>], vector<16xf32>,
    %sub3A_307 = arith.subf %gather3A_306, %gather3A_18 : vector<16xf32>
    %gather3A_308 = tpu.vector_load_idx %arg8[%scan3A_59#31] : memref<2048xf32, #tpu.memory_space<vmem>>[vector<16xi32>], vector<16xf32>,
    %sub3A_309 = arith.subf %gather3A_308, %gather3A_19 : vector<16xf32>
    %gather3A_310 = tpu.vector_load_idx %arg9[%scan3A_59#31] : memref<2048xf32, #tpu.memory_space<vmem>>[vector<16xi32>], vector<16xf32>,
    %sub3A_311 = arith.subf %gather3A_310, %gather3A_20 : vector<16xf32>
    %gather3A_312 = tpu.vector_load_idx %arg10[%scan3A_59#31] : memref<2048xf32, #tpu.memory_space<vmem>>[vector<16xi32>], vector<16xf32>,
    %sub3A_313 = arith.subf %gather3A_312, %gather3A_21 : vector<16xf32>
    %broadcast_in_dim3A_314 = arith.constant 28 : i32
    %broadcast_in_dim3A_315 = vector.broadcast %broadcast_in_dim3A_314 : i32 to vector<16xi32>
    tpu.vector_store_idx %arg11[%add3A_193, %broadcast_in_dim3A_315], %sub3A_307 : memref<32x32xf32, #tpu.memory_space<vmem>>[vector<16xi32>, vector<16xi32>], vector<16xf32>,
    %broadcast_in_dim3A_316 = arith.constant 29 : i32
    %broadcast_in_dim3A_317 = vector.broadcast %broadcast_in_dim3A_316 : i32 to vector<16xi32>
    tpu.vector_store_idx %arg11[%add3A_193, %broadcast_in_dim3A_317], %sub3A_309 : memref<32x32xf32, #tpu.memory_space<vmem>>[vector<16xi32>, vector<16xi32>], vector<16xf32>,
    %broadcast_in_dim3A_318 = arith.constant 30 : i32
    %broadcast_in_dim3A_319 = vector.broadcast %broadcast_in_dim3A_318 : i32 to vector<16xi32>
    tpu.vector_store_idx %arg11[%add3A_193, %broadcast_in_dim3A_319], %sub3A_311 : memref<32x32xf32, #tpu.memory_space<vmem>>[vector<16xi32>, vector<16xi32>], vector<16xf32>,
    %broadcast_in_dim3A_320 = arith.constant 31 : i32
    %broadcast_in_dim3A_321 = vector.broadcast %broadcast_in_dim3A_320 : i32 to vector<16xi32>
    tpu.vector_store_idx %arg11[%add3A_193, %broadcast_in_dim3A_321], %sub3A_313 : memref<32x32xf32, #tpu.memory_space<vmem>>[vector<16xi32>, vector<16xi32>], vector<16xf32>,
    %mul3A_322 = arith.constant 32 : i32
    %mul3A_323 = arith.muli %add3A, %mul3A_322 : i32
    "tpu.region"() ({
      %run_scoped3A = tpu.sem_alloc : memref<!tpu.dma_semaphore, #tpu.memory_space<semaphore_mem>>
      %dma_start3A = arith.constant 0 : i32
      %dma_start3A_324 = tpu.memref_slice %arg6[%mul3A_323, %dma_start3A] : memref<1024x32xf32, #tpu.memory_space<hbm>> -> memref<32x32xf32, #tpu.memory_space<hbm>>
      %dma_start3A_325 = arith.constant 0 : i32
      %dma_start3A_326 = tpu.memref_slice %arg6[%mul3A_323, %dma_start3A_325] : memref<1024x32xf32, #tpu.memory_space<hbm>> -> memref<32x32xf32, #tpu.memory_space<hbm>>
      tpu.enqueue_dma source(%arg11 : memref<32x32xf32, #tpu.memory_space<vmem>>) target(%dma_start3A_326 : memref<32x32xf32, #tpu.memory_space<hbm>>) target_semaphore(%run_scoped3A : memref<!tpu.dma_semaphore, #tpu.memory_space<semaphore_mem>>)
      %dma_wait3A = arith.constant 0 : i32
      %dma_wait3A_327 = tpu.memref_slice %arg6[%mul3A_323, %dma_wait3A] : memref<1024x32xf32, #tpu.memory_space<hbm>> -> memref<32x32xf32, #tpu.memory_space<hbm>>
      %dma_wait3A_328 = arith.constant 0 : i32
      %dma_wait3A_329 = tpu.memref_slice %arg6[%mul3A_323, %dma_wait3A_328] : memref<1024x32xf32, #tpu.memory_space<hbm>> -> memref<32x32xf32, #tpu.memory_space<hbm>>
      tpu.wait_dma2 semaphore(%run_scoped3A : memref<!tpu.dma_semaphore, #tpu.memory_space<semaphore_mem>>) src(%arg11 : memref<32x32xf32, #tpu.memory_space<vmem>>) dst(%dma_wait3A_329 : memref<32x32xf32, #tpu.memory_space<hbm>>)
      tpu.yield
    }) : () -> ()
    return
  }
}

module attributes {stable_mosaic.version = 14 : i64} {
  func.func @_tc_sel_body(%arg0: i32, %arg1: memref<2x2048xf32, #tpu.memory_space<vmem>>, %arg2: memref<2x2048xf32, #tpu.memory_space<vmem>>, %arg3: memref<512x2xf32, #tpu.memory_space<vmem>>, %arg4: memref<512x2xf32, #tpu.memory_space<vmem>>, %arg5: memref<2048x12xbf16, #tpu.memory_space<vmem>>, %arg6: memref<4x32xf32, #tpu.memory_space<vmem>>, %arg7: memref<1x32xf32, #tpu.memory_space<vmem>>, %arg8: memref<4096x256xf32, #tpu.memory_space<vmem>>, %arg9: memref<1x4096xf32, #tpu.memory_space<vmem>>, %arg10: memref<256x1024xf32, #tpu.memory_space<vmem>>, %arg11: memref<1x256xf32, #tpu.memory_space<vmem>>, %arg12: memref<512x256xf32, #tpu.memory_space<vmem>>) attributes {dimension_semantics = [#tpu.dimension_semantics<arbitrary>], iteration_bounds = array<i64: 2>, scalar_prefetch = 0 : i64, scratch_operands = 0 : i64, tpu.core_type = #tpu.core_type<tc>, window_params = [{pipeline_mode = #tpu.pipeline_mode<synchronous>, transform_indices = @transform_0, window_bounds = array<i64: 2, 2048>}, {pipeline_mode = #tpu.pipeline_mode<synchronous>, transform_indices = @transform_1, window_bounds = array<i64: 2, 2048>}, {transform_indices = @transform_2, window_bounds = array<i64: 512, 2>}, {transform_indices = @transform_3, window_bounds = array<i64: 512, 2>}, {pipeline_mode = #tpu.pipeline_mode<synchronous>, transform_indices = @transform_4, window_bounds = array<i64: 2048, 12>}, {pipeline_mode = #tpu.pipeline_mode<synchronous>, transform_indices = @transform_5, window_bounds = array<i64: 4, 32>}, {pipeline_mode = #tpu.pipeline_mode<synchronous>, transform_indices = @transform_6, window_bounds = array<i64: 1, 32>}, {pipeline_mode = #tpu.pipeline_mode<synchronous>, transform_indices = @transform_7, window_bounds = array<i64: 4096, 256>}, {pipeline_mode = #tpu.pipeline_mode<synchronous>, transform_indices = @transform_8, window_bounds = array<i64: 1, 4096>}, {pipeline_mode = #tpu.pipeline_mode<synchronous>, transform_indices = @transform_9, window_bounds = array<i64: 256, 1024>}, {pipeline_mode = #tpu.pipeline_mode<synchronous>, transform_indices = @transform_10, window_bounds = array<i64: 1, 256>}, {transform_indices = @transform_11, window_bounds = array<i64: 512, 256>}]} {
    %get3A = arith.constant 0 : index
    %get3A_0 = arith.constant 0 : index
    %get3A_1 = vector.load %arg2[%get3A, %get3A_0] : memref<2x2048xf32, #tpu.memory_space<vmem>>, vector<1x2048xf32>
    %get3A_2 = arith.constant 1 : index
    %get3A_3 = arith.constant 0 : index
    %get3A_4 = vector.load %arg2[%get3A_2, %get3A_3] : memref<2x2048xf32, #tpu.memory_space<vmem>>, vector<1x2048xf32>
    %get3A_5 = arith.constant 0 : index
    %get3A_6 = arith.constant 0 : index
    %get3A_7 = vector.load %arg4[%get3A_5, %get3A_6] : memref<512x2xf32, #tpu.memory_space<vmem>>, vector<512x1xf32>
    %get3A_8 = arith.constant 0 : index
    %get3A_9 = arith.constant 1 : index
    %get3A_10 = vector.load %arg4[%get3A_8, %get3A_9] : memref<512x2xf32, #tpu.memory_space<vmem>>, vector<512x1xf32>
    %get3A_11 = arith.constant 0 : index
    %get3A_12 = arith.constant 0 : index
    %get3A_13 = vector.load %arg3[%get3A_11, %get3A_12] : memref<512x2xf32, #tpu.memory_space<vmem>>, vector<512x1xf32>
    %sub3A = arith.subf %get3A_7, %get3A_13 : vector<512x1xf32>
    %get3A_14 = arith.constant 0 : index
    %get3A_15 = arith.constant 1 : index
    %get3A_16 = vector.load %arg3[%get3A_14, %get3A_15] : memref<512x2xf32, #tpu.memory_space<vmem>>, vector<512x1xf32>
    %sub3A_17 = arith.subf %get3A_10, %get3A_16 : vector<512x1xf32>
    %sub3A_18 = vector.broadcast %get3A_1 : vector<1x2048xf32> to vector<512x2048xf32>
    %sub3A_19 = vector.broadcast %get3A_7 : vector<512x1xf32> to vector<512x2048xf32>
    %sub3A_20 = arith.subf %sub3A_18, %sub3A_19 : vector<512x2048xf32>
    %sub3A_21 = vector.broadcast %get3A_4 : vector<1x2048xf32> to vector<512x2048xf32>
    %sub3A_22 = vector.broadcast %get3A_10 : vector<512x1xf32> to vector<512x2048xf32>
    %sub3A_23 = arith.subf %sub3A_21, %sub3A_22 : vector<512x2048xf32>
    %mul3A = arith.mulf %sub3A_20, %sub3A_20 : vector<512x2048xf32>
    %mul3A_24 = arith.mulf %sub3A_23, %sub3A_23 : vector<512x2048xf32>
    %add3A = arith.addf %mul3A, %mul3A_24 : vector<512x2048xf32>
    %iota3A = tpu.iota {dimensions = array<i32: 1>} : vector<512x2048xi32>
    %mul3A_25 = arith.constant 512 : i32
    %mul3A_26 = arith.muli %arg0, %mul3A_25 : i32
    %iota3A_27 = tpu.iota {dimensions = array<i32: 0>} : vector<512x2048xi32>
    %add3A_28 = vector.broadcast %mul3A_26 : i32 to vector<512x2048xi32>
    %add3A_29 = arith.addi %add3A_28, %iota3A_27 : vector<512x2048xi32>
    %eq3A = arith.cmpi eq, %iota3A, %add3A_29 : vector<512x2048xi32>
    %jit3A = arith.constant 0x7F800000 : f32
    %broadcast_in_dim3A = vector.broadcast %jit3A : f32 to vector<512x2048xf32>
    %select_n3A = arith.select %eq3A, %broadcast_in_dim3A, %add3A : vector<512x2048xi1>, vector<512x2048xf32>
    %reduce_min3A = arith.constant dense<0x7F800000> : vector<512xf32>
    %reduce_min3A_30 = vector.multi_reduction <minimumf>, %select_n3A, %reduce_min3A [1] : vector<512x2048xf32> to vector<512xf32>
    %broadcast_in_dim3A_31 = vector.shape_cast %reduce_min3A_30 : vector<512xf32> to vector<512x1xf32>
    %eq3A_32 = vector.broadcast %broadcast_in_dim3A_31 : vector<512x1xf32> to vector<512x2048xf32>
    %eq3A_33 = arith.cmpf oeq, %select_n3A, %eq3A_32 : vector<512x2048xf32>
    %jit3A_34 = arith.constant 2048 : i32
    %broadcast_in_dim3A_35 = vector.broadcast %jit3A_34 : i32 to vector<512x2048xi32>
    %select_n3A_36 = arith.select %eq3A_33, %iota3A, %broadcast_in_dim3A_35 : vector<512x2048xi1>, vector<512x2048xi32>
    %reduce_min3A_37 = arith.constant dense<2147483647> : vector<512xi32>
    %reduce_min3A_38 = vector.multi_reduction <minsi>, %select_n3A_36, %reduce_min3A_37 [1] : vector<512x2048xi32> to vector<512xi32>
    %broadcast_in_dim3A_39 = vector.shape_cast %reduce_min3A_38 : vector<512xi32> to vector<512x1xi32>
    %eq3A_40 = vector.broadcast %broadcast_in_dim3A_39 : vector<512x1xi32> to vector<512x2048xi32>
    %eq3A_41 = arith.cmpi eq, %iota3A, %eq3A_40 : vector<512x2048xi32>
    %jit3A_42 = arith.constant 1.000000e+00 : f32
    %jit3A_43 = arith.constant 0.000000e+00 : f32
    %broadcast_in_dim3A_44 = vector.broadcast %jit3A_42 : f32 to vector<512x2048xf32>
    %broadcast_in_dim3A_45 = vector.broadcast %jit3A_43 : f32 to vector<512x2048xf32>
    %select_n3A_46 = arith.select %eq3A_41, %broadcast_in_dim3A_44, %broadcast_in_dim3A_45 : vector<512x2048xi1>, vector<512x2048xf32>
    %convert_element_type3A = arith.truncf %select_n3A_46 : vector<512x2048xf32> to vector<512x2048xbf16>
    %jit3A_47 = arith.constant 0x7F800000 : f32
    %broadcast_in_dim3A_48 = vector.broadcast %jit3A_47 : f32 to vector<512x2048xf32>
    %select_n3A_49 = arith.select %eq3A_41, %broadcast_in_dim3A_48, %select_n3A : vector<512x2048xi1>, vector<512x2048xf32>
    %get3A_50 = arith.constant 0 : index
    %get3A_51 = arith.constant 0 : index
    %get3A_52 = vector.load %arg5[%get3A_50, %get3A_51] : memref<2048x12xbf16, #tpu.memory_space<vmem>>, vector<2048x12xbf16>
    %dot_general3A = arith.constant dense<0.000000e+00> : vector<512x12xf32>
    %dot_general3A_53 = tpu.matmul %convert_element_type3A, %get3A_52, %dot_general3A {dimension_numbers = #tpu.dot_dimension_numbers<[1], [0], [0], [1], [0, 0, 1, 1], [], []>, transpose_lhs_hint = false} : vector<512x2048xbf16>, vector<2048x12xbf16>, vector<512x12xf32> -> vector<512x12xf32>
    %slice3A = vector.extract_strided_slice %dot_general3A_53 {offsets = [0, 0], sizes = [512, 4], strides = [1, 1]} : vector<512x12xf32> to vector<512x4xf32>
    %slice3A_54 = vector.extract_strided_slice %dot_general3A_53 {offsets = [0, 4], sizes = [512, 4], strides = [1, 1]} : vector<512x12xf32> to vector<512x4xf32>
    %add3A_55 = arith.addf %slice3A, %slice3A_54 : vector<512x4xf32>
    %slice3A_56 = vector.extract_strided_slice %dot_general3A_53 {offsets = [0, 8], sizes = [512, 4], strides = [1, 1]} : vector<512x12xf32> to vector<512x4xf32>
    %add3A_57 = arith.addf %add3A_55, %slice3A_56 : vector<512x4xf32>
    %slice3A_58 = vector.extract_strided_slice %add3A_57 {offsets = [0, 0], sizes = [512, 1], strides = [1, 1]} : vector<512x4xf32> to vector<512x1xf32>
    %sub3A_59 = arith.subf %slice3A_58, %get3A_7 : vector<512x1xf32>
    %get3A_60 = arith.constant 0 : index
    %get3A_61 = arith.constant 0 : index
    %get3A_62 = vector.load %arg6[%get3A_60, %get3A_61] : memref<4x32xf32, #tpu.memory_space<vmem>>, vector<1x32xf32>
    %mul3A_63 = vector.broadcast %sub3A_59 : vector<512x1xf32> to vector<512x32xf32>
    %mul3A_64 = vector.broadcast %get3A_62 : vector<1x32xf32> to vector<512x32xf32>
    %mul3A_65 = arith.mulf %mul3A_63, %mul3A_64 : vector<512x32xf32>
    %slice3A_66 = vector.extract_strided_slice %add3A_57 {offsets = [0, 1], sizes = [512, 1], strides = [1, 1]} : vector<512x4xf32> to vector<512x1xf32>
    %sub3A_67 = arith.subf %slice3A_66, %get3A_10 : vector<512x1xf32>
    %get3A_68 = arith.constant 1 : index
    %get3A_69 = arith.constant 0 : index
    %get3A_70 = vector.load %arg6[%get3A_68, %get3A_69] : memref<4x32xf32, #tpu.memory_space<vmem>>, vector<1x32xf32>
    %mul3A_71 = vector.broadcast %sub3A_67 : vector<512x1xf32> to vector<512x32xf32>
    %mul3A_72 = vector.broadcast %get3A_70 : vector<1x32xf32> to vector<512x32xf32>
    %mul3A_73 = arith.mulf %mul3A_71, %mul3A_72 : vector<512x32xf32>
    %add3A_74 = arith.addf %mul3A_65, %mul3A_73 : vector<512x32xf32>
    %slice3A_75 = vector.extract_strided_slice %add3A_57 {offsets = [0, 2], sizes = [512, 1], strides = [1, 1]} : vector<512x4xf32> to vector<512x1xf32>
    %sub3A_76 = arith.subf %slice3A_75, %sub3A : vector<512x1xf32>
    %get3A_77 = arith.constant 2 : index
    %get3A_78 = arith.constant 0 : index
    %get3A_79 = vector.load %arg6[%get3A_77, %get3A_78] : memref<4x32xf32, #tpu.memory_space<vmem>>, vector<1x32xf32>
    %mul3A_80 = vector.broadcast %sub3A_76 : vector<512x1xf32> to vector<512x32xf32>
    %mul3A_81 = vector.broadcast %get3A_79 : vector<1x32xf32> to vector<512x32xf32>
    %mul3A_82 = arith.mulf %mul3A_80, %mul3A_81 : vector<512x32xf32>
    %add3A_83 = arith.addf %add3A_74, %mul3A_82 : vector<512x32xf32>
    %slice3A_84 = vector.extract_strided_slice %add3A_57 {offsets = [0, 3], sizes = [512, 1], strides = [1, 1]} : vector<512x4xf32> to vector<512x1xf32>
    %sub3A_85 = arith.subf %slice3A_84, %sub3A_17 : vector<512x1xf32>
    %get3A_86 = arith.constant 3 : index
    %get3A_87 = arith.constant 0 : index
    %get3A_88 = vector.load %arg6[%get3A_86, %get3A_87] : memref<4x32xf32, #tpu.memory_space<vmem>>, vector<1x32xf32>
    %mul3A_89 = vector.broadcast %sub3A_85 : vector<512x1xf32> to vector<512x32xf32>
    %mul3A_90 = vector.broadcast %get3A_88 : vector<1x32xf32> to vector<512x32xf32>
    %mul3A_91 = arith.mulf %mul3A_89, %mul3A_90 : vector<512x32xf32>
    %add3A_92 = arith.addf %add3A_83, %mul3A_91 : vector<512x32xf32>
    %get3A_93 = arith.constant 0 : index
    %get3A_94 = arith.constant 0 : index
    %get3A_95 = vector.load %arg7[%get3A_93, %get3A_94] : memref<1x32xf32, #tpu.memory_space<vmem>>, vector<1x32xf32>
    %add3A_96 = vector.broadcast %get3A_95 : vector<1x32xf32> to vector<512x32xf32>
    %add3A_97 = arith.addf %add3A_92, %add3A_96 : vector<512x32xf32>
    %max3A = arith.constant 0.000000e+00 : f32
    %max3A_98 = vector.broadcast %max3A : f32 to vector<512x32xf32>
    %max3A_99 = arith.maximumf %add3A_97, %max3A_98 : vector<512x32xf32>
    %reduce_min3A_100 = arith.constant dense<0x7F800000> : vector<512xf32>
    %reduce_min3A_101 = vector.multi_reduction <minimumf>, %select_n3A_49, %reduce_min3A_100 [1] : vector<512x2048xf32> to vector<512xf32>
    %broadcast_in_dim3A_102 = vector.shape_cast %reduce_min3A_101 : vector<512xf32> to vector<512x1xf32>
    %eq3A_103 = vector.broadcast %broadcast_in_dim3A_102 : vector<512x1xf32> to vector<512x2048xf32>
    %eq3A_104 = arith.cmpf oeq, %select_n3A_49, %eq3A_103 : vector<512x2048xf32>
    %jit3A_105 = arith.constant 2048 : i32
    %broadcast_in_dim3A_106 = vector.broadcast %jit3A_105 : i32 to vector<512x2048xi32>
    %select_n3A_107 = arith.select %eq3A_104, %iota3A, %broadcast_in_dim3A_106 : vector<512x2048xi1>, vector<512x2048xi32>
    %reduce_min3A_108 = arith.constant dense<2147483647> : vector<512xi32>
    %reduce_min3A_109 = vector.multi_reduction <minsi>, %select_n3A_107, %reduce_min3A_108 [1] : vector<512x2048xi32> to vector<512xi32>
    %broadcast_in_dim3A_110 = vector.shape_cast %reduce_min3A_109 : vector<512xi32> to vector<512x1xi32>
    %eq3A_111 = vector.broadcast %broadcast_in_dim3A_110 : vector<512x1xi32> to vector<512x2048xi32>
    %eq3A_112 = arith.cmpi eq, %iota3A, %eq3A_111 : vector<512x2048xi32>
    %jit3A_113 = arith.constant 1.000000e+00 : f32
    %jit3A_114 = arith.constant 0.000000e+00 : f32
    %broadcast_in_dim3A_115 = vector.broadcast %jit3A_113 : f32 to vector<512x2048xf32>
    %broadcast_in_dim3A_116 = vector.broadcast %jit3A_114 : f32 to vector<512x2048xf32>
    %select_n3A_117 = arith.select %eq3A_112, %broadcast_in_dim3A_115, %broadcast_in_dim3A_116 : vector<512x2048xi1>, vector<512x2048xf32>
    %convert_element_type3A_118 = arith.truncf %select_n3A_117 : vector<512x2048xf32> to vector<512x2048xbf16>
    %jit3A_119 = arith.constant 0x7F800000 : f32
    %broadcast_in_dim3A_120 = vector.broadcast %jit3A_119 : f32 to vector<512x2048xf32>
    %select_n3A_121 = arith.select %eq3A_112, %broadcast_in_dim3A_120, %select_n3A_49 : vector<512x2048xi1>, vector<512x2048xf32>
    %get3A_122 = arith.constant 0 : index
    %get3A_123 = arith.constant 0 : index
    %get3A_124 = vector.load %arg5[%get3A_122, %get3A_123] : memref<2048x12xbf16, #tpu.memory_space<vmem>>, vector<2048x12xbf16>
    %dot_general3A_125 = arith.constant dense<0.000000e+00> : vector<512x12xf32>
    %dot_general3A_126 = tpu.matmul %convert_element_type3A_118, %get3A_124, %dot_general3A_125 {dimension_numbers = #tpu.dot_dimension_numbers<[1], [0], [0], [1], [0, 0, 1, 1], [], []>, transpose_lhs_hint = false} : vector<512x2048xbf16>, vector<2048x12xbf16>, vector<512x12xf32> -> vector<512x12xf32>
    %slice3A_127 = vector.extract_strided_slice %dot_general3A_126 {offsets = [0, 0], sizes = [512, 4], strides = [1, 1]} : vector<512x12xf32> to vector<512x4xf32>
    %slice3A_128 = vector.extract_strided_slice %dot_general3A_126 {offsets = [0, 4], sizes = [512, 4], strides = [1, 1]} : vector<512x12xf32> to vector<512x4xf32>
    %add3A_129 = arith.addf %slice3A_127, %slice3A_128 : vector<512x4xf32>
    %slice3A_130 = vector.extract_strided_slice %dot_general3A_126 {offsets = [0, 8], sizes = [512, 4], strides = [1, 1]} : vector<512x12xf32> to vector<512x4xf32>
    %add3A_131 = arith.addf %add3A_129, %slice3A_130 : vector<512x4xf32>
    %slice3A_132 = vector.extract_strided_slice %add3A_131 {offsets = [0, 0], sizes = [512, 1], strides = [1, 1]} : vector<512x4xf32> to vector<512x1xf32>
    %sub3A_133 = arith.subf %slice3A_132, %get3A_7 : vector<512x1xf32>
    %get3A_134 = arith.constant 0 : index
    %get3A_135 = arith.constant 0 : index
    %get3A_136 = vector.load %arg6[%get3A_134, %get3A_135] : memref<4x32xf32, #tpu.memory_space<vmem>>, vector<1x32xf32>
    %mul3A_137 = vector.broadcast %sub3A_133 : vector<512x1xf32> to vector<512x32xf32>
    %mul3A_138 = vector.broadcast %get3A_136 : vector<1x32xf32> to vector<512x32xf32>
    %mul3A_139 = arith.mulf %mul3A_137, %mul3A_138 : vector<512x32xf32>
    %slice3A_140 = vector.extract_strided_slice %add3A_131 {offsets = [0, 1], sizes = [512, 1], strides = [1, 1]} : vector<512x4xf32> to vector<512x1xf32>
    %sub3A_141 = arith.subf %slice3A_140, %get3A_10 : vector<512x1xf32>
    %get3A_142 = arith.constant 1 : index
    %get3A_143 = arith.constant 0 : index
    %get3A_144 = vector.load %arg6[%get3A_142, %get3A_143] : memref<4x32xf32, #tpu.memory_space<vmem>>, vector<1x32xf32>
    %mul3A_145 = vector.broadcast %sub3A_141 : vector<512x1xf32> to vector<512x32xf32>
    %mul3A_146 = vector.broadcast %get3A_144 : vector<1x32xf32> to vector<512x32xf32>
    %mul3A_147 = arith.mulf %mul3A_145, %mul3A_146 : vector<512x32xf32>
    %add3A_148 = arith.addf %mul3A_139, %mul3A_147 : vector<512x32xf32>
    %slice3A_149 = vector.extract_strided_slice %add3A_131 {offsets = [0, 2], sizes = [512, 1], strides = [1, 1]} : vector<512x4xf32> to vector<512x1xf32>
    %sub3A_150 = arith.subf %slice3A_149, %sub3A : vector<512x1xf32>
    %get3A_151 = arith.constant 2 : index
    %get3A_152 = arith.constant 0 : index
    %get3A_153 = vector.load %arg6[%get3A_151, %get3A_152] : memref<4x32xf32, #tpu.memory_space<vmem>>, vector<1x32xf32>
    %mul3A_154 = vector.broadcast %sub3A_150 : vector<512x1xf32> to vector<512x32xf32>
    %mul3A_155 = vector.broadcast %get3A_153 : vector<1x32xf32> to vector<512x32xf32>
    %mul3A_156 = arith.mulf %mul3A_154, %mul3A_155 : vector<512x32xf32>
    %add3A_157 = arith.addf %add3A_148, %mul3A_156 : vector<512x32xf32>
    %slice3A_158 = vector.extract_strided_slice %add3A_131 {offsets = [0, 3], sizes = [512, 1], strides = [1, 1]} : vector<512x4xf32> to vector<512x1xf32>
    %sub3A_159 = arith.subf %slice3A_158, %sub3A_17 : vector<512x1xf32>
    %get3A_160 = arith.constant 3 : index
    %get3A_161 = arith.constant 0 : index
    %get3A_162 = vector.load %arg6[%get3A_160, %get3A_161] : memref<4x32xf32, #tpu.memory_space<vmem>>, vector<1x32xf32>
    %mul3A_163 = vector.broadcast %sub3A_159 : vector<512x1xf32> to vector<512x32xf32>
    %mul3A_164 = vector.broadcast %get3A_162 : vector<1x32xf32> to vector<512x32xf32>
    %mul3A_165 = arith.mulf %mul3A_163, %mul3A_164 : vector<512x32xf32>
    %add3A_166 = arith.addf %add3A_157, %mul3A_165 : vector<512x32xf32>
    %get3A_167 = arith.constant 0 : index
    %get3A_168 = arith.constant 0 : index
    %get3A_169 = vector.load %arg7[%get3A_167, %get3A_168] : memref<1x32xf32, #tpu.memory_space<vmem>>, vector<1x32xf32>
    %add3A_170 = vector.broadcast %get3A_169 : vector<1x32xf32> to vector<512x32xf32>
    %add3A_171 = arith.addf %add3A_166, %add3A_170 : vector<512x32xf32>
    %max3A_172 = arith.constant 0.000000e+00 : f32
    %max3A_173 = vector.broadcast %max3A_172 : f32 to vector<512x32xf32>
    %max3A_174 = arith.maximumf %add3A_171, %max3A_173 : vector<512x32xf32>
    %reduce_min3A_175 = arith.constant dense<0x7F800000> : vector<512xf32>
    %reduce_min3A_176 = vector.multi_reduction <minimumf>, %select_n3A_121, %reduce_min3A_175 [1] : vector<512x2048xf32> to vector<512xf32>
    %broadcast_in_dim3A_177 = vector.shape_cast %reduce_min3A_176 : vector<512xf32> to vector<512x1xf32>
    %eq3A_178 = vector.broadcast %broadcast_in_dim3A_177 : vector<512x1xf32> to vector<512x2048xf32>
    %eq3A_179 = arith.cmpf oeq, %select_n3A_121, %eq3A_178 : vector<512x2048xf32>
    %jit3A_180 = arith.constant 2048 : i32
    %broadcast_in_dim3A_181 = vector.broadcast %jit3A_180 : i32 to vector<512x2048xi32>
    %select_n3A_182 = arith.select %eq3A_179, %iota3A, %broadcast_in_dim3A_181 : vector<512x2048xi1>, vector<512x2048xi32>
    %reduce_min3A_183 = arith.constant dense<2147483647> : vector<512xi32>
    %reduce_min3A_184 = vector.multi_reduction <minsi>, %select_n3A_182, %reduce_min3A_183 [1] : vector<512x2048xi32> to vector<512xi32>
    %broadcast_in_dim3A_185 = vector.shape_cast %reduce_min3A_184 : vector<512xi32> to vector<512x1xi32>
    %eq3A_186 = vector.broadcast %broadcast_in_dim3A_185 : vector<512x1xi32> to vector<512x2048xi32>
    %eq3A_187 = arith.cmpi eq, %iota3A, %eq3A_186 : vector<512x2048xi32>
    %jit3A_188 = arith.constant 1.000000e+00 : f32
    %jit3A_189 = arith.constant 0.000000e+00 : f32
    %broadcast_in_dim3A_190 = vector.broadcast %jit3A_188 : f32 to vector<512x2048xf32>
    %broadcast_in_dim3A_191 = vector.broadcast %jit3A_189 : f32 to vector<512x2048xf32>
    %select_n3A_192 = arith.select %eq3A_187, %broadcast_in_dim3A_190, %broadcast_in_dim3A_191 : vector<512x2048xi1>, vector<512x2048xf32>
    %convert_element_type3A_193 = arith.truncf %select_n3A_192 : vector<512x2048xf32> to vector<512x2048xbf16>
    %jit3A_194 = arith.constant 0x7F800000 : f32
    %broadcast_in_dim3A_195 = vector.broadcast %jit3A_194 : f32 to vector<512x2048xf32>
    %select_n3A_196 = arith.select %eq3A_187, %broadcast_in_dim3A_195, %select_n3A_121 : vector<512x2048xi1>, vector<512x2048xf32>
    %get3A_197 = arith.constant 0 : index
    %get3A_198 = arith.constant 0 : index
    %get3A_199 = vector.load %arg5[%get3A_197, %get3A_198] : memref<2048x12xbf16, #tpu.memory_space<vmem>>, vector<2048x12xbf16>
    %dot_general3A_200 = arith.constant dense<0.000000e+00> : vector<512x12xf32>
    %dot_general3A_201 = tpu.matmul %convert_element_type3A_193, %get3A_199, %dot_general3A_200 {dimension_numbers = #tpu.dot_dimension_numbers<[1], [0], [0], [1], [0, 0, 1, 1], [], []>, transpose_lhs_hint = false} : vector<512x2048xbf16>, vector<2048x12xbf16>, vector<512x12xf32> -> vector<512x12xf32>
    %slice3A_202 = vector.extract_strided_slice %dot_general3A_201 {offsets = [0, 0], sizes = [512, 4], strides = [1, 1]} : vector<512x12xf32> to vector<512x4xf32>
    %slice3A_203 = vector.extract_strided_slice %dot_general3A_201 {offsets = [0, 4], sizes = [512, 4], strides = [1, 1]} : vector<512x12xf32> to vector<512x4xf32>
    %add3A_204 = arith.addf %slice3A_202, %slice3A_203 : vector<512x4xf32>
    %slice3A_205 = vector.extract_strided_slice %dot_general3A_201 {offsets = [0, 8], sizes = [512, 4], strides = [1, 1]} : vector<512x12xf32> to vector<512x4xf32>
    %add3A_206 = arith.addf %add3A_204, %slice3A_205 : vector<512x4xf32>
    %slice3A_207 = vector.extract_strided_slice %add3A_206 {offsets = [0, 0], sizes = [512, 1], strides = [1, 1]} : vector<512x4xf32> to vector<512x1xf32>
    %sub3A_208 = arith.subf %slice3A_207, %get3A_7 : vector<512x1xf32>
    %get3A_209 = arith.constant 0 : index
    %get3A_210 = arith.constant 0 : index
    %get3A_211 = vector.load %arg6[%get3A_209, %get3A_210] : memref<4x32xf32, #tpu.memory_space<vmem>>, vector<1x32xf32>
    %mul3A_212 = vector.broadcast %sub3A_208 : vector<512x1xf32> to vector<512x32xf32>
    %mul3A_213 = vector.broadcast %get3A_211 : vector<1x32xf32> to vector<512x32xf32>
    %mul3A_214 = arith.mulf %mul3A_212, %mul3A_213 : vector<512x32xf32>
    %slice3A_215 = vector.extract_strided_slice %add3A_206 {offsets = [0, 1], sizes = [512, 1], strides = [1, 1]} : vector<512x4xf32> to vector<512x1xf32>
    %sub3A_216 = arith.subf %slice3A_215, %get3A_10 : vector<512x1xf32>
    %get3A_217 = arith.constant 1 : index
    %get3A_218 = arith.constant 0 : index
    %get3A_219 = vector.load %arg6[%get3A_217, %get3A_218] : memref<4x32xf32, #tpu.memory_space<vmem>>, vector<1x32xf32>
    %mul3A_220 = vector.broadcast %sub3A_216 : vector<512x1xf32> to vector<512x32xf32>
    %mul3A_221 = vector.broadcast %get3A_219 : vector<1x32xf32> to vector<512x32xf32>
    %mul3A_222 = arith.mulf %mul3A_220, %mul3A_221 : vector<512x32xf32>
    %add3A_223 = arith.addf %mul3A_214, %mul3A_222 : vector<512x32xf32>
    %slice3A_224 = vector.extract_strided_slice %add3A_206 {offsets = [0, 2], sizes = [512, 1], strides = [1, 1]} : vector<512x4xf32> to vector<512x1xf32>
    %sub3A_225 = arith.subf %slice3A_224, %sub3A : vector<512x1xf32>
    %get3A_226 = arith.constant 2 : index
    %get3A_227 = arith.constant 0 : index
    %get3A_228 = vector.load %arg6[%get3A_226, %get3A_227] : memref<4x32xf32, #tpu.memory_space<vmem>>, vector<1x32xf32>
    %mul3A_229 = vector.broadcast %sub3A_225 : vector<512x1xf32> to vector<512x32xf32>
    %mul3A_230 = vector.broadcast %get3A_228 : vector<1x32xf32> to vector<512x32xf32>
    %mul3A_231 = arith.mulf %mul3A_229, %mul3A_230 : vector<512x32xf32>
    %add3A_232 = arith.addf %add3A_223, %mul3A_231 : vector<512x32xf32>
    %slice3A_233 = vector.extract_strided_slice %add3A_206 {offsets = [0, 3], sizes = [512, 1], strides = [1, 1]} : vector<512x4xf32> to vector<512x1xf32>
    %sub3A_234 = arith.subf %slice3A_233, %sub3A_17 : vector<512x1xf32>
    %get3A_235 = arith.constant 3 : index
    %get3A_236 = arith.constant 0 : index
    %get3A_237 = vector.load %arg6[%get3A_235, %get3A_236] : memref<4x32xf32, #tpu.memory_space<vmem>>, vector<1x32xf32>
    %mul3A_238 = vector.broadcast %sub3A_234 : vector<512x1xf32> to vector<512x32xf32>
    %mul3A_239 = vector.broadcast %get3A_237 : vector<1x32xf32> to vector<512x32xf32>
    %mul3A_240 = arith.mulf %mul3A_238, %mul3A_239 : vector<512x32xf32>
    %add3A_241 = arith.addf %add3A_232, %mul3A_240 : vector<512x32xf32>
    %get3A_242 = arith.constant 0 : index
    %get3A_243 = arith.constant 0 : index
    %get3A_244 = vector.load %arg7[%get3A_242, %get3A_243] : memref<1x32xf32, #tpu.memory_space<vmem>>, vector<1x32xf32>
    %add3A_245 = vector.broadcast %get3A_244 : vector<1x32xf32> to vector<512x32xf32>
    %add3A_246 = arith.addf %add3A_241, %add3A_245 : vector<512x32xf32>
    %max3A_247 = arith.constant 0.000000e+00 : f32
    %max3A_248 = vector.broadcast %max3A_247 : f32 to vector<512x32xf32>
    %max3A_249 = arith.maximumf %add3A_246, %max3A_248 : vector<512x32xf32>
    %reduce_min3A_250 = arith.constant dense<0x7F800000> : vector<512xf32>
    %reduce_min3A_251 = vector.multi_reduction <minimumf>, %select_n3A_196, %reduce_min3A_250 [1] : vector<512x2048xf32> to vector<512xf32>
    %broadcast_in_dim3A_252 = vector.shape_cast %reduce_min3A_251 : vector<512xf32> to vector<512x1xf32>
    %eq3A_253 = vector.broadcast %broadcast_in_dim3A_252 : vector<512x1xf32> to vector<512x2048xf32>
    %eq3A_254 = arith.cmpf oeq, %select_n3A_196, %eq3A_253 : vector<512x2048xf32>
    %jit3A_255 = arith.constant 2048 : i32
    %broadcast_in_dim3A_256 = vector.broadcast %jit3A_255 : i32 to vector<512x2048xi32>
    %select_n3A_257 = arith.select %eq3A_254, %iota3A, %broadcast_in_dim3A_256 : vector<512x2048xi1>, vector<512x2048xi32>
    %reduce_min3A_258 = arith.constant dense<2147483647> : vector<512xi32>
    %reduce_min3A_259 = vector.multi_reduction <minsi>, %select_n3A_257, %reduce_min3A_258 [1] : vector<512x2048xi32> to vector<512xi32>
    %broadcast_in_dim3A_260 = vector.shape_cast %reduce_min3A_259 : vector<512xi32> to vector<512x1xi32>
    %eq3A_261 = vector.broadcast %broadcast_in_dim3A_260 : vector<512x1xi32> to vector<512x2048xi32>
    %eq3A_262 = arith.cmpi eq, %iota3A, %eq3A_261 : vector<512x2048xi32>
    %jit3A_263 = arith.constant 1.000000e+00 : f32
    %jit3A_264 = arith.constant 0.000000e+00 : f32
    %broadcast_in_dim3A_265 = vector.broadcast %jit3A_263 : f32 to vector<512x2048xf32>
    %broadcast_in_dim3A_266 = vector.broadcast %jit3A_264 : f32 to vector<512x2048xf32>
    %select_n3A_267 = arith.select %eq3A_262, %broadcast_in_dim3A_265, %broadcast_in_dim3A_266 : vector<512x2048xi1>, vector<512x2048xf32>
    %convert_element_type3A_268 = arith.truncf %select_n3A_267 : vector<512x2048xf32> to vector<512x2048xbf16>
    %jit3A_269 = arith.constant 0x7F800000 : f32
    %broadcast_in_dim3A_270 = vector.broadcast %jit3A_269 : f32 to vector<512x2048xf32>
    %select_n3A_271 = arith.select %eq3A_262, %broadcast_in_dim3A_270, %select_n3A_196 : vector<512x2048xi1>, vector<512x2048xf32>
    %get3A_272 = arith.constant 0 : index
    %get3A_273 = arith.constant 0 : index
    %get3A_274 = vector.load %arg5[%get3A_272, %get3A_273] : memref<2048x12xbf16, #tpu.memory_space<vmem>>, vector<2048x12xbf16>
    %dot_general3A_275 = arith.constant dense<0.000000e+00> : vector<512x12xf32>
    %dot_general3A_276 = tpu.matmul %convert_element_type3A_268, %get3A_274, %dot_general3A_275 {dimension_numbers = #tpu.dot_dimension_numbers<[1], [0], [0], [1], [0, 0, 1, 1], [], []>, transpose_lhs_hint = false} : vector<512x2048xbf16>, vector<2048x12xbf16>, vector<512x12xf32> -> vector<512x12xf32>
    %slice3A_277 = vector.extract_strided_slice %dot_general3A_276 {offsets = [0, 0], sizes = [512, 4], strides = [1, 1]} : vector<512x12xf32> to vector<512x4xf32>
    %slice3A_278 = vector.extract_strided_slice %dot_general3A_276 {offsets = [0, 4], sizes = [512, 4], strides = [1, 1]} : vector<512x12xf32> to vector<512x4xf32>
    %add3A_279 = arith.addf %slice3A_277, %slice3A_278 : vector<512x4xf32>
    %slice3A_280 = vector.extract_strided_slice %dot_general3A_276 {offsets = [0, 8], sizes = [512, 4], strides = [1, 1]} : vector<512x12xf32> to vector<512x4xf32>
    %add3A_281 = arith.addf %add3A_279, %slice3A_280 : vector<512x4xf32>
    %slice3A_282 = vector.extract_strided_slice %add3A_281 {offsets = [0, 0], sizes = [512, 1], strides = [1, 1]} : vector<512x4xf32> to vector<512x1xf32>
    %sub3A_283 = arith.subf %slice3A_282, %get3A_7 : vector<512x1xf32>
    %get3A_284 = arith.constant 0 : index
    %get3A_285 = arith.constant 0 : index
    %get3A_286 = vector.load %arg6[%get3A_284, %get3A_285] : memref<4x32xf32, #tpu.memory_space<vmem>>, vector<1x32xf32>
    %mul3A_287 = vector.broadcast %sub3A_283 : vector<512x1xf32> to vector<512x32xf32>
    %mul3A_288 = vector.broadcast %get3A_286 : vector<1x32xf32> to vector<512x32xf32>
    %mul3A_289 = arith.mulf %mul3A_287, %mul3A_288 : vector<512x32xf32>
    %slice3A_290 = vector.extract_strided_slice %add3A_281 {offsets = [0, 1], sizes = [512, 1], strides = [1, 1]} : vector<512x4xf32> to vector<512x1xf32>
    %sub3A_291 = arith.subf %slice3A_290, %get3A_10 : vector<512x1xf32>
    %get3A_292 = arith.constant 1 : index
    %get3A_293 = arith.constant 0 : index
    %get3A_294 = vector.load %arg6[%get3A_292, %get3A_293] : memref<4x32xf32, #tpu.memory_space<vmem>>, vector<1x32xf32>
    %mul3A_295 = vector.broadcast %sub3A_291 : vector<512x1xf32> to vector<512x32xf32>
    %mul3A_296 = vector.broadcast %get3A_294 : vector<1x32xf32> to vector<512x32xf32>
    %mul3A_297 = arith.mulf %mul3A_295, %mul3A_296 : vector<512x32xf32>
    %add3A_298 = arith.addf %mul3A_289, %mul3A_297 : vector<512x32xf32>
    %slice3A_299 = vector.extract_strided_slice %add3A_281 {offsets = [0, 2], sizes = [512, 1], strides = [1, 1]} : vector<512x4xf32> to vector<512x1xf32>
    %sub3A_300 = arith.subf %slice3A_299, %sub3A : vector<512x1xf32>
    %get3A_301 = arith.constant 2 : index
    %get3A_302 = arith.constant 0 : index
    %get3A_303 = vector.load %arg6[%get3A_301, %get3A_302] : memref<4x32xf32, #tpu.memory_space<vmem>>, vector<1x32xf32>
    %mul3A_304 = vector.broadcast %sub3A_300 : vector<512x1xf32> to vector<512x32xf32>
    %mul3A_305 = vector.broadcast %get3A_303 : vector<1x32xf32> to vector<512x32xf32>
    %mul3A_306 = arith.mulf %mul3A_304, %mul3A_305 : vector<512x32xf32>
    %add3A_307 = arith.addf %add3A_298, %mul3A_306 : vector<512x32xf32>
    %slice3A_308 = vector.extract_strided_slice %add3A_281 {offsets = [0, 3], sizes = [512, 1], strides = [1, 1]} : vector<512x4xf32> to vector<512x1xf32>
    %sub3A_309 = arith.subf %slice3A_308, %sub3A_17 : vector<512x1xf32>
    %get3A_310 = arith.constant 3 : index
    %get3A_311 = arith.constant 0 : index
    %get3A_312 = vector.load %arg6[%get3A_310, %get3A_311] : memref<4x32xf32, #tpu.memory_space<vmem>>, vector<1x32xf32>
    %mul3A_313 = vector.broadcast %sub3A_309 : vector<512x1xf32> to vector<512x32xf32>
    %mul3A_314 = vector.broadcast %get3A_312 : vector<1x32xf32> to vector<512x32xf32>
    %mul3A_315 = arith.mulf %mul3A_313, %mul3A_314 : vector<512x32xf32>
    %add3A_316 = arith.addf %add3A_307, %mul3A_315 : vector<512x32xf32>
    %get3A_317 = arith.constant 0 : index
    %get3A_318 = arith.constant 0 : index
    %get3A_319 = vector.load %arg7[%get3A_317, %get3A_318] : memref<1x32xf32, #tpu.memory_space<vmem>>, vector<1x32xf32>
    %add3A_320 = vector.broadcast %get3A_319 : vector<1x32xf32> to vector<512x32xf32>
    %add3A_321 = arith.addf %add3A_316, %add3A_320 : vector<512x32xf32>
    %max3A_322 = arith.constant 0.000000e+00 : f32
    %max3A_323 = vector.broadcast %max3A_322 : f32 to vector<512x32xf32>
    %max3A_324 = arith.maximumf %add3A_321, %max3A_323 : vector<512x32xf32>
    %reduce_min3A_325 = arith.constant dense<0x7F800000> : vector<512xf32>
    %reduce_min3A_326 = vector.multi_reduction <minimumf>, %select_n3A_271, %reduce_min3A_325 [1] : vector<512x2048xf32> to vector<512xf32>
    %broadcast_in_dim3A_327 = vector.shape_cast %reduce_min3A_326 : vector<512xf32> to vector<512x1xf32>
    %eq3A_328 = vector.broadcast %broadcast_in_dim3A_327 : vector<512x1xf32> to vector<512x2048xf32>
    %eq3A_329 = arith.cmpf oeq, %select_n3A_271, %eq3A_328 : vector<512x2048xf32>
    %jit3A_330 = arith.constant 2048 : i32
    %broadcast_in_dim3A_331 = vector.broadcast %jit3A_330 : i32 to vector<512x2048xi32>
    %select_n3A_332 = arith.select %eq3A_329, %iota3A, %broadcast_in_dim3A_331 : vector<512x2048xi1>, vector<512x2048xi32>
    %reduce_min3A_333 = arith.constant dense<2147483647> : vector<512xi32>
    %reduce_min3A_334 = vector.multi_reduction <minsi>, %select_n3A_332, %reduce_min3A_333 [1] : vector<512x2048xi32> to vector<512xi32>
    %broadcast_in_dim3A_335 = vector.shape_cast %reduce_min3A_334 : vector<512xi32> to vector<512x1xi32>
    %eq3A_336 = vector.broadcast %broadcast_in_dim3A_335 : vector<512x1xi32> to vector<512x2048xi32>
    %eq3A_337 = arith.cmpi eq, %iota3A, %eq3A_336 : vector<512x2048xi32>
    %jit3A_338 = arith.constant 1.000000e+00 : f32
    %jit3A_339 = arith.constant 0.000000e+00 : f32
    %broadcast_in_dim3A_340 = vector.broadcast %jit3A_338 : f32 to vector<512x2048xf32>
    %broadcast_in_dim3A_341 = vector.broadcast %jit3A_339 : f32 to vector<512x2048xf32>
    %select_n3A_342 = arith.select %eq3A_337, %broadcast_in_dim3A_340, %broadcast_in_dim3A_341 : vector<512x2048xi1>, vector<512x2048xf32>
    %convert_element_type3A_343 = arith.truncf %select_n3A_342 : vector<512x2048xf32> to vector<512x2048xbf16>
    %jit3A_344 = arith.constant 0x7F800000 : f32
    %broadcast_in_dim3A_345 = vector.broadcast %jit3A_344 : f32 to vector<512x2048xf32>
    %select_n3A_346 = arith.select %eq3A_337, %broadcast_in_dim3A_345, %select_n3A_271 : vector<512x2048xi1>, vector<512x2048xf32>
    %get3A_347 = arith.constant 0 : index
    %get3A_348 = arith.constant 0 : index
    %get3A_349 = vector.load %arg5[%get3A_347, %get3A_348] : memref<2048x12xbf16, #tpu.memory_space<vmem>>, vector<2048x12xbf16>
    %dot_general3A_350 = arith.constant dense<0.000000e+00> : vector<512x12xf32>
    %dot_general3A_351 = tpu.matmul %convert_element_type3A_343, %get3A_349, %dot_general3A_350 {dimension_numbers = #tpu.dot_dimension_numbers<[1], [0], [0], [1], [0, 0, 1, 1], [], []>, transpose_lhs_hint = false} : vector<512x2048xbf16>, vector<2048x12xbf16>, vector<512x12xf32> -> vector<512x12xf32>
    %slice3A_352 = vector.extract_strided_slice %dot_general3A_351 {offsets = [0, 0], sizes = [512, 4], strides = [1, 1]} : vector<512x12xf32> to vector<512x4xf32>
    %slice3A_353 = vector.extract_strided_slice %dot_general3A_351 {offsets = [0, 4], sizes = [512, 4], strides = [1, 1]} : vector<512x12xf32> to vector<512x4xf32>
    %add3A_354 = arith.addf %slice3A_352, %slice3A_353 : vector<512x4xf32>
    %slice3A_355 = vector.extract_strided_slice %dot_general3A_351 {offsets = [0, 8], sizes = [512, 4], strides = [1, 1]} : vector<512x12xf32> to vector<512x4xf32>
    %add3A_356 = arith.addf %add3A_354, %slice3A_355 : vector<512x4xf32>
    %slice3A_357 = vector.extract_strided_slice %add3A_356 {offsets = [0, 0], sizes = [512, 1], strides = [1, 1]} : vector<512x4xf32> to vector<512x1xf32>
    %sub3A_358 = arith.subf %slice3A_357, %get3A_7 : vector<512x1xf32>
    %get3A_359 = arith.constant 0 : index
    %get3A_360 = arith.constant 0 : index
    %get3A_361 = vector.load %arg6[%get3A_359, %get3A_360] : memref<4x32xf32, #tpu.memory_space<vmem>>, vector<1x32xf32>
    %mul3A_362 = vector.broadcast %sub3A_358 : vector<512x1xf32> to vector<512x32xf32>
    %mul3A_363 = vector.broadcast %get3A_361 : vector<1x32xf32> to vector<512x32xf32>
    %mul3A_364 = arith.mulf %mul3A_362, %mul3A_363 : vector<512x32xf32>
    %slice3A_365 = vector.extract_strided_slice %add3A_356 {offsets = [0, 1], sizes = [512, 1], strides = [1, 1]} : vector<512x4xf32> to vector<512x1xf32>
    %sub3A_366 = arith.subf %slice3A_365, %get3A_10 : vector<512x1xf32>
    %get3A_367 = arith.constant 1 : index
    %get3A_368 = arith.constant 0 : index
    %get3A_369 = vector.load %arg6[%get3A_367, %get3A_368] : memref<4x32xf32, #tpu.memory_space<vmem>>, vector<1x32xf32>
    %mul3A_370 = vector.broadcast %sub3A_366 : vector<512x1xf32> to vector<512x32xf32>
    %mul3A_371 = vector.broadcast %get3A_369 : vector<1x32xf32> to vector<512x32xf32>
    %mul3A_372 = arith.mulf %mul3A_370, %mul3A_371 : vector<512x32xf32>
    %add3A_373 = arith.addf %mul3A_364, %mul3A_372 : vector<512x32xf32>
    %slice3A_374 = vector.extract_strided_slice %add3A_356 {offsets = [0, 2], sizes = [512, 1], strides = [1, 1]} : vector<512x4xf32> to vector<512x1xf32>
    %sub3A_375 = arith.subf %slice3A_374, %sub3A : vector<512x1xf32>
    %get3A_376 = arith.constant 2 : index
    %get3A_377 = arith.constant 0 : index
    %get3A_378 = vector.load %arg6[%get3A_376, %get3A_377] : memref<4x32xf32, #tpu.memory_space<vmem>>, vector<1x32xf32>
    %mul3A_379 = vector.broadcast %sub3A_375 : vector<512x1xf32> to vector<512x32xf32>
    %mul3A_380 = vector.broadcast %get3A_378 : vector<1x32xf32> to vector<512x32xf32>
    %mul3A_381 = arith.mulf %mul3A_379, %mul3A_380 : vector<512x32xf32>
    %add3A_382 = arith.addf %add3A_373, %mul3A_381 : vector<512x32xf32>
    %slice3A_383 = vector.extract_strided_slice %add3A_356 {offsets = [0, 3], sizes = [512, 1], strides = [1, 1]} : vector<512x4xf32> to vector<512x1xf32>
    %sub3A_384 = arith.subf %slice3A_383, %sub3A_17 : vector<512x1xf32>
    %get3A_385 = arith.constant 3 : index
    %get3A_386 = arith.constant 0 : index
    %get3A_387 = vector.load %arg6[%get3A_385, %get3A_386] : memref<4x32xf32, #tpu.memory_space<vmem>>, vector<1x32xf32>
    %mul3A_388 = vector.broadcast %sub3A_384 : vector<512x1xf32> to vector<512x32xf32>
    %mul3A_389 = vector.broadcast %get3A_387 : vector<1x32xf32> to vector<512x32xf32>
    %mul3A_390 = arith.mulf %mul3A_388, %mul3A_389 : vector<512x32xf32>
    %add3A_391 = arith.addf %add3A_382, %mul3A_390 : vector<512x32xf32>
    %get3A_392 = arith.constant 0 : index
    %get3A_393 = arith.constant 0 : index
    %get3A_394 = vector.load %arg7[%get3A_392, %get3A_393] : memref<1x32xf32, #tpu.memory_space<vmem>>, vector<1x32xf32>
    %add3A_395 = vector.broadcast %get3A_394 : vector<1x32xf32> to vector<512x32xf32>
    %add3A_396 = arith.addf %add3A_391, %add3A_395 : vector<512x32xf32>
    %max3A_397 = arith.constant 0.000000e+00 : f32
    %max3A_398 = vector.broadcast %max3A_397 : f32 to vector<512x32xf32>
    %max3A_399 = arith.maximumf %add3A_396, %max3A_398 : vector<512x32xf32>
    %reduce_min3A_400 = arith.constant dense<0x7F800000> : vector<512xf32>
    %reduce_min3A_401 = vector.multi_reduction <minimumf>, %select_n3A_346, %reduce_min3A_400 [1] : vector<512x2048xf32> to vector<512xf32>
    %broadcast_in_dim3A_402 = vector.shape_cast %reduce_min3A_401 : vector<512xf32> to vector<512x1xf32>
    %eq3A_403 = vector.broadcast %broadcast_in_dim3A_402 : vector<512x1xf32> to vector<512x2048xf32>
    %eq3A_404 = arith.cmpf oeq, %select_n3A_346, %eq3A_403 : vector<512x2048xf32>
    %jit3A_405 = arith.constant 2048 : i32
    %broadcast_in_dim3A_406 = vector.broadcast %jit3A_405 : i32 to vector<512x2048xi32>
    %select_n3A_407 = arith.select %eq3A_404, %iota3A, %broadcast_in_dim3A_406 : vector<512x2048xi1>, vector<512x2048xi32>
    %reduce_min3A_408 = arith.constant dense<2147483647> : vector<512xi32>
    %reduce_min3A_409 = vector.multi_reduction <minsi>, %select_n3A_407, %reduce_min3A_408 [1] : vector<512x2048xi32> to vector<512xi32>
    %broadcast_in_dim3A_410 = vector.shape_cast %reduce_min3A_409 : vector<512xi32> to vector<512x1xi32>
    %eq3A_411 = vector.broadcast %broadcast_in_dim3A_410 : vector<512x1xi32> to vector<512x2048xi32>
    %eq3A_412 = arith.cmpi eq, %iota3A, %eq3A_411 : vector<512x2048xi32>
    %jit3A_413 = arith.constant 1.000000e+00 : f32
    %jit3A_414 = arith.constant 0.000000e+00 : f32
    %broadcast_in_dim3A_415 = vector.broadcast %jit3A_413 : f32 to vector<512x2048xf32>
    %broadcast_in_dim3A_416 = vector.broadcast %jit3A_414 : f32 to vector<512x2048xf32>
    %select_n3A_417 = arith.select %eq3A_412, %broadcast_in_dim3A_415, %broadcast_in_dim3A_416 : vector<512x2048xi1>, vector<512x2048xf32>
    %convert_element_type3A_418 = arith.truncf %select_n3A_417 : vector<512x2048xf32> to vector<512x2048xbf16>
    %jit3A_419 = arith.constant 0x7F800000 : f32
    %broadcast_in_dim3A_420 = vector.broadcast %jit3A_419 : f32 to vector<512x2048xf32>
    %select_n3A_421 = arith.select %eq3A_412, %broadcast_in_dim3A_420, %select_n3A_346 : vector<512x2048xi1>, vector<512x2048xf32>
    %get3A_422 = arith.constant 0 : index
    %get3A_423 = arith.constant 0 : index
    %get3A_424 = vector.load %arg5[%get3A_422, %get3A_423] : memref<2048x12xbf16, #tpu.memory_space<vmem>>, vector<2048x12xbf16>
    %dot_general3A_425 = arith.constant dense<0.000000e+00> : vector<512x12xf32>
    %dot_general3A_426 = tpu.matmul %convert_element_type3A_418, %get3A_424, %dot_general3A_425 {dimension_numbers = #tpu.dot_dimension_numbers<[1], [0], [0], [1], [0, 0, 1, 1], [], []>, transpose_lhs_hint = false} : vector<512x2048xbf16>, vector<2048x12xbf16>, vector<512x12xf32> -> vector<512x12xf32>
    %slice3A_427 = vector.extract_strided_slice %dot_general3A_426 {offsets = [0, 0], sizes = [512, 4], strides = [1, 1]} : vector<512x12xf32> to vector<512x4xf32>
    %slice3A_428 = vector.extract_strided_slice %dot_general3A_426 {offsets = [0, 4], sizes = [512, 4], strides = [1, 1]} : vector<512x12xf32> to vector<512x4xf32>
    %add3A_429 = arith.addf %slice3A_427, %slice3A_428 : vector<512x4xf32>
    %slice3A_430 = vector.extract_strided_slice %dot_general3A_426 {offsets = [0, 8], sizes = [512, 4], strides = [1, 1]} : vector<512x12xf32> to vector<512x4xf32>
    %add3A_431 = arith.addf %add3A_429, %slice3A_430 : vector<512x4xf32>
    %slice3A_432 = vector.extract_strided_slice %add3A_431 {offsets = [0, 0], sizes = [512, 1], strides = [1, 1]} : vector<512x4xf32> to vector<512x1xf32>
    %sub3A_433 = arith.subf %slice3A_432, %get3A_7 : vector<512x1xf32>
    %get3A_434 = arith.constant 0 : index
    %get3A_435 = arith.constant 0 : index
    %get3A_436 = vector.load %arg6[%get3A_434, %get3A_435] : memref<4x32xf32, #tpu.memory_space<vmem>>, vector<1x32xf32>
    %mul3A_437 = vector.broadcast %sub3A_433 : vector<512x1xf32> to vector<512x32xf32>
    %mul3A_438 = vector.broadcast %get3A_436 : vector<1x32xf32> to vector<512x32xf32>
    %mul3A_439 = arith.mulf %mul3A_437, %mul3A_438 : vector<512x32xf32>
    %slice3A_440 = vector.extract_strided_slice %add3A_431 {offsets = [0, 1], sizes = [512, 1], strides = [1, 1]} : vector<512x4xf32> to vector<512x1xf32>
    %sub3A_441 = arith.subf %slice3A_440, %get3A_10 : vector<512x1xf32>
    %get3A_442 = arith.constant 1 : index
    %get3A_443 = arith.constant 0 : index
    %get3A_444 = vector.load %arg6[%get3A_442, %get3A_443] : memref<4x32xf32, #tpu.memory_space<vmem>>, vector<1x32xf32>
    %mul3A_445 = vector.broadcast %sub3A_441 : vector<512x1xf32> to vector<512x32xf32>
    %mul3A_446 = vector.broadcast %get3A_444 : vector<1x32xf32> to vector<512x32xf32>
    %mul3A_447 = arith.mulf %mul3A_445, %mul3A_446 : vector<512x32xf32>
    %add3A_448 = arith.addf %mul3A_439, %mul3A_447 : vector<512x32xf32>
    %slice3A_449 = vector.extract_strided_slice %add3A_431 {offsets = [0, 2], sizes = [512, 1], strides = [1, 1]} : vector<512x4xf32> to vector<512x1xf32>
    %sub3A_450 = arith.subf %slice3A_449, %sub3A : vector<512x1xf32>
    %get3A_451 = arith.constant 2 : index
    %get3A_452 = arith.constant 0 : index
    %get3A_453 = vector.load %arg6[%get3A_451, %get3A_452] : memref<4x32xf32, #tpu.memory_space<vmem>>, vector<1x32xf32>
    %mul3A_454 = vector.broadcast %sub3A_450 : vector<512x1xf32> to vector<512x32xf32>
    %mul3A_455 = vector.broadcast %get3A_453 : vector<1x32xf32> to vector<512x32xf32>
    %mul3A_456 = arith.mulf %mul3A_454, %mul3A_455 : vector<512x32xf32>
    %add3A_457 = arith.addf %add3A_448, %mul3A_456 : vector<512x32xf32>
    %slice3A_458 = vector.extract_strided_slice %add3A_431 {offsets = [0, 3], sizes = [512, 1], strides = [1, 1]} : vector<512x4xf32> to vector<512x1xf32>
    %sub3A_459 = arith.subf %slice3A_458, %sub3A_17 : vector<512x1xf32>
    %get3A_460 = arith.constant 3 : index
    %get3A_461 = arith.constant 0 : index
    %get3A_462 = vector.load %arg6[%get3A_460, %get3A_461] : memref<4x32xf32, #tpu.memory_space<vmem>>, vector<1x32xf32>
    %mul3A_463 = vector.broadcast %sub3A_459 : vector<512x1xf32> to vector<512x32xf32>
    %mul3A_464 = vector.broadcast %get3A_462 : vector<1x32xf32> to vector<512x32xf32>
    %mul3A_465 = arith.mulf %mul3A_463, %mul3A_464 : vector<512x32xf32>
    %add3A_466 = arith.addf %add3A_457, %mul3A_465 : vector<512x32xf32>
    %get3A_467 = arith.constant 0 : index
    %get3A_468 = arith.constant 0 : index
    %get3A_469 = vector.load %arg7[%get3A_467, %get3A_468] : memref<1x32xf32, #tpu.memory_space<vmem>>, vector<1x32xf32>
    %add3A_470 = vector.broadcast %get3A_469 : vector<1x32xf32> to vector<512x32xf32>
    %add3A_471 = arith.addf %add3A_466, %add3A_470 : vector<512x32xf32>
    %max3A_472 = arith.constant 0.000000e+00 : f32
    %max3A_473 = vector.broadcast %max3A_472 : f32 to vector<512x32xf32>
    %max3A_474 = arith.maximumf %add3A_471, %max3A_473 : vector<512x32xf32>
    %reduce_min3A_475 = arith.constant dense<0x7F800000> : vector<512xf32>
    %reduce_min3A_476 = vector.multi_reduction <minimumf>, %select_n3A_421, %reduce_min3A_475 [1] : vector<512x2048xf32> to vector<512xf32>
    %broadcast_in_dim3A_477 = vector.shape_cast %reduce_min3A_476 : vector<512xf32> to vector<512x1xf32>
    %eq3A_478 = vector.broadcast %broadcast_in_dim3A_477 : vector<512x1xf32> to vector<512x2048xf32>
    %eq3A_479 = arith.cmpf oeq, %select_n3A_421, %eq3A_478 : vector<512x2048xf32>
    %jit3A_480 = arith.constant 2048 : i32
    %broadcast_in_dim3A_481 = vector.broadcast %jit3A_480 : i32 to vector<512x2048xi32>
    %select_n3A_482 = arith.select %eq3A_479, %iota3A, %broadcast_in_dim3A_481 : vector<512x2048xi1>, vector<512x2048xi32>
    %reduce_min3A_483 = arith.constant dense<2147483647> : vector<512xi32>
    %reduce_min3A_484 = vector.multi_reduction <minsi>, %select_n3A_482, %reduce_min3A_483 [1] : vector<512x2048xi32> to vector<512xi32>
    %broadcast_in_dim3A_485 = vector.shape_cast %reduce_min3A_484 : vector<512xi32> to vector<512x1xi32>
    %eq3A_486 = vector.broadcast %broadcast_in_dim3A_485 : vector<512x1xi32> to vector<512x2048xi32>
    %eq3A_487 = arith.cmpi eq, %iota3A, %eq3A_486 : vector<512x2048xi32>
    %jit3A_488 = arith.constant 1.000000e+00 : f32
    %jit3A_489 = arith.constant 0.000000e+00 : f32
    %broadcast_in_dim3A_490 = vector.broadcast %jit3A_488 : f32 to vector<512x2048xf32>
    %broadcast_in_dim3A_491 = vector.broadcast %jit3A_489 : f32 to vector<512x2048xf32>
    %select_n3A_492 = arith.select %eq3A_487, %broadcast_in_dim3A_490, %broadcast_in_dim3A_491 : vector<512x2048xi1>, vector<512x2048xf32>
    %convert_element_type3A_493 = arith.truncf %select_n3A_492 : vector<512x2048xf32> to vector<512x2048xbf16>
    %jit3A_494 = arith.constant 0x7F800000 : f32
    %broadcast_in_dim3A_495 = vector.broadcast %jit3A_494 : f32 to vector<512x2048xf32>
    %select_n3A_496 = arith.select %eq3A_487, %broadcast_in_dim3A_495, %select_n3A_421 : vector<512x2048xi1>, vector<512x2048xf32>
    %get3A_497 = arith.constant 0 : index
    %get3A_498 = arith.constant 0 : index
    %get3A_499 = vector.load %arg5[%get3A_497, %get3A_498] : memref<2048x12xbf16, #tpu.memory_space<vmem>>, vector<2048x12xbf16>
    %dot_general3A_500 = arith.constant dense<0.000000e+00> : vector<512x12xf32>
    %dot_general3A_501 = tpu.matmul %convert_element_type3A_493, %get3A_499, %dot_general3A_500 {dimension_numbers = #tpu.dot_dimension_numbers<[1], [0], [0], [1], [0, 0, 1, 1], [], []>, transpose_lhs_hint = false} : vector<512x2048xbf16>, vector<2048x12xbf16>, vector<512x12xf32> -> vector<512x12xf32>
    %slice3A_502 = vector.extract_strided_slice %dot_general3A_501 {offsets = [0, 0], sizes = [512, 4], strides = [1, 1]} : vector<512x12xf32> to vector<512x4xf32>
    %slice3A_503 = vector.extract_strided_slice %dot_general3A_501 {offsets = [0, 4], sizes = [512, 4], strides = [1, 1]} : vector<512x12xf32> to vector<512x4xf32>
    %add3A_504 = arith.addf %slice3A_502, %slice3A_503 : vector<512x4xf32>
    %slice3A_505 = vector.extract_strided_slice %dot_general3A_501 {offsets = [0, 8], sizes = [512, 4], strides = [1, 1]} : vector<512x12xf32> to vector<512x4xf32>
    %add3A_506 = arith.addf %add3A_504, %slice3A_505 : vector<512x4xf32>
    %slice3A_507 = vector.extract_strided_slice %add3A_506 {offsets = [0, 0], sizes = [512, 1], strides = [1, 1]} : vector<512x4xf32> to vector<512x1xf32>
    %sub3A_508 = arith.subf %slice3A_507, %get3A_7 : vector<512x1xf32>
    %get3A_509 = arith.constant 0 : index
    %get3A_510 = arith.constant 0 : index
    %get3A_511 = vector.load %arg6[%get3A_509, %get3A_510] : memref<4x32xf32, #tpu.memory_space<vmem>>, vector<1x32xf32>
    %mul3A_512 = vector.broadcast %sub3A_508 : vector<512x1xf32> to vector<512x32xf32>
    %mul3A_513 = vector.broadcast %get3A_511 : vector<1x32xf32> to vector<512x32xf32>
    %mul3A_514 = arith.mulf %mul3A_512, %mul3A_513 : vector<512x32xf32>
    %slice3A_515 = vector.extract_strided_slice %add3A_506 {offsets = [0, 1], sizes = [512, 1], strides = [1, 1]} : vector<512x4xf32> to vector<512x1xf32>
    %sub3A_516 = arith.subf %slice3A_515, %get3A_10 : vector<512x1xf32>
    %get3A_517 = arith.constant 1 : index
    %get3A_518 = arith.constant 0 : index
    %get3A_519 = vector.load %arg6[%get3A_517, %get3A_518] : memref<4x32xf32, #tpu.memory_space<vmem>>, vector<1x32xf32>
    %mul3A_520 = vector.broadcast %sub3A_516 : vector<512x1xf32> to vector<512x32xf32>
    %mul3A_521 = vector.broadcast %get3A_519 : vector<1x32xf32> to vector<512x32xf32>
    %mul3A_522 = arith.mulf %mul3A_520, %mul3A_521 : vector<512x32xf32>
    %add3A_523 = arith.addf %mul3A_514, %mul3A_522 : vector<512x32xf32>
    %slice3A_524 = vector.extract_strided_slice %add3A_506 {offsets = [0, 2], sizes = [512, 1], strides = [1, 1]} : vector<512x4xf32> to vector<512x1xf32>
    %sub3A_525 = arith.subf %slice3A_524, %sub3A : vector<512x1xf32>
    %get3A_526 = arith.constant 2 : index
    %get3A_527 = arith.constant 0 : index
    %get3A_528 = vector.load %arg6[%get3A_526, %get3A_527] : memref<4x32xf32, #tpu.memory_space<vmem>>, vector<1x32xf32>
    %mul3A_529 = vector.broadcast %sub3A_525 : vector<512x1xf32> to vector<512x32xf32>
    %mul3A_530 = vector.broadcast %get3A_528 : vector<1x32xf32> to vector<512x32xf32>
    %mul3A_531 = arith.mulf %mul3A_529, %mul3A_530 : vector<512x32xf32>
    %add3A_532 = arith.addf %add3A_523, %mul3A_531 : vector<512x32xf32>
    %slice3A_533 = vector.extract_strided_slice %add3A_506 {offsets = [0, 3], sizes = [512, 1], strides = [1, 1]} : vector<512x4xf32> to vector<512x1xf32>
    %sub3A_534 = arith.subf %slice3A_533, %sub3A_17 : vector<512x1xf32>
    %get3A_535 = arith.constant 3 : index
    %get3A_536 = arith.constant 0 : index
    %get3A_537 = vector.load %arg6[%get3A_535, %get3A_536] : memref<4x32xf32, #tpu.memory_space<vmem>>, vector<1x32xf32>
    %mul3A_538 = vector.broadcast %sub3A_534 : vector<512x1xf32> to vector<512x32xf32>
    %mul3A_539 = vector.broadcast %get3A_537 : vector<1x32xf32> to vector<512x32xf32>
    %mul3A_540 = arith.mulf %mul3A_538, %mul3A_539 : vector<512x32xf32>
    %add3A_541 = arith.addf %add3A_532, %mul3A_540 : vector<512x32xf32>
    %get3A_542 = arith.constant 0 : index
    %get3A_543 = arith.constant 0 : index
    %get3A_544 = vector.load %arg7[%get3A_542, %get3A_543] : memref<1x32xf32, #tpu.memory_space<vmem>>, vector<1x32xf32>
    %add3A_545 = vector.broadcast %get3A_544 : vector<1x32xf32> to vector<512x32xf32>
    %add3A_546 = arith.addf %add3A_541, %add3A_545 : vector<512x32xf32>
    %max3A_547 = arith.constant 0.000000e+00 : f32
    %max3A_548 = vector.broadcast %max3A_547 : f32 to vector<512x32xf32>
    %max3A_549 = arith.maximumf %add3A_546, %max3A_548 : vector<512x32xf32>
    %reduce_min3A_550 = arith.constant dense<0x7F800000> : vector<512xf32>
    %reduce_min3A_551 = vector.multi_reduction <minimumf>, %select_n3A_496, %reduce_min3A_550 [1] : vector<512x2048xf32> to vector<512xf32>
    %broadcast_in_dim3A_552 = vector.shape_cast %reduce_min3A_551 : vector<512xf32> to vector<512x1xf32>
    %eq3A_553 = vector.broadcast %broadcast_in_dim3A_552 : vector<512x1xf32> to vector<512x2048xf32>
    %eq3A_554 = arith.cmpf oeq, %select_n3A_496, %eq3A_553 : vector<512x2048xf32>
    %jit3A_555 = arith.constant 2048 : i32
    %broadcast_in_dim3A_556 = vector.broadcast %jit3A_555 : i32 to vector<512x2048xi32>
    %select_n3A_557 = arith.select %eq3A_554, %iota3A, %broadcast_in_dim3A_556 : vector<512x2048xi1>, vector<512x2048xi32>
    %reduce_min3A_558 = arith.constant dense<2147483647> : vector<512xi32>
    %reduce_min3A_559 = vector.multi_reduction <minsi>, %select_n3A_557, %reduce_min3A_558 [1] : vector<512x2048xi32> to vector<512xi32>
    %broadcast_in_dim3A_560 = vector.shape_cast %reduce_min3A_559 : vector<512xi32> to vector<512x1xi32>
    %eq3A_561 = vector.broadcast %broadcast_in_dim3A_560 : vector<512x1xi32> to vector<512x2048xi32>
    %eq3A_562 = arith.cmpi eq, %iota3A, %eq3A_561 : vector<512x2048xi32>
    %jit3A_563 = arith.constant 1.000000e+00 : f32
    %jit3A_564 = arith.constant 0.000000e+00 : f32
    %broadcast_in_dim3A_565 = vector.broadcast %jit3A_563 : f32 to vector<512x2048xf32>
    %broadcast_in_dim3A_566 = vector.broadcast %jit3A_564 : f32 to vector<512x2048xf32>
    %select_n3A_567 = arith.select %eq3A_562, %broadcast_in_dim3A_565, %broadcast_in_dim3A_566 : vector<512x2048xi1>, vector<512x2048xf32>
    %convert_element_type3A_568 = arith.truncf %select_n3A_567 : vector<512x2048xf32> to vector<512x2048xbf16>
    %get3A_569 = arith.constant 0 : index
    %get3A_570 = arith.constant 0 : index
    %get3A_571 = vector.load %arg5[%get3A_569, %get3A_570] : memref<2048x12xbf16, #tpu.memory_space<vmem>>, vector<2048x12xbf16>
    %dot_general3A_572 = arith.constant dense<0.000000e+00> : vector<512x12xf32>
    %dot_general3A_573 = tpu.matmul %convert_element_type3A_568, %get3A_571, %dot_general3A_572 {dimension_numbers = #tpu.dot_dimension_numbers<[1], [0], [0], [1], [0, 0, 1, 1], [], []>, transpose_lhs_hint = false} : vector<512x2048xbf16>, vector<2048x12xbf16>, vector<512x12xf32> -> vector<512x12xf32>
    %slice3A_574 = vector.extract_strided_slice %dot_general3A_573 {offsets = [0, 0], sizes = [512, 4], strides = [1, 1]} : vector<512x12xf32> to vector<512x4xf32>
    %slice3A_575 = vector.extract_strided_slice %dot_general3A_573 {offsets = [0, 4], sizes = [512, 4], strides = [1, 1]} : vector<512x12xf32> to vector<512x4xf32>
    %add3A_576 = arith.addf %slice3A_574, %slice3A_575 : vector<512x4xf32>
    %slice3A_577 = vector.extract_strided_slice %dot_general3A_573 {offsets = [0, 8], sizes = [512, 4], strides = [1, 1]} : vector<512x12xf32> to vector<512x4xf32>
    %add3A_578 = arith.addf %add3A_576, %slice3A_577 : vector<512x4xf32>
    %slice3A_579 = vector.extract_strided_slice %add3A_578 {offsets = [0, 0], sizes = [512, 1], strides = [1, 1]} : vector<512x4xf32> to vector<512x1xf32>
    %sub3A_580 = arith.subf %slice3A_579, %get3A_7 : vector<512x1xf32>
    %get3A_581 = arith.constant 0 : index
    %get3A_582 = arith.constant 0 : index
    %get3A_583 = vector.load %arg6[%get3A_581, %get3A_582] : memref<4x32xf32, #tpu.memory_space<vmem>>, vector<1x32xf32>
    %mul3A_584 = vector.broadcast %sub3A_580 : vector<512x1xf32> to vector<512x32xf32>
    %mul3A_585 = vector.broadcast %get3A_583 : vector<1x32xf32> to vector<512x32xf32>
    %mul3A_586 = arith.mulf %mul3A_584, %mul3A_585 : vector<512x32xf32>
    %slice3A_587 = vector.extract_strided_slice %add3A_578 {offsets = [0, 1], sizes = [512, 1], strides = [1, 1]} : vector<512x4xf32> to vector<512x1xf32>
    %sub3A_588 = arith.subf %slice3A_587, %get3A_10 : vector<512x1xf32>
    %get3A_589 = arith.constant 1 : index
    %get3A_590 = arith.constant 0 : index
    %get3A_591 = vector.load %arg6[%get3A_589, %get3A_590] : memref<4x32xf32, #tpu.memory_space<vmem>>, vector<1x32xf32>
    %mul3A_592 = vector.broadcast %sub3A_588 : vector<512x1xf32> to vector<512x32xf32>
    %mul3A_593 = vector.broadcast %get3A_591 : vector<1x32xf32> to vector<512x32xf32>
    %mul3A_594 = arith.mulf %mul3A_592, %mul3A_593 : vector<512x32xf32>
    %add3A_595 = arith.addf %mul3A_586, %mul3A_594 : vector<512x32xf32>
    %slice3A_596 = vector.extract_strided_slice %add3A_578 {offsets = [0, 2], sizes = [512, 1], strides = [1, 1]} : vector<512x4xf32> to vector<512x1xf32>
    %sub3A_597 = arith.subf %slice3A_596, %sub3A : vector<512x1xf32>
    %get3A_598 = arith.constant 2 : index
    %get3A_599 = arith.constant 0 : index
    %get3A_600 = vector.load %arg6[%get3A_598, %get3A_599] : memref<4x32xf32, #tpu.memory_space<vmem>>, vector<1x32xf32>
    %mul3A_601 = vector.broadcast %sub3A_597 : vector<512x1xf32> to vector<512x32xf32>
    %mul3A_602 = vector.broadcast %get3A_600 : vector<1x32xf32> to vector<512x32xf32>
    %mul3A_603 = arith.mulf %mul3A_601, %mul3A_602 : vector<512x32xf32>
    %add3A_604 = arith.addf %add3A_595, %mul3A_603 : vector<512x32xf32>
    %slice3A_605 = vector.extract_strided_slice %add3A_578 {offsets = [0, 3], sizes = [512, 1], strides = [1, 1]} : vector<512x4xf32> to vector<512x1xf32>
    %sub3A_606 = arith.subf %slice3A_605, %sub3A_17 : vector<512x1xf32>
    %get3A_607 = arith.constant 3 : index
    %get3A_608 = arith.constant 0 : index
    %get3A_609 = vector.load %arg6[%get3A_607, %get3A_608] : memref<4x32xf32, #tpu.memory_space<vmem>>, vector<1x32xf32>
    %mul3A_610 = vector.broadcast %sub3A_606 : vector<512x1xf32> to vector<512x32xf32>
    %mul3A_611 = vector.broadcast %get3A_609 : vector<1x32xf32> to vector<512x32xf32>
    %mul3A_612 = arith.mulf %mul3A_610, %mul3A_611 : vector<512x32xf32>
    %add3A_613 = arith.addf %add3A_604, %mul3A_612 : vector<512x32xf32>
    %get3A_614 = arith.constant 0 : index
    %get3A_615 = arith.constant 0 : index
    %get3A_616 = vector.load %arg7[%get3A_614, %get3A_615] : memref<1x32xf32, #tpu.memory_space<vmem>>, vector<1x32xf32>
    %add3A_617 = vector.broadcast %get3A_616 : vector<1x32xf32> to vector<512x32xf32>
    %add3A_618 = arith.addf %add3A_613, %add3A_617 : vector<512x32xf32>
    %max3A_619 = arith.constant 0.000000e+00 : f32
    %max3A_620 = vector.broadcast %max3A_619 : f32 to vector<512x32xf32>
    %max3A_621 = arith.maximumf %add3A_618, %max3A_620 : vector<512x32xf32>
    %concatenate3A = tpu.concatenate %max3A_99, %max3A_174, %max3A_249, %max3A_324, %max3A_399, %max3A_474, %max3A_549, %max3A_621 in 1 : vector<512x32xf32>, vector<512x32xf32>, vector<512x32xf32>, vector<512x32xf32>, vector<512x32xf32>, vector<512x32xf32>, vector<512x32xf32>, vector<512x32xf32> -> vector<512x256xf32>
    %get3A_622 = arith.constant 0 : index
    %get3A_623 = arith.constant 0 : index
    %get3A_624 = vector.load %arg8[%get3A_622, %get3A_623] : memref<4096x256xf32, #tpu.memory_space<vmem>>, vector<1024x256xf32>
    %dot_general3A_625 = arith.constant dense<0.000000e+00> : vector<512x1024xf32>
    %dot_general3A_626 = tpu.matmul %concatenate3A, %get3A_624, %dot_general3A_625 {dimension_numbers = #tpu.dot_dimension_numbers<[1], [1], [0], [0], [0, 0, 1, 0], [], []>, transpose_lhs_hint = false} : vector<512x256xf32>, vector<1024x256xf32>, vector<512x1024xf32> -> vector<512x1024xf32>
    %get3A_627 = arith.constant 0 : index
    %get3A_628 = arith.constant 0 : index
    %get3A_629 = vector.load %arg9[%get3A_627, %get3A_628] : memref<1x4096xf32, #tpu.memory_space<vmem>>, vector<1x1024xf32>
    %add3A_630 = vector.broadcast %get3A_629 : vector<1x1024xf32> to vector<512x1024xf32>
    %add3A_631 = arith.addf %dot_general3A_626, %add3A_630 : vector<512x1024xf32>
    %logistic3A = arith.negf %add3A_631 : vector<512x1024xf32>
    %logistic3A_632 = math.exp %logistic3A : vector<512x1024xf32>
    %logistic3A_633 = arith.constant 1.000000e+00 : f32
    %logistic3A_634 = vector.broadcast %logistic3A_633 : f32 to vector<512x1024xf32>
    %logistic3A_635 = arith.addf %logistic3A_634, %logistic3A_632 : vector<512x1024xf32>
    %logistic3A_636 = arith.divf %logistic3A_634, %logistic3A_635 : vector<512x1024xf32>
    %get3A_637 = arith.constant 2048 : index
    %get3A_638 = arith.constant 0 : index
    %get3A_639 = vector.load %arg8[%get3A_637, %get3A_638] : memref<4096x256xf32, #tpu.memory_space<vmem>>, vector<1024x256xf32>
    %dot_general3A_640 = arith.constant dense<0.000000e+00> : vector<512x1024xf32>
    %dot_general3A_641 = tpu.matmul %concatenate3A, %get3A_639, %dot_general3A_640 {dimension_numbers = #tpu.dot_dimension_numbers<[1], [1], [0], [0], [0, 0, 1, 0], [], []>, transpose_lhs_hint = false} : vector<512x256xf32>, vector<1024x256xf32>, vector<512x1024xf32> -> vector<512x1024xf32>
    %get3A_642 = arith.constant 0 : index
    %get3A_643 = arith.constant 2048 : index
    %get3A_644 = vector.load %arg9[%get3A_642, %get3A_643] : memref<1x4096xf32, #tpu.memory_space<vmem>>, vector<1x1024xf32>
    %add3A_645 = vector.broadcast %get3A_644 : vector<1x1024xf32> to vector<512x1024xf32>
    %add3A_646 = arith.addf %dot_general3A_641, %add3A_645 : vector<512x1024xf32>
    %tanh3A = math.tanh %add3A_646 : vector<512x1024xf32>
    %get3A_647 = arith.constant 3072 : index
    %get3A_648 = arith.constant 0 : index
    %get3A_649 = vector.load %arg8[%get3A_647, %get3A_648] : memref<4096x256xf32, #tpu.memory_space<vmem>>, vector<1024x256xf32>
    %dot_general3A_650 = arith.constant dense<0.000000e+00> : vector<512x1024xf32>
    %dot_general3A_651 = tpu.matmul %concatenate3A, %get3A_649, %dot_general3A_650 {dimension_numbers = #tpu.dot_dimension_numbers<[1], [1], [0], [0], [0, 0, 1, 0], [], []>, transpose_lhs_hint = false} : vector<512x256xf32>, vector<1024x256xf32>, vector<512x1024xf32> -> vector<512x1024xf32>
    %get3A_652 = arith.constant 0 : index
    %get3A_653 = arith.constant 3072 : index
    %get3A_654 = vector.load %arg9[%get3A_652, %get3A_653] : memref<1x4096xf32, #tpu.memory_space<vmem>>, vector<1x1024xf32>
    %add3A_655 = vector.broadcast %get3A_654 : vector<1x1024xf32> to vector<512x1024xf32>
    %add3A_656 = arith.addf %dot_general3A_651, %add3A_655 : vector<512x1024xf32>
    %logistic3A_657 = arith.negf %add3A_656 : vector<512x1024xf32>
    %logistic3A_658 = math.exp %logistic3A_657 : vector<512x1024xf32>
    %logistic3A_659 = arith.constant 1.000000e+00 : f32
    %logistic3A_660 = vector.broadcast %logistic3A_659 : f32 to vector<512x1024xf32>
    %logistic3A_661 = arith.addf %logistic3A_660, %logistic3A_658 : vector<512x1024xf32>
    %logistic3A_662 = arith.divf %logistic3A_660, %logistic3A_661 : vector<512x1024xf32>
    %mul3A_663 = arith.mulf %logistic3A_636, %tanh3A : vector<512x1024xf32>
    %tanh3A_664 = math.tanh %mul3A_663 : vector<512x1024xf32>
    %mul3A_665 = arith.mulf %logistic3A_662, %tanh3A_664 : vector<512x1024xf32>
    %get3A_666 = arith.constant 0 : index
    %get3A_667 = arith.constant 0 : index
    %get3A_668 = vector.load %arg10[%get3A_666, %get3A_667] : memref<256x1024xf32, #tpu.memory_space<vmem>>, vector<256x1024xf32>
    %dot_general3A_669 = arith.constant dense<0.000000e+00> : vector<512x256xf32>
    %dot_general3A_670 = tpu.matmul %mul3A_665, %get3A_668, %dot_general3A_669 {dimension_numbers = #tpu.dot_dimension_numbers<[1], [1], [0], [0], [0, 0, 1, 0], [], []>, transpose_lhs_hint = false} : vector<512x1024xf32>, vector<256x1024xf32>, vector<512x256xf32> -> vector<512x256xf32>
    %get3A_671 = arith.constant 0 : index
    %get3A_672 = arith.constant 0 : index
    %get3A_673 = vector.load %arg11[%get3A_671, %get3A_672] : memref<1x256xf32, #tpu.memory_space<vmem>>, vector<1x256xf32>
    %add3A_674 = vector.broadcast %get3A_673 : vector<1x256xf32> to vector<512x256xf32>
    %add3A_675 = arith.addf %dot_general3A_670, %add3A_674 : vector<512x256xf32>
    %swap3A = arith.constant 0 : index
    %swap3A_676 = arith.constant 0 : index
    %swap3A_677 = vector.load %arg12[%swap3A, %swap3A_676] : memref<512x256xf32, #tpu.memory_space<vmem>>, vector<512x256xf32>
    tpu.vector_store %arg12[%swap3A, %swap3A_676], %add3A_675 {strides = array<i32>} : memref<512x256xf32, #tpu.memory_space<vmem>>, vector<512x256xf32>,
    return
  }
  func.func @transform_0(%arg0: i32) -> (i32, i32) {
    %c0_i32 = arith.constant 0 : i32
    %c0_i32_0 = arith.constant 0 : i32
    %c0_i32_1 = arith.constant 0 : i32
    return %c0_i32, %c0_i32_0 : i32, i32
  }
  func.func @transform_1(%arg0: i32) -> (i32, i32) {
    %c0_i32 = arith.constant 0 : i32
    %c0_i32_0 = arith.constant 0 : i32
    %c0_i32_1 = arith.constant 0 : i32
    return %c0_i32, %c0_i32_0 : i32, i32
  }
  func.func @transform_2(%arg0: i32) -> (i32, i32) {
    %c0_i32 = arith.constant 0 : i32
    %c0_i32_0 = arith.constant 0 : i32
    return %arg0, %c0_i32 : i32, i32
  }
  func.func @transform_3(%arg0: i32) -> (i32, i32) {
    %c0_i32 = arith.constant 0 : i32
    %c0_i32_0 = arith.constant 0 : i32
    return %arg0, %c0_i32 : i32, i32
  }
  func.func @transform_4(%arg0: i32) -> (i32, i32) {
    %c0_i32 = arith.constant 0 : i32
    %c0_i32_0 = arith.constant 0 : i32
    %c0_i32_1 = arith.constant 0 : i32
    return %c0_i32, %c0_i32_0 : i32, i32
  }
  func.func @transform_5(%arg0: i32) -> (i32, i32) {
    %c0_i32 = arith.constant 0 : i32
    %c0_i32_0 = arith.constant 0 : i32
    %c0_i32_1 = arith.constant 0 : i32
    return %c0_i32, %c0_i32_0 : i32, i32
  }
  func.func @transform_6(%arg0: i32) -> (i32, i32) {
    %c0_i32 = arith.constant 0 : i32
    %c0_i32_0 = arith.constant 0 : i32
    %c0_i32_1 = arith.constant 0 : i32
    return %c0_i32, %c0_i32_0 : i32, i32
  }
  func.func @transform_7(%arg0: i32) -> (i32, i32) {
    %c0_i32 = arith.constant 0 : i32
    %c0_i32_0 = arith.constant 0 : i32
    %c0_i32_1 = arith.constant 0 : i32
    return %c0_i32, %c0_i32_0 : i32, i32
  }
  func.func @transform_8(%arg0: i32) -> (i32, i32) {
    %c0_i32 = arith.constant 0 : i32
    %c0_i32_0 = arith.constant 0 : i32
    %c0_i32_1 = arith.constant 0 : i32
    return %c0_i32, %c0_i32_0 : i32, i32
  }
  func.func @transform_9(%arg0: i32) -> (i32, i32) {
    %c0_i32 = arith.constant 0 : i32
    %c0_i32_0 = arith.constant 0 : i32
    %c0_i32_1 = arith.constant 0 : i32
    return %c0_i32, %c0_i32_0 : i32, i32
  }
  func.func @transform_10(%arg0: i32) -> (i32, i32) {
    %c0_i32 = arith.constant 0 : i32
    %c0_i32_0 = arith.constant 0 : i32
    %c0_i32_1 = arith.constant 0 : i32
    return %c0_i32, %c0_i32_0 : i32, i32
  }
  func.func @transform_11(%arg0: i32) -> (i32, i32) {
    %c0_i32 = arith.constant 0 : i32
    %c0_i32_0 = arith.constant 0 : i32
    return %arg0, %c0_i32 : i32, i32
  }
}

module attributes {stable_mosaic.version = 14 : i64} {
  func.func @_tc_grid_body(%arg0: i32, %arg1: memref<512x32xf32, #tpu.memory_space<vmem>>, %arg2: memref<32x256xf32, #tpu.memory_space<vmem>>, %arg3: memref<1x256xf32, #tpu.memory_space<vmem>>, %arg4: memref<4096x256xf32, #tpu.memory_space<vmem>>, %arg5: memref<1x4096xf32, #tpu.memory_space<vmem>>, %arg6: memref<256x1024xf32, #tpu.memory_space<vmem>>, %arg7: memref<1x256xf32, #tpu.memory_space<vmem>>, %arg8: memref<512x256xf32, #tpu.memory_space<vmem>>) attributes {dimension_semantics = [#tpu.dimension_semantics<arbitrary>], iteration_bounds = array<i64: 2>, scalar_prefetch = 0 : i64, scratch_operands = 0 : i64, tpu.core_type = #tpu.core_type<tc>, window_params = [{transform_indices = @transform_0, window_bounds = array<i64: 512, 32>}, {pipeline_mode = #tpu.pipeline_mode<synchronous>, transform_indices = @transform_1, window_bounds = array<i64: 32, 256>}, {pipeline_mode = #tpu.pipeline_mode<synchronous>, transform_indices = @transform_2, window_bounds = array<i64: 1, 256>}, {pipeline_mode = #tpu.pipeline_mode<synchronous>, transform_indices = @transform_3, window_bounds = array<i64: 4096, 256>}, {pipeline_mode = #tpu.pipeline_mode<synchronous>, transform_indices = @transform_4, window_bounds = array<i64: 1, 4096>}, {pipeline_mode = #tpu.pipeline_mode<synchronous>, transform_indices = @transform_5, window_bounds = array<i64: 256, 1024>}, {pipeline_mode = #tpu.pipeline_mode<synchronous>, transform_indices = @transform_6, window_bounds = array<i64: 1, 256>}, {transform_indices = @transform_7, window_bounds = array<i64: 512, 256>}]} {
    %get3A = arith.constant 0 : index
    %get3A_0 = arith.constant 0 : index
    %get3A_1 = vector.load %arg1[%get3A, %get3A_0] : memref<512x32xf32, #tpu.memory_space<vmem>>, vector<512x32xf32>
    %get3A_2 = arith.constant 0 : index
    %get3A_3 = arith.constant 0 : index
    %get3A_4 = vector.load %arg2[%get3A_2, %get3A_3] : memref<32x256xf32, #tpu.memory_space<vmem>>, vector<32x256xf32>
    %dot_general3A = arith.constant dense<0.000000e+00> : vector<512x256xf32>
    %dot_general3A_5 = tpu.matmul %get3A_1, %get3A_4, %dot_general3A {dimension_numbers = #tpu.dot_dimension_numbers<[1], [0], [0], [1], [0, 0, 1, 1], [], []>, transpose_lhs_hint = false} : vector<512x32xf32>, vector<32x256xf32>, vector<512x256xf32> -> vector<512x256xf32>
    %get3A_6 = arith.constant 0 : index
    %get3A_7 = arith.constant 0 : index
    %get3A_8 = vector.load %arg3[%get3A_6, %get3A_7] : memref<1x256xf32, #tpu.memory_space<vmem>>, vector<1x256xf32>
    %add3A = vector.broadcast %get3A_8 : vector<1x256xf32> to vector<512x256xf32>
    %add3A_9 = arith.addf %dot_general3A_5, %add3A : vector<512x256xf32>
    %max3A = arith.constant 0.000000e+00 : f32
    %max3A_10 = vector.broadcast %max3A : f32 to vector<512x256xf32>
    %max3A_11 = arith.maximumf %add3A_9, %max3A_10 : vector<512x256xf32>
    %get3A_12 = arith.constant 0 : index
    %get3A_13 = arith.constant 0 : index
    %get3A_14 = vector.load %arg4[%get3A_12, %get3A_13] : memref<4096x256xf32, #tpu.memory_space<vmem>>, vector<1024x256xf32>
    %dot_general3A_15 = arith.constant dense<0.000000e+00> : vector<512x1024xf32>
    %dot_general3A_16 = tpu.matmul %max3A_11, %get3A_14, %dot_general3A_15 {dimension_numbers = #tpu.dot_dimension_numbers<[1], [1], [0], [0], [0, 0, 1, 0], [], []>, transpose_lhs_hint = false} : vector<512x256xf32>, vector<1024x256xf32>, vector<512x1024xf32> -> vector<512x1024xf32>
    %get3A_17 = arith.constant 0 : index
    %get3A_18 = arith.constant 0 : index
    %get3A_19 = vector.load %arg5[%get3A_17, %get3A_18] : memref<1x4096xf32, #tpu.memory_space<vmem>>, vector<1x1024xf32>
    %add3A_20 = vector.broadcast %get3A_19 : vector<1x1024xf32> to vector<512x1024xf32>
    %add3A_21 = arith.addf %dot_general3A_16, %add3A_20 : vector<512x1024xf32>
    %logistic3A = arith.negf %add3A_21 : vector<512x1024xf32>
    %logistic3A_22 = math.exp %logistic3A : vector<512x1024xf32>
    %logistic3A_23 = arith.constant 1.000000e+00 : f32
    %logistic3A_24 = vector.broadcast %logistic3A_23 : f32 to vector<512x1024xf32>
    %logistic3A_25 = arith.addf %logistic3A_24, %logistic3A_22 : vector<512x1024xf32>
    %logistic3A_26 = arith.divf %logistic3A_24, %logistic3A_25 : vector<512x1024xf32>
    %get3A_27 = arith.constant 2048 : index
    %get3A_28 = arith.constant 0 : index
    %get3A_29 = vector.load %arg4[%get3A_27, %get3A_28] : memref<4096x256xf32, #tpu.memory_space<vmem>>, vector<1024x256xf32>
    %dot_general3A_30 = arith.constant dense<0.000000e+00> : vector<512x1024xf32>
    %dot_general3A_31 = tpu.matmul %max3A_11, %get3A_29, %dot_general3A_30 {dimension_numbers = #tpu.dot_dimension_numbers<[1], [1], [0], [0], [0, 0, 1, 0], [], []>, transpose_lhs_hint = false} : vector<512x256xf32>, vector<1024x256xf32>, vector<512x1024xf32> -> vector<512x1024xf32>
    %get3A_32 = arith.constant 0 : index
    %get3A_33 = arith.constant 2048 : index
    %get3A_34 = vector.load %arg5[%get3A_32, %get3A_33] : memref<1x4096xf32, #tpu.memory_space<vmem>>, vector<1x1024xf32>
    %add3A_35 = vector.broadcast %get3A_34 : vector<1x1024xf32> to vector<512x1024xf32>
    %add3A_36 = arith.addf %dot_general3A_31, %add3A_35 : vector<512x1024xf32>
    %tanh3A = math.tanh %add3A_36 : vector<512x1024xf32>
    %get3A_37 = arith.constant 3072 : index
    %get3A_38 = arith.constant 0 : index
    %get3A_39 = vector.load %arg4[%get3A_37, %get3A_38] : memref<4096x256xf32, #tpu.memory_space<vmem>>, vector<1024x256xf32>
    %dot_general3A_40 = arith.constant dense<0.000000e+00> : vector<512x1024xf32>
    %dot_general3A_41 = tpu.matmul %max3A_11, %get3A_39, %dot_general3A_40 {dimension_numbers = #tpu.dot_dimension_numbers<[1], [1], [0], [0], [0, 0, 1, 0], [], []>, transpose_lhs_hint = false} : vector<512x256xf32>, vector<1024x256xf32>, vector<512x1024xf32> -> vector<512x1024xf32>
    %get3A_42 = arith.constant 0 : index
    %get3A_43 = arith.constant 3072 : index
    %get3A_44 = vector.load %arg5[%get3A_42, %get3A_43] : memref<1x4096xf32, #tpu.memory_space<vmem>>, vector<1x1024xf32>
    %add3A_45 = vector.broadcast %get3A_44 : vector<1x1024xf32> to vector<512x1024xf32>
    %add3A_46 = arith.addf %dot_general3A_41, %add3A_45 : vector<512x1024xf32>
    %logistic3A_47 = arith.negf %add3A_46 : vector<512x1024xf32>
    %logistic3A_48 = math.exp %logistic3A_47 : vector<512x1024xf32>
    %logistic3A_49 = arith.constant 1.000000e+00 : f32
    %logistic3A_50 = vector.broadcast %logistic3A_49 : f32 to vector<512x1024xf32>
    %logistic3A_51 = arith.addf %logistic3A_50, %logistic3A_48 : vector<512x1024xf32>
    %logistic3A_52 = arith.divf %logistic3A_50, %logistic3A_51 : vector<512x1024xf32>
    %mul3A = arith.mulf %logistic3A_26, %tanh3A : vector<512x1024xf32>
    %tanh3A_53 = math.tanh %mul3A : vector<512x1024xf32>
    %mul3A_54 = arith.mulf %logistic3A_52, %tanh3A_53 : vector<512x1024xf32>
    %get3A_55 = arith.constant 0 : index
    %get3A_56 = arith.constant 0 : index
    %get3A_57 = vector.load %arg6[%get3A_55, %get3A_56] : memref<256x1024xf32, #tpu.memory_space<vmem>>, vector<256x1024xf32>
    %dot_general3A_58 = arith.constant dense<0.000000e+00> : vector<512x256xf32>
    %dot_general3A_59 = tpu.matmul %mul3A_54, %get3A_57, %dot_general3A_58 {dimension_numbers = #tpu.dot_dimension_numbers<[1], [1], [0], [0], [0, 0, 1, 0], [], []>, transpose_lhs_hint = false} : vector<512x1024xf32>, vector<256x1024xf32>, vector<512x256xf32> -> vector<512x256xf32>
    %get3A_60 = arith.constant 0 : index
    %get3A_61 = arith.constant 0 : index
    %get3A_62 = vector.load %arg7[%get3A_60, %get3A_61] : memref<1x256xf32, #tpu.memory_space<vmem>>, vector<1x256xf32>
    %add3A_63 = vector.broadcast %get3A_62 : vector<1x256xf32> to vector<512x256xf32>
    %add3A_64 = arith.addf %dot_general3A_59, %add3A_63 : vector<512x256xf32>
    %swap3A = arith.constant 0 : index
    %swap3A_65 = arith.constant 0 : index
    %swap3A_66 = vector.load %arg8[%swap3A, %swap3A_65] : memref<512x256xf32, #tpu.memory_space<vmem>>, vector<512x256xf32>
    tpu.vector_store %arg8[%swap3A, %swap3A_65], %add3A_64 {strides = array<i32>} : memref<512x256xf32, #tpu.memory_space<vmem>>, vector<512x256xf32>,
    return
  }
  func.func @transform_0(%arg0: i32) -> (i32, i32) {
    %c0_i32 = arith.constant 0 : i32
    %c0_i32_0 = arith.constant 0 : i32
    return %arg0, %c0_i32 : i32, i32
  }
  func.func @transform_1(%arg0: i32) -> (i32, i32) {
    %c0_i32 = arith.constant 0 : i32
    %c0_i32_0 = arith.constant 0 : i32
    %c0_i32_1 = arith.constant 0 : i32
    return %c0_i32, %c0_i32_0 : i32, i32
  }
  func.func @transform_2(%arg0: i32) -> (i32, i32) {
    %c0_i32 = arith.constant 0 : i32
    %c0_i32_0 = arith.constant 0 : i32
    %c0_i32_1 = arith.constant 0 : i32
    return %c0_i32, %c0_i32_0 : i32, i32
  }
  func.func @transform_3(%arg0: i32) -> (i32, i32) {
    %c0_i32 = arith.constant 0 : i32
    %c0_i32_0 = arith.constant 0 : i32
    %c0_i32_1 = arith.constant 0 : i32
    return %c0_i32, %c0_i32_0 : i32, i32
  }
  func.func @transform_4(%arg0: i32) -> (i32, i32) {
    %c0_i32 = arith.constant 0 : i32
    %c0_i32_0 = arith.constant 0 : i32
    %c0_i32_1 = arith.constant 0 : i32
    return %c0_i32, %c0_i32_0 : i32, i32
  }
  func.func @transform_5(%arg0: i32) -> (i32, i32) {
    %c0_i32 = arith.constant 0 : i32
    %c0_i32_0 = arith.constant 0 : i32
    %c0_i32_1 = arith.constant 0 : i32
    return %c0_i32, %c0_i32_0 : i32, i32
  }
  func.func @transform_6(%arg0: i32) -> (i32, i32) {
    %c0_i32 = arith.constant 0 : i32
    %c0_i32_0 = arith.constant 0 : i32
    %c0_i32_1 = arith.constant 0 : i32
    return %c0_i32, %c0_i32_0 : i32, i32
  }
  func.func @transform_7(%arg0: i32) -> (i32, i32) {
    %c0_i32 = arith.constant 0 : i32
    %c0_i32_0 = arith.constant 0 : i32
    return %arg0, %c0_i32 : i32, i32
  }
}

</mosaic_0001>

<sc_bundles>
// kernel: kernel.5.cloned.1.call-start
scs
__scs_entry_jumppad:
0x0: {  	(pc) =	sbr.rel $0x88, $3  }
0x1: {  	(tag) =	ssettag $0x0;
	lr =	simm.s32 $0x1  }
0x2: {  	[smem:$0x3F98] =	sst lr;
	_ =	strace $0xD0000000  }
0x3: {  	_ = 	snop  }
0x4: {  	_ = 	snop  }
0x5: {  	_ = 	snop  }
0x6: {  	_ = 	snop  }
0x7: {  	_ = 	snop  }
__scs_overlays_trampoline_lowered:
0x8: {  	[smem:$0x3FA7] =	sst s0  }
0x9: {  	[smem:$0x3FA8] =	sst s1  }
0xa: {  	[smem:$0x3FA9] =	sst s2  }
0xb: {  	[smem:$0x3FAA] =	sst s3  }
0xc: {  	[smem:$0x3FAB] =	sst s4  }
0xd: {  	[smem:$0x3FAC] =	sst s5  }
0xe: {  	[smem:$0x3FAD] =	sst s6  }
0xf: {  	[smem:$0x3FAE] =	sst s7  }
0x10: {  	[smem:$0x3FAF] =	sst s8  }
0x11: {  	[smem:$0x3FB0] =	sst s9;
	s0 =	simm.s32 @!p0 $0x0  }
0x12: {  	s1 =	sld [smem:$0x3F96];
	s0 =	simm.s32 @p0 $0x1  }
0x13: {  	[smem:$0x3FB1] =	sst s0;
	s0 =	simm.s32 @!p1 $0x0  }
0x14: {  	s2 =	sld [smem:$0x3F95];
	s0 =	simm.s32 @p1 $0x1  }
0x15: {  	[smem:$0x3FB2] =	sst s0;
	s0 =	simm.s32 @!p2 $0x0  }
0x16: {  	s3 =	sld [smem:$0x3FDB];
	s0 =	simm.s32 @p2 $0x1  }
0x17: {  	s4 =	simm.s32 $0x1BF5;
	[smem:$0x3FB4] =	sst s0  }
0x18: {  	s0 =	sld [smem:$0x3F97];
	_ =	swait.ge [sflag:s4], $0x0  }
0x19: {  	s7 =	sld [smem:$0x3F98]  }
0x1a: {  	s8 =	sadd.s32 $0xFFFFE003, lr  }
0x1b: {  	s9 =	sadd.s32 $0xFFFFFEF7, lr;
	s5 =	simm.s32 $0xFFFFFFFF;
	p2 =	slt.u32 s8, $0xFFFFF086  }
0x1c: {  	p1 =	slt.u32 s9, $0xF7A;
	s5 =	simm.s32 @!p2 $0x0  }
0x1d: {  	s5 =	simm.s32 @p1 $0x1;
	p0 =	seq.s32 s7, s2  }
0x1e: {  	s7 =	smul.u32 @!p0 $0xF7A, s2;
	p2 =	seq.s32 @!p0 s5, $0x0  }
0x1f: {  	s9 =	smul.u32 $0xF7A, s1;
	s8 =	simm.s32 @!p0 $0x1BF5;
	p2 =	por !p2, p0  }
0x20: {  	[sflag:s8] =	ssyncset.s32 @!p0 $0xFFFFF086;
	s6 =	sadd.s32 @!p0 s3, s7;
	s7 =	simm.s32 @!p0 $0x108  }
0x21: {  	s3 =	sadd.s32 s3, s9;
	s6 =	sadd.s32 @!p0 $0x88, s6;
	s7 =	simm.s32 @p2 $0x1082  }
0x22: {  	[simem:s7], [sflag:s8] =	dma.local @!p0 [hbm:s6], $0xF7A  }
0x23: {  	s9 =	sor.u32 $0xD0000000, s2;
	s6 =	simm.s32 $0x108;
	_ =	swait.ge @!p0 [sflag:s8], $0x0  }
0x24: {  	s3 =	sadd.s32 $0x88, s3;
	s6 =	simm.s32 @!p1 $0x1082;
	[sflag:s4] =	ssyncset.s32 $0xFFFFF086  }
0x25: {  	[simem:s6], [sflag:s4] =	dma.local [hbm:s3], $0xF7A  }
0x26: {  	[smem:$0x3F98] =	sst s1;
	(tag) =	ssettag s2;
	_ =	strace s9  }
0x27: {  	s1 =	sld [smem:$0x3FA8]  }
0x28: {  	s2 =	sld [smem:$0x3FA9]  }
0x29: {  	s4 =	sld [smem:$0x3FAB]  }
0x2a: {  	p0 =	seq.s32 s5, $0x0;
	s5 =	sld [smem:$0x3FAC]  }
0x2b: {  	s6 =	sld [smem:$0x3FAD]  }
0x2c: {  	s7 =	sld [smem:$0x3FAE]  }
0x2d: {  	s3 =	simm.s32 $0x108;
	s8 =	sld [smem:$0x3FAF]  }
0x2e: {  	s3 =	simm.s32 @!p0 $0x1082;
	s9 =	sld [smem:$0x3FB0]  }
0x2f: {  	lr =	sadd.s32 s0, s3;
	s0 =	sld [smem:$0x3FA7]  }
0x30: {  	s3 =	sld [smem:$0x3FAA]  }
0x31: {  	[smem:$0x3FB3] =	sst s10  }
0x32: {  	s10 =	sld [smem:$0x3FB1];
	_ =	sdelay $0x3  }
0x33: {  	p0 =	seq.s32 s10, $0x1;
	s10 =	sld [smem:$0x3FB3];
	_ =	sdelay $0x3  }
0x34: {  	[smem:$0x3FB3] =	sst s10  }
0x35: {  	s10 =	sld [smem:$0x3FB2];
	_ =	sdelay $0x3  }
0x36: {  	p1 =	seq.s32 s10, $0x1;
	s10 =	sld [smem:$0x3FB3];
	_ =	sdelay $0x3  }
0x37: {  	[smem:$0x3FB3] =	sst s10  }
0x38: {  	s10 =	sld [smem:$0x3FB4]  }
0x39: {  	_ = 	snop;
	(pc) =	sbr.ind lr, $3  }
0x3a: {  	_ = 	snop  }
0x3b: {  	_ = 	snop  }
0x3c: {  	p2 =	seq.s32 s10, $0x1;
	s10 =	sld [smem:$0x3FB3]  }
0x3d: {  	_ =	shalt  }
0x3e: {  	_ =	shalt  }
0x3f: {  	_ =	shalt  }
0x40: {  	_ =	shalt  }
0x41: {  	_ =	shalt  }
0x42: {  	_ =	shalt  }
0x43: {  	_ =	shalt  }
0x44: {  	_ =	shalt  }
0x45: {  	_ =	shalt  }
0x46: {  	_ =	shalt  }
0x47: {  	_ =	shalt  }
0x48: {  	_ =	shalt  }
0x49: {  	_ =	shalt  }
0x4a: {  	_ =	shalt  }
0x4b: {  	_ =	shalt  }
0x4c: {  	_ =	shalt  }
0x4d: {  	_ =	shalt  }
0x4e: {  	_ =	shalt  }
0x4f: {  	_ =	shalt  }
0x50: {  	_ =	shalt  }
0x51: {  	_ =	shalt  }
0x52: {  	_ =	shalt  }
0x53: {  	_ =	shalt  }
0x54: {  	_ =	shalt  }
0x55: {  	_ =	shalt  }
0x56: {  	_ =	shalt  }
0x57: {  	_ =	shalt  }
0x58: {  	_ =	shalt  }
0x59: {  	_ =	shalt  }
0x5a: {  	_ =	shalt  }
0x5b: {  	_ =	shalt  }
0x5c: {  	_ =	shalt  }
0x5d: {  	_ =	shalt  }
0x5e: {  	_ =	shalt  }
0x5f: {  	_ =	shalt  }
0x60: {  	_ =	shalt  }
0x61: {  	_ =	shalt  }
0x62: {  	_ =	shalt  }
0x63: {  	_ =	shalt  }
0x64: {  	_ =	shalt  }
0x65: {  	_ =	shalt  }
0x66: {  	_ =	shalt  }
0x67: {  	_ =	shalt  }
0x68: {  	_ =	shalt  }
0x69: {  	_ =	shalt  }
0x6a: {  	_ =	shalt  }
0x6b: {  	_ =	shalt  }
0x6c: {  	_ =	shalt  }
0x6d: {  	_ =	shalt  }
0x6e: {  	_ =	shalt  }
0x6f: {  	_ =	shalt  }
0x70: {  	_ =	shalt  }
0x71: {  	_ =	shalt  }
0x72: {  	_ =	shalt  }
0x73: {  	_ =	shalt  }
0x74: {  	_ =	shalt  }
0x75: {  	_ =	shalt  }
0x76: {  	_ =	shalt  }
0x77: {  	_ =	shalt  }
0x78: {  	_ =	shalt  }
0x79: {  	_ =	shalt  }
0x7a: {  	_ =	shalt  }
0x7b: {  	_ =	shalt  }
0x7c: {  	_ =	shalt  }
0x7d: {  	_ =	shalt  }
0x7e: {  	_ =	shalt  }
0x7f: {  	_ =	shalt  }
0x80: {  	_ =	shalt  }
0x81: {  	_ =	shalt  }
0x82: {  	_ =	shalt  }
0x83: {  	_ =	shalt  }
0x84: {  	_ =	shalt  }
0x85: {  	_ =	shalt  }
0x86: {  	_ =	shalt  }
0x87: {  	_ =	shalt  }
.Lfunc_end0:
.L_simem_size_0:
called_computation_lowered:
.L_overlay_start_0:
0x88: {  	s2 =	sld [smem:$0x3FD9]  }
0x89: {  	s3 =	sld [smem:$0x3FFE];
	_ =	sdelay $0x1  }
0x8a: {  	s1 =	srdreg.scid  }
0x8b: {  	s0 =	sand.u32 $0x1, s1  }
0x8c: {  	s17 =	sshll.u32 s0, $0xA;
	s2 =	sadd.s32 s3, s2  }
0x8d: {  	s2 =	sadd.s32 s2, s17  }
0x8e: {  	[smem:$0x3FBF] =	sst s2  }
0x8f: {  	_ = 	snop  }
0x90: {  	s2 =	sld [smem:$0x3FD0];
	(tm) =	ssettm $0x1  }
0x91: {  	s18 =	sld [smem:$0x3FFB];
	_ =	sdelay $0x3  }
0x92: {  	_ =	strace s18  }
0x93: {  	s3 =	sld [smem:$0x3FFC];
	_ =	sdelay $0x3  }
0x94: {  	_ =	strace s3  }
0x95: {  	s3 =	sld [smem:$0x3FFD];
	_ =	sdelay $0x3  }
0x96: {  	_ =	strace s3  }
0x97: {  	_ =	strace $0x8FFFFFFF  }
0x98: {  	s19 =	sld [smem:$0x3FDB];
	_ =	sdelay $0x1  }
0x99: {  	s4 =	simm.s32 $_scs_section_size  }
0x9a: {  	s5 =	simm.s32 $_size__tile_overlayer_lowered;
	s6 =	simm.s32 $_tile_overlayer_lowered  }
0x9b: {  	s22 =	simm.s32 $0x1BFF;
	s21 =	sshll.u32 s6, $0x1;
	s3 =	sadd.s32 s4, s19  }
0x9c: {  	s7 =	simm.s32 $0x0;
	s20 =	sshll.u32 s5, $0x1;
	s5 =	sadd.s32 s21, s3  }
0x9d: {  	[timem:s7], [sflag:s22] =	dma.local [hbm:s5], s20  }
0x9e: {  	_ =	swait.ge [sflag:s22], s20  }
0x9f: {  	s4 =	ssub.s32 $0x0, s20;
	[sflag:s22] =	ssyncset.done $0x0  }
0xa0: {  	[sflag:s22] =	ssyncadd.s32 s4;
	_ =	sdelay $0x1  }
0xa1: {  	s23 =	simm.s32 $0x1B8B  }
0xa2: {  	_ =	swait.ge [sflag:s23], $0x1  }
0xa3: {  	[sflag:s23] =	ssyncset.done $0x0  }
0xa4: {  	s25 =	simm.s32 $0x1B8E;
	s24 =	sld [smem:$0x3FFE];
	[sflag:s23] =	ssyncadd.s32 $0xFFFFFFFF  }
0xa5: {  	s26 =	simm.s32 $execute0_lowered;
	[smem:$0x3FD2] =	sst s25  }
0xa6: {  	s5 =	sshll.u32 s26, $0x1;
	_ =	strace $0x80000046;
	[dreg:$0x1] =	wrdreg $0xFFFFFFFF  }
0xa7: {  	s28 =	simm.s32 $_size_execute0_lowered;
	s3 =	sadd.s32 s3, s5;
	[dreg:$0x0] =	wrdreg $0x0  }
0xa8: {  	s5 =	sshll.u32 s28, $0x1;
	[dreg:$0x2] =	wrdreg s3  }
0xa9: {  	[dreg:$0x3] =	wrdreg s5  }
0xaa: {  	[dreg:$0x4] =	wrdreg $0xC0  }
0xab: {  	_ =	task [dreg:s7], $0x5FFFF  }
0xac: {  	[dreg:$0x1] =	wrdreg $0xFFFFFFFF  }
0xad: {  	[dreg:$0x0] =	wrdreg $0x60  }
0xae: {  	[dreg:$0x2] =	wrdreg s24  }
0xaf: {  	[dreg:$0x3] =	wrdreg s2  }
0xb0: {  	[dreg:$0x4] =	wrdreg $0x9  }
0xb1: {  	_ =	task.clear_ibuf [dreg:s7], $0x5FFFF;
	_ =	strace $0x90000046  }
0xb2: {  	s29 =	simm.s32 $0x9;
	_ =	strace $0x80000048  }
0xb3: {  	_ =	swait.ge [sflag:s29], $0x1  }
0xb4: {  	[sflag:s29] =	ssyncadd.s32 $0xFFFFFFFF  }
0xb5: {  	_ =	strace $0x90000048  }
0xb6: {  	_ =	sfence  }
0xb7: {  	s30 =	sld [smem:$0x0];
	_ =	sdelay $0x2  }
0xb8: {  	s31 =	sshll.u32 s1, $0xD;
	s1 =	sshrl.u32 s1, $0x2  }
0xb9: {  	s3 =	sand.u32 $0x4000, s31;
	s1 =	sadd.s32 s1, s30  }
0xba: {  	s0 =	sor.u32 s3, s0;
	s1 =	sshll.u32 s1, $0x11  }
0xbb: {  	s0 =	sor.u32 s1, s0  }
0xbc: {  	s0 =	sadd.s32 $0x8F2B, s0  }
0xbd: {  	[sflag:s0] =	ssyncadd.remote.s32 $0x1  }
0xbe: {  	_ =	sfence.sel $0xFFFF  }
0xbf: {  	[dreg:$0x0] =	wrdreg $0xFFFFFFFF;
	(pc) =	sbr.abs _section_cstart, $3  }
0xc0: {  	[dreg:$0x1] =	wrdreg $0xFFFFFFFF  }
0xc1: {  	_ =	task.clear_ibuf [dreg:s7], $0x2FFFF;
	_ =	strace $0x9FFFFFFF  }
0xc2: {  	(tm) =	ssettm $0x7FFFFFFF  }
0xc3: {  	_ =	shalt  }
tec
execute0_lowered:
.L_overlay_start_1:
0x0: {  	(tag) =	ssettag $0x1  }
0x1: {  	s6 =	rddreg [dreg:$0x0]  }
0x2: {  	s7 =	rddreg [dreg:$0x1]  }
0x3: {  	s0 =	rddreg [dreg:$0x2]  }
0x4: {  	s1 =	simm.s32 $0x0;
	s8 =	srdreg.scid;
	s2 =	stileid.u32  }
0x5: {  	s14 =	simm.s32 $0x0;
	[smem:$0x7FF] =	sst s1;
	s3 =	sadd.s32 $0x2A00, s6  }
0x6: {  	s4 =	sadd.s32 $0x2800, s6;
	s5 =	sadd.s32 $0x2E00, s6;
	s8 =	sand.u32 $0x1, s8  }
0x7: {  	s10 =	sshll.u32 s2, $0x6;
	s9 =	ssub.s32 $0x2, s8;
	s8 =	sshll.u32 s8, $0x5  }
0x8: {  	s6 =	sadd.s32 $0x2C00, s6;
	s11 =	sshrl.u32 s9, $0x1;
	s8 =	sor.u32 s8, s10  }
0x9: {  	_ =	strace $0x80000047;
	s9 =	ssub.s32 s9, s11;
	s12 =	sor.u32 $0x400, s8  }
0xa: {  	s10 =	sshll.u32 s8, $0x4;
	s13 =	sor.u32 $0x410, s8;
	s11 =	simm.s32 $0x1000  }
0xb: {  	v0 =	vlaneseq.u32;
	s7 =	sadd.s32 s7, s10;
	s8 =	smax.u32 s9, $0x1;
	s9 =	simm.s32 $0x1  }
0xc: {  	s10 =	simm.s32 $0x800;
	v1 =	vor.u32 s12, v0;
	v2 =	vor.u32 s13, v0;
	s12 =	simm.s32 $0x1800;
	s13 =	simm.s32 $0x2000  }
.LBB2_1:
0xd: {  	[tilespmem:s1], [sflag:$0x1] =	stream.linear.gather [hbm4b:s3+s1], $0x800, $0x38;
	[tilespmem:$0x3000] =	vst v63  }
0xe: {  	_ =	swait.ge [sflag:s9], $0x800  }
0xf: {  	[sflag:s9] =	ssyncset.done $0x0  }
0x10: {  	[sflag:s9] =	ssyncadd.s32 $0xFFFFF800  }
0x11: {  	[tilespmem:s10], [sflag:$0x1] =	stream.linear.gather [hbm4b:s4+s1], $0x800, $0x38;
	[tilespmem:$0x3000] =	vst v63  }
0x12: {  	_ =	swait.ge [sflag:s9], $0x800  }
0x13: {  	[sflag:s9] =	ssyncset.done $0x0  }
0x14: {  	[sflag:s9] =	ssyncadd.s32 $0xFFFFF800  }
0x15: {  	[tilespmem:s11], [sflag:$0x1] =	stream.linear.gather [hbm4b:s5+s1], $0x800, $0x38;
	[tilespmem:$0x3000] =	vst v63  }
0x16: {  	_ =	swait.ge [sflag:s9], $0x800  }
0x17: {  	[sflag:s9] =	ssyncset.done $0x0  }
0x18: {  	[sflag:s9] =	ssyncadd.s32 $0xFFFFF800  }
0x19: {  	[tilespmem:s12], [sflag:$0x1] =	stream.linear.gather [hbm4b:s6+s1], $0x800, $0x38;
	[tilespmem:$0x3000] =	vst v63  }
0x1a: {  	v19 =	vimm.f32 $+Inf;
	v11 =	vimm.s32 $0x0;
	_ =	swait.ge [sflag:s9], $0x800  }
0x1b: {  	v12 =	vimm.s32 $0x0;
	v13 =	vimm.s32 $0x0;
	v14 =	vimm.s32 $0x0;
	[sflag:s9] =	ssyncset.done $0x0  }
0x1c: {  	v15 =	vimm.s32 $0x0;
	v16 =	vimm.s32 $0x0;
	v17 =	vimm.s32 $0x0;
	[sflag:s9] =	ssyncadd.s32 $0xFFFFF800  }
0x1d: {  	v20 =	vimm.s32 $0x0;
	v27 =	vimm.f32 $+Inf;
	v29 =	vimm.f32 $+Inf;
	v7 =	vld.idx.msk [tilespmem:v1+s1+$0x0], $0xffff  }
0x1e: {  	v30 =	vimm.f32 $+Inf;
	v33 =	vimm.f32 $+Inf;
	v31 =	vimm.f32 $+Inf;
	v8 =	vld.idx.msk [tilespmem:v1+s10+$0x0], $0xffff  }
0x1f: {  	v32 =	vimm.f32 $+Inf;
	v28 =	vimm.f32 $+Inf;
	v18 =	vimm.s32 $0x0;
	v9 =	vld.idx.msk [tilespmem:v1+s11+$0x0], $0xffff  }
0x20: {  	v21 =	vimm.s32 $0x0;
	v22 =	vimm.s32 $0x0;
	v23 =	vimm.s32 $0x0;
	v10 =	vld.idx.msk [tilespmem:v1+s12+$0x0], $0xffff  }
0x21: {  	v24 =	vimm.s32 $0x0;
	v25 =	vimm.s32 $0x0;
	v26 =	vimm.s32 $0x0;
	v3 =	vld.idx.msk [tilespmem:v2+s1+$0x0], $0xffff  }
0x22: {  	v41 =	vimm.s32 $0x0;
	v39 =	vimm.f32 $+Inf;
	v37 =	vimm.f32 $+Inf;
	v4 =	vld.idx.msk [tilespmem:v2+s10+$0x0], $0xffff  }
0x23: {  	v38 =	vimm.f32 $+Inf;
	v36 =	vimm.f32 $+Inf;
	v34 =	vimm.f32 $+Inf;
	v5 =	vld.idx.msk [tilespmem:v2+s11+$0x0], $0xffff  }
0x24: {  	s15 =	simm.s32 $0xF;
	v35 =	vimm.f32 $+Inf;
	v40 =	vimm.f32 $+Inf;
	v42 =	vimm.f32 $+Inf;
	v6 =	vld.idx.msk [tilespmem:v2+s12+$0x0], $0xffff  }
.LBB2_2:
0x25: {  	s16 =	sadd.s32 $0xFFFFFFF1, s15  }
0x26: {  	v43 =	vmov s16;
	_ =	sdelay $0x4  }
0x27: {  	v44 =	vld.idx.msk [tilespmem:v43+s1+$0x0], $0xffff  }
0x28: {  	v43 =	vld.idx.msk [tilespmem:v43+s10+$0x0], $0xffff;
	_ =	sdelay $0x4  }
0x29: {  	v45 =	vsub.f32 v44, v7;
	v46 =	vsub.f32 v43, v8  }
0x2a: {  	v44 =	vsub.f32 v44, v3;
	v43 =	vsub.f32 v43, v4  }
0x2b: {  	v45 =	vmul.f32 v45, v45;
	v46 =	vmul.f32 v46, v46  }
0x2c: {  	v44 =	vmul.f32 v44, v44;
	v43 =	vmul.f32 v43, v43;
	_ =	sdelay $0x1  }
0x2d: {  	v45 =	vadd.f32 v46, v45;
	v43 =	vadd.f32 v43, v44  }
0x2e: {  	s17 =	sadd.s32 $0xFFFFFFF2, s15;
	vm0 =	veq.s32 v1, s16;
	vm12 =	veq.s32 v2, s16  }
0x2f: {  	v60 =	vmov s17;
	v44 =	vsel vm0, $0x7F800000, v45;
	v43 =	vsel vm12, $0x7F800000, v43  }
0x30: {  	vm13 =	vle.f32 v42, v44;
	vm9 =	vle.f32 v40, v44;
	vm11 =	vle.f32 v35, v44  }
0x31: {  	vm12 =	vle.f32 v34, v44;
	vm10 =	vle.f32 v36, v44;
	vm8 =	vle.f32 v38, v44  }
0x32: {  	vm7 =	vle.f32 v37, v44;
	vm5 =	vle.f32 v28, v43;
	vm6 =	vle.f32 v32, v43  }
0x33: {  	vm4 =	vle.f32 v31, v43;
	vm3 =	vle.f32 v33, v43;
	vm2 =	vle.f32 v30, v43  }
0x34: {  	vm1 =	vle.f32 v29, v43;
	vm14 =	vle.f32 v27, v43;
	vm15 =	vle.f32 v39, v44  }
0x35: {  	v45 =	vsel vm13, v42, v44;
	v61 =	vsel vm13, v44, v42;
	v46 =	vnsel vm13, s16, v41  }
0x36: {  	v62 =	vsel vm13, s16, v41;
	v63 =	vsel vm9, v44, v40;
	v47 =	vsel vm9, s16, v26  }
0x37: {  	v48 =	vsel vm11, s16, v25;
	v49 =	vsel vm12, s16, v24;
	v50 =	vsel vm10, s16, v23  }
0x38: {  	v51 =	vsel vm8, s16, v22;
	v52 =	vsel vm7, s16, v21;
	v53 =	vnsel vm5, s16, v20  }
0x39: {  	v20 =	vsel vm5, s16, v20;
	v54 =	vsel vm6, s16, v17;
	v55 =	vsel vm4, s16, v16  }
0x3a: {  	v56 =	vsel vm3, s16, v15;
	v57 =	vsel vm2, s16, v14;
	v58 =	vsel vm1, s16, v13  }
0x3b: {  	v59 =	vsel vm14, s16, v12;
	vm13 =	veq.s32 v2, s17;
	v42 =	vsel vm9, v40, v61  }
0x3c: {  	v26 =	vsel vm9, v26, v62;
	v40 =	vsel vm11, v35, v63;
	v25 =	vsel vm11, v25, v47  }
0x3d: {  	v61 =	vsel vm11, v44, v35;
	v62 =	vsel vm12, v44, v34;
	v24 =	vsel vm12, v24, v48  }
0x3e: {  	v23 =	vsel vm10, v23, v49;
	v63 =	vsel vm10, v44, v36;
	v48 =	vsel vm8, v44, v38  }
0x3f: {  	v22 =	vsel vm8, v22, v50;
	v21 =	vsel vm7, v21, v51;
	v49 =	vsel vm7, v44, v37  }
0x40: {  	v18 =	vsel vm15, v18, v52;
	v51 =	vsel vm5, v43, v28;
	v28 =	vsel vm5, v28, v43  }
0x41: {  	v41 =	vld.idx.msk [tilespmem:v60+s10+$0x0], $0xffff;
	v52 =	vsel vm6, v43, v32;
	v17 =	vsel vm6, v17, v20;
	v16 =	vsel vm4, v16, v54  }
0x42: {  	v50 =	vld.idx.msk [tilespmem:v60+s1+$0x0], $0xffff;
	v54 =	vsel vm3, v43, v33;
	v15 =	vsel vm3, v15, v55;
	v14 =	vsel vm2, v14, v56  }
0x43: {  	v13 =	vsel vm1, v13, v57;
	v12 =	vsel vm14, v12, v58;
	vm11 =	vle.f32 v19, v43  }
0x44: {  	v35 =	vsel vm10, v36, v62;
	v36 =	vsel vm8, v38, v63;
	v38 =	vsel vm7, v37, v48  }
0x45: {  	v37 =	vsel vm15, v39, v49;
	v39 =	vsel vm6, v32, v51;
	v20 =	vsel vm4, v31, v52  }
0x46: {  	v31 =	vsel vm4, v43, v31;
	v56 =	vsub.f32 v41, v8;
	v41 =	vsub.f32 v41, v4  }
0x47: {  	v32 =	vsel vm2, v30, v54;
	v55 =	vsub.f32 v50, v7;
	v44 =	vsub.f32 v50, v3  }
0x48: {  	v30 =	vsel vm2, v43, v30;
	v47 =	vmul.f32 v56, v56;
	v41 =	vmul.f32 v41, v41  }
0x49: {  	v31 =	vsel vm3, v33, v31;
	v33 =	vmul.f32 v55, v55;
	v44 =	vmul.f32 v44, v44  }
0x4a: {  	v34 =	vsel vm12, v34, v61;
	vm12 =	veq.s32 v1, s17;
	v30 =	vsel vm1, v29, v30  }
0x4b: {  	v29 =	vsel vm1, v43, v29;
	v33 =	vadd.f32 v47, v33;
	v60 =	vadd.f32 v41, v44  }
0x4c: {  	v11 =	vsel vm11, v11, v59;
	v29 =	vsel vm14, v27, v29;
	v27 =	vsel vm14, v43, v27  }
0x4d: {  	v19 =	vsel vm11, v19, v27;
	v27 =	vsel vm12, $0x7F800000, v33;
	v33 =	vsel vm13, $0x7F800000, v60  }
0x4e: {  	vm14 =	vle.f32 v45, v27;
	vm11 =	vle.f32 v42, v27;
	vm12 =	vle.f32 v40, v27  }
0x4f: {  	vm10 =	vle.f32 v34, v27;
	vm9 =	vle.f32 v35, v27;
	vm15 =	vle.f32 v36, v27  }
0x50: {  	vm7 =	vle.f32 v38, v27;
	vm5 =	vle.f32 v28, v33;
	vm6 =	vle.f32 v39, v33  }
0x51: {  	vm4 =	vle.f32 v20, v33;
	vm3 =	vle.f32 v31, v33;
	vm13 =	vle.f32 v32, v33  }
0x52: {  	vm0 =	vle.f32 v29, v33;
	v41 =	vsel vm14, v45, v27;
	v43 =	vnsel vm14, s17, v46  }
0x53: {  	v61 =	vsel vm14, v27, v45;
	v62 =	vsel vm14, s17, v46;
	v46 =	vsel vm11, s17, v26  }
0x54: {  	v63 =	vsel vm12, s17, v25;
	v48 =	vsel vm10, s17, v24;
	v49 =	vsel vm9, s17, v23  }
0x55: {  	v50 =	vsel vm15, s17, v22;
	v51 =	vsel vm7, s17, v21;
	v52 =	vnsel vm5, s17, v53  }
0x56: {  	v53 =	vsel vm5, s17, v53;
	v54 =	vsel vm6, s17, v17;
	v55 =	vsel vm4, s17, v16  }
0x57: {  	v56 =	vsel vm3, s17, v15;
	vm14 =	vle.f32 v30, v33;
	v57 =	vsel vm13, s17, v14  }
0x58: {  	s18 =	sadd.s32 $0xFFFFFFF3, s15;
	v44 =	vsel vm11, v42, v61;
	v60 =	vsel vm14, s17, v13;
	v61 =	vsel vm0, s17, v12  }
0x59: {  	v26 =	vsel vm11, v26, v62;
	v42 =	vsel vm11, v27, v42;
	v62 =	vmov s18  }
0x5a: {  	v25 =	vsel vm12, v25, v46;
	v24 =	vsel vm10, v24, v63;
	v23 =	vsel vm9, v23, v48  }
0x5b: {  	v22 =	vsel vm15, v22, v49;
	v21 =	vsel vm7, v21, v50;
	v50 =	vsel vm5, v33, v28  }
0x5c: {  	v28 =	vsel vm5, v28, v33;
	v17 =	vsel vm6, v17, v53;
	v53 =	vsel vm4, v33, v20  }
0x5d: {  	v16 =	vsel vm4, v16, v54;
	v15 =	vsel vm3, v15, v55;
	v14 =	vsel vm13, v14, v56  }
0x5e: {  	v56 =	vsel vm14, v33, v30;
	v42 =	vsel vm12, v40, v42;
	v40 =	vsel vm12, v27, v40  }
0x5f: {  	v13 =	vsel vm14, v13, v57;
	v40 =	vsel vm10, v34, v40;
	v34 =	vsel vm10, v27, v34;
	v63 =	vld.idx.msk [tilespmem:v62+s1+$0x0], $0xffff  }
0x60: {  	vm11 =	vle.f32 v19, v33;
	v34 =	vsel vm9, v35, v34;
	v35 =	vsel vm9, v27, v35;
	v45 =	vld.idx.msk [tilespmem:v62+s10+$0x0], $0xffff  }
0x61: {  	v12 =	vsel vm0, v12, v60;
	vm12 =	veq.s32 v1, s18;
	v35 =	vsel vm15, v36, v35  }
0x62: {  	v36 =	vsel vm15, v27, v36;
	vm15 =	vle.f32 v37, v27;
	v27 =	vsel vm7, v27, v38  }
0x63: {  	v27 =	vsel vm15, v37, v27;
	v37 =	vsel vm6, v39, v50;
	v39 =	vsel vm6, v33, v39  }
0x64: {  	v11 =	vsel vm11, v11, v61;
	v36 =	vsel vm7, v38, v36;
	v20 =	vsel vm4, v20, v39  }
0x65: {  	v39 =	vsel vm3, v31, v53;
	v54 =	vsub.f32 v63, v7;
	v55 =	vsub.f32 v45, v8  }
0x66: {  	v31 =	vsel vm3, v33, v31;
	v38 =	vsub.f32 v63, v3;
	v45 =	vsub.f32 v45, v4  }
0x67: {  	v31 =	vsel vm13, v32, v31;
	v46 =	vmul.f32 v54, v54;
	v47 =	vmul.f32 v55, v55  }
0x68: {  	v32 =	vsel vm13, v33, v32;
	v38 =	vmul.f32 v38, v38;
	v45 =	vmul.f32 v45, v45  }
0x69: {  	v18 =	vsel vm15, v18, v51;
	v30 =	vsel vm14, v30, v32;
	v46 =	vadd.f32 v47, v46  }
0x6a: {  	v32 =	vsel vm0, v29, v56;
	v29 =	vsel vm0, v33, v29;
	v38 =	vadd.f32 v45, v38  }
0x6b: {  	s19 =	sadd.s32 $0xFFFFFFF4, s15;
	vm13 =	veq.s32 v2, s18;
	v19 =	vsel vm11, v19, v29;
	v33 =	vsel vm12, $0x7F800000, v46  }
0x6c: {  	v63 =	vmov s19;
	v29 =	vsel vm13, $0x7F800000, v38;
	vm2 =	vle.f32 v41, v33  }
0x6d: {  	vm14 =	vle.f32 v44, v33;
	vm9 =	vle.f32 v42, v33;
	vm10 =	vle.f32 v40, v33  }
0x6e: {  	vm11 =	vle.f32 v34, v33;
	vm15 =	vle.f32 v35, v33;
	vm7 =	vle.f32 v36, v33  }
0x6f: {  	vm6 =	vle.f32 v28, v29;
	vm5 =	vle.f32 v37, v29;
	vm4 =	vle.f32 v20, v29  }
0x70: {  	vm3 =	vle.f32 v39, v29;
	vm12 =	vle.f32 v31, v29;
	vm13 =	vle.f32 v30, v29  }
0x71: {  	v38 =	vsel vm2, v41, v33;
	v41 =	vsel vm2, v33, v41;
	v59 =	vsel vm2, s18, v43  }
0x72: {  	v43 =	vnsel vm2, s18, v43;
	v60 =	vsel vm9, s18, v25;
	v61 =	vsel vm10, s18, v24  }
0x73: {  	v62 =	vsel vm11, s18, v23;
	v49 =	vsel vm15, s18, v22;
	v50 =	vsel vm7, s18, v21  }
0x74: {  	v51 =	vnsel vm6, s18, v52;
	v52 =	vsel vm6, s18, v52;
	v53 =	vsel vm5, s18, v17  }
0x75: {  	v54 =	vsel vm4, s18, v16;
	v55 =	vsel vm3, s18, v15;
	v56 =	vsel vm12, s18, v14  }
0x76: {  	v57 =	vsel vm13, s18, v13;
	v41 =	vsel vm14, v44, v41;
	v45 =	vsel vm14, v26, v59  }
0x77: {  	v44 =	vsel vm14, v33, v44;
	v26 =	vsel vm14, s18, v26;
	vm14 =	vle.f32 v32, v29  }
0x78: {  	v24 =	vsel vm10, v24, v60;
	v23 =	vsel vm11, v23, v61;
	v22 =	vsel vm15, v22, v62  }
0x79: {  	v21 =	vsel vm7, v21, v49;
	v17 =	vsel vm5, v17, v52;
	v16 =	vsel vm4, v16, v53  }
0x7a: {  	v15 =	vsel vm3, v15, v54;
	v14 =	vsel vm12, v14, v55;
	v13 =	vsel vm13, v13, v56  }
0x7b: {  	v49 =	vld.idx.msk [tilespmem:v63+s1+$0x0], $0xffff;
	v58 =	vsel vm14, s18, v12;
	v44 =	vsel vm9, v42, v44;
	v42 =	vsel vm9, v33, v42  }
0x7c: {  	v59 =	vld.idx.msk [tilespmem:v63+s10+$0x0], $0xffff;
	v25 =	vsel vm9, v25, v26;
	v26 =	vsel vm10, v40, v42;
	v40 =	vsel vm10, v33, v40  }
0x7d: {  	v12 =	vsel vm14, v12, v57;
	v40 =	vsel vm11, v34, v40;
	v34 =	vsel vm11, v33, v34  }
0x7e: {  	vm11 =	vle.f32 v19, v29;
	v34 =	vsel vm15, v35, v34;
	v35 =	vsel vm15, v33, v35  }
0x7f: {  	vm15 =	vle.f32 v27, v33;
	v33 =	vsel vm7, v33, v36;
	v11 =	vsel vm11, v11, v58  }
0x80: {  	v35 =	vsel vm7, v36, v35;
	v27 =	vsel vm15, v27, v33;
	v36 =	vsel vm6, v28, v29  }
0x81: {  	v28 =	vsel vm6, v29, v28;
	v60 =	vsub.f32 v49, v7;
	v61 =	vsub.f32 v59, v8  }
0x82: {  	v33 =	vsub.f32 v49, v3;
	v28 =	vsel vm5, v37, v28;
	v37 =	vsel vm5, v29, v37  }
0x83: {  	v42 =	vsub.f32 v59, v4;
	v37 =	vsel vm4, v20, v37;
	v46 =	vmul.f32 v60, v60  }
0x84: {  	v20 =	vsel vm4, v29, v20;
	v47 =	vmul.f32 v61, v61;
	v33 =	vmul.f32 v33, v33  }
0x85: {  	v42 =	vmul.f32 v42, v42;
	v20 =	vsel vm3, v39, v20;
	v39 =	vsel vm3, v29, v39  }
0x86: {  	v18 =	vsel vm15, v18, v50;
	v39 =	vsel vm12, v31, v39;
	v31 =	vsel vm12, v29, v31  }
0x87: {  	v46 =	vadd.f32 v47, v46;
	vm12 =	veq.s32 v1, s19;
	v62 =	vadd.f32 v42, v33  }
0x88: {  	v31 =	vsel vm13, v30, v31;
	v30 =	vsel vm13, v29, v30;
	v29 =	vsel vm14, v29, v32  }
0x89: {  	s20 =	sadd.s32 $0xFFFFFFF5, s15;
	vm13 =	veq.s32 v2, s19;
	v30 =	vsel vm14, v32, v30;
	v19 =	vsel vm11, v19, v29  }
0x8a: {  	v29 =	vsel vm12, $0x7F800000, v46;
	v32 =	vsel vm13, $0x7F800000, v62;
	v62 =	vmov s20  }
0x8b: {  	vm14 =	vle.f32 v38, v29;
	vm9 =	vle.f32 v41, v29;
	vm11 =	vle.f32 v44, v29  }
0x8c: {  	vm12 =	vle.f32 v26, v29;
	vm10 =	vle.f32 v40, v29;
	vm15 =	vle.f32 v34, v29  }
0x8d: {  	vm7 =	vle.f32 v35, v29;
	vm5 =	vle.f32 v36, v32;
	vm6 =	vle.f32 v28, v32  }
0x8e: {  	vm4 =	vle.f32 v37, v32;
	vm3 =	vle.f32 v20, v32;
	vm2 =	vle.f32 v39, v32  }
0x8f: {  	vm13 =	vle.f32 v31, v32;
	v33 =	vsel vm14, v38, v29;
	v38 =	vsel vm14, v29, v38  }
0x90: {  	v42 =	vnsel vm14, s19, v43;
	v43 =	vsel vm14, s19, v43;
	v63 =	vsel vm9, s19, v45  }
0x91: {  	v47 =	vsel vm11, s19, v25;
	v48 =	vsel vm12, s19, v24;
	v49 =	vsel vm10, s19, v23  }
0x92: {  	v50 =	vsel vm15, s19, v22;
	v52 =	vsel vm7, s19, v21;
	v53 =	vnsel vm5, s19, v51  }
0x93: {  	v51 =	vsel vm5, s19, v51;
	v54 =	vsel vm6, s19, v17;
	v60 =	vsel vm4, s19, v16  }
0x94: {  	v61 =	vsel vm3, s19, v15;
	vm14 =	vle.f32 v30, v32;
	v57 =	vsel vm2, s19, v14  }
0x95: {  	v58 =	vsel vm13, s19, v13;
	v38 =	vsel vm9, v41, v38;
	v41 =	vsel vm9, v29, v41  }
0x96: {  	v59 =	vsel vm14, s19, v12;
	v43 =	vsel vm9, v45, v43;
	v25 =	vsel vm11, v25, v63  }
0x97: {  	v63 =	vsel vm12, v29, v26;
	v24 =	vsel vm12, v24, v47;
	v23 =	vsel vm10, v23, v48  }
0x98: {  	v48 =	vsel vm15, v29, v34;
	v22 =	vsel vm15, v22, v49;
	v21 =	vsel vm7, v21, v50  }
0x99: {  	v17 =	vsel vm6, v17, v51;
	v16 =	vsel vm4, v16, v54;
	v15 =	vsel vm3, v15, v60  }
0x9a: {  	v14 =	vsel vm2, v14, v61;
	v13 =	vsel vm13, v13, v57;
	v12 =	vsel vm14, v12, v58  }
0x9b: {  	v41 =	vsel vm11, v44, v41;
	v44 =	vsel vm11, v29, v44;
	vm11 =	vle.f32 v19, v32;
	v50 =	vld.idx.msk [tilespmem:v62+s1+$0x0], $0xffff  }
0x9c: {  	v26 =	vsel vm12, v26, v44;
	v44 =	vsel vm10, v40, v63;
	v40 =	vsel vm10, v29, v40;
	v45 =	vld.idx.msk [tilespmem:v62+s10+$0x0], $0xffff  }
0x9d: {  	v34 =	vsel vm15, v34, v40;
	vm15 =	vle.f32 v27, v29;
	v29 =	vsel vm7, v29, v35  }
0x9e: {  	vm12 =	veq.s32 v1, s20;
	v27 =	vsel vm15, v27, v29;
	v29 =	vsel vm5, v32, v36  }
0x9f: {  	v11 =	vsel vm11, v11, v59;
	v29 =	vsel vm6, v28, v29;
	v28 =	vsel vm6, v32, v28  }
0xa0: {  	v40 =	vsel vm7, v35, v48;
	v28 =	vsel vm4, v37, v28;
	v37 =	vsel vm4, v32, v37  }
0xa1: {  	v37 =	vsel vm3, v20, v37;
	v60 =	vsub.f32 v50, v7;
	v61 =	vsub.f32 v45, v8  }
0xa2: {  	v20 =	vsel vm3, v32, v20;
	v35 =	vsub.f32 v50, v3;
	v45 =	vsub.f32 v45, v4  }
0xa3: {  	v20 =	vsel vm2, v39, v20;
	v46 =	vmul.f32 v60, v60;
	v47 =	vmul.f32 v61, v61  }
0xa4: {  	v39 =	vsel vm2, v32, v39;
	v35 =	vmul.f32 v35, v35;
	v45 =	vmul.f32 v45, v45  }
0xa5: {  	v18 =	vsel vm15, v18, v52;
	v36 =	vsel vm5, v36, v32;
	v39 =	vsel vm13, v31, v39  }
0xa6: {  	v31 =	vsel vm13, v32, v31;
	v46 =	vadd.f32 v47, v46;
	v62 =	vadd.f32 v45, v35  }
0xa7: {  	vm13 =	veq.s32 v2, s20;
	v31 =	vsel vm14, v30, v31;
	v30 =	vsel vm14, v32, v30  }
0xa8: {  	s21 =	sadd.s32 $0xFFFFFFF6, s15;
	v19 =	vsel vm11, v19, v30;
	v30 =	vsel vm12, $0x7F800000, v46;
	v32 =	vsel vm13, $0x7F800000, v62  }
0xa9: {  	v62 =	vmov s21;
	vm14 =	vle.f32 v33, v30;
	vm11 =	vle.f32 v38, v30  }
0xaa: {  	vm12 =	vle.f32 v41, v30;
	vm10 =	vle.f32 v26, v30;
	vm9 =	vle.f32 v44, v30  }
0xab: {  	vm15 =	vle.f32 v34, v30;
	vm7 =	vle.f32 v40, v30;
	vm5 =	vle.f32 v36, v32  }
0xac: {  	vm6 =	vle.f32 v29, v32;
	vm4 =	vle.f32 v28, v32;
	vm3 =	vle.f32 v37, v32  }
0xad: {  	vm13 =	vle.f32 v20, v32;
	vm0 =	vle.f32 v31, v32;
	v35 =	vsel vm14, v33, v30  }
0xae: {  	v45 =	vnsel vm14, s20, v42;
	v33 =	vsel vm14, v30, v33;
	v42 =	vsel vm14, s20, v42  }
0xaf: {  	v46 =	vsel vm11, s20, v43;
	v47 =	vsel vm12, s20, v25;
	v48 =	vsel vm10, s20, v24  }
0xb0: {  	v63 =	vsel vm9, s20, v23;
	v50 =	vsel vm15, s20, v22;
	v51 =	vsel vm7, s20, v21  }
0xb1: {  	v52 =	vnsel vm5, s20, v53;
	v53 =	vsel vm5, s20, v53;
	v54 =	vsel vm6, s20, v17  }
0xb2: {  	v55 =	vsel vm4, s20, v16;
	v56 =	vsel vm3, s20, v15;
	vm14 =	vle.f32 v39, v32  }
0xb3: {  	v57 =	vsel vm13, s20, v14;
	v61 =	vsel vm0, s20, v12;
	v33 =	vsel vm11, v38, v33  }
0xb4: {  	v60 =	vsel vm14, s20, v13;
	v42 =	vsel vm11, v43, v42;
	v38 =	vsel vm11, v30, v38  }
0xb5: {  	v25 =	vsel vm12, v25, v46;
	v24 =	vsel vm10, v24, v47;
	v23 =	vsel vm9, v23, v48  }
0xb6: {  	v22 =	vsel vm15, v22, v63;
	v21 =	vsel vm7, v21, v50;
	v17 =	vsel vm6, v17, v53  }
0xb7: {  	v53 =	vsel vm4, v32, v28;
	v16 =	vsel vm4, v16, v54;
	v15 =	vsel vm3, v15, v55  }
0xb8: {  	v14 =	vsel vm13, v14, v56;
	v56 =	vsel vm14, v32, v39;
	v13 =	vsel vm14, v13, v57  }
0xb9: {  	vm11 =	vle.f32 v19, v32;
	v38 =	vsel vm12, v41, v38;
	v41 =	vsel vm12, v30, v41  }
0xba: {  	v12 =	vsel vm0, v12, v60;
	v41 =	vsel vm10, v26, v41;
	v26 =	vsel vm10, v30, v26;
	v63 =	vld.idx.msk [tilespmem:v62+s1+$0x0], $0xffff  }
0xbb: {  	vm12 =	veq.s32 v1, s21;
	v43 =	vld.idx.msk [tilespmem:v62+s10+$0x0], $0xffff;
	v26 =	vsel vm9, v44, v26;
	v44 =	vsel vm9, v30, v44  }
0xbc: {  	v11 =	vsel vm11, v11, v61;
	v44 =	vsel vm15, v34, v44;
	v34 =	vsel vm15, v30, v34  }
0xbd: {  	vm15 =	vle.f32 v27, v30;
	v30 =	vsel vm7, v30, v40;
	v34 =	vsel vm7, v40, v34  }
0xbe: {  	v27 =	vsel vm15, v27, v30;
	v30 =	vsel vm5, v32, v36;
	v18 =	vsel vm15, v18, v51  }
0xbf: {  	v36 =	vsel vm5, v36, v32;
	v30 =	vsel vm6, v29, v30;
	v29 =	vsel vm6, v32, v29  }
0xc0: {  	v28 =	vsel vm4, v28, v29;
	v54 =	vsub.f32 v63, v7;
	v55 =	vsub.f32 v43, v8  }
0xc1: {  	v29 =	vsel vm3, v37, v53;
	v40 =	vsub.f32 v63, v3;
	v43 =	vsub.f32 v43, v4  }
0xc2: {  	s22 =	sadd.s32 $0xFFFFFFF7, s15;
	v37 =	vsel vm3, v32, v37;
	v46 =	vmul.f32 v54, v54;
	v47 =	vmul.f32 v55, v55  }
0xc3: {  	v63 =	vmov s22;
	v40 =	vmul.f32 v40, v40;
	v43 =	vmul.f32 v43, v43  }
0xc4: {  	v37 =	vsel vm13, v20, v37;
	v20 =	vsel vm13, v32, v20;
	v46 =	vadd.f32 v47, v46  }
0xc5: {  	vm13 =	veq.s32 v2, s21;
	v20 =	vsel vm14, v39, v20;
	v40 =	vadd.f32 v43, v40  }
0xc6: {  	v39 =	vsel vm0, v31, v56;
	v31 =	vsel vm0, v32, v31;
	v32 =	vsel vm12, $0x7F800000, v46  }
0xc7: {  	v19 =	vsel vm11, v19, v31;
	v31 =	vsel vm13, $0x7F800000, v40;
	vm2 =	vle.f32 v35, v32  }
0xc8: {  	vm14 =	vle.f32 v33, v32;
	vm9 =	vle.f32 v38, v32;
	vm10 =	vle.f32 v41, v32  }
0xc9: {  	vm11 =	vle.f32 v26, v32;
	vm15 =	vle.f32 v44, v32;
	vm7 =	vle.f32 v34, v32  }
0xca: {  	vm6 =	vle.f32 v36, v31;
	vm5 =	vle.f32 v30, v31;
	vm4 =	vle.f32 v28, v31  }
0xcb: {  	vm3 =	vle.f32 v29, v31;
	vm12 =	vle.f32 v37, v31;
	vm13 =	vle.f32 v20, v31  }
0xcc: {  	v40 =	vsel vm2, v35, v32;
	v35 =	vsel vm2, v32, v35;
	v59 =	vsel vm2, s21, v45  }
0xcd: {  	v45 =	vnsel vm2, s21, v45;
	v60 =	vsel vm9, s21, v25;
	v61 =	vsel vm10, s21, v24  }
0xce: {  	v62 =	vsel vm11, s21, v23;
	v49 =	vsel vm15, s21, v22;
	v50 =	vsel vm7, s21, v21  }
0xcf: {  	v51 =	vnsel vm6, s21, v52;
	v52 =	vsel vm6, s21, v52;
	v53 =	vsel vm5, s21, v17  }
0xd0: {  	v54 =	vsel vm4, s21, v16;
	v55 =	vsel vm3, s21, v15;
	v56 =	vsel vm12, s21, v14  }
0xd1: {  	v57 =	vsel vm13, s21, v13;
	v48 =	vsel vm15, v32, v44;
	v35 =	vsel vm14, v33, v35  }
0xd2: {  	v43 =	vsel vm14, v42, v59;
	v33 =	vsel vm14, v32, v33;
	v42 =	vsel vm14, s21, v42  }
0xd3: {  	vm14 =	vle.f32 v39, v31;
	v24 =	vsel vm10, v24, v60;
	v23 =	vsel vm11, v23, v61  }
0xd4: {  	v22 =	vsel vm15, v22, v62;
	v21 =	vsel vm7, v21, v49;
	v17 =	vsel vm5, v17, v52  }
0xd5: {  	v16 =	vsel vm4, v16, v53;
	v15 =	vsel vm3, v15, v54;
	v14 =	vsel vm12, v14, v55  }
0xd6: {  	v13 =	vsel vm13, v13, v56;
	v58 =	vsel vm14, s21, v12;
	v33 =	vsel vm9, v38, v33  }
0xd7: {  	v38 =	vsel vm9, v32, v38;
	v25 =	vsel vm9, v25, v42;
	v42 =	vsel vm6, v36, v31  }
0xd8: {  	v49 =	vld.idx.msk [tilespmem:v63+s1+$0x0], $0xffff;
	v36 =	vsel vm6, v31, v36;
	v12 =	vsel vm14, v12, v57;
	v38 =	vsel vm10, v41, v38  }
0xd9: {  	v60 =	vld.idx.msk [tilespmem:v63+s10+$0x0], $0xffff;
	v41 =	vsel vm10, v32, v41;
	v36 =	vsel vm5, v30, v36;
	v30 =	vsel vm5, v31, v30  }
0xda: {  	v41 =	vsel vm11, v26, v41;
	v26 =	vsel vm11, v32, v26;
	v30 =	vsel vm4, v28, v30  }
0xdb: {  	v28 =	vsel vm4, v31, v28;
	vm11 =	vle.f32 v19, v31;
	v26 =	vsel vm15, v44, v26  }
0xdc: {  	vm15 =	vle.f32 v27, v32;
	v32 =	vsel vm7, v32, v34;
	v34 =	vsel vm7, v34, v48  }
0xdd: {  	v28 =	vsel vm3, v29, v28;
	v29 =	vsel vm3, v31, v29;
	v11 =	vsel vm11, v11, v58  }
0xde: {  	v27 =	vsel vm15, v27, v32;
	v61 =	vsub.f32 v49, v7;
	v62 =	vsub.f32 v60, v8  }
0xdf: {  	v18 =	vsel vm15, v18, v50;
	v32 =	vsub.f32 v49, v3;
	v44 =	vsub.f32 v60, v4  }
0xe0: {  	v29 =	vsel vm12, v37, v29;
	v46 =	vmul.f32 v61, v61;
	v47 =	vmul.f32 v62, v62  }
0xe1: {  	v37 =	vsel vm12, v31, v37;
	v32 =	vmul.f32 v32, v32;
	v44 =	vmul.f32 v44, v44  }
0xe2: {  	vm12 =	veq.s32 v1, s22;
	v37 =	vsel vm13, v20, v37;
	v20 =	vsel vm13, v31, v20  }
0xe3: {  	v31 =	vsel vm14, v31, v39;
	v46 =	vadd.f32 v47, v46;
	v32 =	vadd.f32 v44, v32  }
0xe4: {  	s23 =	sadd.s32 $0xFFFFFFF8, s15;
	vm13 =	veq.s32 v2, s22;
	v20 =	vsel vm14, v39, v20;
	v19 =	vsel vm11, v19, v31  }
0xe5: {  	v62 =	vmov s23;
	v31 =	vsel vm12, $0x7F800000, v46;
	v32 =	vsel vm13, $0x7F800000, v32  }
0xe6: {  	vm14 =	vle.f32 v40, v31;
	vm9 =	vle.f32 v35, v31;
	vm11 =	vle.f32 v33, v31  }
0xe7: {  	vm12 =	vle.f32 v38, v31;
	vm10 =	vle.f32 v41, v31;
	vm15 =	vle.f32 v26, v31  }
0xe8: {  	vm7 =	vle.f32 v34, v31;
	vm5 =	vle.f32 v42, v32;
	vm6 =	vle.f32 v36, v32  }
0xe9: {  	vm4 =	vle.f32 v30, v32;
	vm3 =	vle.f32 v28, v32;
	vm2 =	vle.f32 v29, v32  }
0xea: {  	vm13 =	vle.f32 v37, v32;
	v39 =	vsel vm14, v40, v31;
	v40 =	vsel vm14, v31, v40  }
0xeb: {  	v44 =	vnsel vm14, s22, v45;
	v45 =	vsel vm14, s22, v45;
	v63 =	vsel vm9, s22, v43  }
0xec: {  	v47 =	vsel vm11, s22, v25;
	v48 =	vsel vm12, s22, v24;
	v49 =	vsel vm10, s22, v23  }
0xed: {  	v50 =	vsel vm15, s22, v22;
	v52 =	vsel vm7, s22, v21;
	v53 =	vnsel vm5, s22, v51  }
0xee: {  	v51 =	vsel vm5, s22, v51;
	v54 =	vsel vm6, s22, v17;
	v60 =	vsel vm4, s22, v16  }
0xef: {  	v61 =	vsel vm3, s22, v15;
	vm14 =	vle.f32 v20, v32;
	v57 =	vsel vm2, s22, v14  }
0xf0: {  	v58 =	vsel vm13, s22, v13;
	v40 =	vsel vm9, v35, v40;
	v35 =	vsel vm9, v31, v35  }
0xf1: {  	v59 =	vsel vm14, s22, v12;
	v43 =	vsel vm9, v43, v45;
	v25 =	vsel vm11, v25, v63  }
0xf2: {  	v63 =	vsel vm12, v31, v38;
	v24 =	vsel vm12, v24, v47;
	v23 =	vsel vm10, v23, v48  }
0xf3: {  	v48 =	vsel vm15, v31, v26;
	v22 =	vsel vm15, v22, v49;
	v21 =	vsel vm7, v21, v50  }
0xf4: {  	v17 =	vsel vm6, v17, v51;
	v16 =	vsel vm4, v16, v54;
	v15 =	vsel vm3, v15, v60  }
0xf5: {  	v50 =	vld.idx.msk [tilespmem:v62+s1+$0x0], $0xffff;
	v14 =	vsel vm2, v14, v61;
	v13 =	vsel vm13, v13, v57;
	v12 =	vsel vm14, v12, v58  }
0xf6: {  	v45 =	vld.idx.msk [tilespmem:v62+s10+$0x0], $0xffff;
	v35 =	vsel vm11, v33, v35;
	v33 =	vsel vm11, v31, v33;
	vm11 =	vle.f32 v19, v32  }
0xf7: {  	v33 =	vsel vm12, v38, v33;
	v38 =	vsel vm10, v41, v63;
	v41 =	vsel vm10, v31, v41  }
0xf8: {  	v26 =	vsel vm15, v26, v41;
	vm15 =	vle.f32 v27, v31;
	v31 =	vsel vm7, v31, v34  }
0xf9: {  	vm12 =	veq.s32 v1, s23;
	v27 =	vsel vm15, v27, v31;
	v31 =	vsel vm5, v32, v42  }
0xfa: {  	v11 =	vsel vm11, v11, v59;
	v41 =	vsel vm7, v34, v48;
	v31 =	vsel vm6, v36, v31  }
0xfb: {  	v36 =	vsel vm6, v32, v36;
	v60 =	vsub.f32 v50, v7;
	v61 =	vsub.f32 v45, v8  }
0xfc: {  	v34 =	vsub.f32 v50, v3;
	v36 =	vsel vm4, v30, v36;
	v30 =	vsel vm4, v32, v30  }
0xfd: {  	v45 =	vsub.f32 v45, v4;
	v30 =	vsel vm3, v28, v30;
	v46 =	vmul.f32 v60, v60  }
0xfe: {  	v28 =	vsel vm3, v32, v28;
	v47 =	vmul.f32 v61, v61;
	v34 =	vmul.f32 v34, v34  }
0xff: {  	v45 =	vmul.f32 v45, v45;
	v28 =	vsel vm2, v29, v28;
	v29 =	vsel vm2, v32, v29  }
0x100: {  	v18 =	vsel vm15, v18, v52;
	v42 =	vsel vm5, v42, v32;
	v29 =	vsel vm13, v37, v29  }
0x101: {  	v37 =	vsel vm13, v32, v37;
	v46 =	vadd.f32 v47, v46;
	v62 =	vadd.f32 v45, v34  }
0x102: {  	vm13 =	veq.s32 v2, s23;
	v37 =	vsel vm14, v20, v37;
	v20 =	vsel vm14, v32, v20  }
0x103: {  	s24 =	sadd.s32 $0xFFFFFFF9, s15;
	v19 =	vsel vm11, v19, v20;
	v20 =	vsel vm12, $0x7F800000, v46;
	v32 =	vsel vm13, $0x7F800000, v62  }
0x104: {  	v62 =	vmov s24;
	vm14 =	vle.f32 v39, v20;
	vm11 =	vle.f32 v40, v20  }
0x105: {  	vm12 =	vle.f32 v35, v20;
	vm10 =	vle.f32 v33, v20;
	vm9 =	vle.f32 v38, v20  }
0x106: {  	vm15 =	vle.f32 v26, v20;
	vm7 =	vle.f32 v41, v20;
	vm5 =	vle.f32 v42, v32  }
0x107: {  	vm6 =	vle.f32 v31, v32;
	vm4 =	vle.f32 v36, v32;
	vm3 =	vle.f32 v30, v32  }
0x108: {  	vm13 =	vle.f32 v28, v32;
	vm0 =	vle.f32 v37, v32;
	v34 =	vsel vm14, v39, v20  }
0x109: {  	v45 =	vnsel vm14, s23, v44;
	v39 =	vsel vm14, v20, v39;
	v44 =	vsel vm14, s23, v44  }
0x10a: {  	v46 =	vsel vm11, s23, v43;
	v47 =	vsel vm12, s23, v25;
	v48 =	vsel vm10, s23, v24  }
0x10b: {  	v63 =	vsel vm9, s23, v23;
	v50 =	vsel vm15, s23, v22;
	v51 =	vsel vm7, s23, v21  }
0x10c: {  	v52 =	vnsel vm5, s23, v53;
	v53 =	vsel vm5, s23, v53;
	v54 =	vsel vm6, s23, v17  }
0x10d: {  	v55 =	vsel vm4, s23, v16;
	v56 =	vsel vm3, s23, v15;
	vm14 =	vle.f32 v29, v32  }
0x10e: {  	v57 =	vsel vm13, s23, v14;
	v61 =	vsel vm0, s23, v12;
	v39 =	vsel vm11, v40, v39  }
0x10f: {  	v60 =	vsel vm14, s23, v13;
	v43 =	vsel vm11, v43, v44;
	v40 =	vsel vm11, v20, v40  }
0x110: {  	v25 =	vsel vm12, v25, v46;
	v24 =	vsel vm10, v24, v47;
	v23 =	vsel vm9, v23, v48  }
0x111: {  	v22 =	vsel vm15, v22, v63;
	v21 =	vsel vm7, v21, v50;
	v17 =	vsel vm6, v17, v53  }
0x112: {  	v53 =	vsel vm4, v32, v36;
	v16 =	vsel vm4, v16, v54;
	v15 =	vsel vm3, v15, v55  }
0x113: {  	v14 =	vsel vm13, v14, v56;
	v56 =	vsel vm14, v32, v29;
	v13 =	vsel vm14, v13, v57  }
0x114: {  	vm11 =	vle.f32 v19, v32;
	v40 =	vsel vm12, v35, v40;
	v35 =	vsel vm12, v20, v35  }
0x115: {  	v12 =	vsel vm0, v12, v60;
	v35 =	vsel vm10, v33, v35;
	v33 =	vsel vm10, v20, v33;
	v63 =	vld.idx.msk [tilespmem:v62+s1+$0x0], $0xffff  }
0x116: {  	vm12 =	veq.s32 v1, s24;
	v44 =	vld.idx.msk [tilespmem:v62+s10+$0x0], $0xffff;
	v33 =	vsel vm9, v38, v33;
	v38 =	vsel vm9, v20, v38  }
0x117: {  	v11 =	vsel vm11, v11, v61;
	v38 =	vsel vm15, v26, v38;
	v26 =	vsel vm15, v20, v26  }
0x118: {  	vm15 =	vle.f32 v27, v20;
	v20 =	vsel vm7, v20, v41;
	v26 =	vsel vm7, v41, v26  }
0x119: {  	v20 =	vsel vm15, v27, v20;
	v27 =	vsel vm5, v32, v42;
	v18 =	vsel vm15, v18, v51  }
0x11a: {  	v42 =	vsel vm5, v42, v32;
	v27 =	vsel vm6, v31, v27;
	v31 =	vsel vm6, v32, v31  }
0x11b: {  	v31 =	vsel vm4, v36, v31;
	v54 =	vsub.f32 v63, v7;
	v55 =	vsub.f32 v44, v8  }
0x11c: {  	v36 =	vsel vm3, v30, v53;
	v41 =	vsub.f32 v63, v3;
	v44 =	vsub.f32 v44, v4  }
0x11d: {  	s25 =	sadd.s32 $0xFFFFFFFA, s15;
	v30 =	vsel vm3, v32, v30;
	v46 =	vmul.f32 v54, v54;
	v47 =	vmul.f32 v55, v55  }
0x11e: {  	v63 =	vmov s25;
	v41 =	vmul.f32 v41, v41;
	v44 =	vmul.f32 v44, v44  }
0x11f: {  	v30 =	vsel vm13, v28, v30;
	v28 =	vsel vm13, v32, v28;
	v46 =	vadd.f32 v47, v46  }
0x120: {  	v32 =	vsel vm0, v32, v37;
	vm13 =	veq.s32 v2, s24;
	v41 =	vadd.f32 v44, v41  }
0x121: {  	v28 =	vsel vm14, v29, v28;
	v29 =	vsel vm0, v37, v56;
	v37 =	vsel vm12, $0x7F800000, v46  }
0x122: {  	v19 =	vsel vm11, v19, v32;
	v32 =	vsel vm13, $0x7F800000, v41;
	vm2 =	vle.f32 v34, v37  }
0x123: {  	vm14 =	vle.f32 v39, v37;
	vm9 =	vle.f32 v40, v37;
	vm10 =	vle.f32 v35, v37  }
0x124: {  	vm11 =	vle.f32 v33, v37;
	vm15 =	vle.f32 v38, v37;
	vm7 =	vle.f32 v26, v37  }
0x125: {  	vm6 =	vle.f32 v42, v32;
	vm5 =	vle.f32 v27, v32;
	vm4 =	vle.f32 v31, v32  }
0x126: {  	vm3 =	vle.f32 v36, v32;
	vm12 =	vle.f32 v30, v32;
	vm13 =	vle.f32 v28, v32  }
0x127: {  	v41 =	vsel vm2, v34, v37;
	v34 =	vsel vm2, v37, v34;
	v59 =	vsel vm2, s24, v45  }
0x128: {  	v45 =	vnsel vm2, s24, v45;
	v60 =	vsel vm9, s24, v25;
	v61 =	vsel vm10, s24, v24  }
0x129: {  	v62 =	vsel vm11, s24, v23;
	v49 =	vsel vm15, s24, v22;
	v50 =	vsel vm7, s24, v21  }
0x12a: {  	v51 =	vnsel vm6, s24, v52;
	v52 =	vsel vm6, s24, v52;
	v53 =	vsel vm5, s24, v17  }
0x12b: {  	v54 =	vsel vm4, s24, v16;
	v55 =	vsel vm3, s24, v15;
	v56 =	vsel vm12, s24, v14  }
0x12c: {  	v57 =	vsel vm13, s24, v13;
	v34 =	vsel vm14, v39, v34;
	v44 =	vsel vm14, v43, v59  }
0x12d: {  	v39 =	vsel vm14, v37, v39;
	v43 =	vsel vm14, s24, v43;
	vm14 =	vle.f32 v29, v32  }
0x12e: {  	v24 =	vsel vm10, v24, v60;
	v23 =	vsel vm11, v23, v61;
	v22 =	vsel vm15, v22, v62  }
0x12f: {  	v21 =	vsel vm7, v21, v49;
	v17 =	vsel vm5, v17, v52;
	v16 =	vsel vm4, v16, v53  }
0x130: {  	v15 =	vsel vm3, v15, v54;
	v14 =	vsel vm12, v14, v55;
	v13 =	vsel vm13, v13, v56  }
0x131: {  	v49 =	vld.idx.msk [tilespmem:v63+s1+$0x0], $0xffff;
	v58 =	vsel vm14, s24, v12;
	v39 =	vsel vm9, v40, v39;
	v40 =	vsel vm9, v37, v40  }
0x132: {  	v59 =	vld.idx.msk [tilespmem:v63+s10+$0x0], $0xffff;
	v25 =	vsel vm9, v25, v43;
	v40 =	vsel vm10, v35, v40;
	v35 =	vsel vm10, v37, v35  }
0x133: {  	v12 =	vsel vm14, v12, v57;
	v35 =	vsel vm11, v33, v35;
	v33 =	vsel vm11, v37, v33  }
0x134: {  	vm11 =	vle.f32 v19, v32;
	v33 =	vsel vm15, v38, v33;
	v38 =	vsel vm15, v37, v38  }
0x135: {  	vm15 =	vle.f32 v20, v37;
	v37 =	vsel vm7, v37, v26;
	v11 =	vsel vm11, v11, v58  }
0x136: {  	v26 =	vsel vm7, v26, v38;
	v20 =	vsel vm15, v20, v37;
	v38 =	vsel vm6, v42, v32  }
0x137: {  	v42 =	vsel vm6, v32, v42;
	v60 =	vsub.f32 v49, v7;
	v61 =	vsub.f32 v59, v8  }
0x138: {  	v37 =	vsub.f32 v49, v3;
	v42 =	vsel vm5, v27, v42;
	v27 =	vsel vm5, v32, v27  }
0x139: {  	v43 =	vsub.f32 v59, v4;
	v27 =	vsel vm4, v31, v27;
	v46 =	vmul.f32 v60, v60  }
0x13a: {  	v31 =	vsel vm4, v32, v31;
	v47 =	vmul.f32 v61, v61;
	v37 =	vmul.f32 v37, v37  }
0x13b: {  	v43 =	vmul.f32 v43, v43;
	v31 =	vsel vm3, v36, v31;
	v36 =	vsel vm3, v32, v36  }
0x13c: {  	v18 =	vsel vm15, v18, v50;
	v36 =	vsel vm12, v30, v36;
	v30 =	vsel vm12, v32, v30  }
0x13d: {  	v46 =	vadd.f32 v47, v46;
	vm12 =	veq.s32 v1, s25;
	v62 =	vadd.f32 v43, v37  }
0x13e: {  	v30 =	vsel vm13, v28, v30;
	v28 =	vsel vm13, v32, v28;
	vm13 =	veq.s32 v2, s25  }
0x13f: {  	s26 =	sadd.s32 $0xFFFFFFFB, s15;
	v28 =	vsel vm14, v29, v28;
	v29 =	vsel vm14, v32, v29;
	v32 =	vsel vm13, $0x7F800000, v62  }
0x140: {  	v62 =	vmov s26;
	v19 =	vsel vm11, v19, v29;
	v29 =	vsel vm12, $0x7F800000, v46  }
0x141: {  	vm5 =	vle.f32 v38, v32;
	vm6 =	vle.f32 v42, v32;
	vm4 =	vle.f32 v27, v32  }
0x142: {  	vm3 =	vle.f32 v31, v32;
	vm2 =	vle.f32 v36, v32;
	vm13 =	vle.f32 v30, v32  }
0x143: {  	vm14 =	vle.f32 v41, v29;
	vm9 =	vle.f32 v34, v29;
	vm11 =	vle.f32 v39, v29  }
0x144: {  	vm12 =	vle.f32 v40, v29;
	vm10 =	vle.f32 v35, v29;
	vm15 =	vle.f32 v33, v29  }
0x145: {  	vm7 =	vle.f32 v26, v29;
	v53 =	vnsel vm5, s25, v51;
	v51 =	vsel vm5, s25, v51  }
0x146: {  	v54 =	vsel vm6, s25, v17;
	v61 =	vsel vm4, s25, v16;
	v56 =	vsel vm3, s25, v15  }
0x147: {  	v57 =	vsel vm2, s25, v14;
	v58 =	vsel vm13, s25, v13;
	v37 =	vsel vm14, v41, v29  }
0x148: {  	v41 =	vsel vm14, v29, v41;
	v43 =	vnsel vm14, s25, v45;
	v45 =	vsel vm14, s25, v45  }
0x149: {  	v63 =	vsel vm9, s25, v44;
	v47 =	vsel vm11, s25, v25;
	v60 =	vsel vm12, s25, v24  }
0x14a: {  	v49 =	vsel vm10, s25, v23;
	v50 =	vsel vm15, s25, v22;
	v52 =	vsel vm7, s25, v21  }
0x14b: {  	vm14 =	vle.f32 v28, v32;
	v17 =	vsel vm6, v17, v51;
	v16 =	vsel vm4, v16, v54  }
0x14c: {  	v15 =	vsel vm3, v15, v61;
	v14 =	vsel vm2, v14, v56;
	v13 =	vsel vm13, v13, v57  }
0x14d: {  	v41 =	vsel vm9, v34, v41;
	v34 =	vsel vm9, v29, v34;
	v59 =	vsel vm14, s25, v12  }
0x14e: {  	v44 =	vsel vm9, v44, v45;
	v25 =	vsel vm11, v25, v63;
	v63 =	vsel vm12, v29, v40  }
0x14f: {  	v24 =	vsel vm12, v24, v47;
	v23 =	vsel vm10, v23, v60;
	v60 =	vsel vm15, v29, v33  }
0x150: {  	v22 =	vsel vm15, v22, v49;
	v34 =	vsel vm11, v39, v34;
	v39 =	vsel vm11, v29, v39  }
0x151: {  	v39 =	vsel vm12, v40, v39;
	v40 =	vsel vm10, v35, v63;
	v35 =	vsel vm10, v29, v35  }
0x152: {  	v21 =	vsel vm7, v21, v50;
	v45 =	vld.idx.msk [tilespmem:v62+s10+$0x0], $0xffff;
	vm11 =	vle.f32 v19, v32;
	v33 =	vsel vm15, v33, v35  }
0x153: {  	v35 =	vsel vm7, v26, v60;
	vm15 =	vle.f32 v20, v29;
	v26 =	vsel vm7, v29, v26;
	v29 =	vld.idx.msk [tilespmem:v62+s1+$0x0], $0xffff  }
0x154: {  	v12 =	vsel vm14, v12, v58;
	vm12 =	veq.s32 v1, s26;
	v11 =	vsel vm11, v11, v59  }
0x155: {  	v20 =	vsel vm15, v20, v26;
	v18 =	vsel vm15, v18, v52;
	v26 =	vsel vm5, v32, v38  }
0x156: {  	v38 =	vsel vm5, v38, v32;
	v26 =	vsel vm6, v42, v26;
	v42 =	vsel vm6, v32, v42  }
0x157: {  	v42 =	vsel vm4, v27, v42;
	v27 =	vsel vm4, v32, v27;
	v62 =	vsub.f32 v45, v8  }
0x158: {  	v27 =	vsel vm3, v31, v27;
	v31 =	vsel vm3, v32, v31;
	v61 =	vsub.f32 v29, v7  }
0x159: {  	v45 =	vsub.f32 v45, v4;
	v31 =	vsel vm2, v36, v31;
	v29 =	vsub.f32 v29, v3  }
0x15a: {  	s28 =	sadd.s32 $0xFFFFFFFC, s15;
	v36 =	vsel vm2, v32, v36;
	v47 =	vmul.f32 v62, v62;
	v46 =	vmul.f32 v61, v61  }
0x15b: {  	v45 =	vmul.f32 v45, v45;
	v62 =	vmov s28;
	v29 =	vmul.f32 v29, v29  }
0x15c: {  	v36 =	vsel vm13, v30, v36;
	v30 =	vsel vm13, v32, v30;
	v46 =	vadd.f32 v47, v46  }
0x15d: {  	v30 =	vsel vm14, v28, v30;
	v28 =	vsel vm14, v32, v28;
	v29 =	vadd.f32 v45, v29  }
0x15e: {  	vm13 =	veq.s32 v2, s26;
	v19 =	vsel vm11, v19, v28;
	v28 =	vsel vm12, $0x7F800000, v46  }
0x15f: {  	v29 =	vsel vm13, $0x7F800000, v29;
	vm14 =	vle.f32 v37, v28;
	vm11 =	vle.f32 v41, v28  }
0x160: {  	vm12 =	vle.f32 v34, v28;
	vm10 =	vle.f32 v39, v28;
	vm9 =	vle.f32 v40, v28  }
0x161: {  	vm15 =	vle.f32 v33, v28;
	vm7 =	vle.f32 v35, v28;
	vm5 =	vle.f32 v38, v29  }
0x162: {  	vm6 =	vle.f32 v26, v29;
	vm4 =	vle.f32 v42, v29;
	vm3 =	vle.f32 v27, v29  }
0x163: {  	vm13 =	vle.f32 v31, v29;
	vm0 =	vle.f32 v30, v29;
	v32 =	vsel vm14, v37, v28  }
0x164: {  	v45 =	vnsel vm14, s26, v43;
	v37 =	vsel vm14, v28, v37;
	v43 =	vsel vm14, s26, v43  }
0x165: {  	v46 =	vsel vm11, s26, v44;
	v47 =	vsel vm12, s26, v25;
	v48 =	vsel vm10, s26, v24  }
0x166: {  	v63 =	vsel vm9, s26, v23;
	v50 =	vsel vm15, s26, v22;
	v51 =	vsel vm7, s26, v21  }
0x167: {  	v52 =	vnsel vm5, s26, v53;
	v53 =	vsel vm5, s26, v53;
	v54 =	vsel vm6, s26, v17  }
0x168: {  	v60 =	vsel vm4, s26, v16;
	v61 =	vsel vm3, s26, v15;
	vm14 =	vle.f32 v36, v29  }
0x169: {  	v57 =	vsel vm13, s26, v14;
	v59 =	vsel vm0, s26, v12;
	v37 =	vsel vm11, v41, v37  }
0x16a: {  	v58 =	vsel vm14, s26, v13;
	v43 =	vsel vm11, v44, v43;
	v41 =	vsel vm11, v28, v41  }
0x16b: {  	v25 =	vsel vm12, v25, v46;
	v24 =	vsel vm10, v24, v47;
	v23 =	vsel vm9, v23, v48  }
0x16c: {  	v22 =	vsel vm15, v22, v63;
	v21 =	vsel vm7, v21, v50;
	v17 =	vsel vm6, v17, v53  }
0x16d: {  	v53 =	vsel vm4, v29, v42;
	v16 =	vsel vm4, v16, v54;
	v15 =	vsel vm3, v15, v60  }
0x16e: {  	v63 =	vld.idx.msk [tilespmem:v62+s1+$0x0], $0xffff;
	v14 =	vsel vm13, v14, v61;
	v41 =	vsel vm12, v34, v41;
	v34 =	vsel vm12, v28, v34  }
0x16f: {  	v44 =	vld.idx.msk [tilespmem:v62+s10+$0x0], $0xffff;
	v62 =	vsel vm14, v29, v36;
	v34 =	vsel vm10, v39, v34;
	v39 =	vsel vm10, v28, v39  }
0x170: {  	vm12 =	vle.f32 v19, v29;
	v39 =	vsel vm9, v40, v39;
	v40 =	vsel vm9, v28, v40  }
0x171: {  	v48 =	vsel vm0, v30, v62;
	v11 =	vsel vm12, v11, v59;
	v40 =	vsel vm15, v33, v40  }
0x172: {  	v33 =	vsel vm15, v28, v33;
	vm15 =	vle.f32 v20, v28;
	v28 =	vsel vm7, v28, v35  }
0x173: {  	v33 =	vsel vm7, v35, v33;
	v20 =	vsel vm15, v20, v28;
	v28 =	vsel vm5, v29, v38  }
0x174: {  	v18 =	vsel vm15, v18, v51;
	v38 =	vsel vm5, v38, v29;
	v60 =	vsub.f32 v63, v7  }
0x175: {  	v61 =	vsub.f32 v44, v8;
	v28 =	vsel vm6, v26, v28;
	v26 =	vsel vm6, v29, v26  }
0x176: {  	v35 =	vsub.f32 v63, v3;
	v44 =	vsub.f32 v44, v4;
	v26 =	vsel vm4, v42, v26  }
0x177: {  	v42 =	vsel vm3, v27, v53;
	v46 =	vmul.f32 v60, v60;
	v47 =	vmul.f32 v61, v61  }
0x178: {  	v27 =	vsel vm3, v29, v27;
	v35 =	vmul.f32 v35, v35;
	v44 =	vmul.f32 v44, v44  }
0x179: {  	v27 =	vsel vm13, v31, v27;
	v31 =	vsel vm13, v29, v31;
	vm13 =	veq.s32 v1, s28  }
0x17a: {  	v31 =	vsel vm14, v36, v31;
	v36 =	vsel vm14, v13, v57;
	v13 =	vadd.f32 v47, v46  }
0x17b: {  	s29 =	sadd.s32 $0xFFFFFFFD, s15;
	v46 =	vsel vm0, v12, v58;
	v12 =	vsel vm0, v29, v30;
	v29 =	vadd.f32 v44, v35  }
0x17c: {  	v63 =	vmov s29;
	vm14 =	veq.s32 v2, s28;
	v13 =	vsel vm13, $0x7F800000, v13  }
0x17d: {  	v19 =	vsel vm12, v19, v12;
	v29 =	vsel vm14, $0x7F800000, v29;
	vm2 =	vle.f32 v32, v13  }
0x17e: {  	vm11 =	vle.f32 v37, v13;
	vm12 =	vle.f32 v41, v13;
	vm10 =	vle.f32 v34, v13  }
0x17f: {  	vm9 =	vle.f32 v39, v13;
	vm15 =	vle.f32 v40, v13;
	vm7 =	vle.f32 v33, v13  }
0x180: {  	vm5 =	vle.f32 v38, v29;
	vm6 =	vle.f32 v28, v29;
	vm4 =	vle.f32 v26, v29  }
0x181: {  	vm3 =	vle.f32 v42, v29;
	vm13 =	vle.f32 v27, v29;
	vm14 =	vle.f32 v31, v29  }
0x182: {  	vm0 =	vle.f32 v48, v29;
	v30 =	vsel vm2, v32, v13;
	v35 =	vnsel vm2, s28, v45  }
0x183: {  	v12 =	vsel vm2, v13, v32;
	v32 =	vsel vm2, s28, v45;
	v44 =	vsel vm11, s28, v43  }
0x184: {  	v45 =	vsel vm12, s28, v25;
	v47 =	vsel vm10, s28, v24;
	v49 =	vsel vm9, s28, v23  }
0x185: {  	v50 =	vsel vm15, s28, v22;
	v51 =	vsel vm7, s28, v21;
	v53 =	vnsel vm5, s28, v52  }
0x186: {  	v52 =	vsel vm5, s28, v52;
	v54 =	vsel vm6, s28, v17;
	v55 =	vsel vm4, s28, v16  }
0x187: {  	v56 =	vsel vm3, s28, v15;
	v57 =	vsel vm13, s28, v14;
	v58 =	vsel vm14, s28, v36  }
0x188: {  	v59 =	vsel vm0, s28, v46;
	v60 =	vsel vm11, v37, v12;
	v12 =	vsel vm11, v13, v37  }
0x189: {  	v32 =	vsel vm11, v43, v32;
	v25 =	vsel vm12, v25, v44;
	v24 =	vsel vm10, v24, v45  }
0x18a: {  	v23 =	vsel vm9, v23, v47;
	v22 =	vsel vm15, v22, v49;
	v21 =	vsel vm7, v21, v50  }
0x18b: {  	v17 =	vsel vm6, v17, v52;
	v43 =	vsel vm12, v41, v12;
	v12 =	vsel vm12, v13, v41  }
0x18c: {  	v16 =	vsel vm4, v16, v54;
	v41 =	vsel vm10, v34, v12;
	v12 =	vsel vm10, v13, v34  }
0x18d: {  	v52 =	vsel vm3, v29, v42;
	v34 =	vsel vm9, v39, v12;
	v12 =	vsel vm9, v13, v39  }
0x18e: {  	v15 =	vsel vm3, v15, v55;
	v45 =	vsel vm13, v14, v56;
	v39 =	vsel vm15, v40, v12  }
0x18f: {  	v49 =	vld.idx.msk [tilespmem:v63+s1+$0x0], $0xffff;
	v12 =	vsel vm15, v13, v40;
	vm15 =	vle.f32 v20, v13;
	v13 =	vsel vm7, v13, v33  }
0x190: {  	v14 =	vsel vm13, v29, v27;
	v33 =	vsel vm7, v33, v12;
	v12 =	vsel vm15, v20, v13;
	v20 =	vld.idx.msk [tilespmem:v63+s10+$0x0], $0xffff  }
0x191: {  	v36 =	vsel vm14, v36, v57;
	v44 =	vsel vm14, v31, v14;
	v14 =	vsel vm14, v29, v31  }
0x192: {  	vm11 =	veq.s32 v2, s29;
	v14 =	vsel vm0, v48, v14;
	vm10 =	vle.f32 v19, v29  }
0x193: {  	v13 =	vsel vm15, v18, v51;
	v18 =	vsel vm5, v38, v29;
	v51 =	vsel vm5, v29, v38  }
0x194: {  	v54 =	vsub.f32 v49, v7;
	v38 =	vsel vm13, v27, v52;
	v40 =	vsub.f32 v49, v3  }
0x195: {  	v37 =	vsel vm6, v28, v51;
	v28 =	vsel vm6, v29, v28;
	v55 =	vsub.f32 v20, v8  }
0x196: {  	vm7 =	veq.s32 v1, s29;
	v28 =	vsel vm4, v26, v28;
	v20 =	vsub.f32 v20, v4  }
0x197: {  	v26 =	vsel vm4, v29, v26;
	v27 =	vmul.f32 v54, v54;
	v56 =	vmul.f32 v55, v55  }
0x198: {  	v31 =	vmul.f32 v40, v40;
	v40 =	vsel vm0, v46, v58;
	v20 =	vmul.f32 v20, v20  }
0x199: {  	v29 =	vsel vm0, v29, v48;
	v26 =	vsel vm3, v42, v26;
	v27 =	vadd.f32 v56, v27  }
0x19a: {  	s30 =	sadd.s32 $0xFFFFFFFE, s15;
	v19 =	vsel vm10, v19, v29;
	v29 =	vsel vm10, v11, v59;
	v20 =	vadd.f32 v20, v31  }
0x19b: {  	v11 =	vmov s30;
	vm10 =	veq.s32 v1, s30;
	v27 =	vsel vm7, $0x7F800000, v27  }
0x19c: {  	v20 =	vsel vm11, $0x7F800000, v20;
	vm13 =	vle.f32 v30, v27;
	vm14 =	vle.f32 v60, v27  }
0x19d: {  	vm12 =	vle.f32 v43, v27;
	vm11 =	vle.f32 v41, v27;
	vm9 =	vle.f32 v34, v27  }
0x19e: {  	vm1 =	vle.f32 v39, v27;
	vm6 =	vle.f32 v33, v27;
	vm7 =	vle.f32 v18, v20  }
0x19f: {  	vm8 =	vle.f32 v37, v20;
	vm5 =	vle.f32 v28, v20;
	vm4 =	vle.f32 v26, v20  }
0x1a0: {  	vm3 =	vle.f32 v38, v20;
	vm15 =	vle.f32 v44, v20;
	vm0 =	vle.f32 v14, v20  }
0x1a1: {  	v31 =	vnsel vm13, s29, v35;
	v35 =	vsel vm13, s29, v35;
	v42 =	vsel vm14, s29, v32  }
0x1a2: {  	v46 =	vsel vm12, s29, v25;
	v47 =	vsel vm11, s29, v24;
	v48 =	vsel vm9, s29, v23  }
0x1a3: {  	v49 =	vsel vm1, s29, v22;
	v50 =	vsel vm6, s29, v21;
	v51 =	vnsel vm7, s29, v53  }
0x1a4: {  	v52 =	vsel vm7, s29, v53;
	v53 =	vsel vm8, s29, v17;
	v54 =	vsel vm5, s29, v16  }
0x1a5: {  	v55 =	vsel vm4, s29, v15;
	v56 =	vsel vm3, s29, v45;
	v57 =	vsel vm15, s29, v36  }
0x1a6: {  	v58 =	vsel vm0, s29, v40;
	v59 =	vsel vm13, v30, v27;
	v30 =	vsel vm13, v27, v30  }
0x1a7: {  	v61 =	vsel vm14, v27, v60;
	v62 =	vsel vm11, v27, v41;
	v63 =	vsel vm1, v27, v39  }
0x1a8: {  	v30 =	vsel vm14, v60, v30;
	v32 =	vsel vm14, v32, v35;
	v35 =	vsel vm12, v43, v61  }
0x1a9: {  	v25 =	vsel vm12, v25, v42;
	v61 =	vsel vm12, v27, v43;
	v24 =	vsel vm11, v24, v46  }
0x1aa: {  	v42 =	vsel vm9, v34, v62;
	v23 =	vsel vm9, v23, v47;
	v34 =	vsel vm9, v27, v34  }
0x1ab: {  	v22 =	vsel vm1, v22, v48;
	v21 =	vsel vm6, v21, v49;
	v60 =	vsel vm8, v20, v37  }
0x1ac: {  	v17 =	vsel vm8, v17, v52;
	v16 =	vsel vm5, v16, v53;
	v15 =	vsel vm4, v15, v54  }
0x1ad: {  	v46 =	vld.idx.msk [tilespmem:v11+s1+$0x0], $0xffff;
	v36 =	vsel vm15, v36, v56;
	v40 =	vsel vm0, v40, v57;
	v41 =	vsel vm11, v41, v61  }
0x1ae: {  	v11 =	vld.idx.msk [tilespmem:v11+s10+$0x0], $0xffff;
	v34 =	vsel vm1, v39, v34;
	v39 =	vsel vm6, v33, v63;
	vm1 =	vle.f32 v12, v27  }
0x1af: {  	v27 =	vsel vm6, v27, v33;
	v33 =	vsel vm7, v18, v20;
	v18 =	vsel vm7, v20, v18  }
0x1b0: {  	v63 =	vsel vm3, v20, v38;
	vm11 =	veq.s32 v2, s30;
	v18 =	vsel vm8, v37, v18  }
0x1b1: {  	v37 =	vsel vm5, v28, v60;
	v28 =	vsel vm5, v20, v28;
	v12 =	vsel vm1, v12, v27  }
0x1b2: {  	v13 =	vsel vm1, v13, v50;
	v28 =	vsel vm4, v26, v28;
	v26 =	vsel vm4, v20, v26  }
0x1b3: {  	v26 =	vsel vm3, v38, v26;
	v61 =	vsub.f32 v46, v7;
	v62 =	vsub.f32 v11, v8  }
0x1b4: {  	v38 =	vsel vm3, v45, v55;
	v46 =	vsub.f32 v46, v3;
	v11 =	vsub.f32 v11, v4  }
0x1b5: {  	v45 =	vsel vm15, v44, v63;
	v43 =	vmul.f32 v61, v61;
	v47 =	vmul.f32 v62, v62  }
0x1b6: {  	v44 =	vsel vm15, v20, v44;
	v46 =	vmul.f32 v46, v46;
	v11 =	vmul.f32 v11, v11  }
0x1b7: {  	s31 =	sadd.s32 $0xFFFFFFFF, s15;
	v44 =	vsel vm0, v14, v44;
	v14 =	vsel vm0, v20, v14;
	v43 =	vadd.f32 v47, v43  }
0x1b8: {  	vm0 =	vle.f32 v19, v20;
	v20 =	vmov s31;
	v11 =	vadd.f32 v11, v46  }
0x1b9: {  	v14 =	vsel vm0, v19, v14;
	v19 =	vsel vm0, v29, v58;
	v43 =	vsel vm10, $0x7F800000, v43  }
0x1ba: {  	v46 =	vsel vm11, $0x7F800000, v11;
	vm14 =	vle.f32 v59, v43;
	vm15 =	vle.f32 v30, v43  }
0x1bb: {  	vm13 =	vle.f32 v35, v43;
	vm12 =	vle.f32 v41, v43;
	vm11 =	vle.f32 v42, v43  }
0x1bc: {  	vm10 =	vle.f32 v34, v43;
	vm9 =	vle.f32 v39, v43;
	vm2 =	vle.f32 v33, v46  }
0x1bd: {  	vm8 =	vle.f32 v18, v46;
	vm7 =	vle.f32 v37, v46;
	vm6 =	vle.f32 v28, v46  }
0x1be: {  	vm5 =	vle.f32 v26, v46;
	vm4 =	vle.f32 v45, v46;
	vm3 =	vle.f32 v44, v46  }
0x1bf: {  	v47 =	vnsel vm14, s30, v31;
	v31 =	vsel vm14, s30, v31;
	v48 =	vsel vm15, s30, v32  }
0x1c0: {  	v49 =	vsel vm13, s30, v25;
	v52 =	vsel vm12, s30, v24;
	v53 =	vsel vm11, s30, v23  }
0x1c1: {  	v54 =	vsel vm10, s30, v22;
	v55 =	vsel vm9, s30, v21;
	v11 =	vnsel vm2, s30, v51  }
0x1c2: {  	v51 =	vsel vm2, s30, v51;
	v56 =	vsel vm8, s30, v17;
	v57 =	vsel vm7, s30, v16  }
0x1c3: {  	v60 =	vsel vm6, s30, v15;
	v61 =	vsel vm5, s30, v38;
	v62 =	vsel vm4, s30, v36  }
0x1c4: {  	v63 =	vsel vm3, s30, v40;
	v27 =	vsel vm14, v59, v43;
	v29 =	vsel vm14, v43, v59  }
0x1c5: {  	v50 =	vsel vm12, v43, v41;
	vm14 =	vle.f32 v12, v43;
	v31 =	vsel vm15, v32, v31  }
0x1c6: {  	v29 =	vsel vm15, v30, v29;
	v30 =	vsel vm15, v43, v30;
	v25 =	vsel vm13, v25, v48  }
0x1c7: {  	v48 =	vsel vm13, v43, v35;
	v24 =	vsel vm12, v24, v49;
	v23 =	vsel vm11, v23, v52  }
0x1c8: {  	v22 =	vsel vm10, v22, v53;
	v21 =	vsel vm9, v21, v54;
	v54 =	vsel vm2, v46, v33  }
0x1c9: {  	v13 =	vsel vm14, v13, v55;
	v17 =	vsel vm8, v17, v51;
	v16 =	vsel vm7, v16, v56  }
0x1ca: {  	v15 =	vsel vm6, v15, v57;
	v38 =	vsel vm5, v38, v60;
	v36 =	vsel vm4, v36, v61  }
0x1cb: {  	v33 =	vsel vm2, v33, v46;
	v40 =	vsel vm3, v40, v62;
	v32 =	vsel vm12, v41, v48;
	v41 =	vld.idx.msk [tilespmem:v20+s1+$0x0], $0xffff  }
0x1cc: {  	v30 =	vsel vm13, v35, v30;
	v35 =	vsel vm11, v42, v50;
	v42 =	vsel vm11, v43, v42;
	v20 =	vld.idx.msk [tilespmem:v20+s10+$0x0], $0xffff  }
0x1cd: {  	vm15 =	vle.f32 v14, v46;
	v42 =	vsel vm10, v34, v42;
	v34 =	vsel vm10, v43, v34  }
0x1ce: {  	v19 =	vsel vm15, v19, v63;
	v34 =	vsel vm9, v39, v34;
	v39 =	vsel vm9, v43, v39  }
0x1cf: {  	v12 =	vsel vm14, v12, v39;
	v39 =	vsel vm8, v18, v54;
	v18 =	vsel vm8, v46, v18  }
0x1d0: {  	v18 =	vsel vm7, v37, v18;
	v37 =	vsel vm7, v46, v37;
	v58 =	vsub.f32 v41, v7  }
0x1d1: {  	v59 =	vsub.f32 v20, v8;
	v37 =	vsel vm6, v28, v37;
	v28 =	vsel vm6, v46, v28  }
0x1d2: {  	v41 =	vsub.f32 v41, v3;
	v20 =	vsub.f32 v20, v4;
	v28 =	vsel vm5, v26, v28  }
0x1d3: {  	v26 =	vsel vm5, v46, v26;
	v43 =	vmul.f32 v58, v58;
	v48 =	vmul.f32 v59, v59  }
0x1d4: {  	v26 =	vsel vm4, v45, v26;
	v41 =	vmul.f32 v41, v41;
	v20 =	vmul.f32 v20, v20  }
0x1d5: {  	v45 =	vsel vm4, v46, v45;
	vm4 =	veq.s32 v1, s31;
	v43 =	vadd.f32 v48, v43  }
0x1d6: {  	v45 =	vsel vm3, v44, v45;
	v44 =	vsel vm3, v46, v44;
	v20 =	vadd.f32 v20, v41  }
0x1d7: {  	vm5 =	veq.s32 v2, s31;
	v14 =	vsel vm15, v14, v44;
	v43 =	vsel vm4, $0x7F800000, v43  }
0x1d8: {  	v20 =	vsel vm5, $0x7F800000, v20;
	vm6 =	vle.f32 v27, v43;
	vm7 =	vle.f32 v29, v43  }
0x1d9: {  	vm8 =	vle.f32 v30, v43;
	vm9 =	vle.f32 v32, v43;
	vm10 =	vle.f32 v35, v43  }
0x1da: {  	vm11 =	vle.f32 v42, v43;
	vm12 =	vle.f32 v34, v43;
	vm13 =	vle.f32 v12, v43  }
0x1db: {  	vm14 =	vle.f32 v33, v20;
	vm15 =	vle.f32 v39, v20;
	vm4 =	vle.f32 v18, v20  }
0x1dc: {  	vm5 =	vle.f32 v37, v20;
	v41 =	vsel vm6, v27, v43;
	v27 =	vsel vm6, v43, v27  }
0x1dd: {  	v60 =	vsel vm6, s31, v47;
	v46 =	vnsel vm6, s31, v47;
	v61 =	vsel vm9, s31, v24  }
0x1de: {  	vm6 =	vle.f32 v28, v20;
	v27 =	vsel vm7, v29, v27;
	v44 =	vsel vm7, v31, v60  }
0x1df: {  	v29 =	vsel vm7, v43, v29;
	v31 =	vsel vm7, s31, v31;
	v47 =	vsel vm10, v23, v61  }
0x1e0: {  	v23 =	vsel vm10, s31, v23;
	vm7 =	vle.f32 v26, v20;
	v29 =	vsel vm8, v30, v29  }
0x1e1: {  	v30 =	vsel vm8, v43, v30;
	v31 =	vsel vm8, v25, v31;
	v25 =	vsel vm8, s31, v25  }
0x1e2: {  	v50 =	vsel vm11, v22, v23;
	v22 =	vsel vm11, s31, v22;
	v23 =	vmov s15  }
0x1e3: {  	vm8 =	vle.f32 v45, v20;
	v30 =	vsel vm9, v32, v30;
	v32 =	vsel vm9, v43, v32  }
0x1e4: {  	v48 =	vsel vm9, v24, v25;
	v24 =	vsel vm10, v43, v35;
	v52 =	vsel vm12, v21, v22  }
0x1e5: {  	v22 =	vsel vm12, v43, v34;
	v21 =	vsel vm12, s31, v21;
	vm9 =	vle.f32 v14, v20  }
0x1e6: {  	v32 =	vsel vm10, v35, v32;
	v49 =	vsel vm11, v42, v24;
	v24 =	vsel vm11, v43, v42  }
0x1e7: {  	v12 =	vsel vm13, v12, v22;
	v13 =	vsel vm13, v13, v21;
	v21 =	vsel vm14, v20, v33  }
0x1e8: {  	v43 =	vsel vm14, v33, v20;
	v22 =	vsel vm14, s31, v11;
	v33 =	vsel vm15, v39, v21  }
0x1e9: {  	v21 =	vsel vm15, v20, v39;
	v53 =	vsel vm15, v17, v22;
	v17 =	vsel vm15, s31, v17;
	v22 =	vld.idx.msk [tilespmem:v23+s1+$0x0], $0xffff  }
0x1ea: {  	v54 =	vsel vm4, v18, v21;
	v21 =	vsel vm4, s31, v16;
	v55 =	vsel vm4, v16, v17;
	v16 =	vld.idx.msk [tilespmem:v23+s10+$0x0], $0xffff  }
0x1eb: {  	v11 =	vnsel vm14, s31, v11;
	vm10 =	veq.s32 v1, s15;
	vm11 =	veq.s32 v2, s15  }
0x1ec: {  	v51 =	vsel vm12, v34, v24;
	v57 =	vsel vm5, v15, v21;
	v15 =	vsel vm5, s31, v15  }
0x1ed: {  	v18 =	vsel vm4, v20, v18;
	v59 =	vsel vm6, v38, v15;
	v15 =	vsel vm6, s31, v38  }
0x1ee: {  	v17 =	vsel vm5, v20, v37;
	v56 =	vsel vm5, v37, v18;
	v61 =	vsel vm7, v36, v15  }
0x1ef: {  	v15 =	vsel vm7, v20, v26;
	v18 =	vsub.f32 v22, v7;
	v21 =	vsub.f32 v16, v8  }
0x1f0: {  	v62 =	vsel vm8, v45, v15;
	v15 =	vsub.f32 v22, v3;
	v16 =	vsub.f32 v16, v4  }
0x1f1: {  	v58 =	vsel vm6, v28, v17;
	v18 =	vmul.f32 v18, v18;
	v21 =	vmul.f32 v21, v21  }
0x1f2: {  	v17 =	vsel vm6, v20, v28;
	v15 =	vmul.f32 v15, v15;
	v16 =	vmul.f32 v16, v16  }
0x1f3: {  	v60 =	vsel vm7, v26, v17;
	v17 =	vsel vm7, s31, v36;
	v18 =	vadd.f32 v21, v18  }
0x1f4: {  	v20 =	vsel vm8, v20, v45;
	v45 =	vsel vm8, v40, v17;
	v15 =	vadd.f32 v16, v15  }
0x1f5: {  	v17 =	vsel vm8, s31, v40;
	v63 =	vsel vm9, v14, v20;
	v14 =	vsel vm10, $0x7F800000, v18  }
0x1f6: {  	v0 =	vsel vm9, v19, v17;
	v19 =	vsel vm11, $0x7F800000, v15;
	vm12 =	vle.f32 v41, v14  }
0x1f7: {  	vm13 =	vle.f32 v27, v14;
	vm14 =	vle.f32 v29, v14;
	vm15 =	vle.f32 v30, v14  }
0x1f8: {  	vm4 =	vle.f32 v32, v14;
	vm5 =	vle.f32 v49, v14;
	vm6 =	vle.f32 v51, v14  }
0x1f9: {  	vm7 =	vle.f32 v12, v14;
	vm8 =	vle.f32 v43, v19;
	vm9 =	vle.f32 v33, v19  }
0x1fa: {  	vm10 =	vle.f32 v54, v19;
	vm11 =	vle.f32 v56, v19;
	v15 =	vsel vm12, v14, v41  }
0x1fb: {  	v16 =	vsel vm12, s15, v46;
	v17 =	vsel vm14, s15, v31;
	v42 =	vsel vm12, v41, v14  }
0x1fc: {  	v41 =	vnsel vm12, s15, v46;
	v28 =	vsel vm8, v43, v19;
	v20 =	vnsel vm8, s15, v11  }
0x1fd: {  	vm12 =	vle.f32 v58, v19;
	v40 =	vsel vm13, v27, v15;
	v15 =	vsel vm13, v14, v27  }
0x1fe: {  	v26 =	vsel vm13, v44, v16;
	v16 =	vsel vm13, s15, v44;
	v24 =	vsel vm15, v48, v17  }
0x1ff: {  	vm13 =	vle.f32 v60, v19;
	v35 =	vsel vm14, v29, v15;
	v15 =	vsel vm14, v14, v29  }
0x200: {  	v25 =	vsel vm14, v31, v16;
	v16 =	vsel vm15, s15, v48;
	vm14 =	vle.f32 v62, v19  }
0x201: {  	v34 =	vsel vm15, v30, v15;
	v15 =	vsel vm15, v14, v30;
	v23 =	vsel vm4, v47, v16  }
0x202: {  	v16 =	vsel vm4, s15, v47;
	vm15 =	vle.f32 v63, v19;
	v36 =	vsel vm4, v32, v15  }
0x203: {  	v15 =	vsel vm4, v14, v32;
	v22 =	vsel vm5, v50, v16;
	v16 =	vsel vm5, s15, v50  }
0x204: {  	v38 =	vsel vm5, v49, v15;
	v15 =	vsel vm5, v14, v49;
	v21 =	vsel vm6, v52, v16  }
0x205: {  	v14 =	vsel vm6, v14, v51;
	v37 =	vsel vm6, v51, v15;
	v15 =	vsel vm6, s15, v52  }
0x206: {  	v39 =	vsel vm7, v12, v14;
	v12 =	vsel vm8, v19, v43;
	v18 =	vsel vm7, v13, v15  }
0x207: {  	v13 =	vsel vm8, s15, v11;
	v32 =	vsel vm9, v33, v12;
	v11 =	vsel vm9, v19, v33  }
0x208: {  	v12 =	vsel vm9, s15, v53;
	v17 =	vsel vm9, v53, v13;
	v31 =	vsel vm10, v54, v11  }
0x209: {  	v11 =	vsel vm10, v19, v54;
	v16 =	vsel vm10, v55, v12;
	v12 =	vsel vm10, s15, v55  }
0x20a: {  	p0 =	sne.s32 s15, $0x7FF;
	v13 =	vsel vm11, s15, v57;
	v33 =	vsel vm11, v56, v11;
	v11 =	vsel vm11, v19, v56  }
.Ltmp0:
0x20b: {  	v15 =	vsel vm11, v57, v12;
	v14 =	vsel vm12, v59, v13;
	v12 =	vsel vm12, s15, v59;
	(pc) =	sbr.rel @p0 .LBB2_2-.Ltmp0, $4  }
0x20c: {  	v30 =	vsel vm12, v58, v11;
	v11 =	vsel vm12, v19, v58;
	v13 =	vsel vm13, v61, v12  }
0x20d: {  	v12 =	vsel vm13, s15, v61;
	v29 =	vsel vm13, v60, v11;
	v11 =	vsel vm13, v19, v60  }
0x20e: {  	v27 =	vsel vm14, v62, v11;
	v11 =	vsel vm14, v19, v62;
	v62 =	vsel vm14, s15, v45  }
0x20f: {  	v12 =	vsel vm14, v45, v12;
	s15 =	sadd.s32 $0x10, s15;
	v19 =	vsel vm15, v63, v11;
	v11 =	vsel vm15, v0, v62  }
0x210: {  	_ =	sdelay $0x3  }
0x211: {  	v0 =	vld.idx.msk [tilespmem:v41+s1+$0x0], $0xffff;
	v19 =	vlaneseq.u32  }
0x212: {  	v27 =	vld.idx.msk [tilespmem:v41+s10+$0x0], $0xffff;
	v19 =	vmul.u32 $0x80, v19  }
0x213: {  	v28 =	vld.idx.msk [tilespmem:v41+s11+$0x0], $0xffff  }
0x214: {  	v29 =	vld.idx.msk [tilespmem:v41+s12+$0x0], $0xffff;
	v30 =	vor.u32 $0x1, v19  }
0x215: {  	v31 =	vor.u32 $0x2, v19  }
0x216: {  	v32 =	vor.u32 $0x3, v19;
	v0 =	vsub.f32 v0, v7  }
0x217: {  	v27 =	vsub.f32 v27, v8  }
0x218: {  	v28 =	vsub.f32 v28, v9;
	[tilespmem:v19+s13+$0x0] =	vst.idx.msk $0xffff, v0  }
0x219: {  	v0 =	vsub.f32 v29, v10;
	[tilespmem:v30+s13+$0x0] =	vst.idx.msk $0xffff, v27  }
0x21a: {  	[tilespmem:v31+s13+$0x0] =	vst.idx.msk $0xffff, v28  }
0x21b: {  	[tilespmem:v32+s13+$0x0] =	vst.idx.msk $0xffff, v0  }
0x21c: {  	v0 =	vld.idx.msk [tilespmem:v26+s1+$0x0], $0xffff  }
0x21d: {  	v27 =	vld.idx.msk [tilespmem:v26+s10+$0x0], $0xffff  }
0x21e: {  	v54 =	vor.u32 $0x4, v19;
	v28 =	vld.idx.msk [tilespmem:v26+s11+$0x0], $0xffff  }
0x21f: {  	v56 =	vor.u32 $0x5, v19;
	v55 =	vld.idx.msk [tilespmem:v26+s12+$0x0], $0xffff  }
0x220: {  	v57 =	vor.u32 $0x6, v19  }
0x221: {  	v58 =	vor.u32 $0x7, v19;
	v0 =	vsub.f32 v0, v7  }
0x222: {  	v27 =	vsub.f32 v27, v8  }
0x223: {  	[tilespmem:v54+s13+$0x0] =	vst.idx.msk $0xffff, v0;
	v0 =	vsub.f32 v28, v9  }
0x224: {  	v26 =	vsub.f32 v55, v10;
	[tilespmem:v56+s13+$0x0] =	vst.idx.msk $0xffff, v27  }
0x225: {  	[tilespmem:v57+s13+$0x0] =	vst.idx.msk $0xffff, v0  }
0x226: {  	[tilespmem:v58+s13+$0x0] =	vst.idx.msk $0xffff, v26  }
0x227: {  	v0 =	vld.idx.msk [tilespmem:v25+s1+$0x0], $0xffff  }
0x228: {  	v26 =	vld.idx.msk [tilespmem:v25+s10+$0x0], $0xffff  }
0x229: {  	v59 =	vor.u32 $0x8, v19;
	v27 =	vld.idx.msk [tilespmem:v25+s11+$0x0], $0xffff  }
0x22a: {  	v61 =	vor.u32 $0x9, v19;
	v60 =	vld.idx.msk [tilespmem:v25+s12+$0x0], $0xffff  }
0x22b: {  	v62 =	vor.u32 $0xA, v19  }
0x22c: {  	v63 =	vor.u32 $0xB, v19;
	v0 =	vsub.f32 v0, v7  }
0x22d: {  	v26 =	vsub.f32 v26, v8  }
0x22e: {  	[tilespmem:v59+s13+$0x0] =	vst.idx.msk $0xffff, v0;
	v0 =	vsub.f32 v27, v9  }
0x22f: {  	v25 =	vsub.f32 v60, v10;
	[tilespmem:v61+s13+$0x0] =	vst.idx.msk $0xffff, v26  }
0x230: {  	[tilespmem:v62+s13+$0x0] =	vst.idx.msk $0xffff, v0  }
0x231: {  	[tilespmem:v63+s13+$0x0] =	vst.idx.msk $0xffff, v25  }
0x232: {  	v0 =	vld.idx.msk [tilespmem:v24+s1+$0x0], $0xffff  }
0x233: {  	v25 =	vld.idx.msk [tilespmem:v24+s10+$0x0], $0xffff  }
0x234: {  	v33 =	vor.u32 $0xC, v19;
	v26 =	vld.idx.msk [tilespmem:v24+s11+$0x0], $0xffff  }
0x235: {  	v35 =	vor.u32 $0xD, v19;
	v34 =	vld.idx.msk [tilespmem:v24+s12+$0x0], $0xffff  }
0x236: {  	v36 =	vor.u32 $0xE, v19  }
0x237: {  	v37 =	vor.u32 $0xF, v19;
	v0 =	vsub.f32 v0, v7  }
0x238: {  	v25 =	vsub.f32 v25, v8  }
0x239: {  	[tilespmem:v33+s13+$0x0] =	vst.idx.msk $0xffff, v0;
	v0 =	vsub.f32 v26, v9  }
0x23a: {  	v24 =	vsub.f32 v34, v10;
	[tilespmem:v35+s13+$0x0] =	vst.idx.msk $0xffff, v25  }
0x23b: {  	[tilespmem:v36+s13+$0x0] =	vst.idx.msk $0xffff, v0  }
0x23c: {  	[tilespmem:v37+s13+$0x0] =	vst.idx.msk $0xffff, v24  }
0x23d: {  	v0 =	vld.idx.msk [tilespmem:v23+s1+$0x0], $0xffff  }
0x23e: {  	v24 =	vld.idx.msk [tilespmem:v23+s10+$0x0], $0xffff  }
0x23f: {  	v38 =	vor.u32 $0x10, v19;
	v25 =	vld.idx.msk [tilespmem:v23+s11+$0x0], $0xffff  }
0x240: {  	v40 =	vor.u32 $0x11, v19;
	v39 =	vld.idx.msk [tilespmem:v23+s12+$0x0], $0xffff  }
0x241: {  	v41 =	vor.u32 $0x12, v19  }
0x242: {  	v42 =	vor.u32 $0x13, v19;
	v0 =	vsub.f32 v0, v7  }
0x243: {  	v24 =	vsub.f32 v24, v8  }
0x244: {  	v25 =	vsub.f32 v25, v9;
	[tilespmem:v38+s13+$0x0] =	vst.idx.msk $0xffff, v0  }
0x245: {  	v0 =	vsub.f32 v39, v10;
	[tilespmem:v40+s13+$0x0] =	vst.idx.msk $0xffff, v24  }
0x246: {  	[tilespmem:v41+s13+$0x0] =	vst.idx.msk $0xffff, v25  }
0x247: {  	[tilespmem:v42+s13+$0x0] =	vst.idx.msk $0xffff, v0  }
0x248: {  	v0 =	vld.idx.msk [tilespmem:v22+s1+$0x0], $0xffff  }
0x249: {  	v43 =	vld.idx.msk [tilespmem:v22+s10+$0x0], $0xffff  }
0x24a: {  	v44 =	vor.u32 $0x14, v19;
	v24 =	vld.idx.msk [tilespmem:v22+s11+$0x0], $0xffff  }
0x24b: {  	v46 =	vor.u32 $0x15, v19;
	v45 =	vld.idx.msk [tilespmem:v22+s12+$0x0], $0xffff  }
0x24c: {  	v47 =	vor.u32 $0x16, v19  }
0x24d: {  	v48 =	vor.u32 $0x17, v19;
	v0 =	vsub.f32 v0, v7  }
0x24e: {  	v23 =	vsub.f32 v43, v8  }
0x24f: {  	v24 =	vsub.f32 v24, v9;
	[tilespmem:v44+s13+$0x0] =	vst.idx.msk $0xffff, v0  }
0x250: {  	v0 =	vsub.f32 v45, v10;
	[tilespmem:v46+s13+$0x0] =	vst.idx.msk $0xffff, v23  }
0x251: {  	[tilespmem:v47+s13+$0x0] =	vst.idx.msk $0xffff, v24  }
0x252: {  	[tilespmem:v48+s13+$0x0] =	vst.idx.msk $0xffff, v0  }
0x253: {  	v0 =	vld.idx.msk [tilespmem:v21+s1+$0x0], $0xffff  }
0x254: {  	v49 =	vld.idx.msk [tilespmem:v21+s10+$0x0], $0xffff  }
0x255: {  	v50 =	vor.u32 $0x18, v19;
	v23 =	vld.idx.msk [tilespmem:v21+s11+$0x0], $0xffff  }
0x256: {  	v52 =	vor.u32 $0x19, v19;
	v51 =	vld.idx.msk [tilespmem:v21+s12+$0x0], $0xffff  }
0x257: {  	v53 =	vor.u32 $0x1A, v19  }
0x258: {  	v54 =	vor.u32 $0x1B, v19;
	v0 =	vsub.f32 v0, v7  }
0x259: {  	v22 =	vsub.f32 v49, v8  }
0x25a: {  	v23 =	vsub.f32 v23, v9;
	[tilespmem:v50+s13+$0x0] =	vst.idx.msk $0xffff, v0  }
0x25b: {  	v0 =	vsub.f32 v51, v10;
	[tilespmem:v52+s13+$0x0] =	vst.idx.msk $0xffff, v22  }
0x25c: {  	[tilespmem:v53+s13+$0x0] =	vst.idx.msk $0xffff, v23  }
0x25d: {  	[tilespmem:v54+s13+$0x0] =	vst.idx.msk $0xffff, v0  }
0x25e: {  	v0 =	vld.idx.msk [tilespmem:v18+s1+$0x0], $0xffff  }
0x25f: {  	v55 =	vld.idx.msk [tilespmem:v18+s10+$0x0], $0xffff  }
0x260: {  	v56 =	vor.u32 $0x1C, v19;
	v22 =	vld.idx.msk [tilespmem:v18+s11+$0x0], $0xffff  }
0x261: {  	v58 =	vor.u32 $0x1D, v19;
	v57 =	vld.idx.msk [tilespmem:v18+s12+$0x0], $0xffff  }
0x262: {  	v59 =	vor.u32 $0x1E, v19  }
0x263: {  	v60 =	vor.u32 $0x1F, v19;
	v0 =	vsub.f32 v0, v7  }
0x264: {  	v61 =	vsub.f32 v55, v8  }
0x265: {  	v62 =	vsub.f32 v22, v9;
	[tilespmem:v56+s13+$0x0] =	vst.idx.msk $0xffff, v0  }
0x266: {  	v0 =	vsub.f32 v57, v10;
	[tilespmem:v58+s13+$0x0] =	vst.idx.msk $0xffff, v61  }
0x267: {  	[tilespmem:v59+s13+$0x0] =	vst.idx.msk $0xffff, v62  }
0x268: {  	[tilespmem:v60+s13+$0x0] =	vst.idx.msk $0xffff, v0  }
0x269: {  	v0 =	vld.idx.msk [tilespmem:v20+s1+$0x0], $0xffff  }
0x26a: {  	v7 =	vld.idx.msk [tilespmem:v20+s10+$0x0], $0xffff  }
0x26b: {  	v63 =	vor.u32 $0x800, v19;
	v8 =	vld.idx.msk [tilespmem:v20+s11+$0x0], $0xffff  }
0x26c: {  	v25 =	vor.u32 $0x801, v19;
	v24 =	vld.idx.msk [tilespmem:v20+s12+$0x0], $0xffff  }
0x26d: {  	v26 =	vor.u32 $0x802, v19  }
0x26e: {  	v27 =	vor.u32 $0x803, v19;
	v0 =	vsub.f32 v0, v3  }
0x26f: {  	v7 =	vsub.f32 v7, v4  }
0x270: {  	v8 =	vsub.f32 v8, v5;
	[tilespmem:v63+s13+$0x0] =	vst.idx.msk $0xffff, v0  }
0x271: {  	v0 =	vsub.f32 v24, v6;
	[tilespmem:v25+s13+$0x0] =	vst.idx.msk $0xffff, v7  }
0x272: {  	[tilespmem:v26+s13+$0x0] =	vst.idx.msk $0xffff, v8  }
0x273: {  	[tilespmem:v27+s13+$0x0] =	vst.idx.msk $0xffff, v0  }
0x274: {  	v0 =	vld.idx.msk [tilespmem:v17+s1+$0x0], $0xffff  }
0x275: {  	v7 =	vld.idx.msk [tilespmem:v17+s10+$0x0], $0xffff  }
0x276: {  	v28 =	vor.u32 $0x804, v19;
	v8 =	vld.idx.msk [tilespmem:v17+s11+$0x0], $0xffff  }
0x277: {  	v30 =	vor.u32 $0x805, v19;
	v29 =	vld.idx.msk [tilespmem:v17+s12+$0x0], $0xffff  }
0x278: {  	v31 =	vor.u32 $0x806, v19  }
0x279: {  	v32 =	vor.u32 $0x807, v19;
	v0 =	vsub.f32 v0, v3  }
0x27a: {  	v7 =	vsub.f32 v7, v4  }
0x27b: {  	v8 =	vsub.f32 v8, v5;
	[tilespmem:v28+s13+$0x0] =	vst.idx.msk $0xffff, v0  }
0x27c: {  	v0 =	vsub.f32 v29, v6;
	[tilespmem:v30+s13+$0x0] =	vst.idx.msk $0xffff, v7  }
0x27d: {  	[tilespmem:v31+s13+$0x0] =	vst.idx.msk $0xffff, v8  }
0x27e: {  	[tilespmem:v32+s13+$0x0] =	vst.idx.msk $0xffff, v0  }
0x27f: {  	v0 =	vld.idx.msk [tilespmem:v16+s1+$0x0], $0xffff  }
0x280: {  	v7 =	vld.idx.msk [tilespmem:v16+s10+$0x0], $0xffff  }
0x281: {  	v33 =	vor.u32 $0x808, v19;
	v8 =	vld.idx.msk [tilespmem:v16+s11+$0x0], $0xffff  }
0x282: {  	v35 =	vor.u32 $0x809, v19;
	v34 =	vld.idx.msk [tilespmem:v16+s12+$0x0], $0xffff  }
0x283: {  	v36 =	vor.u32 $0x80A, v19  }
0x284: {  	v37 =	vor.u32 $0x80B, v19;
	v0 =	vsub.f32 v0, v3  }
0x285: {  	v7 =	vsub.f32 v7, v4  }
0x286: {  	v8 =	vsub.f32 v8, v5;
	[tilespmem:v33+s13+$0x0] =	vst.idx.msk $0xffff, v0  }
0x287: {  	v0 =	vsub.f32 v34, v6;
	[tilespmem:v35+s13+$0x0] =	vst.idx.msk $0xffff, v7  }
0x288: {  	[tilespmem:v36+s13+$0x0] =	vst.idx.msk $0xffff, v8  }
0x289: {  	[tilespmem:v37+s13+$0x0] =	vst.idx.msk $0xffff, v0  }
0x28a: {  	v0 =	vld.idx.msk [tilespmem:v15+s1+$0x0], $0xffff  }
0x28b: {  	v7 =	vld.idx.msk [tilespmem:v15+s10+$0x0], $0xffff  }
0x28c: {  	v38 =	vor.u32 $0x80C, v19;
	v8 =	vld.idx.msk [tilespmem:v15+s11+$0x0], $0xffff  }
0x28d: {  	v40 =	vor.u32 $0x80D, v19;
	v39 =	vld.idx.msk [tilespmem:v15+s12+$0x0], $0xffff  }
0x28e: {  	v41 =	vor.u32 $0x80E, v19  }
0x28f: {  	v42 =	vor.u32 $0x80F, v19;
	v0 =	vsub.f32 v0, v3  }
0x290: {  	v7 =	vsub.f32 v7, v4  }
0x291: {  	v8 =	vsub.f32 v8, v5;
	[tilespmem:v38+s13+$0x0] =	vst.idx.msk $0xffff, v0  }
0x292: {  	v0 =	vsub.f32 v39, v6;
	[tilespmem:v40+s13+$0x0] =	vst.idx.msk $0xffff, v7  }
0x293: {  	[tilespmem:v41+s13+$0x0] =	vst.idx.msk $0xffff, v8  }
0x294: {  	[tilespmem:v42+s13+$0x0] =	vst.idx.msk $0xffff, v0  }
0x295: {  	v0 =	vld.idx.msk [tilespmem:v14+s1+$0x0], $0xffff  }
0x296: {  	v7 =	vld.idx.msk [tilespmem:v14+s10+$0x0], $0xffff  }
0x297: {  	v43 =	vor.u32 $0x810, v19;
	v8 =	vld.idx.msk [tilespmem:v14+s11+$0x0], $0xffff  }
0x298: {  	v45 =	vor.u32 $0x811, v19;
	v44 =	vld.idx.msk [tilespmem:v14+s12+$0x0], $0xffff  }
0x299: {  	v46 =	vor.u32 $0x812, v19  }
0x29a: {  	v47 =	vor.u32 $0x813, v19;
	v0 =	vsub.f32 v0, v3  }
0x29b: {  	v7 =	vsub.f32 v7, v4  }
0x29c: {  	v8 =	vsub.f32 v8, v5;
	[tilespmem:v43+s13+$0x0] =	vst.idx.msk $0xffff, v0  }
0x29d: {  	v0 =	vsub.f32 v44, v6;
	[tilespmem:v45+s13+$0x0] =	vst.idx.msk $0xffff, v7  }
0x29e: {  	[tilespmem:v46+s13+$0x0] =	vst.idx.msk $0xffff, v8  }
0x29f: {  	[tilespmem:v47+s13+$0x0] =	vst.idx.msk $0xffff, v0  }
0x2a0: {  	v0 =	vld.idx.msk [tilespmem:v13+s1+$0x0], $0xffff  }
0x2a1: {  	v7 =	vld.idx.msk [tilespmem:v13+s10+$0x0], $0xffff  }
0x2a2: {  	v48 =	vor.u32 $0x814, v19;
	v8 =	vld.idx.msk [tilespmem:v13+s11+$0x0], $0xffff  }
0x2a3: {  	v50 =	vor.u32 $0x815, v19;
	v49 =	vld.idx.msk [tilespmem:v13+s12+$0x0], $0xffff  }
0x2a4: {  	v51 =	vor.u32 $0x816, v19  }
0x2a5: {  	v52 =	vor.u32 $0x817, v19;
	v0 =	vsub.f32 v0, v3  }
0x2a6: {  	v7 =	vsub.f32 v7, v4  }
0x2a7: {  	v8 =	vsub.f32 v8, v5;
	[tilespmem:v48+s13+$0x0] =	vst.idx.msk $0xffff, v0  }
0x2a8: {  	v0 =	vsub.f32 v49, v6;
	[tilespmem:v50+s13+$0x0] =	vst.idx.msk $0xffff, v7  }
0x2a9: {  	[tilespmem:v51+s13+$0x0] =	vst.idx.msk $0xffff, v8  }
0x2aa: {  	[tilespmem:v52+s13+$0x0] =	vst.idx.msk $0xffff, v0  }
0x2ab: {  	v0 =	vld.idx.msk [tilespmem:v12+s1+$0x0], $0xffff  }
0x2ac: {  	v7 =	vld.idx.msk [tilespmem:v12+s10+$0x0], $0xffff  }
0x2ad: {  	v53 =	vor.u32 $0x818, v19;
	v8 =	vld.idx.msk [tilespmem:v12+s11+$0x0], $0xffff  }
0x2ae: {  	v55 =	vor.u32 $0x819, v19;
	v54 =	vld.idx.msk [tilespmem:v12+s12+$0x0], $0xffff  }
0x2af: {  	v56 =	vor.u32 $0x81A, v19  }
0x2b0: {  	v57 =	vor.u32 $0x81B, v19;
	v0 =	vsub.f32 v0, v3  }
0x2b1: {  	v7 =	vsub.f32 v7, v4  }
0x2b2: {  	v8 =	vsub.f32 v8, v5;
	[tilespmem:v53+s13+$0x0] =	vst.idx.msk $0xffff, v0  }
0x2b3: {  	v0 =	vsub.f32 v54, v6;
	[tilespmem:v55+s13+$0x0] =	vst.idx.msk $0xffff, v7  }
0x2b4: {  	[tilespmem:v56+s13+$0x0] =	vst.idx.msk $0xffff, v8  }
0x2b5: {  	[tilespmem:v57+s13+$0x0] =	vst.idx.msk $0xffff, v0  }
0x2b6: {  	v0 =	vld.idx.msk [tilespmem:v11+s1+$0x0], $0xffff  }
0x2b7: {  	v7 =	vld.idx.msk [tilespmem:v11+s10+$0x0], $0xffff  }
0x2b8: {  	v58 =	vor.u32 $0x81C, v19;
	v8 =	vld.idx.msk [tilespmem:v11+s11+$0x0], $0xffff  }
0x2b9: {  	v60 =	vor.u32 $0x81D, v19;
	v59 =	vld.idx.msk [tilespmem:v11+s12+$0x0], $0xffff  }
0x2ba: {  	v61 =	vor.u32 $0x81E, v19  }
0x2bb: {  	v0 =	vsub.f32 v0, v3;
	v3 =	vor.u32 $0x81F, v19  }
0x2bc: {  	v62 =	vsub.f32 v7, v4  }
0x2bd: {  	v63 =	vsub.f32 v8, v5;
	[tilespmem:v58+s13+$0x0] =	vst.idx.msk $0xffff, v0  }
0x2be: {  	s14 =	sadd.s32 $0x1, s14;
	v0 =	vsub.f32 v59, v6;
	[tilespmem:v60+s13+$0x0] =	vst.idx.msk $0xffff, v62  }
0x2bf: {  	p0 =	sne.s32 s14, s8;
	[tilespmem:v61+s13+$0x0] =	vst.idx.msk $0xffff, v63  }
.Ltmp1:
0x2c0: {  	[tilespmem:v3+s13+$0x0] =	vst.idx.msk $0xffff, v0;
	(pc) =	sbr.rel @p0 .LBB2_1-.Ltmp1, $4  }
0x2c1: {  	[hbm4b:s7+s1] =	stream.linear.scatter [tilespmem:s13], [sflag:$0x1], $0x1000, $0x38;
	[tilespmem:$0x3000] =	vst v63  }
0x2c2: {  	_ =	swait.ge [sflag:s9], $0x1000  }
0x2c3: {  	[sflag:s9] =	ssyncset.done $0x0  }
0x2c4: {  	[sflag:s9] =	ssyncadd.s32 $0xFFFFF000  }
0x2c5: {  	_ =	sfence.sel $0x180000  }
0x2c6: {  	[bflag:$0x0] =	sbarrier.arrive $0xFFFF  }
0x2c7: {  	p0 =	sne.s32 s2, $0x0;
	_ =	strace $0x90000047  }
0x2c8: {  	s0 =	sadd.s32 @!p0 $0x100000, s0;
	[bflag:$0x2] =	sbarrier.arrive $0xFFFF  }
0x2c9: {  	[sflag:s0] =	ssyncadd.tile.s32 @!p0 $0x1;
	_ =	shalt  }
.Lfunc_end2:
_tile_overlayer_lowered:
.L_overlay_start_2:
0x2ca: {  	(tag) =	ssettag $0x2  }
0x2cb: {  	s0 =	rddreg [dreg:$0x0];
	s2 =	stileid.u32  }
0x2cc: {  	s1 =	rddreg [dreg:$0x1];
	p0 =	sne.s32 s2, $0x0  }
0x2cd: {  	s3 =	rddreg [dreg:$0x2];
	[bflag:$0x3] =	sbarrier.arrive $0xFFFF;
	s2 =	simm.s32 @!p0 $0x1C01  }
0x2ce: {  	[timem:s3], [sflag:s2] =	dma.local @!p0 [hbm:s0], s1  }
0x2cf: {  	s0 =	simm.s32 @!p0 $0x1  }
0x2d0: {  	_ =	swait.ge @!p0 [sflag:s0], s1  }
0x2d1: {  	s1 =	ssub.s32 @!p0 $0x0, s1;
	[sflag:s0] =	ssyncset.done @!p0 $0x0  }
0x2d2: {  	[sflag:s0] =	ssyncadd.s32 @!p0 s1  }
0x2d3: {  	[bflag:$0x3] =	sbarrier.arrive $0xFFFF  }
0x2d4: {  	_ =	shalt  }

</sc_bundles>
